<compile_context>
chip_gen: v7x
topology: tpu7x:2x2x1
jax: 0.10.2.dev20260603
libtpu: 0.0.44.dev20260713+nightly
codegen_flags: <defaults>
</compile_context>

<pallas_src>
import functools

import jax
import jax.numpy as jnp
from jax import lax
from jax.experimental import pallas as pl
from jax.experimental.pallas import tpu as pltpu
from jax.experimental.pallas import tpu_sc as plsc

_N = 10000
_E = 320000
_D = 128
_H = 8
_F = 8
_HF = _H * _F
_O2 = 8

_NC = 2
_NS = 16
_NW = _NC * _NS
_PER = _E // _NW
_CH = 128
_NCH = _PER // _CH
_REM = _PER - _NCH * _CH
_NPAD = 10240
_STRIPE = _NPAD // _NS

_SC_MESH = plsc.VectorSubcoreMesh(core_axis_name="c", subcore_axis_name="s")


def _p1_body(u_hbm, v_hbm, t1_hbm, t2_hbm, c_hbm,
             e2_hbm, pa_hbm, pb_hbm,
             u0, u1, v0, v1, u2, v2,
             tu0, tu1, tu2, tv0, tv1, tv2,
             s0, s1, s2, zbuf, cvm, accA, accB, sem0, sem1):
    c = lax.axis_index("c")
    s = lax.axis_index("s")
    wid = s * _NC + c
    base = wid * _PER

    zero = jnp.zeros((16,), jnp.float32)

    def zrow(i, _):
        zbuf[i, :] = zero
        return 0

    lax.fori_loop(0, _STRIPE, zrow, 0)
    pltpu.sync_copy(zbuf, accA.at[pl.ds(s * _STRIPE, _STRIPE)])
    pltpu.sync_copy(zbuf, accB.at[pl.ds(s * _STRIPE, _STRIPE)])
    pltpu.sync_copy(c_hbm, cvm)
    plsc.subcore_barrier()

    cvec = cvm[...]
    lane = lax.iota(jnp.int32, 16)
    low = lane < 8
    pat = jnp.where(lane == 8, 1.0, 0.0).astype(jnp.float32)

    def compute(n, tu_r, tv_r, src_r):
        def body(i, _):
            l = tu_r[i, :] + tv_r[i, :]
            l = jnp.where(l >= 0, l, 0.2 * l)
            e = jnp.exp(l - cvec)
            src_r[i, :] = jnp.where(low, e, pat)
            return 0

        lax.fori_loop(0, n, body, 0)

    def load_idx(j, ur, vr):
        off = base + j * _CH
        pltpu.sync_copy(u_hbm.at[pl.ds(off, _CH)], ur.at[0])
        pltpu.sync_copy(v_hbm.at[pl.ds(off, _CH)], vr.at[0])

    def start_g(ur, vr, tur, tvr, sem):
        pltpu.async_copy(t1_hbm.at[ur.at[0]], tur, sem)
        pltpu.async_copy(t2_hbm.at[vr.at[0]], tvr, sem)

    def finish(j, ur, vr, tur, tvr, sr, sem):
        pltpu.make_async_copy(t1_hbm.at[ur.at[0]], tur, sem).wait()
        pltpu.make_async_copy(t2_hbm.at[vr.at[0]], tvr, sem).wait()
        compute(_CH, tur, tvr, sr)
        off = base + j * _CH
        pltpu.sync_copy(sr, e2_hbm.at[pl.ds(off, _CH)])
        pltpu.sync_copy(sr, accA.at[ur.at[0]], add=True)
        pltpu.sync_copy(sr, accB.at[vr.at[0]], add=True)

    load_idx(0, u0, v0)
    start_g(u0, v0, tu0, tv0, sem0)

    NPAIR = _NCH // 2

    def pair(jj, _):
        j0 = 2 * jj
        j1 = j0 + 1
        load_idx(j1, u1, v1)
        start_g(u1, v1, tu1, tv1, sem1)
        finish(j0, u0, v0, tu0, tv0, s0, sem0)

        @pl.when(jj < NPAIR - 1)
        def _():
            load_idx(j0 + 2, u0, v0)
            start_g(u0, v0, tu0, tv0, sem0)

        finish(j1, u1, v1, tu1, tv1, s1, sem1)
        return 0

    lax.fori_loop(0, NPAIR, pair, 0)

    off = base + _NCH * _CH
    pltpu.sync_copy(u_hbm.at[pl.ds(off, _REM)], u2.at[0])
    pltpu.sync_copy(v_hbm.at[pl.ds(off, _REM)], v2.at[0])
    pltpu.sync_copy(t1_hbm.at[u2.at[0]], tu2)
    pltpu.sync_copy(t2_hbm.at[v2.at[0]], tv2)
    compute(_REM, tu2, tv2, s2)
    pltpu.sync_copy(s2, e2_hbm.at[pl.ds(off, _REM)])
    pltpu.sync_copy(s2, accA.at[u2.at[0]], add=True)
    pltpu.sync_copy(s2, accB.at[v2.at[0]], add=True)

    plsc.subcore_barrier()
    pltpu.sync_copy(accA.at[pl.ds(s * _STRIPE, _STRIPE)],
                    pa_hbm.at[c, pl.ds(s * _STRIPE, _STRIPE)])
    pltpu.sync_copy(accB.at[pl.ds(s * _STRIPE, _STRIPE)],
                    pb_hbm.at[c, pl.ds(s * _STRIPE, _STRIPE)])


def _p1(u, v, t1, t2, c16, interpret=False):
    return pl.kernel(
        _p1_body,
        out_type=[
            jax.ShapeDtypeStruct((_E, 16), jnp.float32),
            jax.ShapeDtypeStruct((_NC, _NPAD, 16), jnp.float32),
            jax.ShapeDtypeStruct((_NC, _NPAD, 16), jnp.float32),
        ],
        mesh=_SC_MESH,
        scratch_types=[
            pltpu.VMEM((1, _CH), jnp.int32),
            pltpu.VMEM((1, _CH), jnp.int32),
            pltpu.VMEM((1, _CH), jnp.int32),
            pltpu.VMEM((1, _CH), jnp.int32),
            pltpu.VMEM((1, _REM), jnp.int32),
            pltpu.VMEM((1, _REM), jnp.int32),
            pltpu.VMEM((_CH, 16), jnp.float32),
            pltpu.VMEM((_CH, 16), jnp.float32),
            pltpu.VMEM((_REM, 16), jnp.float32),
            pltpu.VMEM((_CH, 16), jnp.float32),
            pltpu.VMEM((_CH, 16), jnp.float32),
            pltpu.VMEM((_REM, 16), jnp.float32),
            pltpu.VMEM((_CH, 16), jnp.float32),
            pltpu.VMEM((_CH, 16), jnp.float32),
            pltpu.VMEM((_REM, 16), jnp.float32),
            pltpu.VMEM((_STRIPE, 16), jnp.float32),
            pltpu.VMEM((16,), jnp.float32),
            pltpu.VMEM_SHARED((_NPAD, 16), jnp.float32),
            pltpu.VMEM_SHARED((_NPAD, 16), jnp.float32),
            pltpu.SemaphoreType.DMA,
            pltpu.SemaphoreType.DMA,
        ],
        compiler_params=pltpu.CompilerParams(use_tc_tiling_on_sc=False),
        interpret=interpret,
    )(u, v, t1, t2, c16)


def _make_edge_pass(W, with_alpha):
    NQ = W // 16
    NPAIR = _NCH // 2

    def body(*refs):
        if with_alpha:
            (gi_hbm, si_hbm, t_hbm, e2_hbm, out_hbm,
             gi0, gi1, si0, si1, gi2, si2,
             tb0, tb1, tb2, eb0, eb1, eb2, ms0, ms1, ms2,
             zbuf, acc, sem0, sem1) = refs
        else:
            (gi_hbm, si_hbm, t_hbm, out_hbm,
             gi0, gi1, si0, si1, gi2, si2,
             tb0, tb1, tb2,
             zbuf, acc, sem0, sem1) = refs
        c = lax.axis_index("c")
        s = lax.axis_index("s")
        wid = s * _NC + c
        base = wid * _PER
        zero = jnp.zeros((16,), jnp.float32)

        def zrow(i, _):
            for q in range(NQ):
                zbuf[i, pl.ds(16 * q, 16)] = zero
            return 0

        lax.fori_loop(0, _STRIPE, zrow, 0)
        pltpu.sync_copy(zbuf, acc.at[pl.ds(s * _STRIPE, _STRIPE)])
        plsc.subcore_barrier()

        lane = lax.iota(jnp.int32, 16)
        low = lane < 8

        def load_idx(j, gir, sir):
            off = base + j * _CH
            pltpu.sync_copy(gi_hbm.at[pl.ds(off, _CH)], gir.at[0])
            pltpu.sync_copy(si_hbm.at[pl.ds(off, _CH)], sir.at[0])

        def start_g(j, gir, tbr, ebr, sem):
            pltpu.async_copy(t_hbm.at[gir.at[0]], tbr, sem)
            if with_alpha:
                off = base + j * _CH
                pltpu.async_copy(e2_hbm.at[pl.ds(off, _CH)], ebr, sem)

        def wait_g(j, gir, tbr, ebr, sem):
            pltpu.make_async_copy(t_hbm.at[gir.at[0]], tbr, sem).wait()
            if with_alpha:
                off = base + j * _CH
                pltpu.make_async_copy(
                    e2_hbm.at[pl.ds(off, _CH)], ebr, sem).wait()

        def compute(n, tbr, ebr, msr):
            def per_edge(e, _):
                ev = ebr[e, :]
                for q in range(NQ):
                    a0 = jnp.full((16,), ev[2 * q], jnp.float32)
                    a1 = jnp.full((16,), ev[2 * q + 1], jnp.float32)
                    a = jnp.where(low, a0, a1)
                    msr[e, pl.ds(16 * q, 16)] = (
                        tbr[e, pl.ds(16 * q, 16)] * a)
                return 0

            lax.fori_loop(0, n, per_edge, 0)

        def finish(j, gir, sir, tbr, ebr, msr, sem):
            wait_g(j, gir, tbr, ebr, sem)
            if with_alpha:
                compute(_CH, tbr, ebr, msr)
                pltpu.sync_copy(msr, acc.at[sir.at[0]], add=True)
            else:
                pltpu.sync_copy(tbr, acc.at[sir.at[0]], add=True)

        eb0_, eb1_, ms0_, ms1_ = ((eb0, eb1, ms0, ms1) if with_alpha
                                  else (None, None, None, None))

        load_idx(0, gi0, si0)
        start_g(0, gi0, tb0, eb0_, sem0)

        def pair(jj, _):
            j0 = 2 * jj
            j1 = j0 + 1
            load_idx(j1, gi1, si1)
            start_g(j1, gi1, tb1, eb1_, sem1)
            finish(j0, gi0, si0, tb0, eb0_, ms0_, sem0)

            @pl.when(jj < NPAIR - 1)
            def _():
                load_idx(j0 + 2, gi0, si0)
                start_g(j0 + 2, gi0, tb0, eb0_, sem0)

            finish(j1, gi1, si1, tb1, eb1_, ms1_, sem1)
            return 0

        lax.fori_loop(0, NPAIR, pair, 0)

        off = base + _NCH * _CH
        pltpu.sync_copy(gi_hbm.at[pl.ds(off, _REM)], gi2.at[0])
        pltpu.sync_copy(si_hbm.at[pl.ds(off, _REM)], si2.at[0])
        pltpu.sync_copy(t_hbm.at[gi2.at[0]], tb2)
        if with_alpha:
            pltpu.sync_copy(e2_hbm.at[pl.ds(off, _REM)], eb2)
            compute(_REM, tb2, eb2, ms2)
            pltpu.sync_copy(ms2, acc.at[si2.at[0]], add=True)
        else:
            pltpu.sync_copy(tb2, acc.at[si2.at[0]], add=True)

        plsc.subcore_barrier()
        pltpu.sync_copy(acc.at[pl.ds(s * _STRIPE, _STRIPE)],
                        out_hbm.at[c, pl.ds(s * _STRIPE, _STRIPE)])

    return body


_P23_BODY = _make_edge_pass(64, True)
_P45_BODY = _make_edge_pass(16, False)


def _p23(gi, si, table, e2):
    return pl.kernel(
        _P23_BODY,
        out_type=jax.ShapeDtypeStruct((_NC, _NPAD, 64), jnp.float32),
        mesh=_SC_MESH,
        scratch_types=[
            pltpu.VMEM((1, _CH), jnp.int32),
            pltpu.VMEM((1, _CH), jnp.int32),
            pltpu.VMEM((1, _CH), jnp.int32),
            pltpu.VMEM((1, _CH), jnp.int32),
            pltpu.VMEM((1, _REM), jnp.int32),
            pltpu.VMEM((1, _REM), jnp.int32),
            pltpu.VMEM((_CH, 64), jnp.float32),
            pltpu.VMEM((_CH, 64), jnp.float32),
            pltpu.VMEM((_REM, 64), jnp.float32),
            pltpu.VMEM((_CH, 16), jnp.float32),
            pltpu.VMEM((_CH, 16), jnp.float32),
            pltpu.VMEM((_REM, 16), jnp.float32),
            pltpu.VMEM((_CH, 64), jnp.float32),
            pltpu.VMEM((_CH, 64), jnp.float32),
            pltpu.VMEM((_REM, 64), jnp.float32),
            pltpu.VMEM((_STRIPE, 64), jnp.float32),
            pltpu.VMEM_SHARED((_NPAD, 64), jnp.float32),
            pltpu.SemaphoreType.DMA,
            pltpu.SemaphoreType.DMA,
        ],
        compiler_params=pltpu.CompilerParams(use_tc_tiling_on_sc=False),
    )(gi, si, table, e2)


def _p45(gi, si, table):
    return pl.kernel(
        _P45_BODY,
        out_type=jax.ShapeDtypeStruct((_NC, _NPAD, 16), jnp.float32),
        mesh=_SC_MESH,
        scratch_types=[
            pltpu.VMEM((1, _CH), jnp.int32),
            pltpu.VMEM((1, _CH), jnp.int32),
            pltpu.VMEM((1, _CH), jnp.int32),
            pltpu.VMEM((1, _CH), jnp.int32),
            pltpu.VMEM((1, _REM), jnp.int32),
            pltpu.VMEM((1, _REM), jnp.int32),
            pltpu.VMEM((_CH, 16), jnp.float32),
            pltpu.VMEM((_CH, 16), jnp.float32),
            pltpu.VMEM((_REM, 16), jnp.float32),
            pltpu.VMEM((_STRIPE, 16), jnp.float32),
            pltpu.VMEM_SHARED((_NPAD, 16), jnp.float32),
            pltpu.SemaphoreType.DMA,
            pltpu.SemaphoreType.DMA,
        ],
        compiler_params=pltpu.CompilerParams(use_tc_tiling_on_sc=False),
    )(gi, si, table)


def _mm_kernel(x_ref, w_ref, o_ref):
    o_ref[...] = jnp.dot(x_ref[...], w_ref[...],
                         preferred_element_type=jnp.float32)


def _matmul(x, w, block_rows):
    n, k = x.shape
    _, m = w.shape
    grid = n // block_rows
    return pl.pallas_call(
        _mm_kernel,
        grid=(grid,),
        in_specs=[
            pl.BlockSpec((block_rows, k), lambda i: (i, 0)),
            pl.BlockSpec((k, m), lambda i: (0, 0)),
        ],
        out_specs=pl.BlockSpec((block_rows, m), lambda i: (i, 0)),
        out_shape=jax.ShapeDtypeStruct((n, m), jnp.float32),
    )(x, w)


def _segsum(vals, seg, num_segments):
    return jax.ops.segment_sum(vals, seg, num_segments=num_segments)


def kernel(x, edge_index, W1, att1, b1, W2, b2, interpret=False):
    idx_node = edge_index[0]
    idx_edge = edge_index[1]
    xw = _matmul(x, W1, 1000)
    xw3 = xw.reshape(_N, _H, _F)
    a_src = (xw3 * att1[:, :, :_F]).sum(-1)
    a_dst = (xw3 * att1[:, :, _F:]).sum(-1)
    c = jax.nn.leaky_relu(a_src.max(0) + a_dst.max(0), negative_slope=0.2)
    c16 = jnp.concatenate([c, jnp.zeros((8,), jnp.float32)])
    t1 = jnp.concatenate([a_src, a_dst], axis=1)
    t2 = jnp.concatenate([a_dst, a_src], axis=1)

    e2, pa, pb = _p1(idx_node, idx_edge, t1, t2, c16, interpret=interpret)
    A = pa[0, :_N] + pa[1, :_N]
    B = pb[0, :_N] + pb[1, :_N]
    s = A[:, :_H]
    deg = A[:, _H]
    bsum = B[:, _H]
    sinv = 1.0 / (s + 1e-16)
    Dinv = jnp.where(deg > 0, 1.0 / deg, 0.0)
    Binv = jnp.where(bsum > 0, 1.0 / bsum, 0.0)

    xs = (xw3 * sinv[:, :, None]).reshape(_N, _HF)
    efp = _p23(idx_node, idx_edge, xs, e2)
    ef = (efp[0, :_N] + efp[1, :_N]) * Binv[:, None]

    hp = _p23(idx_edge, idx_node, ef, e2)
    h = (hp[0, :_N] + hp[1, :_N]).reshape(_N, _H, _F)
    h = h * (sinv * Dinv[:, None])[:, :, None]
    h = jax.nn.elu(h.reshape(_N, _HF) + b1)

    hw = _matmul(h, W2, 1000)
    pad8 = jnp.zeros((_N, 8), jnp.float32)
    hw16 = jnp.concatenate([hw, pad8], axis=1)

    e2p = _p45(idx_node, idx_edge, hw16)
    ef2 = (e2p[0, :_N, :_O2] + e2p[1, :_N, :_O2]) * Binv[:, None]
    ef2_16 = jnp.concatenate([ef2, pad8], axis=1)

    op = _p45(idx_edge, idx_node, ef2_16)
    o = (op[0, :_N, :_O2] + op[1, :_N, :_O2]) * Dinv[:, None]
    o = o + b2
    return jax.nn.log_softmax(o, axis=1)

# --- scband reference (transcript-rebuilt; emitter-appended) ---
"""Pipeline reference for scband-hyper-graph-class-70403103916536 (READ-ONLY COPY).

The authoritative reference and input builder live on the scoring server;
editing this copy changes nothing except your own understanding.
"""

import jax, jax.numpy as jnp
import numpy as np

N = 10000
E = 320000
D_IN = 128
HEADS = 8
OUT1 = 8
OUT2 = 8
M = N  # old PyG HypergraphConv attention indexes x by hyperedge id, so num_hyperedges <= N; use M = N


def setup_inputs(seed: int = 0):
    key = jax.random.key(seed)
    ks = jax.random.split(key, 8)
    x = jax.random.normal(ks[0], (N, D_IN), dtype=jnp.float32)
    edge_index = jax.random.randint(ks[1], (2, E), 0, N, dtype=jnp.int32)
    W1 = jax.random.normal(ks[2], (D_IN, HEADS * OUT1), dtype=jnp.float32) * 0.1
    att1 = jax.random.normal(ks[3], (1, HEADS, 2 * OUT1), dtype=jnp.float32) * 0.1
    b1 = jnp.zeros((HEADS * OUT1,), dtype=jnp.float32)
    W2 = jax.random.normal(ks[4], (HEADS * OUT1, OUT2), dtype=jnp.float32) * 0.1
    b2 = jnp.zeros((OUT2,), dtype=jnp.float32)
    return {"x": x, "edge_index": edge_index, "W1": W1, "att1": att1, "b1": b1, "W2": W2, "b2": b2}


def _seg_softmax(logits, seg, num_segments):
    m = jax.ops.segment_max(logits, seg, num_segments=num_segments)
    m = jnp.where(jnp.isfinite(m), m, 0.0)
    e = jnp.exp(logits - m[seg])
    s = jax.ops.segment_sum(e, seg, num_segments=num_segments)
    return e / (s[seg] + 1e-16)


def _hconv(xw, idx_node, idx_edge, alpha, num_nodes, num_edges):
    # xw: [num_nodes, H, F]; two-stage hypergraph propagation (node->edge, edge->node)
    ones = jnp.ones((idx_edge.shape[0],), dtype=xw.dtype)
    deg = jax.ops.segment_sum(ones, idx_node, num_segments=num_nodes)
    Dinv = jnp.where(deg > 0, 1.0 / deg, 0.0)
    bsum = jax.ops.segment_sum(ones, idx_edge, num_segments=num_edges)
    Binv = jnp.where(bsum > 0, 1.0 / bsum, 0.0)
    msg1 = xw[idx_node]
    if alpha is not None:
        msg1 = msg1 * alpha[:, :, None]
    msg1 = msg1 * Binv[idx_edge][:, None, None]
    edge_feat = jax.ops.segment_sum(msg1, idx_edge, num_segments=num_edges)
    msg2 = edge_feat[idx_edge]
    if alpha is not None:
        msg2 = msg2 * alpha[:, :, None]
    msg2 = msg2 * Dinv[idx_node][:, None, None]
    return jax.ops.segment_sum(msg2, idx_node, num_segments=num_nodes)


def reference(x, edge_index, W1, att1, b1, W2, b2):
    # eval mode: dropout layers are identity
    idx_node = edge_index[0]
    idx_edge = edge_index[1]
    # hconv1: use_attention=True, heads=8, out=8, concat
    xw = (x @ W1).reshape(-1, HEADS, OUT1)
    x_i = xw[idx_node]
    x_j = xw[idx_edge]
    alpha = (jnp.concatenate([x_i, x_j], axis=-1) * att1).sum(axis=-1)
    alpha = jax.nn.leaky_relu(alpha, negative_slope=0.2)
    alpha = _seg_softmax(alpha, idx_node, N)
    h = _hconv(xw, idx_node, idx_edge, alpha, N, M)
    h = h.reshape(N, HEADS * OUT1) + b1
    h = jax.nn.elu(h)
    # hconv2: no attention, heads=1, out=8
    hw = (h @ W2)[:, None, :]
    o = _hconv(hw, idx_node, idx_edge, None, N, M)
    o = o.reshape(N, OUT2) + b2
    return jax.nn.log_softmax(o, axis=1)

if __name__ == "__main__":
    import jax
    _d = setup_inputs()
    print(jax.jit(kernel)(*tuple(_d.values())))

</pallas_src>

<mosaic_0001>
#map = affine_map<(d0, d1) -> (0)>
#map1 = affine_map<(d0, d1) -> (0, 0)>
#map2 = affine_map<(d0, d1) -> (0, 0, 0)>
module attributes {stable_mosaic.version = 14 : i64} {
  func.func @body(%arg0: i32, %arg1: i32, %arg2: memref<320000xi32, #tpu.memory_space<hbm>>, %arg3: memref<320000xi32, #tpu.memory_space<hbm>>, %arg4: memref<10000x16xf32, #tpu.memory_space<hbm>>, %arg5: memref<2x10240x16xf32, #tpu.memory_space<hbm>>, %arg6: memref<1x128xi32, #tpu.memory_space<vmem>>, %arg7: memref<1x128xi32, #tpu.memory_space<vmem>>, %arg8: memref<1x128xi32, #tpu.memory_space<vmem>>, %arg9: memref<1x128xi32, #tpu.memory_space<vmem>>, %arg10: memref<1x16xi32, #tpu.memory_space<vmem>>, %arg11: memref<1x16xi32, #tpu.memory_space<vmem>>, %arg12: memref<128x16xf32, #tpu.memory_space<vmem>>, %arg13: memref<128x16xf32, #tpu.memory_space<vmem>>, %arg14: memref<16x16xf32, #tpu.memory_space<vmem>>, %arg15: memref<640x16xf32, #tpu.memory_space<vmem>>, %arg16: memref<10240x16xf32, #tpu.memory_space<vmem_shared>>, %arg17: memref<!tpu.dma_semaphore, #tpu.memory_space<semaphore_mem>>, %arg18: memref<!tpu.dma_semaphore, #tpu.memory_space<semaphore_mem>>) attributes {dimension_semantics = [#tpu.dimension_semantics<core_parallel>, #tpu.dimension_semantics<subcore_parallel>], iteration_bounds = array<i64: 2, 16>, scalar_prefetch = 0 : i64, scratch_operands = 13 : i64, tpu.core_type = #tpu.core_type<sc_vector_subcore>, window_params = [{transform_indices = #map}, {transform_indices = #map}, {transform_indices = #map1}, {transform_indices = #map2}]} {
    %mul3A = arith.constant 2 : i32
    %mul3A_0 = arith.muli %arg1, %mul3A : i32
    %add3A = arith.addi %mul3A_0, %arg0 : i32
    %mul3A_1 = arith.constant 10000 : i32
    %mul3A_2 = arith.muli %add3A, %mul3A_1 : i32
    %broadcast_in_dim3A = arith.constant 0.000000e+00 : f32
    %broadcast_in_dim3A_3 = vector.broadcast %broadcast_in_dim3A : f32 to vector<16xf32>
    %scan3A = arith.constant 0 : i32
    %scan3A_4 = arith.constant 0 : i32
    %scan3A_5 = arith.constant 640 : i32
    %scan3A_6 = arith.addi %scan3A_4, %scan3A_5 : i32
    %scan3A_7 = arith.constant 1 : i32
    %scan3A_8 = scf.for %scan3A_41 = %scan3A_4 to %scan3A_6 step %scan3A_7 iter_args(%scan3A_42 = %scan3A) -> (i32)  : i32 {
      %swap3A = arith.index_cast %scan3A_41 : i32 to index
      %swap3A_43 = arith.constant 0 : index
      %swap3A_44 = tpu.vector_load %arg15[%swap3A, %swap3A_43] {strides = array<i32>} : memref<640x16xf32, #tpu.memory_space<vmem>>, vector<1x16xf32>,
      %swap3A_45 = vector.shape_cast %swap3A_44 : vector<1x16xf32> to vector<16xf32>
      %swap3A_46 = vector.shape_cast %broadcast_in_dim3A_3 : vector<16xf32> to vector<1x16xf32>
      tpu.vector_store %arg15[%swap3A, %swap3A_43], %swap3A_46 {strides = array<i32>} : memref<640x16xf32, #tpu.memory_space<vmem>>, vector<1x16xf32>,
      %scan3A_47 = arith.constant 0 : i32
      scf.yield %scan3A_47 : i32
    }
    %scan3A_9 = arith.constant 640 : i32
    %mul3A_10 = arith.constant 640 : i32
    %mul3A_11 = arith.muli %arg1, %mul3A_10 : i32
    "tpu.region"() ({
      %run_scoped3A_41 = tpu.sem_alloc : memref<!tpu.dma_semaphore, #tpu.memory_space<semaphore_mem>>
      %dma_start3A_42 = arith.constant 0 : i32
      %dma_start3A_43 = tpu.memref_slice %arg16[%mul3A_11, %dma_start3A_42] : memref<10240x16xf32, #tpu.memory_space<vmem_shared>> -> memref<640x16xf32, #tpu.memory_space<vmem_shared>>
      %dma_start3A_44 = arith.constant 0 : i32
      %dma_start3A_45 = tpu.memref_slice %arg16[%mul3A_11, %dma_start3A_44] : memref<10240x16xf32, #tpu.memory_space<vmem_shared>> -> memref<640x16xf32, #tpu.memory_space<vmem_shared>>
      tpu.enqueue_dma source(%arg15 : memref<640x16xf32, #tpu.memory_space<vmem>>) target(%dma_start3A_45 : memref<640x16xf32, #tpu.memory_space<vmem_shared>>) target_semaphore(%run_scoped3A_41 : memref<!tpu.dma_semaphore, #tpu.memory_space<semaphore_mem>>)
      %dma_wait3A = arith.constant 0 : i32
      %dma_wait3A_46 = tpu.memref_slice %arg16[%mul3A_11, %dma_wait3A] : memref<10240x16xf32, #tpu.memory_space<vmem_shared>> -> memref<640x16xf32, #tpu.memory_space<vmem_shared>>
      %dma_wait3A_47 = arith.constant 0 : i32
      %dma_wait3A_48 = tpu.memref_slice %arg16[%mul3A_11, %dma_wait3A_47] : memref<10240x16xf32, #tpu.memory_space<vmem_shared>> -> memref<640x16xf32, #tpu.memory_space<vmem_shared>>
      tpu.wait_dma2 semaphore(%run_scoped3A_41 : memref<!tpu.dma_semaphore, #tpu.memory_space<semaphore_mem>>) src(%arg15 : memref<640x16xf32, #tpu.memory_space<vmem>>) dst(%dma_wait3A_48 : memref<640x16xf32, #tpu.memory_space<vmem_shared>>)
      tpu.yield
    }) : () -> ()
    %barrier3A = arith.constant 0 : index
    tpu.barrier barrier_id(%barrier3A)
    %iota3A = tpu.iota {dimensions = array<i32: 0>} : vector<16xi32>
    %lt3A = arith.constant 8 : i32
    %lt3A_12 = vector.broadcast %lt3A : i32 to vector<16xi32>
    %lt3A_13 = arith.cmpi slt, %iota3A, %lt3A_12 : vector<16xi32>
    %add3A_14 = arith.constant 0 : i32
    %add3A_15 = arith.addi %mul3A_2, %add3A_14 : i32
    %run_scoped3A = arith.constant 0 : i32
    "tpu.region"() ({
      %run_scoped3A_41 = tpu.sem_alloc : memref<!tpu.dma_semaphore, #tpu.memory_space<semaphore_mem>>
      %dma_start3A_42 = arith.constant 0 : i32
      %dma_start3A_43 = tpu.memref_slice %arg6[%run_scoped3A, %dma_start3A_42] : memref<1x128xi32, #tpu.memory_space<vmem>> -> memref<1x128xi32, #tpu.memory_space<vmem>>
      %dma_start3A_44 = tpu.memref_squeeze %dma_start3A_43 : memref<1x128xi32, #tpu.memory_space<vmem>> -> memref<128xi32, #tpu.memory_space<vmem>>
      %dma_start3A_45 = tpu.memref_slice %arg2[%add3A_15] : memref<320000xi32, #tpu.memory_space<hbm>> -> memref<128xi32, #tpu.memory_space<hbm>>
      %dma_start3A_46 = arith.constant 0 : i32
      %dma_start3A_47 = tpu.memref_slice %arg6[%run_scoped3A, %dma_start3A_46] : memref<1x128xi32, #tpu.memory_space<vmem>> -> memref<1x128xi32, #tpu.memory_space<vmem>>
      %dma_start3A_48 = tpu.memref_squeeze %dma_start3A_47 : memref<1x128xi32, #tpu.memory_space<vmem>> -> memref<128xi32, #tpu.memory_space<vmem>>
      %dma_start3A_49 = tpu.memref_slice %arg2[%add3A_15] : memref<320000xi32, #tpu.memory_space<hbm>> -> memref<128xi32, #tpu.memory_space<hbm>>
      tpu.enqueue_dma source(%dma_start3A_49 : memref<128xi32, #tpu.memory_space<hbm>>) target(%dma_start3A_48 : memref<128xi32, #tpu.memory_space<vmem>>) target_semaphore(%run_scoped3A_41 : memref<!tpu.dma_semaphore, #tpu.memory_space<semaphore_mem>>)
      %dma_wait3A = arith.constant 0 : i32
      %dma_wait3A_50 = tpu.memref_slice %arg6[%run_scoped3A, %dma_wait3A] : memref<1x128xi32, #tpu.memory_space<vmem>> -> memref<1x128xi32, #tpu.memory_space<vmem>>
      %dma_wait3A_51 = tpu.memref_squeeze %dma_wait3A_50 : memref<1x128xi32, #tpu.memory_space<vmem>> -> memref<128xi32, #tpu.memory_space<vmem>>
      %dma_wait3A_52 = tpu.memref_slice %arg2[%add3A_15] : memref<320000xi32, #tpu.memory_space<hbm>> -> memref<128xi32, #tpu.memory_space<hbm>>
      %dma_wait3A_53 = arith.constant 0 : i32
      %dma_wait3A_54 = tpu.memref_slice %arg6[%run_scoped3A, %dma_wait3A_53] : memref<1x128xi32, #tpu.memory_space<vmem>> -> memref<1x128xi32, #tpu.memory_space<vmem>>
      %dma_wait3A_55 = tpu.memref_squeeze %dma_wait3A_54 : memref<1x128xi32, #tpu.memory_space<vmem>> -> memref<128xi32, #tpu.memory_space<vmem>>
      %dma_wait3A_56 = tpu.memref_slice %arg2[%add3A_15] : memref<320000xi32, #tpu.memory_space<hbm>> -> memref<128xi32, #tpu.memory_space<hbm>>
      tpu.wait_dma2 semaphore(%run_scoped3A_41 : memref<!tpu.dma_semaphore, #tpu.memory_space<semaphore_mem>>) src(%dma_wait3A_56 : memref<128xi32, #tpu.memory_space<hbm>>) dst(%dma_wait3A_55 : memref<128xi32, #tpu.memory_space<vmem>>)
      tpu.yield
    }) : () -> ()
    %run_scoped3A_16 = arith.constant 0 : i32
    "tpu.region"() ({
      %run_scoped3A_41 = tpu.sem_alloc : memref<!tpu.dma_semaphore, #tpu.memory_space<semaphore_mem>>
      %dma_start3A_42 = arith.constant 0 : i32
      %dma_start3A_43 = tpu.memref_slice %arg8[%run_scoped3A_16, %dma_start3A_42] : memref<1x128xi32, #tpu.memory_space<vmem>> -> memref<1x128xi32, #tpu.memory_space<vmem>>
      %dma_start3A_44 = tpu.memref_squeeze %dma_start3A_43 : memref<1x128xi32, #tpu.memory_space<vmem>> -> memref<128xi32, #tpu.memory_space<vmem>>
      %dma_start3A_45 = tpu.memref_slice %arg3[%add3A_15] : memref<320000xi32, #tpu.memory_space<hbm>> -> memref<128xi32, #tpu.memory_space<hbm>>
      %dma_start3A_46 = arith.constant 0 : i32
      %dma_start3A_47 = tpu.memref_slice %arg8[%run_scoped3A_16, %dma_start3A_46] : memref<1x128xi32, #tpu.memory_space<vmem>> -> memref<1x128xi32, #tpu.memory_space<vmem>>
      %dma_start3A_48 = tpu.memref_squeeze %dma_start3A_47 : memref<1x128xi32, #tpu.memory_space<vmem>> -> memref<128xi32, #tpu.memory_space<vmem>>
      %dma_start3A_49 = tpu.memref_slice %arg3[%add3A_15] : memref<320000xi32, #tpu.memory_space<hbm>> -> memref<128xi32, #tpu.memory_space<hbm>>
      tpu.enqueue_dma source(%dma_start3A_49 : memref<128xi32, #tpu.memory_space<hbm>>) target(%dma_start3A_48 : memref<128xi32, #tpu.memory_space<vmem>>) target_semaphore(%run_scoped3A_41 : memref<!tpu.dma_semaphore, #tpu.memory_space<semaphore_mem>>)
      %dma_wait3A = arith.constant 0 : i32
      %dma_wait3A_50 = tpu.memref_slice %arg8[%run_scoped3A_16, %dma_wait3A] : memref<1x128xi32, #tpu.memory_space<vmem>> -> memref<1x128xi32, #tpu.memory_space<vmem>>
      %dma_wait3A_51 = tpu.memref_squeeze %dma_wait3A_50 : memref<1x128xi32, #tpu.memory_space<vmem>> -> memref<128xi32, #tpu.memory_space<vmem>>
      %dma_wait3A_52 = tpu.memref_slice %arg3[%add3A_15] : memref<320000xi32, #tpu.memory_space<hbm>> -> memref<128xi32, #tpu.memory_space<hbm>>
      %dma_wait3A_53 = arith.constant 0 : i32
      %dma_wait3A_54 = tpu.memref_slice %arg8[%run_scoped3A_16, %dma_wait3A_53] : memref<1x128xi32, #tpu.memory_space<vmem>> -> memref<1x128xi32, #tpu.memory_space<vmem>>
      %dma_wait3A_55 = tpu.memref_squeeze %dma_wait3A_54 : memref<1x128xi32, #tpu.memory_space<vmem>> -> memref<128xi32, #tpu.memory_space<vmem>>
      %dma_wait3A_56 = tpu.memref_slice %arg3[%add3A_15] : memref<320000xi32, #tpu.memory_space<hbm>> -> memref<128xi32, #tpu.memory_space<hbm>>
      tpu.wait_dma2 semaphore(%run_scoped3A_41 : memref<!tpu.dma_semaphore, #tpu.memory_space<semaphore_mem>>) src(%dma_wait3A_56 : memref<128xi32, #tpu.memory_space<hbm>>) dst(%dma_wait3A_55 : memref<128xi32, #tpu.memory_space<vmem>>)
      tpu.yield
    }) : () -> ()
    %dma_start3A = arith.constant 0 : i32
    %dma_start3A_17 = arith.constant 0 : i32
    %dma_start3A_18 = tpu.memref_slice %arg6[%dma_start3A, %dma_start3A_17] : memref<1x128xi32, #tpu.memory_space<vmem>> -> memref<1x128xi32, #tpu.memory_space<vmem>>
    %dma_start3A_19 = tpu.memref_squeeze %dma_start3A_18 : memref<1x128xi32, #tpu.memory_space<vmem>> -> memref<128xi32, #tpu.memory_space<vmem>>
    %dma_start3A_20 = arith.constant 0 : i32
    %dma_start3A_21 = arith.constant 0 : i32
    %dma_start3A_22 = tpu.memref_slice %arg4[%dma_start3A_20, %dma_start3A_21] : memref<10000x16xf32, #tpu.memory_space<hbm>> -> memref<10000x16xf32, #tpu.memory_space<hbm>>
    tpu.enqueue_indirect_dma source(%dma_start3A_22 : memref<10000x16xf32, #tpu.memory_space<hbm>>) target(%arg12 : memref<128x16xf32, #tpu.memory_space<vmem>>) offsets(%dma_start3A_19 : memref<128xi32, #tpu.memory_space<vmem>>) semaphore(%arg17 : memref<!tpu.dma_semaphore, #tpu.memory_space<semaphore_mem>>)
    %scan3A_23 = arith.constant 0 : i32
    %scan3A_24 = arith.constant 0 : i32
    %scan3A_25 = arith.constant 39 : i32
    %scan3A_26 = arith.addi %scan3A_24, %scan3A_25 : i32
    %scan3A_27 = arith.constant 1 : i32
    %scan3A_28 = scf.for %scan3A_41 = %scan3A_24 to %scan3A_26 step %scan3A_27 iter_args(%scan3A_42 = %scan3A_23) -> (i32)  : i32 {
      %mul3A_43 = arith.constant 2 : i32
      %mul3A_44 = arith.muli %mul3A_43, %scan3A_41 : i32
      %add3A_45 = arith.constant 1 : i32
      %add3A_46 = arith.addi %mul3A_44, %add3A_45 : i32
      %mul3A_47 = arith.constant 128 : i32
      %mul3A_48 = arith.muli %add3A_46, %mul3A_47 : i32
      %add3A_49 = arith.addi %mul3A_2, %mul3A_48 : i32
      %run_scoped3A_50 = arith.constant 0 : i32
      "tpu.region"() ({
        %run_scoped3A_78 = tpu.sem_alloc : memref<!tpu.dma_semaphore, #tpu.memory_space<semaphore_mem>>
        %dma_start3A_79 = arith.constant 0 : i32
        %dma_start3A_80 = tpu.memref_slice %arg7[%run_scoped3A_50, %dma_start3A_79] : memref<1x128xi32, #tpu.memory_space<vmem>> -> memref<1x128xi32, #tpu.memory_space<vmem>>
        %dma_start3A_81 = tpu.memref_squeeze %dma_start3A_80 : memref<1x128xi32, #tpu.memory_space<vmem>> -> memref<128xi32, #tpu.memory_space<vmem>>
        %dma_start3A_82 = tpu.memref_slice %arg2[%add3A_49] : memref<320000xi32, #tpu.memory_space<hbm>> -> memref<128xi32, #tpu.memory_space<hbm>>
        %dma_start3A_83 = arith.constant 0 : i32
        %dma_start3A_84 = tpu.memref_slice %arg7[%run_scoped3A_50, %dma_start3A_83] : memref<1x128xi32, #tpu.memory_space<vmem>> -> memref<1x128xi32, #tpu.memory_space<vmem>>
        %dma_start3A_85 = tpu.memref_squeeze %dma_start3A_84 : memref<1x128xi32, #tpu.memory_space<vmem>> -> memref<128xi32, #tpu.memory_space<vmem>>
        %dma_start3A_86 = tpu.memref_slice %arg2[%add3A_49] : memref<320000xi32, #tpu.memory_space<hbm>> -> memref<128xi32, #tpu.memory_space<hbm>>
        tpu.enqueue_dma source(%dma_start3A_86 : memref<128xi32, #tpu.memory_space<hbm>>) target(%dma_start3A_85 : memref<128xi32, #tpu.memory_space<vmem>>) target_semaphore(%run_scoped3A_78 : memref<!tpu.dma_semaphore, #tpu.memory_space<semaphore_mem>>)
        %dma_wait3A_87 = arith.constant 0 : i32
        %dma_wait3A_88 = tpu.memref_slice %arg7[%run_scoped3A_50, %dma_wait3A_87] : memref<1x128xi32, #tpu.memory_space<vmem>> -> memref<1x128xi32, #tpu.memory_space<vmem>>
        %dma_wait3A_89 = tpu.memref_squeeze %dma_wait3A_88 : memref<1x128xi32, #tpu.memory_space<vmem>> -> memref<128xi32, #tpu.memory_space<vmem>>
        %dma_wait3A_90 = tpu.memref_slice %arg2[%add3A_49] : memref<320000xi32, #tpu.memory_space<hbm>> -> memref<128xi32, #tpu.memory_space<hbm>>
        %dma_wait3A_91 = arith.constant 0 : i32
        %dma_wait3A_92 = tpu.memref_slice %arg7[%run_scoped3A_50, %dma_wait3A_91] : memref<1x128xi32, #tpu.memory_space<vmem>> -> memref<1x128xi32, #tpu.memory_space<vmem>>
        %dma_wait3A_93 = tpu.memref_squeeze %dma_wait3A_92 : memref<1x128xi32, #tpu.memory_space<vmem>> -> memref<128xi32, #tpu.memory_space<vmem>>
        %dma_wait3A_94 = tpu.memref_slice %arg2[%add3A_49] : memref<320000xi32, #tpu.memory_space<hbm>> -> memref<128xi32, #tpu.memory_space<hbm>>
        tpu.wait_dma2 semaphore(%run_scoped3A_78 : memref<!tpu.dma_semaphore, #tpu.memory_space<semaphore_mem>>) src(%dma_wait3A_94 : memref<128xi32, #tpu.memory_space<hbm>>) dst(%dma_wait3A_93 : memref<128xi32, #tpu.memory_space<vmem>>)
        tpu.yield
      }) : () -> ()
      %run_scoped3A_51 = arith.constant 0 : i32
      "tpu.region"() ({
        %run_scoped3A_78 = tpu.sem_alloc : memref<!tpu.dma_semaphore, #tpu.memory_space<semaphore_mem>>
        %dma_start3A_79 = arith.constant 0 : i32
        %dma_start3A_80 = tpu.memref_slice %arg9[%run_scoped3A_51, %dma_start3A_79] : memref<1x128xi32, #tpu.memory_space<vmem>> -> memref<1x128xi32, #tpu.memory_space<vmem>>
        %dma_start3A_81 = tpu.memref_squeeze %dma_start3A_80 : memref<1x128xi32, #tpu.memory_space<vmem>> -> memref<128xi32, #tpu.memory_space<vmem>>
        %dma_start3A_82 = tpu.memref_slice %arg3[%add3A_49] : memref<320000xi32, #tpu.memory_space<hbm>> -> memref<128xi32, #tpu.memory_space<hbm>>
        %dma_start3A_83 = arith.constant 0 : i32
        %dma_start3A_84 = tpu.memref_slice %arg9[%run_scoped3A_51, %dma_start3A_83] : memref<1x128xi32, #tpu.memory_space<vmem>> -> memref<1x128xi32, #tpu.memory_space<vmem>>
        %dma_start3A_85 = tpu.memref_squeeze %dma_start3A_84 : memref<1x128xi32, #tpu.memory_space<vmem>> -> memref<128xi32, #tpu.memory_space<vmem>>
        %dma_start3A_86 = tpu.memref_slice %arg3[%add3A_49] : memref<320000xi32, #tpu.memory_space<hbm>> -> memref<128xi32, #tpu.memory_space<hbm>>
        tpu.enqueue_dma source(%dma_start3A_86 : memref<128xi32, #tpu.memory_space<hbm>>) target(%dma_start3A_85 : memref<128xi32, #tpu.memory_space<vmem>>) target_semaphore(%run_scoped3A_78 : memref<!tpu.dma_semaphore, #tpu.memory_space<semaphore_mem>>)
        %dma_wait3A_87 = arith.constant 0 : i32
        %dma_wait3A_88 = tpu.memref_slice %arg9[%run_scoped3A_51, %dma_wait3A_87] : memref<1x128xi32, #tpu.memory_space<vmem>> -> memref<1x128xi32, #tpu.memory_space<vmem>>
        %dma_wait3A_89 = tpu.memref_squeeze %dma_wait3A_88 : memref<1x128xi32, #tpu.memory_space<vmem>> -> memref<128xi32, #tpu.memory_space<vmem>>
        %dma_wait3A_90 = tpu.memref_slice %arg3[%add3A_49] : memref<320000xi32, #tpu.memory_space<hbm>> -> memref<128xi32, #tpu.memory_space<hbm>>
        %dma_wait3A_91 = arith.constant 0 : i32
        %dma_wait3A_92 = tpu.memref_slice %arg9[%run_scoped3A_51, %dma_wait3A_91] : memref<1x128xi32, #tpu.memory_space<vmem>> -> memref<1x128xi32, #tpu.memory_space<vmem>>
        %dma_wait3A_93 = tpu.memref_squeeze %dma_wait3A_92 : memref<1x128xi32, #tpu.memory_space<vmem>> -> memref<128xi32, #tpu.memory_space<vmem>>
        %dma_wait3A_94 = tpu.memref_slice %arg3[%add3A_49] : memref<320000xi32, #tpu.memory_space<hbm>> -> memref<128xi32, #tpu.memory_space<hbm>>
        tpu.wait_dma2 semaphore(%run_scoped3A_78 : memref<!tpu.dma_semaphore, #tpu.memory_space<semaphore_mem>>) src(%dma_wait3A_94 : memref<128xi32, #tpu.memory_space<hbm>>) dst(%dma_wait3A_93 : memref<128xi32, #tpu.memory_space<vmem>>)
        tpu.yield
      }) : () -> ()
      %dma_start3A_52 = arith.constant 0 : i32
      %dma_start3A_53 = arith.constant 0 : i32
      %dma_start3A_54 = tpu.memref_slice %arg7[%dma_start3A_52, %dma_start3A_53] : memref<1x128xi32, #tpu.memory_space<vmem>> -> memref<1x128xi32, #tpu.memory_space<vmem>>
      %dma_start3A_55 = tpu.memref_squeeze %dma_start3A_54 : memref<1x128xi32, #tpu.memory_space<vmem>> -> memref<128xi32, #tpu.memory_space<vmem>>
      %dma_start3A_56 = arith.constant 0 : i32
      %dma_start3A_57 = arith.constant 0 : i32
      %dma_start3A_58 = tpu.memref_slice %arg4[%dma_start3A_56, %dma_start3A_57] : memref<10000x16xf32, #tpu.memory_space<hbm>> -> memref<10000x16xf32, #tpu.memory_space<hbm>>
      tpu.enqueue_indirect_dma source(%dma_start3A_58 : memref<10000x16xf32, #tpu.memory_space<hbm>>) target(%arg13 : memref<128x16xf32, #tpu.memory_space<vmem>>) offsets(%dma_start3A_55 : memref<128xi32, #tpu.memory_space<vmem>>) semaphore(%arg18 : memref<!tpu.dma_semaphore, #tpu.memory_space<semaphore_mem>>)
      %dma_wait3A = arith.constant 0 : i32
      %dma_wait3A_59 = arith.constant 0 : i32
      %dma_wait3A_60 = tpu.memref_slice %arg6[%dma_wait3A, %dma_wait3A_59] : memref<1x128xi32, #tpu.memory_space<vmem>> -> memref<1x128xi32, #tpu.memory_space<vmem>>
      %dma_wait3A_61 = tpu.memref_squeeze %dma_wait3A_60 : memref<1x128xi32, #tpu.memory_space<vmem>> -> memref<128xi32, #tpu.memory_space<vmem>>
      %dma_wait3A_62 = arith.constant 0 : i32
      %dma_wait3A_63 = arith.constant 0 : i32
      %dma_wait3A_64 = tpu.memref_slice %arg4[%dma_wait3A_62, %dma_wait3A_63] : memref<10000x16xf32, #tpu.memory_space<hbm>> -> memref<10000x16xf32, #tpu.memory_space<hbm>>
      tpu.wait_indirect_dma semaphore(%arg17 : memref<!tpu.dma_semaphore, #tpu.memory_space<semaphore_mem>>) src(%dma_wait3A_64 : memref<10000x16xf32, #tpu.memory_space<hbm>>) dst(%arg12 : memref<128x16xf32, #tpu.memory_space<vmem>>)
      %run_scoped3A_65 = arith.constant 0 : i32
      "tpu.region"() ({
        %run_scoped3A_78 = tpu.sem_alloc : memref<!tpu.dma_semaphore, #tpu.memory_space<semaphore_mem>>
        %dma_start3A_79 = arith.constant 0 : i32
        %dma_start3A_80 = tpu.memref_slice %arg8[%run_scoped3A_65, %dma_start3A_79] : memref<1x128xi32, #tpu.memory_space<vmem>> -> memref<1x128xi32, #tpu.memory_space<vmem>>
        %dma_start3A_81 = tpu.memref_squeeze %dma_start3A_80 : memref<1x128xi32, #tpu.memory_space<vmem>> -> memref<128xi32, #tpu.memory_space<vmem>>
        %dma_start3A_82 = arith.constant 0 : i32
        %dma_start3A_83 = arith.constant 0 : i32
        %dma_start3A_84 = tpu.memref_slice %arg16[%dma_start3A_82, %dma_start3A_83] : memref<10240x16xf32, #tpu.memory_space<vmem_shared>> -> memref<10240x16xf32, #tpu.memory_space<vmem_shared>>
        tpu.enqueue_indirect_dma source(%arg12 : memref<128x16xf32, #tpu.memory_space<vmem>>) target(%dma_start3A_84 : memref<10240x16xf32, #tpu.memory_space<vmem_shared>>) offsets(%dma_start3A_81 : memref<128xi32, #tpu.memory_space<vmem>>) semaphore(%run_scoped3A_78 : memref<!tpu.dma_semaphore, #tpu.memory_space<semaphore_mem>>) {add = true}
        %dma_wait3A_85 = arith.constant 0 : i32
        %dma_wait3A_86 = tpu.memref_slice %arg8[%run_scoped3A_65, %dma_wait3A_85] : memref<1x128xi32, #tpu.memory_space<vmem>> -> memref<1x128xi32, #tpu.memory_space<vmem>>
        %dma_wait3A_87 = tpu.memref_squeeze %dma_wait3A_86 : memref<1x128xi32, #tpu.memory_space<vmem>> -> memref<128xi32, #tpu.memory_space<vmem>>
        %dma_wait3A_88 = arith.constant 0 : i32
        %dma_wait3A_89 = arith.constant 0 : i32
        %dma_wait3A_90 = tpu.memref_slice %arg16[%dma_wait3A_88, %dma_wait3A_89] : memref<10240x16xf32, #tpu.memory_space<vmem_shared>> -> memref<10240x16xf32, #tpu.memory_space<vmem_shared>>
        tpu.wait_indirect_dma semaphore(%run_scoped3A_78 : memref<!tpu.dma_semaphore, #tpu.memory_space<semaphore_mem>>) src(%arg12 : memref<128x16xf32, #tpu.memory_space<vmem>>) dst(%dma_wait3A_90 : memref<10240x16xf32, #tpu.memory_space<vmem_shared>>)
        tpu.yield
      }) : () -> ()
      %lt3A_66 = arith.constant 38 : i32
      %lt3A_67 = arith.cmpi slt, %scan3A_41, %lt3A_66 : i32
      %convert_element_type3A = arith.extui %lt3A_67 : i1 to i32
      %cond3A = arith.constant 0 : i32
      %cond3A_68 = arith.cmpi ne, %convert_element_type3A, %cond3A : i32
      scf.if %cond3A_68 {
        %add3A_78 = arith.constant 2 : i32
        %add3A_79 = arith.addi %mul3A_44, %add3A_78 : i32
        %mul3A_80 = arith.constant 128 : i32
        %mul3A_81 = arith.muli %add3A_79, %mul3A_80 : i32
        %add3A_82 = arith.addi %mul3A_2, %mul3A_81 : i32
        %run_scoped3A_83 = arith.constant 0 : i32
        "tpu.region"() ({
          %run_scoped3A_94 = tpu.sem_alloc : memref<!tpu.dma_semaphore, #tpu.memory_space<semaphore_mem>>
          %dma_start3A_95 = arith.constant 0 : i32
          %dma_start3A_96 = tpu.memref_slice %arg6[%run_scoped3A_83, %dma_start3A_95] : memref<1x128xi32, #tpu.memory_space<vmem>> -> memref<1x128xi32, #tpu.memory_space<vmem>>
          %dma_start3A_97 = tpu.memref_squeeze %dma_start3A_96 : memref<1x128xi32, #tpu.memory_space<vmem>> -> memref<128xi32, #tpu.memory_space<vmem>>
          %dma_start3A_98 = tpu.memref_slice %arg2[%add3A_82] : memref<320000xi32, #tpu.memory_space<hbm>> -> memref<128xi32, #tpu.memory_space<hbm>>
          %dma_start3A_99 = arith.constant 0 : i32
          %dma_start3A_100 = tpu.memref_slice %arg6[%run_scoped3A_83, %dma_start3A_99] : memref<1x128xi32, #tpu.memory_space<vmem>> -> memref<1x128xi32, #tpu.memory_space<vmem>>
          %dma_start3A_101 = tpu.memref_squeeze %dma_start3A_100 : memref<1x128xi32, #tpu.memory_space<vmem>> -> memref<128xi32, #tpu.memory_space<vmem>>
          %dma_start3A_102 = tpu.memref_slice %arg2[%add3A_82] : memref<320000xi32, #tpu.memory_space<hbm>> -> memref<128xi32, #tpu.memory_space<hbm>>
          tpu.enqueue_dma source(%dma_start3A_102 : memref<128xi32, #tpu.memory_space<hbm>>) target(%dma_start3A_101 : memref<128xi32, #tpu.memory_space<vmem>>) target_semaphore(%run_scoped3A_94 : memref<!tpu.dma_semaphore, #tpu.memory_space<semaphore_mem>>)
          %dma_wait3A_103 = arith.constant 0 : i32
          %dma_wait3A_104 = tpu.memref_slice %arg6[%run_scoped3A_83, %dma_wait3A_103] : memref<1x128xi32, #tpu.memory_space<vmem>> -> memref<1x128xi32, #tpu.memory_space<vmem>>
          %dma_wait3A_105 = tpu.memref_squeeze %dma_wait3A_104 : memref<1x128xi32, #tpu.memory_space<vmem>> -> memref<128xi32, #tpu.memory_space<vmem>>
          %dma_wait3A_106 = tpu.memref_slice %arg2[%add3A_82] : memref<320000xi32, #tpu.memory_space<hbm>> -> memref<128xi32, #tpu.memory_space<hbm>>
          %dma_wait3A_107 = arith.constant 0 : i32
          %dma_wait3A_108 = tpu.memref_slice %arg6[%run_scoped3A_83, %dma_wait3A_107] : memref<1x128xi32, #tpu.memory_space<vmem>> -> memref<1x128xi32, #tpu.memory_space<vmem>>
          %dma_wait3A_109 = tpu.memref_squeeze %dma_wait3A_108 : memref<1x128xi32, #tpu.memory_space<vmem>> -> memref<128xi32, #tpu.memory_space<vmem>>
          %dma_wait3A_110 = tpu.memref_slice %arg2[%add3A_82] : memref<320000xi32, #tpu.memory_space<hbm>> -> memref<128xi32, #tpu.memory_space<hbm>>
          tpu.wait_dma2 semaphore(%run_scoped3A_94 : memref<!tpu.dma_semaphore, #tpu.memory_space<semaphore_mem>>) src(%dma_wait3A_110 : memref<128xi32, #tpu.memory_space<hbm>>) dst(%dma_wait3A_109 : memref<128xi32, #tpu.memory_space<vmem>>)
          tpu.yield
        }) : () -> ()
        %run_scoped3A_84 = arith.constant 0 : i32
        "tpu.region"() ({
          %run_scoped3A_94 = tpu.sem_alloc : memref<!tpu.dma_semaphore, #tpu.memory_space<semaphore_mem>>
          %dma_start3A_95 = arith.constant 0 : i32
          %dma_start3A_96 = tpu.memref_slice %arg8[%run_scoped3A_84, %dma_start3A_95] : memref<1x128xi32, #tpu.memory_space<vmem>> -> memref<1x128xi32, #tpu.memory_space<vmem>>
          %dma_start3A_97 = tpu.memref_squeeze %dma_start3A_96 : memref<1x128xi32, #tpu.memory_space<vmem>> -> memref<128xi32, #tpu.memory_space<vmem>>
          %dma_start3A_98 = tpu.memref_slice %arg3[%add3A_82] : memref<320000xi32, #tpu.memory_space<hbm>> -> memref<128xi32, #tpu.memory_space<hbm>>
          %dma_start3A_99 = arith.constant 0 : i32
          %dma_start3A_100 = tpu.memref_slice %arg8[%run_scoped3A_84, %dma_start3A_99] : memref<1x128xi32, #tpu.memory_space<vmem>> -> memref<1x128xi32, #tpu.memory_space<vmem>>
          %dma_start3A_101 = tpu.memref_squeeze %dma_start3A_100 : memref<1x128xi32, #tpu.memory_space<vmem>> -> memref<128xi32, #tpu.memory_space<vmem>>
          %dma_start3A_102 = tpu.memref_slice %arg3[%add3A_82] : memref<320000xi32, #tpu.memory_space<hbm>> -> memref<128xi32, #tpu.memory_space<hbm>>
          tpu.enqueue_dma source(%dma_start3A_102 : memref<128xi32, #tpu.memory_space<hbm>>) target(%dma_start3A_101 : memref<128xi32, #tpu.memory_space<vmem>>) target_semaphore(%run_scoped3A_94 : memref<!tpu.dma_semaphore, #tpu.memory_space<semaphore_mem>>)
          %dma_wait3A_103 = arith.constant 0 : i32
          %dma_wait3A_104 = tpu.memref_slice %arg8[%run_scoped3A_84, %dma_wait3A_103] : memref<1x128xi32, #tpu.memory_space<vmem>> -> memref<1x128xi32, #tpu.memory_space<vmem>>
          %dma_wait3A_105 = tpu.memref_squeeze %dma_wait3A_104 : memref<1x128xi32, #tpu.memory_space<vmem>> -> memref<128xi32, #tpu.memory_space<vmem>>
          %dma_wait3A_106 = tpu.memref_slice %arg3[%add3A_82] : memref<320000xi32, #tpu.memory_space<hbm>> -> memref<128xi32, #tpu.memory_space<hbm>>
          %dma_wait3A_107 = arith.constant 0 : i32
          %dma_wait3A_108 = tpu.memref_slice %arg8[%run_scoped3A_84, %dma_wait3A_107] : memref<1x128xi32, #tpu.memory_space<vmem>> -> memref<1x128xi32, #tpu.memory_space<vmem>>
          %dma_wait3A_109 = tpu.memref_squeeze %dma_wait3A_108 : memref<1x128xi32, #tpu.memory_space<vmem>> -> memref<128xi32, #tpu.memory_space<vmem>>
          %dma_wait3A_110 = tpu.memref_slice %arg3[%add3A_82] : memref<320000xi32, #tpu.memory_space<hbm>> -> memref<128xi32, #tpu.memory_space<hbm>>
          tpu.wait_dma2 semaphore(%run_scoped3A_94 : memref<!tpu.dma_semaphore, #tpu.memory_space<semaphore_mem>>) src(%dma_wait3A_110 : memref<128xi32, #tpu.memory_space<hbm>>) dst(%dma_wait3A_109 : memref<128xi32, #tpu.memory_space<vmem>>)
          tpu.yield
        }) : () -> ()
        %add3A_85 = arith.constant 2 : i32
        %add3A_86 = arith.addi %mul3A_44, %add3A_85 : i32
        %dma_start3A_87 = arith.constant 0 : i32
        %dma_start3A_88 = arith.constant 0 : i32
        %dma_start3A_89 = tpu.memref_slice %arg6[%dma_start3A_87, %dma_start3A_88] : memref<1x128xi32, #tpu.memory_space<vmem>> -> memref<1x128xi32, #tpu.memory_space<vmem>>
        %dma_start3A_90 = tpu.memref_squeeze %dma_start3A_89 : memref<1x128xi32, #tpu.memory_space<vmem>> -> memref<128xi32, #tpu.memory_space<vmem>>
        %dma_start3A_91 = arith.constant 0 : i32
        %dma_start3A_92 = arith.constant 0 : i32
        %dma_start3A_93 = tpu.memref_slice %arg4[%dma_start3A_91, %dma_start3A_92] : memref<10000x16xf32, #tpu.memory_space<hbm>> -> memref<10000x16xf32, #tpu.memory_space<hbm>>
        tpu.enqueue_indirect_dma source(%dma_start3A_93 : memref<10000x16xf32, #tpu.memory_space<hbm>>) target(%arg12 : memref<128x16xf32, #tpu.memory_space<vmem>>) offsets(%dma_start3A_90 : memref<128xi32, #tpu.memory_space<vmem>>) semaphore(%arg17 : memref<!tpu.dma_semaphore, #tpu.memory_space<semaphore_mem>>)
      } else {
      }
      %dma_wait3A_69 = arith.constant 0 : i32
      %dma_wait3A_70 = arith.constant 0 : i32
      %dma_wait3A_71 = tpu.memref_slice %arg7[%dma_wait3A_69, %dma_wait3A_70] : memref<1x128xi32, #tpu.memory_space<vmem>> -> memref<1x128xi32, #tpu.memory_space<vmem>>
      %dma_wait3A_72 = tpu.memref_squeeze %dma_wait3A_71 : memref<1x128xi32, #tpu.memory_space<vmem>> -> memref<128xi32, #tpu.memory_space<vmem>>
      %dma_wait3A_73 = arith.constant 0 : i32
      %dma_wait3A_74 = arith.constant 0 : i32
      %dma_wait3A_75 = tpu.memref_slice %arg4[%dma_wait3A_73, %dma_wait3A_74] : memref<10000x16xf32, #tpu.memory_space<hbm>> -> memref<10000x16xf32, #tpu.memory_space<hbm>>
      tpu.wait_indirect_dma semaphore(%arg18 : memref<!tpu.dma_semaphore, #tpu.memory_space<semaphore_mem>>) src(%dma_wait3A_75 : memref<10000x16xf32, #tpu.memory_space<hbm>>) dst(%arg13 : memref<128x16xf32, #tpu.memory_space<vmem>>)
      %run_scoped3A_76 = arith.constant 0 : i32
      "tpu.region"() ({
        %run_scoped3A_78 = tpu.sem_alloc : memref<!tpu.dma_semaphore, #tpu.memory_space<semaphore_mem>>
        %dma_start3A_79 = arith.constant 0 : i32
        %dma_start3A_80 = tpu.memref_slice %arg9[%run_scoped3A_76, %dma_start3A_79] : memref<1x128xi32, #tpu.memory_space<vmem>> -> memref<1x128xi32, #tpu.memory_space<vmem>>
        %dma_start3A_81 = tpu.memref_squeeze %dma_start3A_80 : memref<1x128xi32, #tpu.memory_space<vmem>> -> memref<128xi32, #tpu.memory_space<vmem>>
        %dma_start3A_82 = arith.constant 0 : i32
        %dma_start3A_83 = arith.constant 0 : i32
        %dma_start3A_84 = tpu.memref_slice %arg16[%dma_start3A_82, %dma_start3A_83] : memref<10240x16xf32, #tpu.memory_space<vmem_shared>> -> memref<10240x16xf32, #tpu.memory_space<vmem_shared>>
        tpu.enqueue_indirect_dma source(%arg13 : memref<128x16xf32, #tpu.memory_space<vmem>>) target(%dma_start3A_84 : memref<10240x16xf32, #tpu.memory_space<vmem_shared>>) offsets(%dma_start3A_81 : memref<128xi32, #tpu.memory_space<vmem>>) semaphore(%run_scoped3A_78 : memref<!tpu.dma_semaphore, #tpu.memory_space<semaphore_mem>>) {add = true}
        %dma_wait3A_85 = arith.constant 0 : i32
        %dma_wait3A_86 = tpu.memref_slice %arg9[%run_scoped3A_76, %dma_wait3A_85] : memref<1x128xi32, #tpu.memory_space<vmem>> -> memref<1x128xi32, #tpu.memory_space<vmem>>
        %dma_wait3A_87 = tpu.memref_squeeze %dma_wait3A_86 : memref<1x128xi32, #tpu.memory_space<vmem>> -> memref<128xi32, #tpu.memory_space<vmem>>
        %dma_wait3A_88 = arith.constant 0 : i32
        %dma_wait3A_89 = arith.constant 0 : i32
        %dma_wait3A_90 = tpu.memref_slice %arg16[%dma_wait3A_88, %dma_wait3A_89] : memref<10240x16xf32, #tpu.memory_space<vmem_shared>> -> memref<10240x16xf32, #tpu.memory_space<vmem_shared>>
        tpu.wait_indirect_dma semaphore(%run_scoped3A_78 : memref<!tpu.dma_semaphore, #tpu.memory_space<semaphore_mem>>) src(%arg13 : memref<128x16xf32, #tpu.memory_space<vmem>>) dst(%dma_wait3A_90 : memref<10240x16xf32, #tpu.memory_space<vmem_shared>>)
        tpu.yield
      }) : () -> ()
      %scan3A_77 = arith.constant 0 : i32
      scf.yield %scan3A_77 : i32
    }
    %scan3A_29 = arith.constant 39 : i32
    %add3A_30 = arith.constant 9984 : i32
    %add3A_31 = arith.addi %mul3A_2, %add3A_30 : i32
    %run_scoped3A_32 = arith.constant 0 : i32
    "tpu.region"() ({
      %run_scoped3A_41 = tpu.sem_alloc : memref<!tpu.dma_semaphore, #tpu.memory_space<semaphore_mem>>
      %dma_start3A_42 = arith.constant 0 : i32
      %dma_start3A_43 = tpu.memref_slice %arg10[%run_scoped3A_32, %dma_start3A_42] : memref<1x16xi32, #tpu.memory_space<vmem>> -> memref<1x16xi32, #tpu.memory_space<vmem>>
      %dma_start3A_44 = tpu.memref_squeeze %dma_start3A_43 : memref<1x16xi32, #tpu.memory_space<vmem>> -> memref<16xi32, #tpu.memory_space<vmem>>
      %dma_start3A_45 = tpu.memref_slice %arg2[%add3A_31] : memref<320000xi32, #tpu.memory_space<hbm>> -> memref<16xi32, #tpu.memory_space<hbm>>
      %dma_start3A_46 = arith.constant 0 : i32
      %dma_start3A_47 = tpu.memref_slice %arg10[%run_scoped3A_32, %dma_start3A_46] : memref<1x16xi32, #tpu.memory_space<vmem>> -> memref<1x16xi32, #tpu.memory_space<vmem>>
      %dma_start3A_48 = tpu.memref_squeeze %dma_start3A_47 : memref<1x16xi32, #tpu.memory_space<vmem>> -> memref<16xi32, #tpu.memory_space<vmem>>
      %dma_start3A_49 = tpu.memref_slice %arg2[%add3A_31] : memref<320000xi32, #tpu.memory_space<hbm>> -> memref<16xi32, #tpu.memory_space<hbm>>
      tpu.enqueue_dma source(%dma_start3A_49 : memref<16xi32, #tpu.memory_space<hbm>>) target(%dma_start3A_48 : memref<16xi32, #tpu.memory_space<vmem>>) target_semaphore(%run_scoped3A_41 : memref<!tpu.dma_semaphore, #tpu.memory_space<semaphore_mem>>)
      %dma_wait3A = arith.constant 0 : i32
      %dma_wait3A_50 = tpu.memref_slice %arg10[%run_scoped3A_32, %dma_wait3A] : memref<1x16xi32, #tpu.memory_space<vmem>> -> memref<1x16xi32, #tpu.memory_space<vmem>>
      %dma_wait3A_51 = tpu.memref_squeeze %dma_wait3A_50 : memref<1x16xi32, #tpu.memory_space<vmem>> -> memref<16xi32, #tpu.memory_space<vmem>>
      %dma_wait3A_52 = tpu.memref_slice %arg2[%add3A_31] : memref<320000xi32, #tpu.memory_space<hbm>> -> memref<16xi32, #tpu.memory_space<hbm>>
      %dma_wait3A_53 = arith.constant 0 : i32
      %dma_wait3A_54 = tpu.memref_slice %arg10[%run_scoped3A_32, %dma_wait3A_53] : memref<1x16xi32, #tpu.memory_space<vmem>> -> memref<1x16xi32, #tpu.memory_space<vmem>>
      %dma_wait3A_55 = tpu.memref_squeeze %dma_wait3A_54 : memref<1x16xi32, #tpu.memory_space<vmem>> -> memref<16xi32, #tpu.memory_space<vmem>>
      %dma_wait3A_56 = tpu.memref_slice %arg2[%add3A_31] : memref<320000xi32, #tpu.memory_space<hbm>> -> memref<16xi32, #tpu.memory_space<hbm>>
      tpu.wait_dma2 semaphore(%run_scoped3A_41 : memref<!tpu.dma_semaphore, #tpu.memory_space<semaphore_mem>>) src(%dma_wait3A_56 : memref<16xi32, #tpu.memory_space<hbm>>) dst(%dma_wait3A_55 : memref<16xi32, #tpu.memory_space<vmem>>)
      tpu.yield
    }) : () -> ()
    %run_scoped3A_33 = arith.constant 0 : i32
    "tpu.region"() ({
      %run_scoped3A_41 = tpu.sem_alloc : memref<!tpu.dma_semaphore, #tpu.memory_space<semaphore_mem>>
      %dma_start3A_42 = arith.constant 0 : i32
      %dma_start3A_43 = tpu.memref_slice %arg11[%run_scoped3A_33, %dma_start3A_42] : memref<1x16xi32, #tpu.memory_space<vmem>> -> memref<1x16xi32, #tpu.memory_space<vmem>>
      %dma_start3A_44 = tpu.memref_squeeze %dma_start3A_43 : memref<1x16xi32, #tpu.memory_space<vmem>> -> memref<16xi32, #tpu.memory_space<vmem>>
      %dma_start3A_45 = tpu.memref_slice %arg3[%add3A_31] : memref<320000xi32, #tpu.memory_space<hbm>> -> memref<16xi32, #tpu.memory_space<hbm>>
      %dma_start3A_46 = arith.constant 0 : i32
      %dma_start3A_47 = tpu.memref_slice %arg11[%run_scoped3A_33, %dma_start3A_46] : memref<1x16xi32, #tpu.memory_space<vmem>> -> memref<1x16xi32, #tpu.memory_space<vmem>>
      %dma_start3A_48 = tpu.memref_squeeze %dma_start3A_47 : memref<1x16xi32, #tpu.memory_space<vmem>> -> memref<16xi32, #tpu.memory_space<vmem>>
      %dma_start3A_49 = tpu.memref_slice %arg3[%add3A_31] : memref<320000xi32, #tpu.memory_space<hbm>> -> memref<16xi32, #tpu.memory_space<hbm>>
      tpu.enqueue_dma source(%dma_start3A_49 : memref<16xi32, #tpu.memory_space<hbm>>) target(%dma_start3A_48 : memref<16xi32, #tpu.memory_space<vmem>>) target_semaphore(%run_scoped3A_41 : memref<!tpu.dma_semaphore, #tpu.memory_space<semaphore_mem>>)
      %dma_wait3A = arith.constant 0 : i32
      %dma_wait3A_50 = tpu.memref_slice %arg11[%run_scoped3A_33, %dma_wait3A] : memref<1x16xi32, #tpu.memory_space<vmem>> -> memref<1x16xi32, #tpu.memory_space<vmem>>
      %dma_wait3A_51 = tpu.memref_squeeze %dma_wait3A_50 : memref<1x16xi32, #tpu.memory_space<vmem>> -> memref<16xi32, #tpu.memory_space<vmem>>
      %dma_wait3A_52 = tpu.memref_slice %arg3[%add3A_31] : memref<320000xi32, #tpu.memory_space<hbm>> -> memref<16xi32, #tpu.memory_space<hbm>>
      %dma_wait3A_53 = arith.constant 0 : i32
      %dma_wait3A_54 = tpu.memref_slice %arg11[%run_scoped3A_33, %dma_wait3A_53] : memref<1x16xi32, #tpu.memory_space<vmem>> -> memref<1x16xi32, #tpu.memory_space<vmem>>
      %dma_wait3A_55 = tpu.memref_squeeze %dma_wait3A_54 : memref<1x16xi32, #tpu.memory_space<vmem>> -> memref<16xi32, #tpu.memory_space<vmem>>
      %dma_wait3A_56 = tpu.memref_slice %arg3[%add3A_31] : memref<320000xi32, #tpu.memory_space<hbm>> -> memref<16xi32, #tpu.memory_space<hbm>>
      tpu.wait_dma2 semaphore(%run_scoped3A_41 : memref<!tpu.dma_semaphore, #tpu.memory_space<semaphore_mem>>) src(%dma_wait3A_56 : memref<16xi32, #tpu.memory_space<hbm>>) dst(%dma_wait3A_55 : memref<16xi32, #tpu.memory_space<vmem>>)
      tpu.yield
    }) : () -> ()
    %run_scoped3A_34 = arith.constant 0 : i32
    "tpu.region"() ({
      %run_scoped3A_41 = tpu.sem_alloc : memref<!tpu.dma_semaphore, #tpu.memory_space<semaphore_mem>>
      %dma_start3A_42 = arith.constant 0 : i32
      %dma_start3A_43 = tpu.memref_slice %arg10[%run_scoped3A_34, %dma_start3A_42] : memref<1x16xi32, #tpu.memory_space<vmem>> -> memref<1x16xi32, #tpu.memory_space<vmem>>
      %dma_start3A_44 = tpu.memref_squeeze %dma_start3A_43 : memref<1x16xi32, #tpu.memory_space<vmem>> -> memref<16xi32, #tpu.memory_space<vmem>>
      %dma_start3A_45 = arith.constant 0 : i32
      %dma_start3A_46 = arith.constant 0 : i32
      %dma_start3A_47 = tpu.memref_slice %arg4[%dma_start3A_45, %dma_start3A_46] : memref<10000x16xf32, #tpu.memory_space<hbm>> -> memref<10000x16xf32, #tpu.memory_space<hbm>>
      tpu.enqueue_indirect_dma source(%dma_start3A_47 : memref<10000x16xf32, #tpu.memory_space<hbm>>) target(%arg14 : memref<16x16xf32, #tpu.memory_space<vmem>>) offsets(%dma_start3A_44 : memref<16xi32, #tpu.memory_space<vmem>>) semaphore(%run_scoped3A_41 : memref<!tpu.dma_semaphore, #tpu.memory_space<semaphore_mem>>)
      %dma_wait3A = arith.constant 0 : i32
      %dma_wait3A_48 = tpu.memref_slice %arg10[%run_scoped3A_34, %dma_wait3A] : memref<1x16xi32, #tpu.memory_space<vmem>> -> memref<1x16xi32, #tpu.memory_space<vmem>>
      %dma_wait3A_49 = tpu.memref_squeeze %dma_wait3A_48 : memref<1x16xi32, #tpu.memory_space<vmem>> -> memref<16xi32, #tpu.memory_space<vmem>>
      %dma_wait3A_50 = arith.constant 0 : i32
      %dma_wait3A_51 = arith.constant 0 : i32
      %dma_wait3A_52 = tpu.memref_slice %arg4[%dma_wait3A_50, %dma_wait3A_51] : memref<10000x16xf32, #tpu.memory_space<hbm>> -> memref<10000x16xf32, #tpu.memory_space<hbm>>
      tpu.wait_indirect_dma semaphore(%run_scoped3A_41 : memref<!tpu.dma_semaphore, #tpu.memory_space<semaphore_mem>>) src(%dma_wait3A_52 : memref<10000x16xf32, #tpu.memory_space<hbm>>) dst(%arg14 : memref<16x16xf32, #tpu.memory_space<vmem>>)
      tpu.yield
    }) : () -> ()
    %run_scoped3A_35 = arith.constant 0 : i32
    "tpu.region"() ({
      %run_scoped3A_41 = tpu.sem_alloc : memref<!tpu.dma_semaphore, #tpu.memory_space<semaphore_mem>>
      %dma_start3A_42 = arith.constant 0 : i32
      %dma_start3A_43 = tpu.memref_slice %arg11[%run_scoped3A_35, %dma_start3A_42] : memref<1x16xi32, #tpu.memory_space<vmem>> -> memref<1x16xi32, #tpu.memory_space<vmem>>
      %dma_start3A_44 = tpu.memref_squeeze %dma_start3A_43 : memref<1x16xi32, #tpu.memory_space<vmem>> -> memref<16xi32, #tpu.memory_space<vmem>>
      %dma_start3A_45 = arith.constant 0 : i32
      %dma_start3A_46 = arith.constant 0 : i32
      %dma_start3A_47 = tpu.memref_slice %arg16[%dma_start3A_45, %dma_start3A_46] : memref<10240x16xf32, #tpu.memory_space<vmem_shared>> -> memref<10240x16xf32, #tpu.memory_space<vmem_shared>>
      tpu.enqueue_indirect_dma source(%arg14 : memref<16x16xf32, #tpu.memory_space<vmem>>) target(%dma_start3A_47 : memref<10240x16xf32, #tpu.memory_space<vmem_shared>>) offsets(%dma_start3A_44 : memref<16xi32, #tpu.memory_space<vmem>>) semaphore(%run_scoped3A_41 : memref<!tpu.dma_semaphore, #tpu.memory_space<semaphore_mem>>) {add = true}
      %dma_wait3A = arith.constant 0 : i32
      %dma_wait3A_48 = tpu.memref_slice %arg11[%run_scoped3A_35, %dma_wait3A] : memref<1x16xi32, #tpu.memory_space<vmem>> -> memref<1x16xi32, #tpu.memory_space<vmem>>
      %dma_wait3A_49 = tpu.memref_squeeze %dma_wait3A_48 : memref<1x16xi32, #tpu.memory_space<vmem>> -> memref<16xi32, #tpu.memory_space<vmem>>
      %dma_wait3A_50 = arith.constant 0 : i32
      %dma_wait3A_51 = arith.constant 0 : i32
      %dma_wait3A_52 = tpu.memref_slice %arg16[%dma_wait3A_50, %dma_wait3A_51] : memref<10240x16xf32, #tpu.memory_space<vmem_shared>> -> memref<10240x16xf32, #tpu.memory_space<vmem_shared>>
      tpu.wait_indirect_dma semaphore(%run_scoped3A_41 : memref<!tpu.dma_semaphore, #tpu.memory_space<semaphore_mem>>) src(%arg14 : memref<16x16xf32, #tpu.memory_space<vmem>>) dst(%dma_wait3A_52 : memref<10240x16xf32, #tpu.memory_space<vmem_shared>>)
      tpu.yield
    }) : () -> ()
    %barrier3A_36 = arith.constant 0 : index
    tpu.barrier barrier_id(%barrier3A_36)
    %mul3A_37 = arith.constant 640 : i32
    %mul3A_38 = arith.muli %arg1, %mul3A_37 : i32
    %mul3A_39 = arith.constant 640 : i32
    %mul3A_40 = arith.muli %arg1, %mul3A_39 : i32
    "tpu.region"() ({
      %run_scoped3A_41 = tpu.sem_alloc : memref<!tpu.dma_semaphore, #tpu.memory_space<semaphore_mem>>
      %dma_start3A_42 = arith.constant 0 : i32
      %dma_start3A_43 = tpu.memref_slice %arg5[%arg0, %mul3A_40, %dma_start3A_42] : memref<2x10240x16xf32, #tpu.memory_space<hbm>> -> memref<1x640x16xf32, #tpu.memory_space<hbm>>
      %dma_start3A_44 = tpu.memref_squeeze %dma_start3A_43 : memref<1x640x16xf32, #tpu.memory_space<hbm>> -> memref<640x16xf32, #tpu.memory_space<hbm>>
      %dma_start3A_45 = arith.constant 0 : i32
      %dma_start3A_46 = tpu.memref_slice %arg16[%mul3A_38, %dma_start3A_45] : memref<10240x16xf32, #tpu.memory_space<vmem_shared>> -> memref<640x16xf32, #tpu.memory_space<vmem_shared>>
      tpu.enqueue_dma source(%dma_start3A_46 : memref<640x16xf32, #tpu.memory_space<vmem_shared>>) target(%dma_start3A_44 : memref<640x16xf32, #tpu.memory_space<hbm>>) target_semaphore(%run_scoped3A_41 : memref<!tpu.dma_semaphore, #tpu.memory_space<semaphore_mem>>)
      %dma_wait3A = arith.constant 0 : i32
      %dma_wait3A_47 = tpu.memref_slice %arg5[%arg0, %mul3A_40, %dma_wait3A] : memref<2x10240x16xf32, #tpu.memory_space<hbm>> -> memref<1x640x16xf32, #tpu.memory_space<hbm>>
      %dma_wait3A_48 = tpu.memref_squeeze %dma_wait3A_47 : memref<1x640x16xf32, #tpu.memory_space<hbm>> -> memref<640x16xf32, #tpu.memory_space<hbm>>
      %dma_wait3A_49 = arith.constant 0 : i32
      %dma_wait3A_50 = tpu.memref_slice %arg16[%mul3A_38, %dma_wait3A_49] : memref<10240x16xf32, #tpu.memory_space<vmem_shared>> -> memref<640x16xf32, #tpu.memory_space<vmem_shared>>
      tpu.wait_dma2 semaphore(%run_scoped3A_41 : memref<!tpu.dma_semaphore, #tpu.memory_space<semaphore_mem>>) src(%dma_wait3A_50 : memref<640x16xf32, #tpu.memory_space<vmem_shared>>) dst(%dma_wait3A_48 : memref<640x16xf32, #tpu.memory_space<hbm>>)
      tpu.yield
    }) : () -> ()
    return
  }
}

#map = affine_map<(d0, d1) -> (0)>
#map1 = affine_map<(d0, d1) -> (0, 0)>
#map2 = affine_map<(d0, d1) -> (0, 0, 0)>
module attributes {stable_mosaic.version = 14 : i64} {
  func.func @_p1_body(%arg0: i32, %arg1: i32, %arg2: memref<320000xi32, #tpu.memory_space<hbm>>, %arg3: memref<320000xi32, #tpu.memory_space<hbm>>, %arg4: memref<10000x16xf32, #tpu.memory_space<hbm>>, %arg5: memref<10000x16xf32, #tpu.memory_space<hbm>>, %arg6: memref<16xf32, #tpu.memory_space<hbm>>, %arg7: memref<320000x16xf32, #tpu.memory_space<hbm>>, %arg8: memref<2x10240x16xf32, #tpu.memory_space<hbm>>, %arg9: memref<2x10240x16xf32, #tpu.memory_space<hbm>>, %arg10: memref<1x128xi32, #tpu.memory_space<vmem>>, %arg11: memref<1x128xi32, #tpu.memory_space<vmem>>, %arg12: memref<1x128xi32, #tpu.memory_space<vmem>>, %arg13: memref<1x128xi32, #tpu.memory_space<vmem>>, %arg14: memref<1x16xi32, #tpu.memory_space<vmem>>, %arg15: memref<1x16xi32, #tpu.memory_space<vmem>>, %arg16: memref<128x16xf32, #tpu.memory_space<vmem>>, %arg17: memref<128x16xf32, #tpu.memory_space<vmem>>, %arg18: memref<16x16xf32, #tpu.memory_space<vmem>>, %arg19: memref<128x16xf32, #tpu.memory_space<vmem>>, %arg20: memref<128x16xf32, #tpu.memory_space<vmem>>, %arg21: memref<16x16xf32, #tpu.memory_space<vmem>>, %arg22: memref<128x16xf32, #tpu.memory_space<vmem>>, %arg23: memref<128x16xf32, #tpu.memory_space<vmem>>, %arg24: memref<16x16xf32, #tpu.memory_space<vmem>>, %arg25: memref<640x16xf32, #tpu.memory_space<vmem>>, %arg26: memref<16xf32, #tpu.memory_space<vmem>>, %arg27: memref<10240x16xf32, #tpu.memory_space<vmem_shared>>, %arg28: memref<10240x16xf32, #tpu.memory_space<vmem_shared>>, %arg29: memref<!tpu.dma_semaphore, #tpu.memory_space<semaphore_mem>>, %arg30: memref<!tpu.dma_semaphore, #tpu.memory_space<semaphore_mem>>) attributes {dimension_semantics = [#tpu.dimension_semantics<core_parallel>, #tpu.dimension_semantics<subcore_parallel>], iteration_bounds = array<i64: 2, 16>, scalar_prefetch = 0 : i64, scratch_operands = 21 : i64, tpu.core_type = #tpu.core_type<sc_vector_subcore>, window_params = [{transform_indices = #map}, {transform_indices = #map}, {transform_indices = #map1}, {transform_indices = #map1}, {transform_indices = #map}, {transform_indices = #map1}, {transform_indices = #map2}, {transform_indices = #map2}]} {
    %mul3A = arith.constant 2 : i32
    %mul3A_0 = arith.muli %arg1, %mul3A : i32
    %add3A = arith.addi %mul3A_0, %arg0 : i32
    %mul3A_1 = arith.constant 10000 : i32
    %mul3A_2 = arith.muli %add3A, %mul3A_1 : i32
    %broadcast_in_dim3A = arith.constant 0.000000e+00 : f32
    %broadcast_in_dim3A_3 = vector.broadcast %broadcast_in_dim3A : f32 to vector<16xf32>
    %scan3A = arith.constant 0 : i32
    %scan3A_4 = arith.constant 0 : i32
    %scan3A_5 = arith.constant 640 : i32
    %scan3A_6 = arith.addi %scan3A_4, %scan3A_5 : i32
    %scan3A_7 = arith.constant 1 : i32
    %scan3A_8 = scf.for %scan3A_70 = %scan3A_4 to %scan3A_6 step %scan3A_7 iter_args(%scan3A_71 = %scan3A) -> (i32)  : i32 {
      %swap3A = arith.index_cast %scan3A_70 : i32 to index
      %swap3A_72 = arith.constant 0 : index
      %swap3A_73 = tpu.vector_load %arg25[%swap3A, %swap3A_72] {strides = array<i32>} : memref<640x16xf32, #tpu.memory_space<vmem>>, vector<1x16xf32>,
      %swap3A_74 = vector.shape_cast %swap3A_73 : vector<1x16xf32> to vector<16xf32>
      %swap3A_75 = vector.shape_cast %broadcast_in_dim3A_3 : vector<16xf32> to vector<1x16xf32>
      tpu.vector_store %arg25[%swap3A, %swap3A_72], %swap3A_75 {strides = array<i32>} : memref<640x16xf32, #tpu.memory_space<vmem>>, vector<1x16xf32>,
      %scan3A_76 = arith.constant 0 : i32
      scf.yield %scan3A_76 : i32
    }
    %scan3A_9 = arith.constant 640 : i32
    %mul3A_10 = arith.constant 640 : i32
    %mul3A_11 = arith.muli %arg1, %mul3A_10 : i32
    "tpu.region"() ({
      %run_scoped3A_70 = tpu.sem_alloc : memref<!tpu.dma_semaphore, #tpu.memory_space<semaphore_mem>>
      %dma_start3A_71 = arith.constant 0 : i32
      %dma_start3A_72 = tpu.memref_slice %arg27[%mul3A_11, %dma_start3A_71] : memref<10240x16xf32, #tpu.memory_space<vmem_shared>> -> memref<640x16xf32, #tpu.memory_space<vmem_shared>>
      %dma_start3A_73 = arith.constant 0 : i32
      %dma_start3A_74 = tpu.memref_slice %arg27[%mul3A_11, %dma_start3A_73] : memref<10240x16xf32, #tpu.memory_space<vmem_shared>> -> memref<640x16xf32, #tpu.memory_space<vmem_shared>>
      tpu.enqueue_dma source(%arg25 : memref<640x16xf32, #tpu.memory_space<vmem>>) target(%dma_start3A_74 : memref<640x16xf32, #tpu.memory_space<vmem_shared>>) target_semaphore(%run_scoped3A_70 : memref<!tpu.dma_semaphore, #tpu.memory_space<semaphore_mem>>)
      %dma_wait3A = arith.constant 0 : i32
      %dma_wait3A_75 = tpu.memref_slice %arg27[%mul3A_11, %dma_wait3A] : memref<10240x16xf32, #tpu.memory_space<vmem_shared>> -> memref<640x16xf32, #tpu.memory_space<vmem_shared>>
      %dma_wait3A_76 = arith.constant 0 : i32
      %dma_wait3A_77 = tpu.memref_slice %arg27[%mul3A_11, %dma_wait3A_76] : memref<10240x16xf32, #tpu.memory_space<vmem_shared>> -> memref<640x16xf32, #tpu.memory_space<vmem_shared>>
      tpu.wait_dma2 semaphore(%run_scoped3A_70 : memref<!tpu.dma_semaphore, #tpu.memory_space<semaphore_mem>>) src(%arg25 : memref<640x16xf32, #tpu.memory_space<vmem>>) dst(%dma_wait3A_77 : memref<640x16xf32, #tpu.memory_space<vmem_shared>>)
      tpu.yield
    }) : () -> ()
    %mul3A_12 = arith.constant 640 : i32
    %mul3A_13 = arith.muli %arg1, %mul3A_12 : i32
    "tpu.region"() ({
      %run_scoped3A_70 = tpu.sem_alloc : memref<!tpu.dma_semaphore, #tpu.memory_space<semaphore_mem>>
      %dma_start3A_71 = arith.constant 0 : i32
      %dma_start3A_72 = tpu.memref_slice %arg28[%mul3A_13, %dma_start3A_71] : memref<10240x16xf32, #tpu.memory_space<vmem_shared>> -> memref<640x16xf32, #tpu.memory_space<vmem_shared>>
      %dma_start3A_73 = arith.constant 0 : i32
      %dma_start3A_74 = tpu.memref_slice %arg28[%mul3A_13, %dma_start3A_73] : memref<10240x16xf32, #tpu.memory_space<vmem_shared>> -> memref<640x16xf32, #tpu.memory_space<vmem_shared>>
      tpu.enqueue_dma source(%arg25 : memref<640x16xf32, #tpu.memory_space<vmem>>) target(%dma_start3A_74 : memref<640x16xf32, #tpu.memory_space<vmem_shared>>) target_semaphore(%run_scoped3A_70 : memref<!tpu.dma_semaphore, #tpu.memory_space<semaphore_mem>>)
      %dma_wait3A = arith.constant 0 : i32
      %dma_wait3A_75 = tpu.memref_slice %arg28[%mul3A_13, %dma_wait3A] : memref<10240x16xf32, #tpu.memory_space<vmem_shared>> -> memref<640x16xf32, #tpu.memory_space<vmem_shared>>
      %dma_wait3A_76 = arith.constant 0 : i32
      %dma_wait3A_77 = tpu.memref_slice %arg28[%mul3A_13, %dma_wait3A_76] : memref<10240x16xf32, #tpu.memory_space<vmem_shared>> -> memref<640x16xf32, #tpu.memory_space<vmem_shared>>
      tpu.wait_dma2 semaphore(%run_scoped3A_70 : memref<!tpu.dma_semaphore, #tpu.memory_space<semaphore_mem>>) src(%arg25 : memref<640x16xf32, #tpu.memory_space<vmem>>) dst(%dma_wait3A_77 : memref<640x16xf32, #tpu.memory_space<vmem_shared>>)
      tpu.yield
    }) : () -> ()
    "tpu.region"() ({
      %run_scoped3A_70 = tpu.sem_alloc : memref<!tpu.dma_semaphore, #tpu.memory_space<semaphore_mem>>
      tpu.enqueue_dma source(%arg6 : memref<16xf32, #tpu.memory_space<hbm>>) target(%arg26 : memref<16xf32, #tpu.memory_space<vmem>>) target_semaphore(%run_scoped3A_70 : memref<!tpu.dma_semaphore, #tpu.memory_space<semaphore_mem>>)
      tpu.wait_dma2 semaphore(%run_scoped3A_70 : memref<!tpu.dma_semaphore, #tpu.memory_space<semaphore_mem>>) src(%arg6 : memref<16xf32, #tpu.memory_space<hbm>>) dst(%arg26 : memref<16xf32, #tpu.memory_space<vmem>>)
      tpu.yield
    }) : () -> ()
    %barrier3A = arith.constant 0 : index
    tpu.barrier barrier_id(%barrier3A)
    %get3A = arith.constant 0 : index
    %get3A_14 = tpu.vector_load %arg26[%get3A] {strides = array<i32>} : memref<16xf32, #tpu.memory_space<vmem>>, vector<16xf32>,
    %get3A_15 = vector.shape_cast %get3A_14 : vector<16xf32> to vector<16xf32>
    %iota3A = tpu.iota {dimensions = array<i32: 0>} : vector<16xi32>
    %lt3A = arith.constant 8 : i32
    %lt3A_16 = vector.broadcast %lt3A : i32 to vector<16xi32>
    %lt3A_17 = arith.cmpi slt, %iota3A, %lt3A_16 : vector<16xi32>
    %eq3A = arith.constant 8 : i32
    %eq3A_18 = vector.broadcast %eq3A : i32 to vector<16xi32>
    %eq3A_19 = arith.cmpi eq, %iota3A, %eq3A_18 : vector<16xi32>
    %jit3A = arith.constant 1.000000e+00 : f32
    %jit3A_20 = arith.constant 0.000000e+00 : f32
    %broadcast_in_dim3A_21 = vector.broadcast %jit3A : f32 to vector<16xf32>
    %broadcast_in_dim3A_22 = vector.broadcast %jit3A_20 : f32 to vector<16xf32>
    %select_n3A = arith.select %eq3A_19, %broadcast_in_dim3A_21, %broadcast_in_dim3A_22 : vector<16xi1>, vector<16xf32>
    %add3A_23 = arith.constant 0 : i32
    %add3A_24 = arith.addi %mul3A_2, %add3A_23 : i32
    %run_scoped3A = arith.constant 0 : i32
    "tpu.region"() ({
      %run_scoped3A_70 = tpu.sem_alloc : memref<!tpu.dma_semaphore, #tpu.memory_space<semaphore_mem>>
      %dma_start3A_71 = arith.constant 0 : i32
      %dma_start3A_72 = tpu.memref_slice %arg10[%run_scoped3A, %dma_start3A_71] : memref<1x128xi32, #tpu.memory_space<vmem>> -> memref<1x128xi32, #tpu.memory_space<vmem>>
      %dma_start3A_73 = tpu.memref_squeeze %dma_start3A_72 : memref<1x128xi32, #tpu.memory_space<vmem>> -> memref<128xi32, #tpu.memory_space<vmem>>
      %dma_start3A_74 = tpu.memref_slice %arg2[%add3A_24] : memref<320000xi32, #tpu.memory_space<hbm>> -> memref<128xi32, #tpu.memory_space<hbm>>
      %dma_start3A_75 = arith.constant 0 : i32
      %dma_start3A_76 = tpu.memref_slice %arg10[%run_scoped3A, %dma_start3A_75] : memref<1x128xi32, #tpu.memory_space<vmem>> -> memref<1x128xi32, #tpu.memory_space<vmem>>
      %dma_start3A_77 = tpu.memref_squeeze %dma_start3A_76 : memref<1x128xi32, #tpu.memory_space<vmem>> -> memref<128xi32, #tpu.memory_space<vmem>>
      %dma_start3A_78 = tpu.memref_slice %arg2[%add3A_24] : memref<320000xi32, #tpu.memory_space<hbm>> -> memref<128xi32, #tpu.memory_space<hbm>>
      tpu.enqueue_dma source(%dma_start3A_78 : memref<128xi32, #tpu.memory_space<hbm>>) target(%dma_start3A_77 : memref<128xi32, #tpu.memory_space<vmem>>) target_semaphore(%run_scoped3A_70 : memref<!tpu.dma_semaphore, #tpu.memory_space<semaphore_mem>>)
      %dma_wait3A = arith.constant 0 : i32
      %dma_wait3A_79 = tpu.memref_slice %arg10[%run_scoped3A, %dma_wait3A] : memref<1x128xi32, #tpu.memory_space<vmem>> -> memref<1x128xi32, #tpu.memory_space<vmem>>
      %dma_wait3A_80 = tpu.memref_squeeze %dma_wait3A_79 : memref<1x128xi32, #tpu.memory_space<vmem>> -> memref<128xi32, #tpu.memory_space<vmem>>
      %dma_wait3A_81 = tpu.memref_slice %arg2[%add3A_24] : memref<320000xi32, #tpu.memory_space<hbm>> -> memref<128xi32, #tpu.memory_space<hbm>>
      %dma_wait3A_82 = arith.constant 0 : i32
      %dma_wait3A_83 = tpu.memref_slice %arg10[%run_scoped3A, %dma_wait3A_82] : memref<1x128xi32, #tpu.memory_space<vmem>> -> memref<1x128xi32, #tpu.memory_space<vmem>>
      %dma_wait3A_84 = tpu.memref_squeeze %dma_wait3A_83 : memref<1x128xi32, #tpu.memory_space<vmem>> -> memref<128xi32, #tpu.memory_space<vmem>>
      %dma_wait3A_85 = tpu.memref_slice %arg2[%add3A_24] : memref<320000xi32, #tpu.memory_space<hbm>> -> memref<128xi32, #tpu.memory_space<hbm>>
      tpu.wait_dma2 semaphore(%run_scoped3A_70 : memref<!tpu.dma_semaphore, #tpu.memory_space<semaphore_mem>>) src(%dma_wait3A_85 : memref<128xi32, #tpu.memory_space<hbm>>) dst(%dma_wait3A_84 : memref<128xi32, #tpu.memory_space<vmem>>)
      tpu.yield
    }) : () -> ()
    %run_scoped3A_25 = arith.constant 0 : i32
    "tpu.region"() ({
      %run_scoped3A_70 = tpu.sem_alloc : memref<!tpu.dma_semaphore, #tpu.memory_space<semaphore_mem>>
      %dma_start3A_71 = arith.constant 0 : i32
      %dma_start3A_72 = tpu.memref_slice %arg12[%run_scoped3A_25, %dma_start3A_71] : memref<1x128xi32, #tpu.memory_space<vmem>> -> memref<1x128xi32, #tpu.memory_space<vmem>>
      %dma_start3A_73 = tpu.memref_squeeze %dma_start3A_72 : memref<1x128xi32, #tpu.memory_space<vmem>> -> memref<128xi32, #tpu.memory_space<vmem>>
      %dma_start3A_74 = tpu.memref_slice %arg3[%add3A_24] : memref<320000xi32, #tpu.memory_space<hbm>> -> memref<128xi32, #tpu.memory_space<hbm>>
      %dma_start3A_75 = arith.constant 0 : i32
      %dma_start3A_76 = tpu.memref_slice %arg12[%run_scoped3A_25, %dma_start3A_75] : memref<1x128xi32, #tpu.memory_space<vmem>> -> memref<1x128xi32, #tpu.memory_space<vmem>>
      %dma_start3A_77 = tpu.memref_squeeze %dma_start3A_76 : memref<1x128xi32, #tpu.memory_space<vmem>> -> memref<128xi32, #tpu.memory_space<vmem>>
      %dma_start3A_78 = tpu.memref_slice %arg3[%add3A_24] : memref<320000xi32, #tpu.memory_space<hbm>> -> memref<128xi32, #tpu.memory_space<hbm>>
      tpu.enqueue_dma source(%dma_start3A_78 : memref<128xi32, #tpu.memory_space<hbm>>) target(%dma_start3A_77 : memref<128xi32, #tpu.memory_space<vmem>>) target_semaphore(%run_scoped3A_70 : memref<!tpu.dma_semaphore, #tpu.memory_space<semaphore_mem>>)
      %dma_wait3A = arith.constant 0 : i32
      %dma_wait3A_79 = tpu.memref_slice %arg12[%run_scoped3A_25, %dma_wait3A] : memref<1x128xi32, #tpu.memory_space<vmem>> -> memref<1x128xi32, #tpu.memory_space<vmem>>
      %dma_wait3A_80 = tpu.memref_squeeze %dma_wait3A_79 : memref<1x128xi32, #tpu.memory_space<vmem>> -> memref<128xi32, #tpu.memory_space<vmem>>
      %dma_wait3A_81 = tpu.memref_slice %arg3[%add3A_24] : memref<320000xi32, #tpu.memory_space<hbm>> -> memref<128xi32, #tpu.memory_space<hbm>>
      %dma_wait3A_82 = arith.constant 0 : i32
      %dma_wait3A_83 = tpu.memref_slice %arg12[%run_scoped3A_25, %dma_wait3A_82] : memref<1x128xi32, #tpu.memory_space<vmem>> -> memref<1x128xi32, #tpu.memory_space<vmem>>
      %dma_wait3A_84 = tpu.memref_squeeze %dma_wait3A_83 : memref<1x128xi32, #tpu.memory_space<vmem>> -> memref<128xi32, #tpu.memory_space<vmem>>
      %dma_wait3A_85 = tpu.memref_slice %arg3[%add3A_24] : memref<320000xi32, #tpu.memory_space<hbm>> -> memref<128xi32, #tpu.memory_space<hbm>>
      tpu.wait_dma2 semaphore(%run_scoped3A_70 : memref<!tpu.dma_semaphore, #tpu.memory_space<semaphore_mem>>) src(%dma_wait3A_85 : memref<128xi32, #tpu.memory_space<hbm>>) dst(%dma_wait3A_84 : memref<128xi32, #tpu.memory_space<vmem>>)
      tpu.yield
    }) : () -> ()
    %dma_start3A = arith.constant 0 : i32
    %dma_start3A_26 = arith.constant 0 : i32
    %dma_start3A_27 = tpu.memref_slice %arg10[%dma_start3A, %dma_start3A_26] : memref<1x128xi32, #tpu.memory_space<vmem>> -> memref<1x128xi32, #tpu.memory_space<vmem>>
    %dma_start3A_28 = tpu.memref_squeeze %dma_start3A_27 : memref<1x128xi32, #tpu.memory_space<vmem>> -> memref<128xi32, #tpu.memory_space<vmem>>
    %dma_start3A_29 = arith.constant 0 : i32
    %dma_start3A_30 = arith.constant 0 : i32
    %dma_start3A_31 = tpu.memref_slice %arg4[%dma_start3A_29, %dma_start3A_30] : memref<10000x16xf32, #tpu.memory_space<hbm>> -> memref<10000x16xf32, #tpu.memory_space<hbm>>
    tpu.enqueue_indirect_dma source(%dma_start3A_31 : memref<10000x16xf32, #tpu.memory_space<hbm>>) target(%arg16 : memref<128x16xf32, #tpu.memory_space<vmem>>) offsets(%dma_start3A_28 : memref<128xi32, #tpu.memory_space<vmem>>) semaphore(%arg29 : memref<!tpu.dma_semaphore, #tpu.memory_space<semaphore_mem>>)
    %dma_start3A_32 = arith.constant 0 : i32
    %dma_start3A_33 = arith.constant 0 : i32
    %dma_start3A_34 = tpu.memref_slice %arg12[%dma_start3A_32, %dma_start3A_33] : memref<1x128xi32, #tpu.memory_space<vmem>> -> memref<1x128xi32, #tpu.memory_space<vmem>>
    %dma_start3A_35 = tpu.memref_squeeze %dma_start3A_34 : memref<1x128xi32, #tpu.memory_space<vmem>> -> memref<128xi32, #tpu.memory_space<vmem>>
    %dma_start3A_36 = arith.constant 0 : i32
    %dma_start3A_37 = arith.constant 0 : i32
    %dma_start3A_38 = tpu.memref_slice %arg5[%dma_start3A_36, %dma_start3A_37] : memref<10000x16xf32, #tpu.memory_space<hbm>> -> memref<10000x16xf32, #tpu.memory_space<hbm>>
    tpu.enqueue_indirect_dma source(%dma_start3A_38 : memref<10000x16xf32, #tpu.memory_space<hbm>>) target(%arg19 : memref<128x16xf32, #tpu.memory_space<vmem>>) offsets(%dma_start3A_35 : memref<128xi32, #tpu.memory_space<vmem>>) semaphore(%arg29 : memref<!tpu.dma_semaphore, #tpu.memory_space<semaphore_mem>>)
    %scan3A_39 = arith.constant 0 : i32
    %scan3A_40 = arith.constant 0 : i32
    %scan3A_41 = arith.constant 39 : i32
    %scan3A_42 = arith.addi %scan3A_40, %scan3A_41 : i32
    %scan3A_43 = arith.constant 1 : i32
    %scan3A_44 = scf.for %scan3A_70 = %scan3A_40 to %scan3A_42 step %scan3A_43 iter_args(%scan3A_71 = %scan3A_39) -> (i32)  : i32 {
      %mul3A_72 = arith.constant 2 : i32
      %mul3A_73 = arith.muli %mul3A_72, %scan3A_70 : i32
      %add3A_74 = arith.constant 1 : i32
      %add3A_75 = arith.addi %mul3A_73, %add3A_74 : i32
      %mul3A_76 = arith.constant 128 : i32
      %mul3A_77 = arith.muli %add3A_75, %mul3A_76 : i32
      %add3A_78 = arith.addi %mul3A_2, %mul3A_77 : i32
      %run_scoped3A_79 = arith.constant 0 : i32
      "tpu.region"() ({
        %run_scoped3A_150 = tpu.sem_alloc : memref<!tpu.dma_semaphore, #tpu.memory_space<semaphore_mem>>
        %dma_start3A_151 = arith.constant 0 : i32
        %dma_start3A_152 = tpu.memref_slice %arg11[%run_scoped3A_79, %dma_start3A_151] : memref<1x128xi32, #tpu.memory_space<vmem>> -> memref<1x128xi32, #tpu.memory_space<vmem>>
        %dma_start3A_153 = tpu.memref_squeeze %dma_start3A_152 : memref<1x128xi32, #tpu.memory_space<vmem>> -> memref<128xi32, #tpu.memory_space<vmem>>
        %dma_start3A_154 = tpu.memref_slice %arg2[%add3A_78] : memref<320000xi32, #tpu.memory_space<hbm>> -> memref<128xi32, #tpu.memory_space<hbm>>
        %dma_start3A_155 = arith.constant 0 : i32
        %dma_start3A_156 = tpu.memref_slice %arg11[%run_scoped3A_79, %dma_start3A_155] : memref<1x128xi32, #tpu.memory_space<vmem>> -> memref<1x128xi32, #tpu.memory_space<vmem>>
        %dma_start3A_157 = tpu.memref_squeeze %dma_start3A_156 : memref<1x128xi32, #tpu.memory_space<vmem>> -> memref<128xi32, #tpu.memory_space<vmem>>
        %dma_start3A_158 = tpu.memref_slice %arg2[%add3A_78] : memref<320000xi32, #tpu.memory_space<hbm>> -> memref<128xi32, #tpu.memory_space<hbm>>
        tpu.enqueue_dma source(%dma_start3A_158 : memref<128xi32, #tpu.memory_space<hbm>>) target(%dma_start3A_157 : memref<128xi32, #tpu.memory_space<vmem>>) target_semaphore(%run_scoped3A_150 : memref<!tpu.dma_semaphore, #tpu.memory_space<semaphore_mem>>)
        %dma_wait3A_159 = arith.constant 0 : i32
        %dma_wait3A_160 = tpu.memref_slice %arg11[%run_scoped3A_79, %dma_wait3A_159] : memref<1x128xi32, #tpu.memory_space<vmem>> -> memref<1x128xi32, #tpu.memory_space<vmem>>
        %dma_wait3A_161 = tpu.memref_squeeze %dma_wait3A_160 : memref<1x128xi32, #tpu.memory_space<vmem>> -> memref<128xi32, #tpu.memory_space<vmem>>
        %dma_wait3A_162 = tpu.memref_slice %arg2[%add3A_78] : memref<320000xi32, #tpu.memory_space<hbm>> -> memref<128xi32, #tpu.memory_space<hbm>>
        %dma_wait3A_163 = arith.constant 0 : i32
        %dma_wait3A_164 = tpu.memref_slice %arg11[%run_scoped3A_79, %dma_wait3A_163] : memref<1x128xi32, #tpu.memory_space<vmem>> -> memref<1x128xi32, #tpu.memory_space<vmem>>
        %dma_wait3A_165 = tpu.memref_squeeze %dma_wait3A_164 : memref<1x128xi32, #tpu.memory_space<vmem>> -> memref<128xi32, #tpu.memory_space<vmem>>
        %dma_wait3A_166 = tpu.memref_slice %arg2[%add3A_78] : memref<320000xi32, #tpu.memory_space<hbm>> -> memref<128xi32, #tpu.memory_space<hbm>>
        tpu.wait_dma2 semaphore(%run_scoped3A_150 : memref<!tpu.dma_semaphore, #tpu.memory_space<semaphore_mem>>) src(%dma_wait3A_166 : memref<128xi32, #tpu.memory_space<hbm>>) dst(%dma_wait3A_165 : memref<128xi32, #tpu.memory_space<vmem>>)
        tpu.yield
      }) : () -> ()
      %run_scoped3A_80 = arith.constant 0 : i32
      "tpu.region"() ({
        %run_scoped3A_150 = tpu.sem_alloc : memref<!tpu.dma_semaphore, #tpu.memory_space<semaphore_mem>>
        %dma_start3A_151 = arith.constant 0 : i32
        %dma_start3A_152 = tpu.memref_slice %arg13[%run_scoped3A_80, %dma_start3A_151] : memref<1x128xi32, #tpu.memory_space<vmem>> -> memref<1x128xi32, #tpu.memory_space<vmem>>
        %dma_start3A_153 = tpu.memref_squeeze %dma_start3A_152 : memref<1x128xi32, #tpu.memory_space<vmem>> -> memref<128xi32, #tpu.memory_space<vmem>>
        %dma_start3A_154 = tpu.memref_slice %arg3[%add3A_78] : memref<320000xi32, #tpu.memory_space<hbm>> -> memref<128xi32, #tpu.memory_space<hbm>>
        %dma_start3A_155 = arith.constant 0 : i32
        %dma_start3A_156 = tpu.memref_slice %arg13[%run_scoped3A_80, %dma_start3A_155] : memref<1x128xi32, #tpu.memory_space<vmem>> -> memref<1x128xi32, #tpu.memory_space<vmem>>
        %dma_start3A_157 = tpu.memref_squeeze %dma_start3A_156 : memref<1x128xi32, #tpu.memory_space<vmem>> -> memref<128xi32, #tpu.memory_space<vmem>>
        %dma_start3A_158 = tpu.memref_slice %arg3[%add3A_78] : memref<320000xi32, #tpu.memory_space<hbm>> -> memref<128xi32, #tpu.memory_space<hbm>>
        tpu.enqueue_dma source(%dma_start3A_158 : memref<128xi32, #tpu.memory_space<hbm>>) target(%dma_start3A_157 : memref<128xi32, #tpu.memory_space<vmem>>) target_semaphore(%run_scoped3A_150 : memref<!tpu.dma_semaphore, #tpu.memory_space<semaphore_mem>>)
        %dma_wait3A_159 = arith.constant 0 : i32
        %dma_wait3A_160 = tpu.memref_slice %arg13[%run_scoped3A_80, %dma_wait3A_159] : memref<1x128xi32, #tpu.memory_space<vmem>> -> memref<1x128xi32, #tpu.memory_space<vmem>>
        %dma_wait3A_161 = tpu.memref_squeeze %dma_wait3A_160 : memref<1x128xi32, #tpu.memory_space<vmem>> -> memref<128xi32, #tpu.memory_space<vmem>>
        %dma_wait3A_162 = tpu.memref_slice %arg3[%add3A_78] : memref<320000xi32, #tpu.memory_space<hbm>> -> memref<128xi32, #tpu.memory_space<hbm>>
        %dma_wait3A_163 = arith.constant 0 : i32
        %dma_wait3A_164 = tpu.memref_slice %arg13[%run_scoped3A_80, %dma_wait3A_163] : memref<1x128xi32, #tpu.memory_space<vmem>> -> memref<1x128xi32, #tpu.memory_space<vmem>>
        %dma_wait3A_165 = tpu.memref_squeeze %dma_wait3A_164 : memref<1x128xi32, #tpu.memory_space<vmem>> -> memref<128xi32, #tpu.memory_space<vmem>>
        %dma_wait3A_166 = tpu.memref_slice %arg3[%add3A_78] : memref<320000xi32, #tpu.memory_space<hbm>> -> memref<128xi32, #tpu.memory_space<hbm>>
        tpu.wait_dma2 semaphore(%run_scoped3A_150 : memref<!tpu.dma_semaphore, #tpu.memory_space<semaphore_mem>>) src(%dma_wait3A_166 : memref<128xi32, #tpu.memory_space<hbm>>) dst(%dma_wait3A_165 : memref<128xi32, #tpu.memory_space<vmem>>)
        tpu.yield
      }) : () -> ()
      %dma_start3A_81 = arith.constant 0 : i32
      %dma_start3A_82 = arith.constant 0 : i32
      %dma_start3A_83 = tpu.memref_slice %arg11[%dma_start3A_81, %dma_start3A_82] : memref<1x128xi32, #tpu.memory_space<vmem>> -> memref<1x128xi32, #tpu.memory_space<vmem>>
      %dma_start3A_84 = tpu.memref_squeeze %dma_start3A_83 : memref<1x128xi32, #tpu.memory_space<vmem>> -> memref<128xi32, #tpu.memory_space<vmem>>
      %dma_start3A_85 = arith.constant 0 : i32
      %dma_start3A_86 = arith.constant 0 : i32
      %dma_start3A_87 = tpu.memref_slice %arg4[%dma_start3A_85, %dma_start3A_86] : memref<10000x16xf32, #tpu.memory_space<hbm>> -> memref<10000x16xf32, #tpu.memory_space<hbm>>
      tpu.enqueue_indirect_dma source(%dma_start3A_87 : memref<10000x16xf32, #tpu.memory_space<hbm>>) target(%arg17 : memref<128x16xf32, #tpu.memory_space<vmem>>) offsets(%dma_start3A_84 : memref<128xi32, #tpu.memory_space<vmem>>) semaphore(%arg30 : memref<!tpu.dma_semaphore, #tpu.memory_space<semaphore_mem>>)
      %dma_start3A_88 = arith.constant 0 : i32
      %dma_start3A_89 = arith.constant 0 : i32
      %dma_start3A_90 = tpu.memref_slice %arg13[%dma_start3A_88, %dma_start3A_89] : memref<1x128xi32, #tpu.memory_space<vmem>> -> memref<1x128xi32, #tpu.memory_space<vmem>>
      %dma_start3A_91 = tpu.memref_squeeze %dma_start3A_90 : memref<1x128xi32, #tpu.memory_space<vmem>> -> memref<128xi32, #tpu.memory_space<vmem>>
      %dma_start3A_92 = arith.constant 0 : i32
      %dma_start3A_93 = arith.constant 0 : i32
      %dma_start3A_94 = tpu.memref_slice %arg5[%dma_start3A_92, %dma_start3A_93] : memref<10000x16xf32, #tpu.memory_space<hbm>> -> memref<10000x16xf32, #tpu.memory_space<hbm>>
      tpu.enqueue_indirect_dma source(%dma_start3A_94 : memref<10000x16xf32, #tpu.memory_space<hbm>>) target(%arg20 : memref<128x16xf32, #tpu.memory_space<vmem>>) offsets(%dma_start3A_91 : memref<128xi32, #tpu.memory_space<vmem>>) semaphore(%arg30 : memref<!tpu.dma_semaphore, #tpu.memory_space<semaphore_mem>>)
      %dma_wait3A = arith.constant 0 : i32
      %dma_wait3A_95 = arith.constant 0 : i32
      %dma_wait3A_96 = tpu.memref_slice %arg10[%dma_wait3A, %dma_wait3A_95] : memref<1x128xi32, #tpu.memory_space<vmem>> -> memref<1x128xi32, #tpu.memory_space<vmem>>
      %dma_wait3A_97 = tpu.memref_squeeze %dma_wait3A_96 : memref<1x128xi32, #tpu.memory_space<vmem>> -> memref<128xi32, #tpu.memory_space<vmem>>
      %dma_wait3A_98 = arith.constant 0 : i32
      %dma_wait3A_99 = arith.constant 0 : i32
      %dma_wait3A_100 = tpu.memref_slice %arg4[%dma_wait3A_98, %dma_wait3A_99] : memref<10000x16xf32, #tpu.memory_space<hbm>> -> memref<10000x16xf32, #tpu.memory_space<hbm>>
      tpu.wait_indirect_dma semaphore(%arg29 : memref<!tpu.dma_semaphore, #tpu.memory_space<semaphore_mem>>) src(%dma_wait3A_100 : memref<10000x16xf32, #tpu.memory_space<hbm>>) dst(%arg16 : memref<128x16xf32, #tpu.memory_space<vmem>>)
      %dma_wait3A_101 = arith.constant 0 : i32
      %dma_wait3A_102 = arith.constant 0 : i32
      %dma_wait3A_103 = tpu.memref_slice %arg12[%dma_wait3A_101, %dma_wait3A_102] : memref<1x128xi32, #tpu.memory_space<vmem>> -> memref<1x128xi32, #tpu.memory_space<vmem>>
      %dma_wait3A_104 = tpu.memref_squeeze %dma_wait3A_103 : memref<1x128xi32, #tpu.memory_space<vmem>> -> memref<128xi32, #tpu.memory_space<vmem>>
      %dma_wait3A_105 = arith.constant 0 : i32
      %dma_wait3A_106 = arith.constant 0 : i32
      %dma_wait3A_107 = tpu.memref_slice %arg5[%dma_wait3A_105, %dma_wait3A_106] : memref<10000x16xf32, #tpu.memory_space<hbm>> -> memref<10000x16xf32, #tpu.memory_space<hbm>>
      tpu.wait_indirect_dma semaphore(%arg29 : memref<!tpu.dma_semaphore, #tpu.memory_space<semaphore_mem>>) src(%dma_wait3A_107 : memref<10000x16xf32, #tpu.memory_space<hbm>>) dst(%arg19 : memref<128x16xf32, #tpu.memory_space<vmem>>)
      %scan3A_108 = arith.constant 0 : i32
      %scan3A_109 = arith.constant 0 : i32
      %scan3A_110 = arith.constant 128 : i32
      %scan3A_111 = arith.addi %scan3A_109, %scan3A_110 : i32
      %scan3A_112 = arith.constant 1 : i32
      %scan3A_113 = scf.for %scan3A_150 = %scan3A_109 to %scan3A_111 step %scan3A_112 iter_args(%scan3A_151 = %scan3A_108) -> (i32)  : i32 {
        %get3A_152 = arith.index_cast %scan3A_150 : i32 to index
        %get3A_153 = arith.constant 0 : index
        %get3A_154 = tpu.vector_load %arg16[%get3A_152, %get3A_153] {strides = array<i32>} : memref<128x16xf32, #tpu.memory_space<vmem>>, vector<1x16xf32>,
        %get3A_155 = vector.shape_cast %get3A_154 : vector<1x16xf32> to vector<16xf32>
        %get3A_156 = arith.index_cast %scan3A_150 : i32 to index
        %get3A_157 = arith.constant 0 : index
        %get3A_158 = tpu.vector_load %arg19[%get3A_156, %get3A_157] {strides = array<i32>} : memref<128x16xf32, #tpu.memory_space<vmem>>, vector<1x16xf32>,
        %get3A_159 = vector.shape_cast %get3A_158 : vector<1x16xf32> to vector<16xf32>
        %add3A_160 = arith.addf %get3A_155, %get3A_159 : vector<16xf32>
        %ge3A = arith.constant 0.000000e+00 : f32
        %ge3A_161 = vector.broadcast %ge3A : f32 to vector<16xf32>
        %ge3A_162 = arith.cmpf oge, %add3A_160, %ge3A_161 : vector<16xf32>
        %mul3A_163 = arith.constant 2.000000e-01 : f32
        %mul3A_164 = vector.broadcast %mul3A_163 : f32 to vector<16xf32>
        %mul3A_165 = arith.mulf %mul3A_164, %add3A_160 : vector<16xf32>
        %select_n3A_166 = arith.select %ge3A_162, %add3A_160, %mul3A_165 : vector<16xi1>, vector<16xf32>
        %sub3A = arith.subf %select_n3A_166, %get3A_15 : vector<16xf32>
        %exp3A = math.exp %sub3A : vector<16xf32>
        %select_n3A_167 = arith.select %lt3A_17, %exp3A, %select_n3A : vector<16xi1>, vector<16xf32>
        %swap3A = arith.index_cast %scan3A_150 : i32 to index
        %swap3A_168 = arith.constant 0 : index
        %swap3A_169 = tpu.vector_load %arg22[%swap3A, %swap3A_168] {strides = array<i32>} : memref<128x16xf32, #tpu.memory_space<vmem>>, vector<1x16xf32>,
        %swap3A_170 = vector.shape_cast %swap3A_169 : vector<1x16xf32> to vector<16xf32>
        %swap3A_171 = vector.shape_cast %select_n3A_167 : vector<16xf32> to vector<1x16xf32>
        tpu.vector_store %arg22[%swap3A, %swap3A_168], %swap3A_171 {strides = array<i32>} : memref<128x16xf32, #tpu.memory_space<vmem>>, vector<1x16xf32>,
        %scan3A_172 = arith.constant 0 : i32
        scf.yield %scan3A_172 : i32
      }
      %scan3A_114 = arith.constant 128 : i32
      %mul3A_115 = arith.constant 128 : i32
      %mul3A_116 = arith.muli %mul3A_73, %mul3A_115 : i32
      %add3A_117 = arith.addi %mul3A_2, %mul3A_116 : i32
      "tpu.region"() ({
        %run_scoped3A_150 = tpu.sem_alloc : memref<!tpu.dma_semaphore, #tpu.memory_space<semaphore_mem>>
        %dma_start3A_151 = arith.constant 0 : i32
        %dma_start3A_152 = tpu.memref_slice %arg7[%add3A_117, %dma_start3A_151] : memref<320000x16xf32, #tpu.memory_space<hbm>> -> memref<128x16xf32, #tpu.memory_space<hbm>>
        %dma_start3A_153 = arith.constant 0 : i32
        %dma_start3A_154 = tpu.memref_slice %arg7[%add3A_117, %dma_start3A_153] : memref<320000x16xf32, #tpu.memory_space<hbm>> -> memref<128x16xf32, #tpu.memory_space<hbm>>
        tpu.enqueue_dma source(%arg22 : memref<128x16xf32, #tpu.memory_space<vmem>>) target(%dma_start3A_154 : memref<128x16xf32, #tpu.memory_space<hbm>>) target_semaphore(%run_scoped3A_150 : memref<!tpu.dma_semaphore, #tpu.memory_space<semaphore_mem>>)
        %dma_wait3A_155 = arith.constant 0 : i32
        %dma_wait3A_156 = tpu.memref_slice %arg7[%add3A_117, %dma_wait3A_155] : memref<320000x16xf32, #tpu.memory_space<hbm>> -> memref<128x16xf32, #tpu.memory_space<hbm>>
        %dma_wait3A_157 = arith.constant 0 : i32
        %dma_wait3A_158 = tpu.memref_slice %arg7[%add3A_117, %dma_wait3A_157] : memref<320000x16xf32, #tpu.memory_space<hbm>> -> memref<128x16xf32, #tpu.memory_space<hbm>>
        tpu.wait_dma2 semaphore(%run_scoped3A_150 : memref<!tpu.dma_semaphore, #tpu.memory_space<semaphore_mem>>) src(%arg22 : memref<128x16xf32, #tpu.memory_space<vmem>>) dst(%dma_wait3A_158 : memref<128x16xf32, #tpu.memory_space<hbm>>)
        tpu.yield
      }) : () -> ()
      %run_scoped3A_118 = arith.constant 0 : i32
      "tpu.region"() ({
        %run_scoped3A_150 = tpu.sem_alloc : memref<!tpu.dma_semaphore, #tpu.memory_space<semaphore_mem>>
        %dma_start3A_151 = arith.constant 0 : i32
        %dma_start3A_152 = tpu.memref_slice %arg10[%run_scoped3A_118, %dma_start3A_151] : memref<1x128xi32, #tpu.memory_space<vmem>> -> memref<1x128xi32, #tpu.memory_space<vmem>>
        %dma_start3A_153 = tpu.memref_squeeze %dma_start3A_152 : memref<1x128xi32, #tpu.memory_space<vmem>> -> memref<128xi32, #tpu.memory_space<vmem>>
        %dma_start3A_154 = arith.constant 0 : i32
        %dma_start3A_155 = arith.constant 0 : i32
        %dma_start3A_156 = tpu.memref_slice %arg27[%dma_start3A_154, %dma_start3A_155] : memref<10240x16xf32, #tpu.memory_space<vmem_shared>> -> memref<10240x16xf32, #tpu.memory_space<vmem_shared>>
        tpu.enqueue_indirect_dma source(%arg22 : memref<128x16xf32, #tpu.memory_space<vmem>>) target(%dma_start3A_156 : memref<10240x16xf32, #tpu.memory_space<vmem_shared>>) offsets(%dma_start3A_153 : memref<128xi32, #tpu.memory_space<vmem>>) semaphore(%run_scoped3A_150 : memref<!tpu.dma_semaphore, #tpu.memory_space<semaphore_mem>>) {add = true}
        %dma_wait3A_157 = arith.constant 0 : i32
        %dma_wait3A_158 = tpu.memref_slice %arg10[%run_scoped3A_118, %dma_wait3A_157] : memref<1x128xi32, #tpu.memory_space<vmem>> -> memref<1x128xi32, #tpu.memory_space<vmem>>
        %dma_wait3A_159 = tpu.memref_squeeze %dma_wait3A_158 : memref<1x128xi32, #tpu.memory_space<vmem>> -> memref<128xi32, #tpu.memory_space<vmem>>
        %dma_wait3A_160 = arith.constant 0 : i32
        %dma_wait3A_161 = arith.constant 0 : i32
        %dma_wait3A_162 = tpu.memref_slice %arg27[%dma_wait3A_160, %dma_wait3A_161] : memref<10240x16xf32, #tpu.memory_space<vmem_shared>> -> memref<10240x16xf32, #tpu.memory_space<vmem_shared>>
        tpu.wait_indirect_dma semaphore(%run_scoped3A_150 : memref<!tpu.dma_semaphore, #tpu.memory_space<semaphore_mem>>) src(%arg22 : memref<128x16xf32, #tpu.memory_space<vmem>>) dst(%dma_wait3A_162 : memref<10240x16xf32, #tpu.memory_space<vmem_shared>>)
        tpu.yield
      }) : () -> ()
      %run_scoped3A_119 = arith.constant 0 : i32
      "tpu.region"() ({
        %run_scoped3A_150 = tpu.sem_alloc : memref<!tpu.dma_semaphore, #tpu.memory_space<semaphore_mem>>
        %dma_start3A_151 = arith.constant 0 : i32
        %dma_start3A_152 = tpu.memref_slice %arg12[%run_scoped3A_119, %dma_start3A_151] : memref<1x128xi32, #tpu.memory_space<vmem>> -> memref<1x128xi32, #tpu.memory_space<vmem>>
        %dma_start3A_153 = tpu.memref_squeeze %dma_start3A_152 : memref<1x128xi32, #tpu.memory_space<vmem>> -> memref<128xi32, #tpu.memory_space<vmem>>
        %dma_start3A_154 = arith.constant 0 : i32
        %dma_start3A_155 = arith.constant 0 : i32
        %dma_start3A_156 = tpu.memref_slice %arg28[%dma_start3A_154, %dma_start3A_155] : memref<10240x16xf32, #tpu.memory_space<vmem_shared>> -> memref<10240x16xf32, #tpu.memory_space<vmem_shared>>
        tpu.enqueue_indirect_dma source(%arg22 : memref<128x16xf32, #tpu.memory_space<vmem>>) target(%dma_start3A_156 : memref<10240x16xf32, #tpu.memory_space<vmem_shared>>) offsets(%dma_start3A_153 : memref<128xi32, #tpu.memory_space<vmem>>) semaphore(%run_scoped3A_150 : memref<!tpu.dma_semaphore, #tpu.memory_space<semaphore_mem>>) {add = true}
        %dma_wait3A_157 = arith.constant 0 : i32
        %dma_wait3A_158 = tpu.memref_slice %arg12[%run_scoped3A_119, %dma_wait3A_157] : memref<1x128xi32, #tpu.memory_space<vmem>> -> memref<1x128xi32, #tpu.memory_space<vmem>>
        %dma_wait3A_159 = tpu.memref_squeeze %dma_wait3A_158 : memref<1x128xi32, #tpu.memory_space<vmem>> -> memref<128xi32, #tpu.memory_space<vmem>>
        %dma_wait3A_160 = arith.constant 0 : i32
        %dma_wait3A_161 = arith.constant 0 : i32
        %dma_wait3A_162 = tpu.memref_slice %arg28[%dma_wait3A_160, %dma_wait3A_161] : memref<10240x16xf32, #tpu.memory_space<vmem_shared>> -> memref<10240x16xf32, #tpu.memory_space<vmem_shared>>
        tpu.wait_indirect_dma semaphore(%run_scoped3A_150 : memref<!tpu.dma_semaphore, #tpu.memory_space<semaphore_mem>>) src(%arg22 : memref<128x16xf32, #tpu.memory_space<vmem>>) dst(%dma_wait3A_162 : memref<10240x16xf32, #tpu.memory_space<vmem_shared>>)
        tpu.yield
      }) : () -> ()
      %lt3A_120 = arith.constant 38 : i32
      %lt3A_121 = arith.cmpi slt, %scan3A_70, %lt3A_120 : i32
      %convert_element_type3A = arith.extui %lt3A_121 : i1 to i32
      %cond3A = arith.constant 0 : i32
      %cond3A_122 = arith.cmpi ne, %convert_element_type3A, %cond3A : i32
      scf.if %cond3A_122 {
        %add3A_150 = arith.constant 2 : i32
        %add3A_151 = arith.addi %mul3A_73, %add3A_150 : i32
        %mul3A_152 = arith.constant 128 : i32
        %mul3A_153 = arith.muli %add3A_151, %mul3A_152 : i32
        %add3A_154 = arith.addi %mul3A_2, %mul3A_153 : i32
        %run_scoped3A_155 = arith.constant 0 : i32
        "tpu.region"() ({
          %run_scoped3A_171 = tpu.sem_alloc : memref<!tpu.dma_semaphore, #tpu.memory_space<semaphore_mem>>
          %dma_start3A_172 = arith.constant 0 : i32
          %dma_start3A_173 = tpu.memref_slice %arg10[%run_scoped3A_155, %dma_start3A_172] : memref<1x128xi32, #tpu.memory_space<vmem>> -> memref<1x128xi32, #tpu.memory_space<vmem>>
          %dma_start3A_174 = tpu.memref_squeeze %dma_start3A_173 : memref<1x128xi32, #tpu.memory_space<vmem>> -> memref<128xi32, #tpu.memory_space<vmem>>
          %dma_start3A_175 = tpu.memref_slice %arg2[%add3A_154] : memref<320000xi32, #tpu.memory_space<hbm>> -> memref<128xi32, #tpu.memory_space<hbm>>
          %dma_start3A_176 = arith.constant 0 : i32
          %dma_start3A_177 = tpu.memref_slice %arg10[%run_scoped3A_155, %dma_start3A_176] : memref<1x128xi32, #tpu.memory_space<vmem>> -> memref<1x128xi32, #tpu.memory_space<vmem>>
          %dma_start3A_178 = tpu.memref_squeeze %dma_start3A_177 : memref<1x128xi32, #tpu.memory_space<vmem>> -> memref<128xi32, #tpu.memory_space<vmem>>
          %dma_start3A_179 = tpu.memref_slice %arg2[%add3A_154] : memref<320000xi32, #tpu.memory_space<hbm>> -> memref<128xi32, #tpu.memory_space<hbm>>
          tpu.enqueue_dma source(%dma_start3A_179 : memref<128xi32, #tpu.memory_space<hbm>>) target(%dma_start3A_178 : memref<128xi32, #tpu.memory_space<vmem>>) target_semaphore(%run_scoped3A_171 : memref<!tpu.dma_semaphore, #tpu.memory_space<semaphore_mem>>)
          %dma_wait3A_180 = arith.constant 0 : i32
          %dma_wait3A_181 = tpu.memref_slice %arg10[%run_scoped3A_155, %dma_wait3A_180] : memref<1x128xi32, #tpu.memory_space<vmem>> -> memref<1x128xi32, #tpu.memory_space<vmem>>
          %dma_wait3A_182 = tpu.memref_squeeze %dma_wait3A_181 : memref<1x128xi32, #tpu.memory_space<vmem>> -> memref<128xi32, #tpu.memory_space<vmem>>
          %dma_wait3A_183 = tpu.memref_slice %arg2[%add3A_154] : memref<320000xi32, #tpu.memory_space<hbm>> -> memref<128xi32, #tpu.memory_space<hbm>>
          %dma_wait3A_184 = arith.constant 0 : i32
          %dma_wait3A_185 = tpu.memref_slice %arg10[%run_scoped3A_155, %dma_wait3A_184] : memref<1x128xi32, #tpu.memory_space<vmem>> -> memref<1x128xi32, #tpu.memory_space<vmem>>
          %dma_wait3A_186 = tpu.memref_squeeze %dma_wait3A_185 : memref<1x128xi32, #tpu.memory_space<vmem>> -> memref<128xi32, #tpu.memory_space<vmem>>
          %dma_wait3A_187 = tpu.memref_slice %arg2[%add3A_154] : memref<320000xi32, #tpu.memory_space<hbm>> -> memref<128xi32, #tpu.memory_space<hbm>>
          tpu.wait_dma2 semaphore(%run_scoped3A_171 : memref<!tpu.dma_semaphore, #tpu.memory_space<semaphore_mem>>) src(%dma_wait3A_187 : memref<128xi32, #tpu.memory_space<hbm>>) dst(%dma_wait3A_186 : memref<128xi32, #tpu.memory_space<vmem>>)
          tpu.yield
        }) : () -> ()
        %run_scoped3A_156 = arith.constant 0 : i32
        "tpu.region"() ({
          %run_scoped3A_171 = tpu.sem_alloc : memref<!tpu.dma_semaphore, #tpu.memory_space<semaphore_mem>>
          %dma_start3A_172 = arith.constant 0 : i32
          %dma_start3A_173 = tpu.memref_slice %arg12[%run_scoped3A_156, %dma_start3A_172] : memref<1x128xi32, #tpu.memory_space<vmem>> -> memref<1x128xi32, #tpu.memory_space<vmem>>
          %dma_start3A_174 = tpu.memref_squeeze %dma_start3A_173 : memref<1x128xi32, #tpu.memory_space<vmem>> -> memref<128xi32, #tpu.memory_space<vmem>>
          %dma_start3A_175 = tpu.memref_slice %arg3[%add3A_154] : memref<320000xi32, #tpu.memory_space<hbm>> -> memref<128xi32, #tpu.memory_space<hbm>>
          %dma_start3A_176 = arith.constant 0 : i32
          %dma_start3A_177 = tpu.memref_slice %arg12[%run_scoped3A_156, %dma_start3A_176] : memref<1x128xi32, #tpu.memory_space<vmem>> -> memref<1x128xi32, #tpu.memory_space<vmem>>
          %dma_start3A_178 = tpu.memref_squeeze %dma_start3A_177 : memref<1x128xi32, #tpu.memory_space<vmem>> -> memref<128xi32, #tpu.memory_space<vmem>>
          %dma_start3A_179 = tpu.memref_slice %arg3[%add3A_154] : memref<320000xi32, #tpu.memory_space<hbm>> -> memref<128xi32, #tpu.memory_space<hbm>>
          tpu.enqueue_dma source(%dma_start3A_179 : memref<128xi32, #tpu.memory_space<hbm>>) target(%dma_start3A_178 : memref<128xi32, #tpu.memory_space<vmem>>) target_semaphore(%run_scoped3A_171 : memref<!tpu.dma_semaphore, #tpu.memory_space<semaphore_mem>>)
          %dma_wait3A_180 = arith.constant 0 : i32
          %dma_wait3A_181 = tpu.memref_slice %arg12[%run_scoped3A_156, %dma_wait3A_180] : memref<1x128xi32, #tpu.memory_space<vmem>> -> memref<1x128xi32, #tpu.memory_space<vmem>>
          %dma_wait3A_182 = tpu.memref_squeeze %dma_wait3A_181 : memref<1x128xi32, #tpu.memory_space<vmem>> -> memref<128xi32, #tpu.memory_space<vmem>>
          %dma_wait3A_183 = tpu.memref_slice %arg3[%add3A_154] : memref<320000xi32, #tpu.memory_space<hbm>> -> memref<128xi32, #tpu.memory_space<hbm>>
          %dma_wait3A_184 = arith.constant 0 : i32
          %dma_wait3A_185 = tpu.memref_slice %arg12[%run_scoped3A_156, %dma_wait3A_184] : memref<1x128xi32, #tpu.memory_space<vmem>> -> memref<1x128xi32, #tpu.memory_space<vmem>>
          %dma_wait3A_186 = tpu.memref_squeeze %dma_wait3A_185 : memref<1x128xi32, #tpu.memory_space<vmem>> -> memref<128xi32, #tpu.memory_space<vmem>>
          %dma_wait3A_187 = tpu.memref_slice %arg3[%add3A_154] : memref<320000xi32, #tpu.memory_space<hbm>> -> memref<128xi32, #tpu.memory_space<hbm>>
          tpu.wait_dma2 semaphore(%run_scoped3A_171 : memref<!tpu.dma_semaphore, #tpu.memory_space<semaphore_mem>>) src(%dma_wait3A_187 : memref<128xi32, #tpu.memory_space<hbm>>) dst(%dma_wait3A_186 : memref<128xi32, #tpu.memory_space<vmem>>)
          tpu.yield
        }) : () -> ()
        %dma_start3A_157 = arith.constant 0 : i32
        %dma_start3A_158 = arith.constant 0 : i32
        %dma_start3A_159 = tpu.memref_slice %arg10[%dma_start3A_157, %dma_start3A_158] : memref<1x128xi32, #tpu.memory_space<vmem>> -> memref<1x128xi32, #tpu.memory_space<vmem>>
        %dma_start3A_160 = tpu.memref_squeeze %dma_start3A_159 : memref<1x128xi32, #tpu.memory_space<vmem>> -> memref<128xi32, #tpu.memory_space<vmem>>
        %dma_start3A_161 = arith.constant 0 : i32
        %dma_start3A_162 = arith.constant 0 : i32
        %dma_start3A_163 = tpu.memref_slice %arg4[%dma_start3A_161, %dma_start3A_162] : memref<10000x16xf32, #tpu.memory_space<hbm>> -> memref<10000x16xf32, #tpu.memory_space<hbm>>
        tpu.enqueue_indirect_dma source(%dma_start3A_163 : memref<10000x16xf32, #tpu.memory_space<hbm>>) target(%arg16 : memref<128x16xf32, #tpu.memory_space<vmem>>) offsets(%dma_start3A_160 : memref<128xi32, #tpu.memory_space<vmem>>) semaphore(%arg29 : memref<!tpu.dma_semaphore, #tpu.memory_space<semaphore_mem>>)
        %dma_start3A_164 = arith.constant 0 : i32
        %dma_start3A_165 = arith.constant 0 : i32
        %dma_start3A_166 = tpu.memref_slice %arg12[%dma_start3A_164, %dma_start3A_165] : memref<1x128xi32, #tpu.memory_space<vmem>> -> memref<1x128xi32, #tpu.memory_space<vmem>>
        %dma_start3A_167 = tpu.memref_squeeze %dma_start3A_166 : memref<1x128xi32, #tpu.memory_space<vmem>> -> memref<128xi32, #tpu.memory_space<vmem>>
        %dma_start3A_168 = arith.constant 0 : i32
        %dma_start3A_169 = arith.constant 0 : i32
        %dma_start3A_170 = tpu.memref_slice %arg5[%dma_start3A_168, %dma_start3A_169] : memref<10000x16xf32, #tpu.memory_space<hbm>> -> memref<10000x16xf32, #tpu.memory_space<hbm>>
        tpu.enqueue_indirect_dma source(%dma_start3A_170 : memref<10000x16xf32, #tpu.memory_space<hbm>>) target(%arg19 : memref<128x16xf32, #tpu.memory_space<vmem>>) offsets(%dma_start3A_167 : memref<128xi32, #tpu.memory_space<vmem>>) semaphore(%arg29 : memref<!tpu.dma_semaphore, #tpu.memory_space<semaphore_mem>>)
      } else {
      }
      %dma_wait3A_123 = arith.constant 0 : i32
      %dma_wait3A_124 = arith.constant 0 : i32
      %dma_wait3A_125 = tpu.memref_slice %arg11[%dma_wait3A_123, %dma_wait3A_124] : memref<1x128xi32, #tpu.memory_space<vmem>> -> memref<1x128xi32, #tpu.memory_space<vmem>>
      %dma_wait3A_126 = tpu.memref_squeeze %dma_wait3A_125 : memref<1x128xi32, #tpu.memory_space<vmem>> -> memref<128xi32, #tpu.memory_space<vmem>>
      %dma_wait3A_127 = arith.constant 0 : i32
      %dma_wait3A_128 = arith.constant 0 : i32
      %dma_wait3A_129 = tpu.memref_slice %arg4[%dma_wait3A_127, %dma_wait3A_128] : memref<10000x16xf32, #tpu.memory_space<hbm>> -> memref<10000x16xf32, #tpu.memory_space<hbm>>
      tpu.wait_indirect_dma semaphore(%arg30 : memref<!tpu.dma_semaphore, #tpu.memory_space<semaphore_mem>>) src(%dma_wait3A_129 : memref<10000x16xf32, #tpu.memory_space<hbm>>) dst(%arg17 : memref<128x16xf32, #tpu.memory_space<vmem>>)
      %dma_wait3A_130 = arith.constant 0 : i32
      %dma_wait3A_131 = arith.constant 0 : i32
      %dma_wait3A_132 = tpu.memref_slice %arg13[%dma_wait3A_130, %dma_wait3A_131] : memref<1x128xi32, #tpu.memory_space<vmem>> -> memref<1x128xi32, #tpu.memory_space<vmem>>
      %dma_wait3A_133 = tpu.memref_squeeze %dma_wait3A_132 : memref<1x128xi32, #tpu.memory_space<vmem>> -> memref<128xi32, #tpu.memory_space<vmem>>
      %dma_wait3A_134 = arith.constant 0 : i32
      %dma_wait3A_135 = arith.constant 0 : i32
      %dma_wait3A_136 = tpu.memref_slice %arg5[%dma_wait3A_134, %dma_wait3A_135] : memref<10000x16xf32, #tpu.memory_space<hbm>> -> memref<10000x16xf32, #tpu.memory_space<hbm>>
      tpu.wait_indirect_dma semaphore(%arg30 : memref<!tpu.dma_semaphore, #tpu.memory_space<semaphore_mem>>) src(%dma_wait3A_136 : memref<10000x16xf32, #tpu.memory_space<hbm>>) dst(%arg20 : memref<128x16xf32, #tpu.memory_space<vmem>>)
      %scan3A_137 = arith.constant 0 : i32
      %scan3A_138 = arith.constant 0 : i32
      %scan3A_139 = arith.constant 128 : i32
      %scan3A_140 = arith.addi %scan3A_138, %scan3A_139 : i32
      %scan3A_141 = arith.constant 1 : i32
      %scan3A_142 = scf.for %scan3A_150 = %scan3A_138 to %scan3A_140 step %scan3A_141 iter_args(%scan3A_151 = %scan3A_137) -> (i32)  : i32 {
        %get3A_152 = arith.index_cast %scan3A_150 : i32 to index
        %get3A_153 = arith.constant 0 : index
        %get3A_154 = tpu.vector_load %arg17[%get3A_152, %get3A_153] {strides = array<i32>} : memref<128x16xf32, #tpu.memory_space<vmem>>, vector<1x16xf32>,
        %get3A_155 = vector.shape_cast %get3A_154 : vector<1x16xf32> to vector<16xf32>
        %get3A_156 = arith.index_cast %scan3A_150 : i32 to index
        %get3A_157 = arith.constant 0 : index
        %get3A_158 = tpu.vector_load %arg20[%get3A_156, %get3A_157] {strides = array<i32>} : memref<128x16xf32, #tpu.memory_space<vmem>>, vector<1x16xf32>,
        %get3A_159 = vector.shape_cast %get3A_158 : vector<1x16xf32> to vector<16xf32>
        %add3A_160 = arith.addf %get3A_155, %get3A_159 : vector<16xf32>
        %ge3A = arith.constant 0.000000e+00 : f32
        %ge3A_161 = vector.broadcast %ge3A : f32 to vector<16xf32>
        %ge3A_162 = arith.cmpf oge, %add3A_160, %ge3A_161 : vector<16xf32>
        %mul3A_163 = arith.constant 2.000000e-01 : f32
        %mul3A_164 = vector.broadcast %mul3A_163 : f32 to vector<16xf32>
        %mul3A_165 = arith.mulf %mul3A_164, %add3A_160 : vector<16xf32>
        %select_n3A_166 = arith.select %ge3A_162, %add3A_160, %mul3A_165 : vector<16xi1>, vector<16xf32>
        %sub3A = arith.subf %select_n3A_166, %get3A_15 : vector<16xf32>
        %exp3A = math.exp %sub3A : vector<16xf32>
        %select_n3A_167 = arith.select %lt3A_17, %exp3A, %select_n3A : vector<16xi1>, vector<16xf32>
        %swap3A = arith.index_cast %scan3A_150 : i32 to index
        %swap3A_168 = arith.constant 0 : index
        %swap3A_169 = tpu.vector_load %arg23[%swap3A, %swap3A_168] {strides = array<i32>} : memref<128x16xf32, #tpu.memory_space<vmem>>, vector<1x16xf32>,
        %swap3A_170 = vector.shape_cast %swap3A_169 : vector<1x16xf32> to vector<16xf32>
        %swap3A_171 = vector.shape_cast %select_n3A_167 : vector<16xf32> to vector<1x16xf32>
        tpu.vector_store %arg23[%swap3A, %swap3A_168], %swap3A_171 {strides = array<i32>} : memref<128x16xf32, #tpu.memory_space<vmem>>, vector<1x16xf32>,
        %scan3A_172 = arith.constant 0 : i32
        scf.yield %scan3A_172 : i32
      }
      %scan3A_143 = arith.constant 128 : i32
      %mul3A_144 = arith.constant 128 : i32
      %mul3A_145 = arith.muli %add3A_75, %mul3A_144 : i32
      %add3A_146 = arith.addi %mul3A_2, %mul3A_145 : i32
      "tpu.region"() ({
        %run_scoped3A_150 = tpu.sem_alloc : memref<!tpu.dma_semaphore, #tpu.memory_space<semaphore_mem>>
        %dma_start3A_151 = arith.constant 0 : i32
        %dma_start3A_152 = tpu.memref_slice %arg7[%add3A_146, %dma_start3A_151] : memref<320000x16xf32, #tpu.memory_space<hbm>> -> memref<128x16xf32, #tpu.memory_space<hbm>>
        %dma_start3A_153 = arith.constant 0 : i32
        %dma_start3A_154 = tpu.memref_slice %arg7[%add3A_146, %dma_start3A_153] : memref<320000x16xf32, #tpu.memory_space<hbm>> -> memref<128x16xf32, #tpu.memory_space<hbm>>
        tpu.enqueue_dma source(%arg23 : memref<128x16xf32, #tpu.memory_space<vmem>>) target(%dma_start3A_154 : memref<128x16xf32, #tpu.memory_space<hbm>>) target_semaphore(%run_scoped3A_150 : memref<!tpu.dma_semaphore, #tpu.memory_space<semaphore_mem>>)
        %dma_wait3A_155 = arith.constant 0 : i32
        %dma_wait3A_156 = tpu.memref_slice %arg7[%add3A_146, %dma_wait3A_155] : memref<320000x16xf32, #tpu.memory_space<hbm>> -> memref<128x16xf32, #tpu.memory_space<hbm>>
        %dma_wait3A_157 = arith.constant 0 : i32
        %dma_wait3A_158 = tpu.memref_slice %arg7[%add3A_146, %dma_wait3A_157] : memref<320000x16xf32, #tpu.memory_space<hbm>> -> memref<128x16xf32, #tpu.memory_space<hbm>>
        tpu.wait_dma2 semaphore(%run_scoped3A_150 : memref<!tpu.dma_semaphore, #tpu.memory_space<semaphore_mem>>) src(%arg23 : memref<128x16xf32, #tpu.memory_space<vmem>>) dst(%dma_wait3A_158 : memref<128x16xf32, #tpu.memory_space<hbm>>)
        tpu.yield
      }) : () -> ()
      %run_scoped3A_147 = arith.constant 0 : i32
      "tpu.region"() ({
        %run_scoped3A_150 = tpu.sem_alloc : memref<!tpu.dma_semaphore, #tpu.memory_space<semaphore_mem>>
        %dma_start3A_151 = arith.constant 0 : i32
        %dma_start3A_152 = tpu.memref_slice %arg11[%run_scoped3A_147, %dma_start3A_151] : memref<1x128xi32, #tpu.memory_space<vmem>> -> memref<1x128xi32, #tpu.memory_space<vmem>>
        %dma_start3A_153 = tpu.memref_squeeze %dma_start3A_152 : memref<1x128xi32, #tpu.memory_space<vmem>> -> memref<128xi32, #tpu.memory_space<vmem>>
        %dma_start3A_154 = arith.constant 0 : i32
        %dma_start3A_155 = arith.constant 0 : i32
        %dma_start3A_156 = tpu.memref_slice %arg27[%dma_start3A_154, %dma_start3A_155] : memref<10240x16xf32, #tpu.memory_space<vmem_shared>> -> memref<10240x16xf32, #tpu.memory_space<vmem_shared>>
        tpu.enqueue_indirect_dma source(%arg23 : memref<128x16xf32, #tpu.memory_space<vmem>>) target(%dma_start3A_156 : memref<10240x16xf32, #tpu.memory_space<vmem_shared>>) offsets(%dma_start3A_153 : memref<128xi32, #tpu.memory_space<vmem>>) semaphore(%run_scoped3A_150 : memref<!tpu.dma_semaphore, #tpu.memory_space<semaphore_mem>>) {add = true}
        %dma_wait3A_157 = arith.constant 0 : i32
        %dma_wait3A_158 = tpu.memref_slice %arg11[%run_scoped3A_147, %dma_wait3A_157] : memref<1x128xi32, #tpu.memory_space<vmem>> -> memref<1x128xi32, #tpu.memory_space<vmem>>
        %dma_wait3A_159 = tpu.memref_squeeze %dma_wait3A_158 : memref<1x128xi32, #tpu.memory_space<vmem>> -> memref<128xi32, #tpu.memory_space<vmem>>
        %dma_wait3A_160 = arith.constant 0 : i32
        %dma_wait3A_161 = arith.constant 0 : i32
        %dma_wait3A_162 = tpu.memref_slice %arg27[%dma_wait3A_160, %dma_wait3A_161] : memref<10240x16xf32, #tpu.memory_space<vmem_shared>> -> memref<10240x16xf32, #tpu.memory_space<vmem_shared>>
        tpu.wait_indirect_dma semaphore(%run_scoped3A_150 : memref<!tpu.dma_semaphore, #tpu.memory_space<semaphore_mem>>) src(%arg23 : memref<128x16xf32, #tpu.memory_space<vmem>>) dst(%dma_wait3A_162 : memref<10240x16xf32, #tpu.memory_space<vmem_shared>>)
        tpu.yield
      }) : () -> ()
      %run_scoped3A_148 = arith.constant 0 : i32
      "tpu.region"() ({
        %run_scoped3A_150 = tpu.sem_alloc : memref<!tpu.dma_semaphore, #tpu.memory_space<semaphore_mem>>
        %dma_start3A_151 = arith.constant 0 : i32
        %dma_start3A_152 = tpu.memref_slice %arg13[%run_scoped3A_148, %dma_start3A_151] : memref<1x128xi32, #tpu.memory_space<vmem>> -> memref<1x128xi32, #tpu.memory_space<vmem>>
        %dma_start3A_153 = tpu.memref_squeeze %dma_start3A_152 : memref<1x128xi32, #tpu.memory_space<vmem>> -> memref<128xi32, #tpu.memory_space<vmem>>
        %dma_start3A_154 = arith.constant 0 : i32
        %dma_start3A_155 = arith.constant 0 : i32
        %dma_start3A_156 = tpu.memref_slice %arg28[%dma_start3A_154, %dma_start3A_155] : memref<10240x16xf32, #tpu.memory_space<vmem_shared>> -> memref<10240x16xf32, #tpu.memory_space<vmem_shared>>
        tpu.enqueue_indirect_dma source(%arg23 : memref<128x16xf32, #tpu.memory_space<vmem>>) target(%dma_start3A_156 : memref<10240x16xf32, #tpu.memory_space<vmem_shared>>) offsets(%dma_start3A_153 : memref<128xi32, #tpu.memory_space<vmem>>) semaphore(%run_scoped3A_150 : memref<!tpu.dma_semaphore, #tpu.memory_space<semaphore_mem>>) {add = true}
        %dma_wait3A_157 = arith.constant 0 : i32
        %dma_wait3A_158 = tpu.memref_slice %arg13[%run_scoped3A_148, %dma_wait3A_157] : memref<1x128xi32, #tpu.memory_space<vmem>> -> memref<1x128xi32, #tpu.memory_space<vmem>>
        %dma_wait3A_159 = tpu.memref_squeeze %dma_wait3A_158 : memref<1x128xi32, #tpu.memory_space<vmem>> -> memref<128xi32, #tpu.memory_space<vmem>>
        %dma_wait3A_160 = arith.constant 0 : i32
        %dma_wait3A_161 = arith.constant 0 : i32
        %dma_wait3A_162 = tpu.memref_slice %arg28[%dma_wait3A_160, %dma_wait3A_161] : memref<10240x16xf32, #tpu.memory_space<vmem_shared>> -> memref<10240x16xf32, #tpu.memory_space<vmem_shared>>
        tpu.wait_indirect_dma semaphore(%run_scoped3A_150 : memref<!tpu.dma_semaphore, #tpu.memory_space<semaphore_mem>>) src(%arg23 : memref<128x16xf32, #tpu.memory_space<vmem>>) dst(%dma_wait3A_162 : memref<10240x16xf32, #tpu.memory_space<vmem_shared>>)
        tpu.yield
      }) : () -> ()
      %scan3A_149 = arith.constant 0 : i32
      scf.yield %scan3A_149 : i32
    }
    %scan3A_45 = arith.constant 39 : i32
    %add3A_46 = arith.constant 9984 : i32
    %add3A_47 = arith.addi %mul3A_2, %add3A_46 : i32
    %run_scoped3A_48 = arith.constant 0 : i32
    "tpu.region"() ({
      %run_scoped3A_70 = tpu.sem_alloc : memref<!tpu.dma_semaphore, #tpu.memory_space<semaphore_mem>>
      %dma_start3A_71 = arith.constant 0 : i32
      %dma_start3A_72 = tpu.memref_slice %arg14[%run_scoped3A_48, %dma_start3A_71] : memref<1x16xi32, #tpu.memory_space<vmem>> -> memref<1x16xi32, #tpu.memory_space<vmem>>
      %dma_start3A_73 = tpu.memref_squeeze %dma_start3A_72 : memref<1x16xi32, #tpu.memory_space<vmem>> -> memref<16xi32, #tpu.memory_space<vmem>>
      %dma_start3A_74 = tpu.memref_slice %arg2[%add3A_47] : memref<320000xi32, #tpu.memory_space<hbm>> -> memref<16xi32, #tpu.memory_space<hbm>>
      %dma_start3A_75 = arith.constant 0 : i32
      %dma_start3A_76 = tpu.memref_slice %arg14[%run_scoped3A_48, %dma_start3A_75] : memref<1x16xi32, #tpu.memory_space<vmem>> -> memref<1x16xi32, #tpu.memory_space<vmem>>
      %dma_start3A_77 = tpu.memref_squeeze %dma_start3A_76 : memref<1x16xi32, #tpu.memory_space<vmem>> -> memref<16xi32, #tpu.memory_space<vmem>>
      %dma_start3A_78 = tpu.memref_slice %arg2[%add3A_47] : memref<320000xi32, #tpu.memory_space<hbm>> -> memref<16xi32, #tpu.memory_space<hbm>>
      tpu.enqueue_dma source(%dma_start3A_78 : memref<16xi32, #tpu.memory_space<hbm>>) target(%dma_start3A_77 : memref<16xi32, #tpu.memory_space<vmem>>) target_semaphore(%run_scoped3A_70 : memref<!tpu.dma_semaphore, #tpu.memory_space<semaphore_mem>>)
      %dma_wait3A = arith.constant 0 : i32
      %dma_wait3A_79 = tpu.memref_slice %arg14[%run_scoped3A_48, %dma_wait3A] : memref<1x16xi32, #tpu.memory_space<vmem>> -> memref<1x16xi32, #tpu.memory_space<vmem>>
      %dma_wait3A_80 = tpu.memref_squeeze %dma_wait3A_79 : memref<1x16xi32, #tpu.memory_space<vmem>> -> memref<16xi32, #tpu.memory_space<vmem>>
      %dma_wait3A_81 = tpu.memref_slice %arg2[%add3A_47] : memref<320000xi32, #tpu.memory_space<hbm>> -> memref<16xi32, #tpu.memory_space<hbm>>
      %dma_wait3A_82 = arith.constant 0 : i32
      %dma_wait3A_83 = tpu.memref_slice %arg14[%run_scoped3A_48, %dma_wait3A_82] : memref<1x16xi32, #tpu.memory_space<vmem>> -> memref<1x16xi32, #tpu.memory_space<vmem>>
      %dma_wait3A_84 = tpu.memref_squeeze %dma_wait3A_83 : memref<1x16xi32, #tpu.memory_space<vmem>> -> memref<16xi32, #tpu.memory_space<vmem>>
      %dma_wait3A_85 = tpu.memref_slice %arg2[%add3A_47] : memref<320000xi32, #tpu.memory_space<hbm>> -> memref<16xi32, #tpu.memory_space<hbm>>
      tpu.wait_dma2 semaphore(%run_scoped3A_70 : memref<!tpu.dma_semaphore, #tpu.memory_space<semaphore_mem>>) src(%dma_wait3A_85 : memref<16xi32, #tpu.memory_space<hbm>>) dst(%dma_wait3A_84 : memref<16xi32, #tpu.memory_space<vmem>>)
      tpu.yield
    }) : () -> ()
    %run_scoped3A_49 = arith.constant 0 : i32
    "tpu.region"() ({
      %run_scoped3A_70 = tpu.sem_alloc : memref<!tpu.dma_semaphore, #tpu.memory_space<semaphore_mem>>
      %dma_start3A_71 = arith.constant 0 : i32
      %dma_start3A_72 = tpu.memref_slice %arg15[%run_scoped3A_49, %dma_start3A_71] : memref<1x16xi32, #tpu.memory_space<vmem>> -> memref<1x16xi32, #tpu.memory_space<vmem>>
      %dma_start3A_73 = tpu.memref_squeeze %dma_start3A_72 : memref<1x16xi32, #tpu.memory_space<vmem>> -> memref<16xi32, #tpu.memory_space<vmem>>
      %dma_start3A_74 = tpu.memref_slice %arg3[%add3A_47] : memref<320000xi32, #tpu.memory_space<hbm>> -> memref<16xi32, #tpu.memory_space<hbm>>
      %dma_start3A_75 = arith.constant 0 : i32
      %dma_start3A_76 = tpu.memref_slice %arg15[%run_scoped3A_49, %dma_start3A_75] : memref<1x16xi32, #tpu.memory_space<vmem>> -> memref<1x16xi32, #tpu.memory_space<vmem>>
      %dma_start3A_77 = tpu.memref_squeeze %dma_start3A_76 : memref<1x16xi32, #tpu.memory_space<vmem>> -> memref<16xi32, #tpu.memory_space<vmem>>
      %dma_start3A_78 = tpu.memref_slice %arg3[%add3A_47] : memref<320000xi32, #tpu.memory_space<hbm>> -> memref<16xi32, #tpu.memory_space<hbm>>
      tpu.enqueue_dma source(%dma_start3A_78 : memref<16xi32, #tpu.memory_space<hbm>>) target(%dma_start3A_77 : memref<16xi32, #tpu.memory_space<vmem>>) target_semaphore(%run_scoped3A_70 : memref<!tpu.dma_semaphore, #tpu.memory_space<semaphore_mem>>)
      %dma_wait3A = arith.constant 0 : i32
      %dma_wait3A_79 = tpu.memref_slice %arg15[%run_scoped3A_49, %dma_wait3A] : memref<1x16xi32, #tpu.memory_space<vmem>> -> memref<1x16xi32, #tpu.memory_space<vmem>>
      %dma_wait3A_80 = tpu.memref_squeeze %dma_wait3A_79 : memref<1x16xi32, #tpu.memory_space<vmem>> -> memref<16xi32, #tpu.memory_space<vmem>>
      %dma_wait3A_81 = tpu.memref_slice %arg3[%add3A_47] : memref<320000xi32, #tpu.memory_space<hbm>> -> memref<16xi32, #tpu.memory_space<hbm>>
      %dma_wait3A_82 = arith.constant 0 : i32
      %dma_wait3A_83 = tpu.memref_slice %arg15[%run_scoped3A_49, %dma_wait3A_82] : memref<1x16xi32, #tpu.memory_space<vmem>> -> memref<1x16xi32, #tpu.memory_space<vmem>>
      %dma_wait3A_84 = tpu.memref_squeeze %dma_wait3A_83 : memref<1x16xi32, #tpu.memory_space<vmem>> -> memref<16xi32, #tpu.memory_space<vmem>>
      %dma_wait3A_85 = tpu.memref_slice %arg3[%add3A_47] : memref<320000xi32, #tpu.memory_space<hbm>> -> memref<16xi32, #tpu.memory_space<hbm>>
      tpu.wait_dma2 semaphore(%run_scoped3A_70 : memref<!tpu.dma_semaphore, #tpu.memory_space<semaphore_mem>>) src(%dma_wait3A_85 : memref<16xi32, #tpu.memory_space<hbm>>) dst(%dma_wait3A_84 : memref<16xi32, #tpu.memory_space<vmem>>)
      tpu.yield
    }) : () -> ()
    %run_scoped3A_50 = arith.constant 0 : i32
    "tpu.region"() ({
      %run_scoped3A_70 = tpu.sem_alloc : memref<!tpu.dma_semaphore, #tpu.memory_space<semaphore_mem>>
      %dma_start3A_71 = arith.constant 0 : i32
      %dma_start3A_72 = tpu.memref_slice %arg14[%run_scoped3A_50, %dma_start3A_71] : memref<1x16xi32, #tpu.memory_space<vmem>> -> memref<1x16xi32, #tpu.memory_space<vmem>>
      %dma_start3A_73 = tpu.memref_squeeze %dma_start3A_72 : memref<1x16xi32, #tpu.memory_space<vmem>> -> memref<16xi32, #tpu.memory_space<vmem>>
      %dma_start3A_74 = arith.constant 0 : i32
      %dma_start3A_75 = arith.constant 0 : i32
      %dma_start3A_76 = tpu.memref_slice %arg4[%dma_start3A_74, %dma_start3A_75] : memref<10000x16xf32, #tpu.memory_space<hbm>> -> memref<10000x16xf32, #tpu.memory_space<hbm>>
      tpu.enqueue_indirect_dma source(%dma_start3A_76 : memref<10000x16xf32, #tpu.memory_space<hbm>>) target(%arg18 : memref<16x16xf32, #tpu.memory_space<vmem>>) offsets(%dma_start3A_73 : memref<16xi32, #tpu.memory_space<vmem>>) semaphore(%run_scoped3A_70 : memref<!tpu.dma_semaphore, #tpu.memory_space<semaphore_mem>>)
      %dma_wait3A = arith.constant 0 : i32
      %dma_wait3A_77 = tpu.memref_slice %arg14[%run_scoped3A_50, %dma_wait3A] : memref<1x16xi32, #tpu.memory_space<vmem>> -> memref<1x16xi32, #tpu.memory_space<vmem>>
      %dma_wait3A_78 = tpu.memref_squeeze %dma_wait3A_77 : memref<1x16xi32, #tpu.memory_space<vmem>> -> memref<16xi32, #tpu.memory_space<vmem>>
      %dma_wait3A_79 = arith.constant 0 : i32
      %dma_wait3A_80 = arith.constant 0 : i32
      %dma_wait3A_81 = tpu.memref_slice %arg4[%dma_wait3A_79, %dma_wait3A_80] : memref<10000x16xf32, #tpu.memory_space<hbm>> -> memref<10000x16xf32, #tpu.memory_space<hbm>>
      tpu.wait_indirect_dma semaphore(%run_scoped3A_70 : memref<!tpu.dma_semaphore, #tpu.memory_space<semaphore_mem>>) src(%dma_wait3A_81 : memref<10000x16xf32, #tpu.memory_space<hbm>>) dst(%arg18 : memref<16x16xf32, #tpu.memory_space<vmem>>)
      tpu.yield
    }) : () -> ()
    %run_scoped3A_51 = arith.constant 0 : i32
    "tpu.region"() ({
      %run_scoped3A_70 = tpu.sem_alloc : memref<!tpu.dma_semaphore, #tpu.memory_space<semaphore_mem>>
      %dma_start3A_71 = arith.constant 0 : i32
      %dma_start3A_72 = tpu.memref_slice %arg15[%run_scoped3A_51, %dma_start3A_71] : memref<1x16xi32, #tpu.memory_space<vmem>> -> memref<1x16xi32, #tpu.memory_space<vmem>>
      %dma_start3A_73 = tpu.memref_squeeze %dma_start3A_72 : memref<1x16xi32, #tpu.memory_space<vmem>> -> memref<16xi32, #tpu.memory_space<vmem>>
      %dma_start3A_74 = arith.constant 0 : i32
      %dma_start3A_75 = arith.constant 0 : i32
      %dma_start3A_76 = tpu.memref_slice %arg5[%dma_start3A_74, %dma_start3A_75] : memref<10000x16xf32, #tpu.memory_space<hbm>> -> memref<10000x16xf32, #tpu.memory_space<hbm>>
      tpu.enqueue_indirect_dma source(%dma_start3A_76 : memref<10000x16xf32, #tpu.memory_space<hbm>>) target(%arg21 : memref<16x16xf32, #tpu.memory_space<vmem>>) offsets(%dma_start3A_73 : memref<16xi32, #tpu.memory_space<vmem>>) semaphore(%run_scoped3A_70 : memref<!tpu.dma_semaphore, #tpu.memory_space<semaphore_mem>>)
      %dma_wait3A = arith.constant 0 : i32
      %dma_wait3A_77 = tpu.memref_slice %arg15[%run_scoped3A_51, %dma_wait3A] : memref<1x16xi32, #tpu.memory_space<vmem>> -> memref<1x16xi32, #tpu.memory_space<vmem>>
      %dma_wait3A_78 = tpu.memref_squeeze %dma_wait3A_77 : memref<1x16xi32, #tpu.memory_space<vmem>> -> memref<16xi32, #tpu.memory_space<vmem>>
      %dma_wait3A_79 = arith.constant 0 : i32
      %dma_wait3A_80 = arith.constant 0 : i32
      %dma_wait3A_81 = tpu.memref_slice %arg5[%dma_wait3A_79, %dma_wait3A_80] : memref<10000x16xf32, #tpu.memory_space<hbm>> -> memref<10000x16xf32, #tpu.memory_space<hbm>>
      tpu.wait_indirect_dma semaphore(%run_scoped3A_70 : memref<!tpu.dma_semaphore, #tpu.memory_space<semaphore_mem>>) src(%dma_wait3A_81 : memref<10000x16xf32, #tpu.memory_space<hbm>>) dst(%arg21 : memref<16x16xf32, #tpu.memory_space<vmem>>)
      tpu.yield
    }) : () -> ()
    %scan3A_52 = arith.constant 0 : i32
    %scan3A_53 = arith.constant 0 : i32
    %scan3A_54 = arith.constant 16 : i32
    %scan3A_55 = arith.addi %scan3A_53, %scan3A_54 : i32
    %scan3A_56 = arith.constant 1 : i32
    %scan3A_57 = scf.for %scan3A_70 = %scan3A_53 to %scan3A_55 step %scan3A_56 iter_args(%scan3A_71 = %scan3A_52) -> (i32)  : i32 {
      %get3A_72 = arith.index_cast %scan3A_70 : i32 to index
      %get3A_73 = arith.constant 0 : index
      %get3A_74 = tpu.vector_load %arg18[%get3A_72, %get3A_73] {strides = array<i32>} : memref<16x16xf32, #tpu.memory_space<vmem>>, vector<1x16xf32>,
      %get3A_75 = vector.shape_cast %get3A_74 : vector<1x16xf32> to vector<16xf32>
      %get3A_76 = arith.index_cast %scan3A_70 : i32 to index
      %get3A_77 = arith.constant 0 : index
      %get3A_78 = tpu.vector_load %arg21[%get3A_76, %get3A_77] {strides = array<i32>} : memref<16x16xf32, #tpu.memory_space<vmem>>, vector<1x16xf32>,
      %get3A_79 = vector.shape_cast %get3A_78 : vector<1x16xf32> to vector<16xf32>
      %add3A_80 = arith.addf %get3A_75, %get3A_79 : vector<16xf32>
      %ge3A = arith.constant 0.000000e+00 : f32
      %ge3A_81 = vector.broadcast %ge3A : f32 to vector<16xf32>
      %ge3A_82 = arith.cmpf oge, %add3A_80, %ge3A_81 : vector<16xf32>
      %mul3A_83 = arith.constant 2.000000e-01 : f32
      %mul3A_84 = vector.broadcast %mul3A_83 : f32 to vector<16xf32>
      %mul3A_85 = arith.mulf %mul3A_84, %add3A_80 : vector<16xf32>
      %select_n3A_86 = arith.select %ge3A_82, %add3A_80, %mul3A_85 : vector<16xi1>, vector<16xf32>
      %sub3A = arith.subf %select_n3A_86, %get3A_15 : vector<16xf32>
      %exp3A = math.exp %sub3A : vector<16xf32>
      %select_n3A_87 = arith.select %lt3A_17, %exp3A, %select_n3A : vector<16xi1>, vector<16xf32>
      %swap3A = arith.index_cast %scan3A_70 : i32 to index
      %swap3A_88 = arith.constant 0 : index
      %swap3A_89 = tpu.vector_load %arg24[%swap3A, %swap3A_88] {strides = array<i32>} : memref<16x16xf32, #tpu.memory_space<vmem>>, vector<1x16xf32>,
      %swap3A_90 = vector.shape_cast %swap3A_89 : vector<1x16xf32> to vector<16xf32>
      %swap3A_91 = vector.shape_cast %select_n3A_87 : vector<16xf32> to vector<1x16xf32>
      tpu.vector_store %arg24[%swap3A, %swap3A_88], %swap3A_91 {strides = array<i32>} : memref<16x16xf32, #tpu.memory_space<vmem>>, vector<1x16xf32>,
      %scan3A_92 = arith.constant 0 : i32
      scf.yield %scan3A_92 : i32
    }
    %scan3A_58 = arith.constant 16 : i32
    "tpu.region"() ({
      %run_scoped3A_70 = tpu.sem_alloc : memref<!tpu.dma_semaphore, #tpu.memory_space<semaphore_mem>>
      %dma_start3A_71 = arith.constant 0 : i32
      %dma_start3A_72 = tpu.memref_slice %arg7[%add3A_47, %dma_start3A_71] : memref<320000x16xf32, #tpu.memory_space<hbm>> -> memref<16x16xf32, #tpu.memory_space<hbm>>
      %dma_start3A_73 = arith.constant 0 : i32
      %dma_start3A_74 = tpu.memref_slice %arg7[%add3A_47, %dma_start3A_73] : memref<320000x16xf32, #tpu.memory_space<hbm>> -> memref<16x16xf32, #tpu.memory_space<hbm>>
      tpu.enqueue_dma source(%arg24 : memref<16x16xf32, #tpu.memory_space<vmem>>) target(%dma_start3A_74 : memref<16x16xf32, #tpu.memory_space<hbm>>) target_semaphore(%run_scoped3A_70 : memref<!tpu.dma_semaphore, #tpu.memory_space<semaphore_mem>>)
      %dma_wait3A = arith.constant 0 : i32
      %dma_wait3A_75 = tpu.memref_slice %arg7[%add3A_47, %dma_wait3A] : memref<320000x16xf32, #tpu.memory_space<hbm>> -> memref<16x16xf32, #tpu.memory_space<hbm>>
      %dma_wait3A_76 = arith.constant 0 : i32
      %dma_wait3A_77 = tpu.memref_slice %arg7[%add3A_47, %dma_wait3A_76] : memref<320000x16xf32, #tpu.memory_space<hbm>> -> memref<16x16xf32, #tpu.memory_space<hbm>>
      tpu.wait_dma2 semaphore(%run_scoped3A_70 : memref<!tpu.dma_semaphore, #tpu.memory_space<semaphore_mem>>) src(%arg24 : memref<16x16xf32, #tpu.memory_space<vmem>>) dst(%dma_wait3A_77 : memref<16x16xf32, #tpu.memory_space<hbm>>)
      tpu.yield
    }) : () -> ()
    %run_scoped3A_59 = arith.constant 0 : i32
    "tpu.region"() ({
      %run_scoped3A_70 = tpu.sem_alloc : memref<!tpu.dma_semaphore, #tpu.memory_space<semaphore_mem>>
      %dma_start3A_71 = arith.constant 0 : i32
      %dma_start3A_72 = tpu.memref_slice %arg14[%run_scoped3A_59, %dma_start3A_71] : memref<1x16xi32, #tpu.memory_space<vmem>> -> memref<1x16xi32, #tpu.memory_space<vmem>>
      %dma_start3A_73 = tpu.memref_squeeze %dma_start3A_72 : memref<1x16xi32, #tpu.memory_space<vmem>> -> memref<16xi32, #tpu.memory_space<vmem>>
      %dma_start3A_74 = arith.constant 0 : i32
      %dma_start3A_75 = arith.constant 0 : i32
      %dma_start3A_76 = tpu.memref_slice %arg27[%dma_start3A_74, %dma_start3A_75] : memref<10240x16xf32, #tpu.memory_space<vmem_shared>> -> memref<10240x16xf32, #tpu.memory_space<vmem_shared>>
      tpu.enqueue_indirect_dma source(%arg24 : memref<16x16xf32, #tpu.memory_space<vmem>>) target(%dma_start3A_76 : memref<10240x16xf32, #tpu.memory_space<vmem_shared>>) offsets(%dma_start3A_73 : memref<16xi32, #tpu.memory_space<vmem>>) semaphore(%run_scoped3A_70 : memref<!tpu.dma_semaphore, #tpu.memory_space<semaphore_mem>>) {add = true}
      %dma_wait3A = arith.constant 0 : i32
      %dma_wait3A_77 = tpu.memref_slice %arg14[%run_scoped3A_59, %dma_wait3A] : memref<1x16xi32, #tpu.memory_space<vmem>> -> memref<1x16xi32, #tpu.memory_space<vmem>>
      %dma_wait3A_78 = tpu.memref_squeeze %dma_wait3A_77 : memref<1x16xi32, #tpu.memory_space<vmem>> -> memref<16xi32, #tpu.memory_space<vmem>>
      %dma_wait3A_79 = arith.constant 0 : i32
      %dma_wait3A_80 = arith.constant 0 : i32
      %dma_wait3A_81 = tpu.memref_slice %arg27[%dma_wait3A_79, %dma_wait3A_80] : memref<10240x16xf32, #tpu.memory_space<vmem_shared>> -> memref<10240x16xf32, #tpu.memory_space<vmem_shared>>
      tpu.wait_indirect_dma semaphore(%run_scoped3A_70 : memref<!tpu.dma_semaphore, #tpu.memory_space<semaphore_mem>>) src(%arg24 : memref<16x16xf32, #tpu.memory_space<vmem>>) dst(%dma_wait3A_81 : memref<10240x16xf32, #tpu.memory_space<vmem_shared>>)
      tpu.yield
    }) : () -> ()
    %run_scoped3A_60 = arith.constant 0 : i32
    "tpu.region"() ({
      %run_scoped3A_70 = tpu.sem_alloc : memref<!tpu.dma_semaphore, #tpu.memory_space<semaphore_mem>>
      %dma_start3A_71 = arith.constant 0 : i32
      %dma_start3A_72 = tpu.memref_slice %arg15[%run_scoped3A_60, %dma_start3A_71] : memref<1x16xi32, #tpu.memory_space<vmem>> -> memref<1x16xi32, #tpu.memory_space<vmem>>
      %dma_start3A_73 = tpu.memref_squeeze %dma_start3A_72 : memref<1x16xi32, #tpu.memory_space<vmem>> -> memref<16xi32, #tpu.memory_space<vmem>>
      %dma_start3A_74 = arith.constant 0 : i32
      %dma_start3A_75 = arith.constant 0 : i32
      %dma_start3A_76 = tpu.memref_slice %arg28[%dma_start3A_74, %dma_start3A_75] : memref<10240x16xf32, #tpu.memory_space<vmem_shared>> -> memref<10240x16xf32, #tpu.memory_space<vmem_shared>>
      tpu.enqueue_indirect_dma source(%arg24 : memref<16x16xf32, #tpu.memory_space<vmem>>) target(%dma_start3A_76 : memref<10240x16xf32, #tpu.memory_space<vmem_shared>>) offsets(%dma_start3A_73 : memref<16xi32, #tpu.memory_space<vmem>>) semaphore(%run_scoped3A_70 : memref<!tpu.dma_semaphore, #tpu.memory_space<semaphore_mem>>) {add = true}
      %dma_wait3A = arith.constant 0 : i32
      %dma_wait3A_77 = tpu.memref_slice %arg15[%run_scoped3A_60, %dma_wait3A] : memref<1x16xi32, #tpu.memory_space<vmem>> -> memref<1x16xi32, #tpu.memory_space<vmem>>
      %dma_wait3A_78 = tpu.memref_squeeze %dma_wait3A_77 : memref<1x16xi32, #tpu.memory_space<vmem>> -> memref<16xi32, #tpu.memory_space<vmem>>
      %dma_wait3A_79 = arith.constant 0 : i32
      %dma_wait3A_80 = arith.constant 0 : i32
      %dma_wait3A_81 = tpu.memref_slice %arg28[%dma_wait3A_79, %dma_wait3A_80] : memref<10240x16xf32, #tpu.memory_space<vmem_shared>> -> memref<10240x16xf32, #tpu.memory_space<vmem_shared>>
      tpu.wait_indirect_dma semaphore(%run_scoped3A_70 : memref<!tpu.dma_semaphore, #tpu.memory_space<semaphore_mem>>) src(%arg24 : memref<16x16xf32, #tpu.memory_space<vmem>>) dst(%dma_wait3A_81 : memref<10240x16xf32, #tpu.memory_space<vmem_shared>>)
      tpu.yield
    }) : () -> ()
    %barrier3A_61 = arith.constant 0 : index
    tpu.barrier barrier_id(%barrier3A_61)
    %mul3A_62 = arith.constant 640 : i32
    %mul3A_63 = arith.muli %arg1, %mul3A_62 : i32
    %mul3A_64 = arith.constant 640 : i32
    %mul3A_65 = arith.muli %arg1, %mul3A_64 : i32
    "tpu.region"() ({
      %run_scoped3A_70 = tpu.sem_alloc : memref<!tpu.dma_semaphore, #tpu.memory_space<semaphore_mem>>
      %dma_start3A_71 = arith.constant 0 : i32
      %dma_start3A_72 = tpu.memref_slice %arg8[%arg0, %mul3A_65, %dma_start3A_71] : memref<2x10240x16xf32, #tpu.memory_space<hbm>> -> memref<1x640x16xf32, #tpu.memory_space<hbm>>
      %dma_start3A_73 = tpu.memref_squeeze %dma_start3A_72 : memref<1x640x16xf32, #tpu.memory_space<hbm>> -> memref<640x16xf32, #tpu.memory_space<hbm>>
      %dma_start3A_74 = arith.constant 0 : i32
      %dma_start3A_75 = tpu.memref_slice %arg27[%mul3A_63, %dma_start3A_74] : memref<10240x16xf32, #tpu.memory_space<vmem_shared>> -> memref<640x16xf32, #tpu.memory_space<vmem_shared>>
      tpu.enqueue_dma source(%dma_start3A_75 : memref<640x16xf32, #tpu.memory_space<vmem_shared>>) target(%dma_start3A_73 : memref<640x16xf32, #tpu.memory_space<hbm>>) target_semaphore(%run_scoped3A_70 : memref<!tpu.dma_semaphore, #tpu.memory_space<semaphore_mem>>)
      %dma_wait3A = arith.constant 0 : i32
      %dma_wait3A_76 = tpu.memref_slice %arg8[%arg0, %mul3A_65, %dma_wait3A] : memref<2x10240x16xf32, #tpu.memory_space<hbm>> -> memref<1x640x16xf32, #tpu.memory_space<hbm>>
      %dma_wait3A_77 = tpu.memref_squeeze %dma_wait3A_76 : memref<1x640x16xf32, #tpu.memory_space<hbm>> -> memref<640x16xf32, #tpu.memory_space<hbm>>
      %dma_wait3A_78 = arith.constant 0 : i32
      %dma_wait3A_79 = tpu.memref_slice %arg27[%mul3A_63, %dma_wait3A_78] : memref<10240x16xf32, #tpu.memory_space<vmem_shared>> -> memref<640x16xf32, #tpu.memory_space<vmem_shared>>
      tpu.wait_dma2 semaphore(%run_scoped3A_70 : memref<!tpu.dma_semaphore, #tpu.memory_space<semaphore_mem>>) src(%dma_wait3A_79 : memref<640x16xf32, #tpu.memory_space<vmem_shared>>) dst(%dma_wait3A_77 : memref<640x16xf32, #tpu.memory_space<hbm>>)
      tpu.yield
    }) : () -> ()
    %mul3A_66 = arith.constant 640 : i32
    %mul3A_67 = arith.muli %arg1, %mul3A_66 : i32
    %mul3A_68 = arith.constant 640 : i32
    %mul3A_69 = arith.muli %arg1, %mul3A_68 : i32
    "tpu.region"() ({
      %run_scoped3A_70 = tpu.sem_alloc : memref<!tpu.dma_semaphore, #tpu.memory_space<semaphore_mem>>
      %dma_start3A_71 = arith.constant 0 : i32
      %dma_start3A_72 = tpu.memref_slice %arg9[%arg0, %mul3A_69, %dma_start3A_71] : memref<2x10240x16xf32, #tpu.memory_space<hbm>> -> memref<1x640x16xf32, #tpu.memory_space<hbm>>
      %dma_start3A_73 = tpu.memref_squeeze %dma_start3A_72 : memref<1x640x16xf32, #tpu.memory_space<hbm>> -> memref<640x16xf32, #tpu.memory_space<hbm>>
      %dma_start3A_74 = arith.constant 0 : i32
      %dma_start3A_75 = tpu.memref_slice %arg28[%mul3A_67, %dma_start3A_74] : memref<10240x16xf32, #tpu.memory_space<vmem_shared>> -> memref<640x16xf32, #tpu.memory_space<vmem_shared>>
      tpu.enqueue_dma source(%dma_start3A_75 : memref<640x16xf32, #tpu.memory_space<vmem_shared>>) target(%dma_start3A_73 : memref<640x16xf32, #tpu.memory_space<hbm>>) target_semaphore(%run_scoped3A_70 : memref<!tpu.dma_semaphore, #tpu.memory_space<semaphore_mem>>)
      %dma_wait3A = arith.constant 0 : i32
      %dma_wait3A_76 = tpu.memref_slice %arg9[%arg0, %mul3A_69, %dma_wait3A] : memref<2x10240x16xf32, #tpu.memory_space<hbm>> -> memref<1x640x16xf32, #tpu.memory_space<hbm>>
      %dma_wait3A_77 = tpu.memref_squeeze %dma_wait3A_76 : memref<1x640x16xf32, #tpu.memory_space<hbm>> -> memref<640x16xf32, #tpu.memory_space<hbm>>
      %dma_wait3A_78 = arith.constant 0 : i32
      %dma_wait3A_79 = tpu.memref_slice %arg28[%mul3A_67, %dma_wait3A_78] : memref<10240x16xf32, #tpu.memory_space<vmem_shared>> -> memref<640x16xf32, #tpu.memory_space<vmem_shared>>
      tpu.wait_dma2 semaphore(%run_scoped3A_70 : memref<!tpu.dma_semaphore, #tpu.memory_space<semaphore_mem>>) src(%dma_wait3A_79 : memref<640x16xf32, #tpu.memory_space<vmem_shared>>) dst(%dma_wait3A_77 : memref<640x16xf32, #tpu.memory_space<hbm>>)
      tpu.yield
    }) : () -> ()
    return
  }
}

#map = affine_map<(d0, d1) -> (0)>
#map1 = affine_map<(d0, d1) -> (0, 0)>
#map2 = affine_map<(d0, d1) -> (0, 0, 0)>
module attributes {stable_mosaic.version = 14 : i64} {
  func.func @body(%arg0: i32, %arg1: i32, %arg2: memref<320000xi32, #tpu.memory_space<hbm>>, %arg3: memref<320000xi32, #tpu.memory_space<hbm>>, %arg4: memref<10000x64xf32, #tpu.memory_space<hbm>>, %arg5: memref<320000x16xf32, #tpu.memory_space<hbm>>, %arg6: memref<2x10240x64xf32, #tpu.memory_space<hbm>>, %arg7: memref<1x128xi32, #tpu.memory_space<vmem>>, %arg8: memref<1x128xi32, #tpu.memory_space<vmem>>, %arg9: memref<1x128xi32, #tpu.memory_space<vmem>>, %arg10: memref<1x128xi32, #tpu.memory_space<vmem>>, %arg11: memref<1x16xi32, #tpu.memory_space<vmem>>, %arg12: memref<1x16xi32, #tpu.memory_space<vmem>>, %arg13: memref<128x64xf32, #tpu.memory_space<vmem>>, %arg14: memref<128x64xf32, #tpu.memory_space<vmem>>, %arg15: memref<16x64xf32, #tpu.memory_space<vmem>>, %arg16: memref<128x16xf32, #tpu.memory_space<vmem>>, %arg17: memref<128x16xf32, #tpu.memory_space<vmem>>, %arg18: memref<16x16xf32, #tpu.memory_space<vmem>>, %arg19: memref<128x64xf32, #tpu.memory_space<vmem>>, %arg20: memref<128x64xf32, #tpu.memory_space<vmem>>, %arg21: memref<16x64xf32, #tpu.memory_space<vmem>>, %arg22: memref<640x64xf32, #tpu.memory_space<vmem>>, %arg23: memref<10240x64xf32, #tpu.memory_space<vmem_shared>>, %arg24: memref<!tpu.dma_semaphore, #tpu.memory_space<semaphore_mem>>, %arg25: memref<!tpu.dma_semaphore, #tpu.memory_space<semaphore_mem>>) attributes {dimension_semantics = [#tpu.dimension_semantics<core_parallel>, #tpu.dimension_semantics<subcore_parallel>], iteration_bounds = array<i64: 2, 16>, scalar_prefetch = 0 : i64, scratch_operands = 19 : i64, tpu.core_type = #tpu.core_type<sc_vector_subcore>, window_params = [{transform_indices = #map}, {transform_indices = #map}, {transform_indices = #map1}, {transform_indices = #map1}, {transform_indices = #map2}]} {
    %mul3A = arith.constant 2 : i32
    %mul3A_0 = arith.muli %arg1, %mul3A : i32
    %add3A = arith.addi %mul3A_0, %arg0 : i32
    %mul3A_1 = arith.constant 10000 : i32
    %mul3A_2 = arith.muli %add3A, %mul3A_1 : i32
    %broadcast_in_dim3A = arith.constant 0.000000e+00 : f32
    %broadcast_in_dim3A_3 = vector.broadcast %broadcast_in_dim3A : f32 to vector<16xf32>
    %scan3A = arith.constant 0 : i32
    %scan3A_4 = arith.constant 0 : i32
    %scan3A_5 = arith.constant 640 : i32
    %scan3A_6 = arith.addi %scan3A_4, %scan3A_5 : i32
    %scan3A_7 = arith.constant 1 : i32
    %scan3A_8 = scf.for %scan3A_54 = %scan3A_4 to %scan3A_6 step %scan3A_7 iter_args(%scan3A_55 = %scan3A) -> (i32)  : i32 {
      %swap3A = arith.index_cast %scan3A_54 : i32 to index
      %swap3A_56 = arith.constant 0 : index
      %swap3A_57 = tpu.vector_load %arg22[%swap3A, %swap3A_56] {strides = array<i32>} : memref<640x64xf32, #tpu.memory_space<vmem>>, vector<1x16xf32>,
      %swap3A_58 = vector.shape_cast %swap3A_57 : vector<1x16xf32> to vector<16xf32>
      %swap3A_59 = vector.shape_cast %broadcast_in_dim3A_3 : vector<16xf32> to vector<1x16xf32>
      tpu.vector_store %arg22[%swap3A, %swap3A_56], %swap3A_59 {strides = array<i32>} : memref<640x64xf32, #tpu.memory_space<vmem>>, vector<1x16xf32>,
      %swap3A_60 = arith.index_cast %scan3A_54 : i32 to index
      %swap3A_61 = arith.constant 16 : index
      %swap3A_62 = tpu.vector_load %arg22[%swap3A_60, %swap3A_61] {strides = array<i32>} : memref<640x64xf32, #tpu.memory_space<vmem>>, vector<1x16xf32>,
      %swap3A_63 = vector.shape_cast %swap3A_62 : vector<1x16xf32> to vector<16xf32>
      %swap3A_64 = vector.shape_cast %broadcast_in_dim3A_3 : vector<16xf32> to vector<1x16xf32>
      tpu.vector_store %arg22[%swap3A_60, %swap3A_61], %swap3A_64 {strides = array<i32>} : memref<640x64xf32, #tpu.memory_space<vmem>>, vector<1x16xf32>,
      %swap3A_65 = arith.index_cast %scan3A_54 : i32 to index
      %swap3A_66 = arith.constant 32 : index
      %swap3A_67 = tpu.vector_load %arg22[%swap3A_65, %swap3A_66] {strides = array<i32>} : memref<640x64xf32, #tpu.memory_space<vmem>>, vector<1x16xf32>,
      %swap3A_68 = vector.shape_cast %swap3A_67 : vector<1x16xf32> to vector<16xf32>
      %swap3A_69 = vector.shape_cast %broadcast_in_dim3A_3 : vector<16xf32> to vector<1x16xf32>
      tpu.vector_store %arg22[%swap3A_65, %swap3A_66], %swap3A_69 {strides = array<i32>} : memref<640x64xf32, #tpu.memory_space<vmem>>, vector<1x16xf32>,
      %swap3A_70 = arith.index_cast %scan3A_54 : i32 to index
      %swap3A_71 = arith.constant 48 : index
      %swap3A_72 = tpu.vector_load %arg22[%swap3A_70, %swap3A_71] {strides = array<i32>} : memref<640x64xf32, #tpu.memory_space<vmem>>, vector<1x16xf32>,
      %swap3A_73 = vector.shape_cast %swap3A_72 : vector<1x16xf32> to vector<16xf32>
      %swap3A_74 = vector.shape_cast %broadcast_in_dim3A_3 : vector<16xf32> to vector<1x16xf32>
      tpu.vector_store %arg22[%swap3A_70, %swap3A_71], %swap3A_74 {strides = array<i32>} : memref<640x64xf32, #tpu.memory_space<vmem>>, vector<1x16xf32>,
      %scan3A_75 = arith.constant 0 : i32
      scf.yield %scan3A_75 : i32
    }
    %scan3A_9 = arith.constant 640 : i32
    %mul3A_10 = arith.constant 640 : i32
    %mul3A_11 = arith.muli %arg1, %mul3A_10 : i32
    "tpu.region"() ({
      %run_scoped3A_54 = tpu.sem_alloc : memref<!tpu.dma_semaphore, #tpu.memory_space<semaphore_mem>>
      %dma_start3A_55 = arith.constant 0 : i32
      %dma_start3A_56 = tpu.memref_slice %arg23[%mul3A_11, %dma_start3A_55] : memref<10240x64xf32, #tpu.memory_space<vmem_shared>> -> memref<640x64xf32, #tpu.memory_space<vmem_shared>>
      %dma_start3A_57 = arith.constant 0 : i32
      %dma_start3A_58 = tpu.memref_slice %arg23[%mul3A_11, %dma_start3A_57] : memref<10240x64xf32, #tpu.memory_space<vmem_shared>> -> memref<640x64xf32, #tpu.memory_space<vmem_shared>>
      tpu.enqueue_dma source(%arg22 : memref<640x64xf32, #tpu.memory_space<vmem>>) target(%dma_start3A_58 : memref<640x64xf32, #tpu.memory_space<vmem_shared>>) target_semaphore(%run_scoped3A_54 : memref<!tpu.dma_semaphore, #tpu.memory_space<semaphore_mem>>)
      %dma_wait3A = arith.constant 0 : i32
      %dma_wait3A_59 = tpu.memref_slice %arg23[%mul3A_11, %dma_wait3A] : memref<10240x64xf32, #tpu.memory_space<vmem_shared>> -> memref<640x64xf32, #tpu.memory_space<vmem_shared>>
      %dma_wait3A_60 = arith.constant 0 : i32
      %dma_wait3A_61 = tpu.memref_slice %arg23[%mul3A_11, %dma_wait3A_60] : memref<10240x64xf32, #tpu.memory_space<vmem_shared>> -> memref<640x64xf32, #tpu.memory_space<vmem_shared>>
      tpu.wait_dma2 semaphore(%run_scoped3A_54 : memref<!tpu.dma_semaphore, #tpu.memory_space<semaphore_mem>>) src(%arg22 : memref<640x64xf32, #tpu.memory_space<vmem>>) dst(%dma_wait3A_61 : memref<640x64xf32, #tpu.memory_space<vmem_shared>>)
      tpu.yield
    }) : () -> ()
    %barrier3A = arith.constant 0 : index
    tpu.barrier barrier_id(%barrier3A)
    %iota3A = tpu.iota {dimensions = array<i32: 0>} : vector<16xi32>
    %lt3A = arith.constant 8 : i32
    %lt3A_12 = vector.broadcast %lt3A : i32 to vector<16xi32>
    %lt3A_13 = arith.cmpi slt, %iota3A, %lt3A_12 : vector<16xi32>
    %add3A_14 = arith.constant 0 : i32
    %add3A_15 = arith.addi %mul3A_2, %add3A_14 : i32
    %run_scoped3A = arith.constant 0 : i32
    "tpu.region"() ({
      %run_scoped3A_54 = tpu.sem_alloc : memref<!tpu.dma_semaphore, #tpu.memory_space<semaphore_mem>>
      %dma_start3A_55 = arith.constant 0 : i32
      %dma_start3A_56 = tpu.memref_slice %arg7[%run_scoped3A, %dma_start3A_55] : memref<1x128xi32, #tpu.memory_space<vmem>> -> memref<1x128xi32, #tpu.memory_space<vmem>>
      %dma_start3A_57 = tpu.memref_squeeze %dma_start3A_56 : memref<1x128xi32, #tpu.memory_space<vmem>> -> memref<128xi32, #tpu.memory_space<vmem>>
      %dma_start3A_58 = tpu.memref_slice %arg2[%add3A_15] : memref<320000xi32, #tpu.memory_space<hbm>> -> memref<128xi32, #tpu.memory_space<hbm>>
      %dma_start3A_59 = arith.constant 0 : i32
      %dma_start3A_60 = tpu.memref_slice %arg7[%run_scoped3A, %dma_start3A_59] : memref<1x128xi32, #tpu.memory_space<vmem>> -> memref<1x128xi32, #tpu.memory_space<vmem>>
      %dma_start3A_61 = tpu.memref_squeeze %dma_start3A_60 : memref<1x128xi32, #tpu.memory_space<vmem>> -> memref<128xi32, #tpu.memory_space<vmem>>
      %dma_start3A_62 = tpu.memref_slice %arg2[%add3A_15] : memref<320000xi32, #tpu.memory_space<hbm>> -> memref<128xi32, #tpu.memory_space<hbm>>
      tpu.enqueue_dma source(%dma_start3A_62 : memref<128xi32, #tpu.memory_space<hbm>>) target(%dma_start3A_61 : memref<128xi32, #tpu.memory_space<vmem>>) target_semaphore(%run_scoped3A_54 : memref<!tpu.dma_semaphore, #tpu.memory_space<semaphore_mem>>)
      %dma_wait3A = arith.constant 0 : i32
      %dma_wait3A_63 = tpu.memref_slice %arg7[%run_scoped3A, %dma_wait3A] : memref<1x128xi32, #tpu.memory_space<vmem>> -> memref<1x128xi32, #tpu.memory_space<vmem>>
      %dma_wait3A_64 = tpu.memref_squeeze %dma_wait3A_63 : memref<1x128xi32, #tpu.memory_space<vmem>> -> memref<128xi32, #tpu.memory_space<vmem>>
      %dma_wait3A_65 = tpu.memref_slice %arg2[%add3A_15] : memref<320000xi32, #tpu.memory_space<hbm>> -> memref<128xi32, #tpu.memory_space<hbm>>
      %dma_wait3A_66 = arith.constant 0 : i32
      %dma_wait3A_67 = tpu.memref_slice %arg7[%run_scoped3A, %dma_wait3A_66] : memref<1x128xi32, #tpu.memory_space<vmem>> -> memref<1x128xi32, #tpu.memory_space<vmem>>
      %dma_wait3A_68 = tpu.memref_squeeze %dma_wait3A_67 : memref<1x128xi32, #tpu.memory_space<vmem>> -> memref<128xi32, #tpu.memory_space<vmem>>
      %dma_wait3A_69 = tpu.memref_slice %arg2[%add3A_15] : memref<320000xi32, #tpu.memory_space<hbm>> -> memref<128xi32, #tpu.memory_space<hbm>>
      tpu.wait_dma2 semaphore(%run_scoped3A_54 : memref<!tpu.dma_semaphore, #tpu.memory_space<semaphore_mem>>) src(%dma_wait3A_69 : memref<128xi32, #tpu.memory_space<hbm>>) dst(%dma_wait3A_68 : memref<128xi32, #tpu.memory_space<vmem>>)
      tpu.yield
    }) : () -> ()
    %run_scoped3A_16 = arith.constant 0 : i32
    "tpu.region"() ({
      %run_scoped3A_54 = tpu.sem_alloc : memref<!tpu.dma_semaphore, #tpu.memory_space<semaphore_mem>>
      %dma_start3A_55 = arith.constant 0 : i32
      %dma_start3A_56 = tpu.memref_slice %arg9[%run_scoped3A_16, %dma_start3A_55] : memref<1x128xi32, #tpu.memory_space<vmem>> -> memref<1x128xi32, #tpu.memory_space<vmem>>
      %dma_start3A_57 = tpu.memref_squeeze %dma_start3A_56 : memref<1x128xi32, #tpu.memory_space<vmem>> -> memref<128xi32, #tpu.memory_space<vmem>>
      %dma_start3A_58 = tpu.memref_slice %arg3[%add3A_15] : memref<320000xi32, #tpu.memory_space<hbm>> -> memref<128xi32, #tpu.memory_space<hbm>>
      %dma_start3A_59 = arith.constant 0 : i32
      %dma_start3A_60 = tpu.memref_slice %arg9[%run_scoped3A_16, %dma_start3A_59] : memref<1x128xi32, #tpu.memory_space<vmem>> -> memref<1x128xi32, #tpu.memory_space<vmem>>
      %dma_start3A_61 = tpu.memref_squeeze %dma_start3A_60 : memref<1x128xi32, #tpu.memory_space<vmem>> -> memref<128xi32, #tpu.memory_space<vmem>>
      %dma_start3A_62 = tpu.memref_slice %arg3[%add3A_15] : memref<320000xi32, #tpu.memory_space<hbm>> -> memref<128xi32, #tpu.memory_space<hbm>>
      tpu.enqueue_dma source(%dma_start3A_62 : memref<128xi32, #tpu.memory_space<hbm>>) target(%dma_start3A_61 : memref<128xi32, #tpu.memory_space<vmem>>) target_semaphore(%run_scoped3A_54 : memref<!tpu.dma_semaphore, #tpu.memory_space<semaphore_mem>>)
      %dma_wait3A = arith.constant 0 : i32
      %dma_wait3A_63 = tpu.memref_slice %arg9[%run_scoped3A_16, %dma_wait3A] : memref<1x128xi32, #tpu.memory_space<vmem>> -> memref<1x128xi32, #tpu.memory_space<vmem>>
      %dma_wait3A_64 = tpu.memref_squeeze %dma_wait3A_63 : memref<1x128xi32, #tpu.memory_space<vmem>> -> memref<128xi32, #tpu.memory_space<vmem>>
      %dma_wait3A_65 = tpu.memref_slice %arg3[%add3A_15] : memref<320000xi32, #tpu.memory_space<hbm>> -> memref<128xi32, #tpu.memory_space<hbm>>
      %dma_wait3A_66 = arith.constant 0 : i32
      %dma_wait3A_67 = tpu.memref_slice %arg9[%run_scoped3A_16, %dma_wait3A_66] : memref<1x128xi32, #tpu.memory_space<vmem>> -> memref<1x128xi32, #tpu.memory_space<vmem>>
      %dma_wait3A_68 = tpu.memref_squeeze %dma_wait3A_67 : memref<1x128xi32, #tpu.memory_space<vmem>> -> memref<128xi32, #tpu.memory_space<vmem>>
      %dma_wait3A_69 = tpu.memref_slice %arg3[%add3A_15] : memref<320000xi32, #tpu.memory_space<hbm>> -> memref<128xi32, #tpu.memory_space<hbm>>
      tpu.wait_dma2 semaphore(%run_scoped3A_54 : memref<!tpu.dma_semaphore, #tpu.memory_space<semaphore_mem>>) src(%dma_wait3A_69 : memref<128xi32, #tpu.memory_space<hbm>>) dst(%dma_wait3A_68 : memref<128xi32, #tpu.memory_space<vmem>>)
      tpu.yield
    }) : () -> ()
    %dma_start3A = arith.constant 0 : i32
    %dma_start3A_17 = arith.constant 0 : i32
    %dma_start3A_18 = tpu.memref_slice %arg7[%dma_start3A, %dma_start3A_17] : memref<1x128xi32, #tpu.memory_space<vmem>> -> memref<1x128xi32, #tpu.memory_space<vmem>>
    %dma_start3A_19 = tpu.memref_squeeze %dma_start3A_18 : memref<1x128xi32, #tpu.memory_space<vmem>> -> memref<128xi32, #tpu.memory_space<vmem>>
    %dma_start3A_20 = arith.constant 0 : i32
    %dma_start3A_21 = arith.constant 0 : i32
    %dma_start3A_22 = tpu.memref_slice %arg4[%dma_start3A_20, %dma_start3A_21] : memref<10000x64xf32, #tpu.memory_space<hbm>> -> memref<10000x64xf32, #tpu.memory_space<hbm>>
    tpu.enqueue_indirect_dma source(%dma_start3A_22 : memref<10000x64xf32, #tpu.memory_space<hbm>>) target(%arg13 : memref<128x64xf32, #tpu.memory_space<vmem>>) offsets(%dma_start3A_19 : memref<128xi32, #tpu.memory_space<vmem>>) semaphore(%arg24 : memref<!tpu.dma_semaphore, #tpu.memory_space<semaphore_mem>>)
    %add3A_23 = arith.constant 0 : i32
    %add3A_24 = arith.addi %mul3A_2, %add3A_23 : i32
    %dma_start3A_25 = arith.constant 0 : i32
    %dma_start3A_26 = tpu.memref_slice %arg5[%add3A_24, %dma_start3A_25] : memref<320000x16xf32, #tpu.memory_space<hbm>> -> memref<128x16xf32, #tpu.memory_space<hbm>>
    %dma_start3A_27 = arith.constant 0 : i32
    %dma_start3A_28 = tpu.memref_slice %arg5[%add3A_24, %dma_start3A_27] : memref<320000x16xf32, #tpu.memory_space<hbm>> -> memref<128x16xf32, #tpu.memory_space<hbm>>
    tpu.enqueue_dma source(%dma_start3A_28 : memref<128x16xf32, #tpu.memory_space<hbm>>) target(%arg16 : memref<128x16xf32, #tpu.memory_space<vmem>>) target_semaphore(%arg24 : memref<!tpu.dma_semaphore, #tpu.memory_space<semaphore_mem>>)
    %scan3A_29 = arith.constant 0 : i32
    %scan3A_30 = arith.constant 0 : i32
    %scan3A_31 = arith.constant 39 : i32
    %scan3A_32 = arith.addi %scan3A_30, %scan3A_31 : i32
    %scan3A_33 = arith.constant 1 : i32
    %scan3A_34 = scf.for %scan3A_54 = %scan3A_30 to %scan3A_32 step %scan3A_33 iter_args(%scan3A_55 = %scan3A_29) -> (i32)  : i32 {
      %mul3A_56 = arith.constant 2 : i32
      %mul3A_57 = arith.muli %mul3A_56, %scan3A_54 : i32
      %add3A_58 = arith.constant 1 : i32
      %add3A_59 = arith.addi %mul3A_57, %add3A_58 : i32
      %mul3A_60 = arith.constant 128 : i32
      %mul3A_61 = arith.muli %add3A_59, %mul3A_60 : i32
      %add3A_62 = arith.addi %mul3A_2, %mul3A_61 : i32
      %run_scoped3A_63 = arith.constant 0 : i32
      "tpu.region"() ({
        %run_scoped3A_126 = tpu.sem_alloc : memref<!tpu.dma_semaphore, #tpu.memory_space<semaphore_mem>>
        %dma_start3A_127 = arith.constant 0 : i32
        %dma_start3A_128 = tpu.memref_slice %arg8[%run_scoped3A_63, %dma_start3A_127] : memref<1x128xi32, #tpu.memory_space<vmem>> -> memref<1x128xi32, #tpu.memory_space<vmem>>
        %dma_start3A_129 = tpu.memref_squeeze %dma_start3A_128 : memref<1x128xi32, #tpu.memory_space<vmem>> -> memref<128xi32, #tpu.memory_space<vmem>>
        %dma_start3A_130 = tpu.memref_slice %arg2[%add3A_62] : memref<320000xi32, #tpu.memory_space<hbm>> -> memref<128xi32, #tpu.memory_space<hbm>>
        %dma_start3A_131 = arith.constant 0 : i32
        %dma_start3A_132 = tpu.memref_slice %arg8[%run_scoped3A_63, %dma_start3A_131] : memref<1x128xi32, #tpu.memory_space<vmem>> -> memref<1x128xi32, #tpu.memory_space<vmem>>
        %dma_start3A_133 = tpu.memref_squeeze %dma_start3A_132 : memref<1x128xi32, #tpu.memory_space<vmem>> -> memref<128xi32, #tpu.memory_space<vmem>>
        %dma_start3A_134 = tpu.memref_slice %arg2[%add3A_62] : memref<320000xi32, #tpu.memory_space<hbm>> -> memref<128xi32, #tpu.memory_space<hbm>>
        tpu.enqueue_dma source(%dma_start3A_134 : memref<128xi32, #tpu.memory_space<hbm>>) target(%dma_start3A_133 : memref<128xi32, #tpu.memory_space<vmem>>) target_semaphore(%run_scoped3A_126 : memref<!tpu.dma_semaphore, #tpu.memory_space<semaphore_mem>>)
        %dma_wait3A_135 = arith.constant 0 : i32
        %dma_wait3A_136 = tpu.memref_slice %arg8[%run_scoped3A_63, %dma_wait3A_135] : memref<1x128xi32, #tpu.memory_space<vmem>> -> memref<1x128xi32, #tpu.memory_space<vmem>>
        %dma_wait3A_137 = tpu.memref_squeeze %dma_wait3A_136 : memref<1x128xi32, #tpu.memory_space<vmem>> -> memref<128xi32, #tpu.memory_space<vmem>>
        %dma_wait3A_138 = tpu.memref_slice %arg2[%add3A_62] : memref<320000xi32, #tpu.memory_space<hbm>> -> memref<128xi32, #tpu.memory_space<hbm>>
        %dma_wait3A_139 = arith.constant 0 : i32
        %dma_wait3A_140 = tpu.memref_slice %arg8[%run_scoped3A_63, %dma_wait3A_139] : memref<1x128xi32, #tpu.memory_space<vmem>> -> memref<1x128xi32, #tpu.memory_space<vmem>>
        %dma_wait3A_141 = tpu.memref_squeeze %dma_wait3A_140 : memref<1x128xi32, #tpu.memory_space<vmem>> -> memref<128xi32, #tpu.memory_space<vmem>>
        %dma_wait3A_142 = tpu.memref_slice %arg2[%add3A_62] : memref<320000xi32, #tpu.memory_space<hbm>> -> memref<128xi32, #tpu.memory_space<hbm>>
        tpu.wait_dma2 semaphore(%run_scoped3A_126 : memref<!tpu.dma_semaphore, #tpu.memory_space<semaphore_mem>>) src(%dma_wait3A_142 : memref<128xi32, #tpu.memory_space<hbm>>) dst(%dma_wait3A_141 : memref<128xi32, #tpu.memory_space<vmem>>)
        tpu.yield
      }) : () -> ()
      %run_scoped3A_64 = arith.constant 0 : i32
      "tpu.region"() ({
        %run_scoped3A_126 = tpu.sem_alloc : memref<!tpu.dma_semaphore, #tpu.memory_space<semaphore_mem>>
        %dma_start3A_127 = arith.constant 0 : i32
        %dma_start3A_128 = tpu.memref_slice %arg10[%run_scoped3A_64, %dma_start3A_127] : memref<1x128xi32, #tpu.memory_space<vmem>> -> memref<1x128xi32, #tpu.memory_space<vmem>>
        %dma_start3A_129 = tpu.memref_squeeze %dma_start3A_128 : memref<1x128xi32, #tpu.memory_space<vmem>> -> memref<128xi32, #tpu.memory_space<vmem>>
        %dma_start3A_130 = tpu.memref_slice %arg3[%add3A_62] : memref<320000xi32, #tpu.memory_space<hbm>> -> memref<128xi32, #tpu.memory_space<hbm>>
        %dma_start3A_131 = arith.constant 0 : i32
        %dma_start3A_132 = tpu.memref_slice %arg10[%run_scoped3A_64, %dma_start3A_131] : memref<1x128xi32, #tpu.memory_space<vmem>> -> memref<1x128xi32, #tpu.memory_space<vmem>>
        %dma_start3A_133 = tpu.memref_squeeze %dma_start3A_132 : memref<1x128xi32, #tpu.memory_space<vmem>> -> memref<128xi32, #tpu.memory_space<vmem>>
        %dma_start3A_134 = tpu.memref_slice %arg3[%add3A_62] : memref<320000xi32, #tpu.memory_space<hbm>> -> memref<128xi32, #tpu.memory_space<hbm>>
        tpu.enqueue_dma source(%dma_start3A_134 : memref<128xi32, #tpu.memory_space<hbm>>) target(%dma_start3A_133 : memref<128xi32, #tpu.memory_space<vmem>>) target_semaphore(%run_scoped3A_126 : memref<!tpu.dma_semaphore, #tpu.memory_space<semaphore_mem>>)
        %dma_wait3A_135 = arith.constant 0 : i32
        %dma_wait3A_136 = tpu.memref_slice %arg10[%run_scoped3A_64, %dma_wait3A_135] : memref<1x128xi32, #tpu.memory_space<vmem>> -> memref<1x128xi32, #tpu.memory_space<vmem>>
        %dma_wait3A_137 = tpu.memref_squeeze %dma_wait3A_136 : memref<1x128xi32, #tpu.memory_space<vmem>> -> memref<128xi32, #tpu.memory_space<vmem>>
        %dma_wait3A_138 = tpu.memref_slice %arg3[%add3A_62] : memref<320000xi32, #tpu.memory_space<hbm>> -> memref<128xi32, #tpu.memory_space<hbm>>
        %dma_wait3A_139 = arith.constant 0 : i32
        %dma_wait3A_140 = tpu.memref_slice %arg10[%run_scoped3A_64, %dma_wait3A_139] : memref<1x128xi32, #tpu.memory_space<vmem>> -> memref<1x128xi32, #tpu.memory_space<vmem>>
        %dma_wait3A_141 = tpu.memref_squeeze %dma_wait3A_140 : memref<1x128xi32, #tpu.memory_space<vmem>> -> memref<128xi32, #tpu.memory_space<vmem>>
        %dma_wait3A_142 = tpu.memref_slice %arg3[%add3A_62] : memref<320000xi32, #tpu.memory_space<hbm>> -> memref<128xi32, #tpu.memory_space<hbm>>
        tpu.wait_dma2 semaphore(%run_scoped3A_126 : memref<!tpu.dma_semaphore, #tpu.memory_space<semaphore_mem>>) src(%dma_wait3A_142 : memref<128xi32, #tpu.memory_space<hbm>>) dst(%dma_wait3A_141 : memref<128xi32, #tpu.memory_space<vmem>>)
        tpu.yield
      }) : () -> ()
      %dma_start3A_65 = arith.constant 0 : i32
      %dma_start3A_66 = arith.constant 0 : i32
      %dma_start3A_67 = tpu.memref_slice %arg8[%dma_start3A_65, %dma_start3A_66] : memref<1x128xi32, #tpu.memory_space<vmem>> -> memref<1x128xi32, #tpu.memory_space<vmem>>
      %dma_start3A_68 = tpu.memref_squeeze %dma_start3A_67 : memref<1x128xi32, #tpu.memory_space<vmem>> -> memref<128xi32, #tpu.memory_space<vmem>>
      %dma_start3A_69 = arith.constant 0 : i32
      %dma_start3A_70 = arith.constant 0 : i32
      %dma_start3A_71 = tpu.memref_slice %arg4[%dma_start3A_69, %dma_start3A_70] : memref<10000x64xf32, #tpu.memory_space<hbm>> -> memref<10000x64xf32, #tpu.memory_space<hbm>>
      tpu.enqueue_indirect_dma source(%dma_start3A_71 : memref<10000x64xf32, #tpu.memory_space<hbm>>) target(%arg14 : memref<128x64xf32, #tpu.memory_space<vmem>>) offsets(%dma_start3A_68 : memref<128xi32, #tpu.memory_space<vmem>>) semaphore(%arg25 : memref<!tpu.dma_semaphore, #tpu.memory_space<semaphore_mem>>)
      %mul3A_72 = arith.constant 128 : i32
      %mul3A_73 = arith.muli %add3A_59, %mul3A_72 : i32
      %add3A_74 = arith.addi %mul3A_2, %mul3A_73 : i32
      %dma_start3A_75 = arith.constant 0 : i32
      %dma_start3A_76 = tpu.memref_slice %arg5[%add3A_74, %dma_start3A_75] : memref<320000x16xf32, #tpu.memory_space<hbm>> -> memref<128x16xf32, #tpu.memory_space<hbm>>
      %dma_start3A_77 = arith.constant 0 : i32
      %dma_start3A_78 = tpu.memref_slice %arg5[%add3A_74, %dma_start3A_77] : memref<320000x16xf32, #tpu.memory_space<hbm>> -> memref<128x16xf32, #tpu.memory_space<hbm>>
      tpu.enqueue_dma source(%dma_start3A_78 : memref<128x16xf32, #tpu.memory_space<hbm>>) target(%arg17 : memref<128x16xf32, #tpu.memory_space<vmem>>) target_semaphore(%arg25 : memref<!tpu.dma_semaphore, #tpu.memory_space<semaphore_mem>>)
      %dma_wait3A = arith.constant 0 : i32
      %dma_wait3A_79 = arith.constant 0 : i32
      %dma_wait3A_80 = tpu.memref_slice %arg7[%dma_wait3A, %dma_wait3A_79] : memref<1x128xi32, #tpu.memory_space<vmem>> -> memref<1x128xi32, #tpu.memory_space<vmem>>
      %dma_wait3A_81 = tpu.memref_squeeze %dma_wait3A_80 : memref<1x128xi32, #tpu.memory_space<vmem>> -> memref<128xi32, #tpu.memory_space<vmem>>
      %dma_wait3A_82 = arith.constant 0 : i32
      %dma_wait3A_83 = arith.constant 0 : i32
      %dma_wait3A_84 = tpu.memref_slice %arg4[%dma_wait3A_82, %dma_wait3A_83] : memref<10000x64xf32, #tpu.memory_space<hbm>> -> memref<10000x64xf32, #tpu.memory_space<hbm>>
      tpu.wait_indirect_dma semaphore(%arg24 : memref<!tpu.dma_semaphore, #tpu.memory_space<semaphore_mem>>) src(%dma_wait3A_84 : memref<10000x64xf32, #tpu.memory_space<hbm>>) dst(%arg13 : memref<128x64xf32, #tpu.memory_space<vmem>>)
      %mul3A_85 = arith.constant 128 : i32
      %mul3A_86 = arith.muli %mul3A_57, %mul3A_85 : i32
      %add3A_87 = arith.addi %mul3A_2, %mul3A_86 : i32
      %dma_wait3A_88 = arith.constant 0 : i32
      %dma_wait3A_89 = tpu.memref_slice %arg5[%add3A_87, %dma_wait3A_88] : memref<320000x16xf32, #tpu.memory_space<hbm>> -> memref<128x16xf32, #tpu.memory_space<hbm>>
      %dma_wait3A_90 = arith.constant 0 : i32
      %dma_wait3A_91 = tpu.memref_slice %arg5[%add3A_87, %dma_wait3A_90] : memref<320000x16xf32, #tpu.memory_space<hbm>> -> memref<128x16xf32, #tpu.memory_space<hbm>>
      tpu.wait_dma2 semaphore(%arg24 : memref<!tpu.dma_semaphore, #tpu.memory_space<semaphore_mem>>) src(%dma_wait3A_91 : memref<128x16xf32, #tpu.memory_space<hbm>>) dst(%arg16 : memref<128x16xf32, #tpu.memory_space<vmem>>)
      %scan3A_92 = arith.constant 0 : i32
      %scan3A_93 = arith.constant 0 : i32
      %scan3A_94 = arith.constant 128 : i32
      %scan3A_95 = arith.addi %scan3A_93, %scan3A_94 : i32
      %scan3A_96 = arith.constant 1 : i32
      %scan3A_97 = scf.for %scan3A_126 = %scan3A_93 to %scan3A_95 step %scan3A_96 iter_args(%scan3A_127 = %scan3A_92) -> (i32)  : i32 {
        %get3A = arith.index_cast %scan3A_126 : i32 to index
        %get3A_128 = arith.constant 0 : index
        %get3A_129 = tpu.vector_load %arg16[%get3A, %get3A_128] {strides = array<i32>} : memref<128x16xf32, #tpu.memory_space<vmem>>, vector<1x16xf32>,
        %get3A_130 = vector.shape_cast %get3A_129 : vector<1x16xf32> to vector<16xf32>
        %slice3A = vector.extract_strided_slice %get3A_130 {offsets = [0], sizes = [1], strides = [1]} : vector<16xf32> to vector<1xf32>
        %squeeze3A = vector.extract %slice3A[0] : f32 from vector<1xf32>
        %broadcast_in_dim3A_131 = vector.broadcast %squeeze3A : f32 to vector<16xf32>
        %slice3A_132 = vector.extract_strided_slice %get3A_130 {offsets = [1], sizes = [1], strides = [1]} : vector<16xf32> to vector<1xf32>
        %squeeze3A_133 = vector.extract %slice3A_132[0] : f32 from vector<1xf32>
        %broadcast_in_dim3A_134 = vector.broadcast %squeeze3A_133 : f32 to vector<16xf32>
        %select_n3A = arith.select %lt3A_13, %broadcast_in_dim3A_131, %broadcast_in_dim3A_134 : vector<16xi1>, vector<16xf32>
        %get3A_135 = arith.index_cast %scan3A_126 : i32 to index
        %get3A_136 = arith.constant 0 : index
        %get3A_137 = tpu.vector_load %arg13[%get3A_135, %get3A_136] {strides = array<i32>} : memref<128x64xf32, #tpu.memory_space<vmem>>, vector<1x16xf32>,
        %get3A_138 = vector.shape_cast %get3A_137 : vector<1x16xf32> to vector<16xf32>
        %mul3A_139 = arith.mulf %get3A_138, %select_n3A : vector<16xf32>
        %swap3A = arith.index_cast %scan3A_126 : i32 to index
        %swap3A_140 = arith.constant 0 : index
        %swap3A_141 = tpu.vector_load %arg19[%swap3A, %swap3A_140] {strides = array<i32>} : memref<128x64xf32, #tpu.memory_space<vmem>>, vector<1x16xf32>,
        %swap3A_142 = vector.shape_cast %swap3A_141 : vector<1x16xf32> to vector<16xf32>
        %swap3A_143 = vector.shape_cast %mul3A_139 : vector<16xf32> to vector<1x16xf32>
        tpu.vector_store %arg19[%swap3A, %swap3A_140], %swap3A_143 {strides = array<i32>} : memref<128x64xf32, #tpu.memory_space<vmem>>, vector<1x16xf32>,
        %slice3A_144 = vector.extract_strided_slice %get3A_130 {offsets = [2], sizes = [1], strides = [1]} : vector<16xf32> to vector<1xf32>
        %squeeze3A_145 = vector.extract %slice3A_144[0] : f32 from vector<1xf32>
        %broadcast_in_dim3A_146 = vector.broadcast %squeeze3A_145 : f32 to vector<16xf32>
        %slice3A_147 = vector.extract_strided_slice %get3A_130 {offsets = [3], sizes = [1], strides = [1]} : vector<16xf32> to vector<1xf32>
        %squeeze3A_148 = vector.extract %slice3A_147[0] : f32 from vector<1xf32>
        %broadcast_in_dim3A_149 = vector.broadcast %squeeze3A_148 : f32 to vector<16xf32>
        %select_n3A_150 = arith.select %lt3A_13, %broadcast_in_dim3A_146, %broadcast_in_dim3A_149 : vector<16xi1>, vector<16xf32>
        %get3A_151 = arith.index_cast %scan3A_126 : i32 to index
        %get3A_152 = arith.constant 16 : index
        %get3A_153 = tpu.vector_load %arg13[%get3A_151, %get3A_152] {strides = array<i32>} : memref<128x64xf32, #tpu.memory_space<vmem>>, vector<1x16xf32>,
        %get3A_154 = vector.shape_cast %get3A_153 : vector<1x16xf32> to vector<16xf32>
        %mul3A_155 = arith.mulf %get3A_154, %select_n3A_150 : vector<16xf32>
        %swap3A_156 = arith.index_cast %scan3A_126 : i32 to index
        %swap3A_157 = arith.constant 16 : index
        %swap3A_158 = tpu.vector_load %arg19[%swap3A_156, %swap3A_157] {strides = array<i32>} : memref<128x64xf32, #tpu.memory_space<vmem>>, vector<1x16xf32>,
        %swap3A_159 = vector.shape_cast %swap3A_158 : vector<1x16xf32> to vector<16xf32>
        %swap3A_160 = vector.shape_cast %mul3A_155 : vector<16xf32> to vector<1x16xf32>
        tpu.vector_store %arg19[%swap3A_156, %swap3A_157], %swap3A_160 {strides = array<i32>} : memref<128x64xf32, #tpu.memory_space<vmem>>, vector<1x16xf32>,
        %slice3A_161 = vector.extract_strided_slice %get3A_130 {offsets = [4], sizes = [1], strides = [1]} : vector<16xf32> to vector<1xf32>
        %squeeze3A_162 = vector.extract %slice3A_161[0] : f32 from vector<1xf32>
        %broadcast_in_dim3A_163 = vector.broadcast %squeeze3A_162 : f32 to vector<16xf32>
        %slice3A_164 = vector.extract_strided_slice %get3A_130 {offsets = [5], sizes = [1], strides = [1]} : vector<16xf32> to vector<1xf32>
        %squeeze3A_165 = vector.extract %slice3A_164[0] : f32 from vector<1xf32>
        %broadcast_in_dim3A_166 = vector.broadcast %squeeze3A_165 : f32 to vector<16xf32>
        %select_n3A_167 = arith.select %lt3A_13, %broadcast_in_dim3A_163, %broadcast_in_dim3A_166 : vector<16xi1>, vector<16xf32>
        %get3A_168 = arith.index_cast %scan3A_126 : i32 to index
        %get3A_169 = arith.constant 32 : index
        %get3A_170 = tpu.vector_load %arg13[%get3A_168, %get3A_169] {strides = array<i32>} : memref<128x64xf32, #tpu.memory_space<vmem>>, vector<1x16xf32>,
        %get3A_171 = vector.shape_cast %get3A_170 : vector<1x16xf32> to vector<16xf32>
        %mul3A_172 = arith.mulf %get3A_171, %select_n3A_167 : vector<16xf32>
        %swap3A_173 = arith.index_cast %scan3A_126 : i32 to index
        %swap3A_174 = arith.constant 32 : index
        %swap3A_175 = tpu.vector_load %arg19[%swap3A_173, %swap3A_174] {strides = array<i32>} : memref<128x64xf32, #tpu.memory_space<vmem>>, vector<1x16xf32>,
        %swap3A_176 = vector.shape_cast %swap3A_175 : vector<1x16xf32> to vector<16xf32>
        %swap3A_177 = vector.shape_cast %mul3A_172 : vector<16xf32> to vector<1x16xf32>
        tpu.vector_store %arg19[%swap3A_173, %swap3A_174], %swap3A_177 {strides = array<i32>} : memref<128x64xf32, #tpu.memory_space<vmem>>, vector<1x16xf32>,
        %slice3A_178 = vector.extract_strided_slice %get3A_130 {offsets = [6], sizes = [1], strides = [1]} : vector<16xf32> to vector<1xf32>
        %squeeze3A_179 = vector.extract %slice3A_178[0] : f32 from vector<1xf32>
        %broadcast_in_dim3A_180 = vector.broadcast %squeeze3A_179 : f32 to vector<16xf32>
        %slice3A_181 = vector.extract_strided_slice %get3A_130 {offsets = [7], sizes = [1], strides = [1]} : vector<16xf32> to vector<1xf32>
        %squeeze3A_182 = vector.extract %slice3A_181[0] : f32 from vector<1xf32>
        %broadcast_in_dim3A_183 = vector.broadcast %squeeze3A_182 : f32 to vector<16xf32>
        %select_n3A_184 = arith.select %lt3A_13, %broadcast_in_dim3A_180, %broadcast_in_dim3A_183 : vector<16xi1>, vector<16xf32>
        %get3A_185 = arith.index_cast %scan3A_126 : i32 to index
        %get3A_186 = arith.constant 48 : index
        %get3A_187 = tpu.vector_load %arg13[%get3A_185, %get3A_186] {strides = array<i32>} : memref<128x64xf32, #tpu.memory_space<vmem>>, vector<1x16xf32>,
        %get3A_188 = vector.shape_cast %get3A_187 : vector<1x16xf32> to vector<16xf32>
        %mul3A_189 = arith.mulf %get3A_188, %select_n3A_184 : vector<16xf32>
        %swap3A_190 = arith.index_cast %scan3A_126 : i32 to index
        %swap3A_191 = arith.constant 48 : index
        %swap3A_192 = tpu.vector_load %arg19[%swap3A_190, %swap3A_191] {strides = array<i32>} : memref<128x64xf32, #tpu.memory_space<vmem>>, vector<1x16xf32>,
        %swap3A_193 = vector.shape_cast %swap3A_192 : vector<1x16xf32> to vector<16xf32>
        %swap3A_194 = vector.shape_cast %mul3A_189 : vector<16xf32> to vector<1x16xf32>
        tpu.vector_store %arg19[%swap3A_190, %swap3A_191], %swap3A_194 {strides = array<i32>} : memref<128x64xf32, #tpu.memory_space<vmem>>, vector<1x16xf32>,
        %scan3A_195 = arith.constant 0 : i32
        scf.yield %scan3A_195 : i32
      }
      %scan3A_98 = arith.constant 128 : i32
      %run_scoped3A_99 = arith.constant 0 : i32
      "tpu.region"() ({
        %run_scoped3A_126 = tpu.sem_alloc : memref<!tpu.dma_semaphore, #tpu.memory_space<semaphore_mem>>
        %dma_start3A_127 = arith.constant 0 : i32
        %dma_start3A_128 = tpu.memref_slice %arg9[%run_scoped3A_99, %dma_start3A_127] : memref<1x128xi32, #tpu.memory_space<vmem>> -> memref<1x128xi32, #tpu.memory_space<vmem>>
        %dma_start3A_129 = tpu.memref_squeeze %dma_start3A_128 : memref<1x128xi32, #tpu.memory_space<vmem>> -> memref<128xi32, #tpu.memory_space<vmem>>
        %dma_start3A_130 = arith.constant 0 : i32
        %dma_start3A_131 = arith.constant 0 : i32
        %dma_start3A_132 = tpu.memref_slice %arg23[%dma_start3A_130, %dma_start3A_131] : memref<10240x64xf32, #tpu.memory_space<vmem_shared>> -> memref<10240x64xf32, #tpu.memory_space<vmem_shared>>
        tpu.enqueue_indirect_dma source(%arg19 : memref<128x64xf32, #tpu.memory_space<vmem>>) target(%dma_start3A_132 : memref<10240x64xf32, #tpu.memory_space<vmem_shared>>) offsets(%dma_start3A_129 : memref<128xi32, #tpu.memory_space<vmem>>) semaphore(%run_scoped3A_126 : memref<!tpu.dma_semaphore, #tpu.memory_space<semaphore_mem>>) {add = true}
        %dma_wait3A_133 = arith.constant 0 : i32
        %dma_wait3A_134 = tpu.memref_slice %arg9[%run_scoped3A_99, %dma_wait3A_133] : memref<1x128xi32, #tpu.memory_space<vmem>> -> memref<1x128xi32, #tpu.memory_space<vmem>>
        %dma_wait3A_135 = tpu.memref_squeeze %dma_wait3A_134 : memref<1x128xi32, #tpu.memory_space<vmem>> -> memref<128xi32, #tpu.memory_space<vmem>>
        %dma_wait3A_136 = arith.constant 0 : i32
        %dma_wait3A_137 = arith.constant 0 : i32
        %dma_wait3A_138 = tpu.memref_slice %arg23[%dma_wait3A_136, %dma_wait3A_137] : memref<10240x64xf32, #tpu.memory_space<vmem_shared>> -> memref<10240x64xf32, #tpu.memory_space<vmem_shared>>
        tpu.wait_indirect_dma semaphore(%run_scoped3A_126 : memref<!tpu.dma_semaphore, #tpu.memory_space<semaphore_mem>>) src(%arg19 : memref<128x64xf32, #tpu.memory_space<vmem>>) dst(%dma_wait3A_138 : memref<10240x64xf32, #tpu.memory_space<vmem_shared>>)
        tpu.yield
      }) : () -> ()
      %lt3A_100 = arith.constant 38 : i32
      %lt3A_101 = arith.cmpi slt, %scan3A_54, %lt3A_100 : i32
      %convert_element_type3A = arith.extui %lt3A_101 : i1 to i32
      %cond3A = arith.constant 0 : i32
      %cond3A_102 = arith.cmpi ne, %convert_element_type3A, %cond3A : i32
      scf.if %cond3A_102 {
        %add3A_126 = arith.constant 2 : i32
        %add3A_127 = arith.addi %mul3A_57, %add3A_126 : i32
        %mul3A_128 = arith.constant 128 : i32
        %mul3A_129 = arith.muli %add3A_127, %mul3A_128 : i32
        %add3A_130 = arith.addi %mul3A_2, %mul3A_129 : i32
        %run_scoped3A_131 = arith.constant 0 : i32
        "tpu.region"() ({
          %run_scoped3A_149 = tpu.sem_alloc : memref<!tpu.dma_semaphore, #tpu.memory_space<semaphore_mem>>
          %dma_start3A_150 = arith.constant 0 : i32
          %dma_start3A_151 = tpu.memref_slice %arg7[%run_scoped3A_131, %dma_start3A_150] : memref<1x128xi32, #tpu.memory_space<vmem>> -> memref<1x128xi32, #tpu.memory_space<vmem>>
          %dma_start3A_152 = tpu.memref_squeeze %dma_start3A_151 : memref<1x128xi32, #tpu.memory_space<vmem>> -> memref<128xi32, #tpu.memory_space<vmem>>
          %dma_start3A_153 = tpu.memref_slice %arg2[%add3A_130] : memref<320000xi32, #tpu.memory_space<hbm>> -> memref<128xi32, #tpu.memory_space<hbm>>
          %dma_start3A_154 = arith.constant 0 : i32
          %dma_start3A_155 = tpu.memref_slice %arg7[%run_scoped3A_131, %dma_start3A_154] : memref<1x128xi32, #tpu.memory_space<vmem>> -> memref<1x128xi32, #tpu.memory_space<vmem>>
          %dma_start3A_156 = tpu.memref_squeeze %dma_start3A_155 : memref<1x128xi32, #tpu.memory_space<vmem>> -> memref<128xi32, #tpu.memory_space<vmem>>
          %dma_start3A_157 = tpu.memref_slice %arg2[%add3A_130] : memref<320000xi32, #tpu.memory_space<hbm>> -> memref<128xi32, #tpu.memory_space<hbm>>
          tpu.enqueue_dma source(%dma_start3A_157 : memref<128xi32, #tpu.memory_space<hbm>>) target(%dma_start3A_156 : memref<128xi32, #tpu.memory_space<vmem>>) target_semaphore(%run_scoped3A_149 : memref<!tpu.dma_semaphore, #tpu.memory_space<semaphore_mem>>)
          %dma_wait3A_158 = arith.constant 0 : i32
          %dma_wait3A_159 = tpu.memref_slice %arg7[%run_scoped3A_131, %dma_wait3A_158] : memref<1x128xi32, #tpu.memory_space<vmem>> -> memref<1x128xi32, #tpu.memory_space<vmem>>
          %dma_wait3A_160 = tpu.memref_squeeze %dma_wait3A_159 : memref<1x128xi32, #tpu.memory_space<vmem>> -> memref<128xi32, #tpu.memory_space<vmem>>
          %dma_wait3A_161 = tpu.memref_slice %arg2[%add3A_130] : memref<320000xi32, #tpu.memory_space<hbm>> -> memref<128xi32, #tpu.memory_space<hbm>>
          %dma_wait3A_162 = arith.constant 0 : i32
          %dma_wait3A_163 = tpu.memref_slice %arg7[%run_scoped3A_131, %dma_wait3A_162] : memref<1x128xi32, #tpu.memory_space<vmem>> -> memref<1x128xi32, #tpu.memory_space<vmem>>
          %dma_wait3A_164 = tpu.memref_squeeze %dma_wait3A_163 : memref<1x128xi32, #tpu.memory_space<vmem>> -> memref<128xi32, #tpu.memory_space<vmem>>
          %dma_wait3A_165 = tpu.memref_slice %arg2[%add3A_130] : memref<320000xi32, #tpu.memory_space<hbm>> -> memref<128xi32, #tpu.memory_space<hbm>>
          tpu.wait_dma2 semaphore(%run_scoped3A_149 : memref<!tpu.dma_semaphore, #tpu.memory_space<semaphore_mem>>) src(%dma_wait3A_165 : memref<128xi32, #tpu.memory_space<hbm>>) dst(%dma_wait3A_164 : memref<128xi32, #tpu.memory_space<vmem>>)
          tpu.yield
        }) : () -> ()
        %run_scoped3A_132 = arith.constant 0 : i32
        "tpu.region"() ({
          %run_scoped3A_149 = tpu.sem_alloc : memref<!tpu.dma_semaphore, #tpu.memory_space<semaphore_mem>>
          %dma_start3A_150 = arith.constant 0 : i32
          %dma_start3A_151 = tpu.memref_slice %arg9[%run_scoped3A_132, %dma_start3A_150] : memref<1x128xi32, #tpu.memory_space<vmem>> -> memref<1x128xi32, #tpu.memory_space<vmem>>
          %dma_start3A_152 = tpu.memref_squeeze %dma_start3A_151 : memref<1x128xi32, #tpu.memory_space<vmem>> -> memref<128xi32, #tpu.memory_space<vmem>>
          %dma_start3A_153 = tpu.memref_slice %arg3[%add3A_130] : memref<320000xi32, #tpu.memory_space<hbm>> -> memref<128xi32, #tpu.memory_space<hbm>>
          %dma_start3A_154 = arith.constant 0 : i32
          %dma_start3A_155 = tpu.memref_slice %arg9[%run_scoped3A_132, %dma_start3A_154] : memref<1x128xi32, #tpu.memory_space<vmem>> -> memref<1x128xi32, #tpu.memory_space<vmem>>
          %dma_start3A_156 = tpu.memref_squeeze %dma_start3A_155 : memref<1x128xi32, #tpu.memory_space<vmem>> -> memref<128xi32, #tpu.memory_space<vmem>>
          %dma_start3A_157 = tpu.memref_slice %arg3[%add3A_130] : memref<320000xi32, #tpu.memory_space<hbm>> -> memref<128xi32, #tpu.memory_space<hbm>>
          tpu.enqueue_dma source(%dma_start3A_157 : memref<128xi32, #tpu.memory_space<hbm>>) target(%dma_start3A_156 : memref<128xi32, #tpu.memory_space<vmem>>) target_semaphore(%run_scoped3A_149 : memref<!tpu.dma_semaphore, #tpu.memory_space<semaphore_mem>>)
          %dma_wait3A_158 = arith.constant 0 : i32
          %dma_wait3A_159 = tpu.memref_slice %arg9[%run_scoped3A_132, %dma_wait3A_158] : memref<1x128xi32, #tpu.memory_space<vmem>> -> memref<1x128xi32, #tpu.memory_space<vmem>>
          %dma_wait3A_160 = tpu.memref_squeeze %dma_wait3A_159 : memref<1x128xi32, #tpu.memory_space<vmem>> -> memref<128xi32, #tpu.memory_space<vmem>>
          %dma_wait3A_161 = tpu.memref_slice %arg3[%add3A_130] : memref<320000xi32, #tpu.memory_space<hbm>> -> memref<128xi32, #tpu.memory_space<hbm>>
          %dma_wait3A_162 = arith.constant 0 : i32
          %dma_wait3A_163 = tpu.memref_slice %arg9[%run_scoped3A_132, %dma_wait3A_162] : memref<1x128xi32, #tpu.memory_space<vmem>> -> memref<1x128xi32, #tpu.memory_space<vmem>>
          %dma_wait3A_164 = tpu.memref_squeeze %dma_wait3A_163 : memref<1x128xi32, #tpu.memory_space<vmem>> -> memref<128xi32, #tpu.memory_space<vmem>>
          %dma_wait3A_165 = tpu.memref_slice %arg3[%add3A_130] : memref<320000xi32, #tpu.memory_space<hbm>> -> memref<128xi32, #tpu.memory_space<hbm>>
          tpu.wait_dma2 semaphore(%run_scoped3A_149 : memref<!tpu.dma_semaphore, #tpu.memory_space<semaphore_mem>>) src(%dma_wait3A_165 : memref<128xi32, #tpu.memory_space<hbm>>) dst(%dma_wait3A_164 : memref<128xi32, #tpu.memory_space<vmem>>)
          tpu.yield
        }) : () -> ()
        %add3A_133 = arith.constant 2 : i32
        %add3A_134 = arith.addi %mul3A_57, %add3A_133 : i32
        %dma_start3A_135 = arith.constant 0 : i32
        %dma_start3A_136 = arith.constant 0 : i32
        %dma_start3A_137 = tpu.memref_slice %arg7[%dma_start3A_135, %dma_start3A_136] : memref<1x128xi32, #tpu.memory_space<vmem>> -> memref<1x128xi32, #tpu.memory_space<vmem>>
        %dma_start3A_138 = tpu.memref_squeeze %dma_start3A_137 : memref<1x128xi32, #tpu.memory_space<vmem>> -> memref<128xi32, #tpu.memory_space<vmem>>
        %dma_start3A_139 = arith.constant 0 : i32
        %dma_start3A_140 = arith.constant 0 : i32
        %dma_start3A_141 = tpu.memref_slice %arg4[%dma_start3A_139, %dma_start3A_140] : memref<10000x64xf32, #tpu.memory_space<hbm>> -> memref<10000x64xf32, #tpu.memory_space<hbm>>
        tpu.enqueue_indirect_dma source(%dma_start3A_141 : memref<10000x64xf32, #tpu.memory_space<hbm>>) target(%arg13 : memref<128x64xf32, #tpu.memory_space<vmem>>) offsets(%dma_start3A_138 : memref<128xi32, #tpu.memory_space<vmem>>) semaphore(%arg24 : memref<!tpu.dma_semaphore, #tpu.memory_space<semaphore_mem>>)
        %mul3A_142 = arith.constant 128 : i32
        %mul3A_143 = arith.muli %add3A_134, %mul3A_142 : i32
        %add3A_144 = arith.addi %mul3A_2, %mul3A_143 : i32
        %dma_start3A_145 = arith.constant 0 : i32
        %dma_start3A_146 = tpu.memref_slice %arg5[%add3A_144, %dma_start3A_145] : memref<320000x16xf32, #tpu.memory_space<hbm>> -> memref<128x16xf32, #tpu.memory_space<hbm>>
        %dma_start3A_147 = arith.constant 0 : i32
        %dma_start3A_148 = tpu.memref_slice %arg5[%add3A_144, %dma_start3A_147] : memref<320000x16xf32, #tpu.memory_space<hbm>> -> memref<128x16xf32, #tpu.memory_space<hbm>>
        tpu.enqueue_dma source(%dma_start3A_148 : memref<128x16xf32, #tpu.memory_space<hbm>>) target(%arg16 : memref<128x16xf32, #tpu.memory_space<vmem>>) target_semaphore(%arg24 : memref<!tpu.dma_semaphore, #tpu.memory_space<semaphore_mem>>)
      } else {
      }
      %dma_wait3A_103 = arith.constant 0 : i32
      %dma_wait3A_104 = arith.constant 0 : i32
      %dma_wait3A_105 = tpu.memref_slice %arg8[%dma_wait3A_103, %dma_wait3A_104] : memref<1x128xi32, #tpu.memory_space<vmem>> -> memref<1x128xi32, #tpu.memory_space<vmem>>
      %dma_wait3A_106 = tpu.memref_squeeze %dma_wait3A_105 : memref<1x128xi32, #tpu.memory_space<vmem>> -> memref<128xi32, #tpu.memory_space<vmem>>
      %dma_wait3A_107 = arith.constant 0 : i32
      %dma_wait3A_108 = arith.constant 0 : i32
      %dma_wait3A_109 = tpu.memref_slice %arg4[%dma_wait3A_107, %dma_wait3A_108] : memref<10000x64xf32, #tpu.memory_space<hbm>> -> memref<10000x64xf32, #tpu.memory_space<hbm>>
      tpu.wait_indirect_dma semaphore(%arg25 : memref<!tpu.dma_semaphore, #tpu.memory_space<semaphore_mem>>) src(%dma_wait3A_109 : memref<10000x64xf32, #tpu.memory_space<hbm>>) dst(%arg14 : memref<128x64xf32, #tpu.memory_space<vmem>>)
      %mul3A_110 = arith.constant 128 : i32
      %mul3A_111 = arith.muli %add3A_59, %mul3A_110 : i32
      %add3A_112 = arith.addi %mul3A_2, %mul3A_111 : i32
      %dma_wait3A_113 = arith.constant 0 : i32
      %dma_wait3A_114 = tpu.memref_slice %arg5[%add3A_112, %dma_wait3A_113] : memref<320000x16xf32, #tpu.memory_space<hbm>> -> memref<128x16xf32, #tpu.memory_space<hbm>>
      %dma_wait3A_115 = arith.constant 0 : i32
      %dma_wait3A_116 = tpu.memref_slice %arg5[%add3A_112, %dma_wait3A_115] : memref<320000x16xf32, #tpu.memory_space<hbm>> -> memref<128x16xf32, #tpu.memory_space<hbm>>
      tpu.wait_dma2 semaphore(%arg25 : memref<!tpu.dma_semaphore, #tpu.memory_space<semaphore_mem>>) src(%dma_wait3A_116 : memref<128x16xf32, #tpu.memory_space<hbm>>) dst(%arg17 : memref<128x16xf32, #tpu.memory_space<vmem>>)
      %scan3A_117 = arith.constant 0 : i32
      %scan3A_118 = arith.constant 0 : i32
      %scan3A_119 = arith.constant 128 : i32
      %scan3A_120 = arith.addi %scan3A_118, %scan3A_119 : i32
      %scan3A_121 = arith.constant 1 : i32
      %scan3A_122 = scf.for %scan3A_126 = %scan3A_118 to %scan3A_120 step %scan3A_121 iter_args(%scan3A_127 = %scan3A_117) -> (i32)  : i32 {
        %get3A = arith.index_cast %scan3A_126 : i32 to index
        %get3A_128 = arith.constant 0 : index
        %get3A_129 = tpu.vector_load %arg17[%get3A, %get3A_128] {strides = array<i32>} : memref<128x16xf32, #tpu.memory_space<vmem>>, vector<1x16xf32>,
        %get3A_130 = vector.shape_cast %get3A_129 : vector<1x16xf32> to vector<16xf32>
        %slice3A = vector.extract_strided_slice %get3A_130 {offsets = [0], sizes = [1], strides = [1]} : vector<16xf32> to vector<1xf32>
        %squeeze3A = vector.extract %slice3A[0] : f32 from vector<1xf32>
        %broadcast_in_dim3A_131 = vector.broadcast %squeeze3A : f32 to vector<16xf32>
        %slice3A_132 = vector.extract_strided_slice %get3A_130 {offsets = [1], sizes = [1], strides = [1]} : vector<16xf32> to vector<1xf32>
        %squeeze3A_133 = vector.extract %slice3A_132[0] : f32 from vector<1xf32>
        %broadcast_in_dim3A_134 = vector.broadcast %squeeze3A_133 : f32 to vector<16xf32>
        %select_n3A = arith.select %lt3A_13, %broadcast_in_dim3A_131, %broadcast_in_dim3A_134 : vector<16xi1>, vector<16xf32>
        %get3A_135 = arith.index_cast %scan3A_126 : i32 to index
        %get3A_136 = arith.constant 0 : index
        %get3A_137 = tpu.vector_load %arg14[%get3A_135, %get3A_136] {strides = array<i32>} : memref<128x64xf32, #tpu.memory_space<vmem>>, vector<1x16xf32>,
        %get3A_138 = vector.shape_cast %get3A_137 : vector<1x16xf32> to vector<16xf32>
        %mul3A_139 = arith.mulf %get3A_138, %select_n3A : vector<16xf32>
        %swap3A = arith.index_cast %scan3A_126 : i32 to index
        %swap3A_140 = arith.constant 0 : index
        %swap3A_141 = tpu.vector_load %arg20[%swap3A, %swap3A_140] {strides = array<i32>} : memref<128x64xf32, #tpu.memory_space<vmem>>, vector<1x16xf32>,
        %swap3A_142 = vector.shape_cast %swap3A_141 : vector<1x16xf32> to vector<16xf32>
        %swap3A_143 = vector.shape_cast %mul3A_139 : vector<16xf32> to vector<1x16xf32>
        tpu.vector_store %arg20[%swap3A, %swap3A_140], %swap3A_143 {strides = array<i32>} : memref<128x64xf32, #tpu.memory_space<vmem>>, vector<1x16xf32>,
        %slice3A_144 = vector.extract_strided_slice %get3A_130 {offsets = [2], sizes = [1], strides = [1]} : vector<16xf32> to vector<1xf32>
        %squeeze3A_145 = vector.extract %slice3A_144[0] : f32 from vector<1xf32>
        %broadcast_in_dim3A_146 = vector.broadcast %squeeze3A_145 : f32 to vector<16xf32>
        %slice3A_147 = vector.extract_strided_slice %get3A_130 {offsets = [3], sizes = [1], strides = [1]} : vector<16xf32> to vector<1xf32>
        %squeeze3A_148 = vector.extract %slice3A_147[0] : f32 from vector<1xf32>
        %broadcast_in_dim3A_149 = vector.broadcast %squeeze3A_148 : f32 to vector<16xf32>
        %select_n3A_150 = arith.select %lt3A_13, %broadcast_in_dim3A_146, %broadcast_in_dim3A_149 : vector<16xi1>, vector<16xf32>
        %get3A_151 = arith.index_cast %scan3A_126 : i32 to index
        %get3A_152 = arith.constant 16 : index
        %get3A_153 = tpu.vector_load %arg14[%get3A_151, %get3A_152] {strides = array<i32>} : memref<128x64xf32, #tpu.memory_space<vmem>>, vector<1x16xf32>,
        %get3A_154 = vector.shape_cast %get3A_153 : vector<1x16xf32> to vector<16xf32>
        %mul3A_155 = arith.mulf %get3A_154, %select_n3A_150 : vector<16xf32>
        %swap3A_156 = arith.index_cast %scan3A_126 : i32 to index
        %swap3A_157 = arith.constant 16 : index
        %swap3A_158 = tpu.vector_load %arg20[%swap3A_156, %swap3A_157] {strides = array<i32>} : memref<128x64xf32, #tpu.memory_space<vmem>>, vector<1x16xf32>,
        %swap3A_159 = vector.shape_cast %swap3A_158 : vector<1x16xf32> to vector<16xf32>
        %swap3A_160 = vector.shape_cast %mul3A_155 : vector<16xf32> to vector<1x16xf32>
        tpu.vector_store %arg20[%swap3A_156, %swap3A_157], %swap3A_160 {strides = array<i32>} : memref<128x64xf32, #tpu.memory_space<vmem>>, vector<1x16xf32>,
        %slice3A_161 = vector.extract_strided_slice %get3A_130 {offsets = [4], sizes = [1], strides = [1]} : vector<16xf32> to vector<1xf32>
        %squeeze3A_162 = vector.extract %slice3A_161[0] : f32 from vector<1xf32>
        %broadcast_in_dim3A_163 = vector.broadcast %squeeze3A_162 : f32 to vector<16xf32>
        %slice3A_164 = vector.extract_strided_slice %get3A_130 {offsets = [5], sizes = [1], strides = [1]} : vector<16xf32> to vector<1xf32>
        %squeeze3A_165 = vector.extract %slice3A_164[0] : f32 from vector<1xf32>
        %broadcast_in_dim3A_166 = vector.broadcast %squeeze3A_165 : f32 to vector<16xf32>
        %select_n3A_167 = arith.select %lt3A_13, %broadcast_in_dim3A_163, %broadcast_in_dim3A_166 : vector<16xi1>, vector<16xf32>
        %get3A_168 = arith.index_cast %scan3A_126 : i32 to index
        %get3A_169 = arith.constant 32 : index
        %get3A_170 = tpu.vector_load %arg14[%get3A_168, %get3A_169] {strides = array<i32>} : memref<128x64xf32, #tpu.memory_space<vmem>>, vector<1x16xf32>,
        %get3A_171 = vector.shape_cast %get3A_170 : vector<1x16xf32> to vector<16xf32>
        %mul3A_172 = arith.mulf %get3A_171, %select_n3A_167 : vector<16xf32>
        %swap3A_173 = arith.index_cast %scan3A_126 : i32 to index
        %swap3A_174 = arith.constant 32 : index
        %swap3A_175 = tpu.vector_load %arg20[%swap3A_173, %swap3A_174] {strides = array<i32>} : memref<128x64xf32, #tpu.memory_space<vmem>>, vector<1x16xf32>,
        %swap3A_176 = vector.shape_cast %swap3A_175 : vector<1x16xf32> to vector<16xf32>
        %swap3A_177 = vector.shape_cast %mul3A_172 : vector<16xf32> to vector<1x16xf32>
        tpu.vector_store %arg20[%swap3A_173, %swap3A_174], %swap3A_177 {strides = array<i32>} : memref<128x64xf32, #tpu.memory_space<vmem>>, vector<1x16xf32>,
        %slice3A_178 = vector.extract_strided_slice %get3A_130 {offsets = [6], sizes = [1], strides = [1]} : vector<16xf32> to vector<1xf32>
        %squeeze3A_179 = vector.extract %slice3A_178[0] : f32 from vector<1xf32>
        %broadcast_in_dim3A_180 = vector.broadcast %squeeze3A_179 : f32 to vector<16xf32>
        %slice3A_181 = vector.extract_strided_slice %get3A_130 {offsets = [7], sizes = [1], strides = [1]} : vector<16xf32> to vector<1xf32>
        %squeeze3A_182 = vector.extract %slice3A_181[0] : f32 from vector<1xf32>
        %broadcast_in_dim3A_183 = vector.broadcast %squeeze3A_182 : f32 to vector<16xf32>
        %select_n3A_184 = arith.select %lt3A_13, %broadcast_in_dim3A_180, %broadcast_in_dim3A_183 : vector<16xi1>, vector<16xf32>
        %get3A_185 = arith.index_cast %scan3A_126 : i32 to index
        %get3A_186 = arith.constant 48 : index
        %get3A_187 = tpu.vector_load %arg14[%get3A_185, %get3A_186] {strides = array<i32>} : memref<128x64xf32, #tpu.memory_space<vmem>>, vector<1x16xf32>,
        %get3A_188 = vector.shape_cast %get3A_187 : vector<1x16xf32> to vector<16xf32>
        %mul3A_189 = arith.mulf %get3A_188, %select_n3A_184 : vector<16xf32>
        %swap3A_190 = arith.index_cast %scan3A_126 : i32 to index
        %swap3A_191 = arith.constant 48 : index
        %swap3A_192 = tpu.vector_load %arg20[%swap3A_190, %swap3A_191] {strides = array<i32>} : memref<128x64xf32, #tpu.memory_space<vmem>>, vector<1x16xf32>,
        %swap3A_193 = vector.shape_cast %swap3A_192 : vector<1x16xf32> to vector<16xf32>
        %swap3A_194 = vector.shape_cast %mul3A_189 : vector<16xf32> to vector<1x16xf32>
        tpu.vector_store %arg20[%swap3A_190, %swap3A_191], %swap3A_194 {strides = array<i32>} : memref<128x64xf32, #tpu.memory_space<vmem>>, vector<1x16xf32>,
        %scan3A_195 = arith.constant 0 : i32
        scf.yield %scan3A_195 : i32
      }
      %scan3A_123 = arith.constant 128 : i32
      %run_scoped3A_124 = arith.constant 0 : i32
      "tpu.region"() ({
        %run_scoped3A_126 = tpu.sem_alloc : memref<!tpu.dma_semaphore, #tpu.memory_space<semaphore_mem>>
        %dma_start3A_127 = arith.constant 0 : i32
        %dma_start3A_128 = tpu.memref_slice %arg10[%run_scoped3A_124, %dma_start3A_127] : memref<1x128xi32, #tpu.memory_space<vmem>> -> memref<1x128xi32, #tpu.memory_space<vmem>>
        %dma_start3A_129 = tpu.memref_squeeze %dma_start3A_128 : memref<1x128xi32, #tpu.memory_space<vmem>> -> memref<128xi32, #tpu.memory_space<vmem>>
        %dma_start3A_130 = arith.constant 0 : i32
        %dma_start3A_131 = arith.constant 0 : i32
        %dma_start3A_132 = tpu.memref_slice %arg23[%dma_start3A_130, %dma_start3A_131] : memref<10240x64xf32, #tpu.memory_space<vmem_shared>> -> memref<10240x64xf32, #tpu.memory_space<vmem_shared>>
        tpu.enqueue_indirect_dma source(%arg20 : memref<128x64xf32, #tpu.memory_space<vmem>>) target(%dma_start3A_132 : memref<10240x64xf32, #tpu.memory_space<vmem_shared>>) offsets(%dma_start3A_129 : memref<128xi32, #tpu.memory_space<vmem>>) semaphore(%run_scoped3A_126 : memref<!tpu.dma_semaphore, #tpu.memory_space<semaphore_mem>>) {add = true}
        %dma_wait3A_133 = arith.constant 0 : i32
        %dma_wait3A_134 = tpu.memref_slice %arg10[%run_scoped3A_124, %dma_wait3A_133] : memref<1x128xi32, #tpu.memory_space<vmem>> -> memref<1x128xi32, #tpu.memory_space<vmem>>
        %dma_wait3A_135 = tpu.memref_squeeze %dma_wait3A_134 : memref<1x128xi32, #tpu.memory_space<vmem>> -> memref<128xi32, #tpu.memory_space<vmem>>
        %dma_wait3A_136 = arith.constant 0 : i32
        %dma_wait3A_137 = arith.constant 0 : i32
        %dma_wait3A_138 = tpu.memref_slice %arg23[%dma_wait3A_136, %dma_wait3A_137] : memref<10240x64xf32, #tpu.memory_space<vmem_shared>> -> memref<10240x64xf32, #tpu.memory_space<vmem_shared>>
        tpu.wait_indirect_dma semaphore(%run_scoped3A_126 : memref<!tpu.dma_semaphore, #tpu.memory_space<semaphore_mem>>) src(%arg20 : memref<128x64xf32, #tpu.memory_space<vmem>>) dst(%dma_wait3A_138 : memref<10240x64xf32, #tpu.memory_space<vmem_shared>>)
        tpu.yield
      }) : () -> ()
      %scan3A_125 = arith.constant 0 : i32
      scf.yield %scan3A_125 : i32
    }
    %scan3A_35 = arith.constant 39 : i32
    %add3A_36 = arith.constant 9984 : i32
    %add3A_37 = arith.addi %mul3A_2, %add3A_36 : i32
    %run_scoped3A_38 = arith.constant 0 : i32
    "tpu.region"() ({
      %run_scoped3A_54 = tpu.sem_alloc : memref<!tpu.dma_semaphore, #tpu.memory_space<semaphore_mem>>
      %dma_start3A_55 = arith.constant 0 : i32
      %dma_start3A_56 = tpu.memref_slice %arg11[%run_scoped3A_38, %dma_start3A_55] : memref<1x16xi32, #tpu.memory_space<vmem>> -> memref<1x16xi32, #tpu.memory_space<vmem>>
      %dma_start3A_57 = tpu.memref_squeeze %dma_start3A_56 : memref<1x16xi32, #tpu.memory_space<vmem>> -> memref<16xi32, #tpu.memory_space<vmem>>
      %dma_start3A_58 = tpu.memref_slice %arg2[%add3A_37] : memref<320000xi32, #tpu.memory_space<hbm>> -> memref<16xi32, #tpu.memory_space<hbm>>
      %dma_start3A_59 = arith.constant 0 : i32
      %dma_start3A_60 = tpu.memref_slice %arg11[%run_scoped3A_38, %dma_start3A_59] : memref<1x16xi32, #tpu.memory_space<vmem>> -> memref<1x16xi32, #tpu.memory_space<vmem>>
      %dma_start3A_61 = tpu.memref_squeeze %dma_start3A_60 : memref<1x16xi32, #tpu.memory_space<vmem>> -> memref<16xi32, #tpu.memory_space<vmem>>
      %dma_start3A_62 = tpu.memref_slice %arg2[%add3A_37] : memref<320000xi32, #tpu.memory_space<hbm>> -> memref<16xi32, #tpu.memory_space<hbm>>
      tpu.enqueue_dma source(%dma_start3A_62 : memref<16xi32, #tpu.memory_space<hbm>>) target(%dma_start3A_61 : memref<16xi32, #tpu.memory_space<vmem>>) target_semaphore(%run_scoped3A_54 : memref<!tpu.dma_semaphore, #tpu.memory_space<semaphore_mem>>)
      %dma_wait3A = arith.constant 0 : i32
      %dma_wait3A_63 = tpu.memref_slice %arg11[%run_scoped3A_38, %dma_wait3A] : memref<1x16xi32, #tpu.memory_space<vmem>> -> memref<1x16xi32, #tpu.memory_space<vmem>>
      %dma_wait3A_64 = tpu.memref_squeeze %dma_wait3A_63 : memref<1x16xi32, #tpu.memory_space<vmem>> -> memref<16xi32, #tpu.memory_space<vmem>>
      %dma_wait3A_65 = tpu.memref_slice %arg2[%add3A_37] : memref<320000xi32, #tpu.memory_space<hbm>> -> memref<16xi32, #tpu.memory_space<hbm>>
      %dma_wait3A_66 = arith.constant 0 : i32
      %dma_wait3A_67 = tpu.memref_slice %arg11[%run_scoped3A_38, %dma_wait3A_66] : memref<1x16xi32, #tpu.memory_space<vmem>> -> memref<1x16xi32, #tpu.memory_space<vmem>>
      %dma_wait3A_68 = tpu.memref_squeeze %dma_wait3A_67 : memref<1x16xi32, #tpu.memory_space<vmem>> -> memref<16xi32, #tpu.memory_space<vmem>>
      %dma_wait3A_69 = tpu.memref_slice %arg2[%add3A_37] : memref<320000xi32, #tpu.memory_space<hbm>> -> memref<16xi32, #tpu.memory_space<hbm>>
      tpu.wait_dma2 semaphore(%run_scoped3A_54 : memref<!tpu.dma_semaphore, #tpu.memory_space<semaphore_mem>>) src(%dma_wait3A_69 : memref<16xi32, #tpu.memory_space<hbm>>) dst(%dma_wait3A_68 : memref<16xi32, #tpu.memory_space<vmem>>)
      tpu.yield
    }) : () -> ()
    %run_scoped3A_39 = arith.constant 0 : i32
    "tpu.region"() ({
      %run_scoped3A_54 = tpu.sem_alloc : memref<!tpu.dma_semaphore, #tpu.memory_space<semaphore_mem>>
      %dma_start3A_55 = arith.constant 0 : i32
      %dma_start3A_56 = tpu.memref_slice %arg12[%run_scoped3A_39, %dma_start3A_55] : memref<1x16xi32, #tpu.memory_space<vmem>> -> memref<1x16xi32, #tpu.memory_space<vmem>>
      %dma_start3A_57 = tpu.memref_squeeze %dma_start3A_56 : memref<1x16xi32, #tpu.memory_space<vmem>> -> memref<16xi32, #tpu.memory_space<vmem>>
      %dma_start3A_58 = tpu.memref_slice %arg3[%add3A_37] : memref<320000xi32, #tpu.memory_space<hbm>> -> memref<16xi32, #tpu.memory_space<hbm>>
      %dma_start3A_59 = arith.constant 0 : i32
      %dma_start3A_60 = tpu.memref_slice %arg12[%run_scoped3A_39, %dma_start3A_59] : memref<1x16xi32, #tpu.memory_space<vmem>> -> memref<1x16xi32, #tpu.memory_space<vmem>>
      %dma_start3A_61 = tpu.memref_squeeze %dma_start3A_60 : memref<1x16xi32, #tpu.memory_space<vmem>> -> memref<16xi32, #tpu.memory_space<vmem>>
      %dma_start3A_62 = tpu.memref_slice %arg3[%add3A_37] : memref<320000xi32, #tpu.memory_space<hbm>> -> memref<16xi32, #tpu.memory_space<hbm>>
      tpu.enqueue_dma source(%dma_start3A_62 : memref<16xi32, #tpu.memory_space<hbm>>) target(%dma_start3A_61 : memref<16xi32, #tpu.memory_space<vmem>>) target_semaphore(%run_scoped3A_54 : memref<!tpu.dma_semaphore, #tpu.memory_space<semaphore_mem>>)
      %dma_wait3A = arith.constant 0 : i32
      %dma_wait3A_63 = tpu.memref_slice %arg12[%run_scoped3A_39, %dma_wait3A] : memref<1x16xi32, #tpu.memory_space<vmem>> -> memref<1x16xi32, #tpu.memory_space<vmem>>
      %dma_wait3A_64 = tpu.memref_squeeze %dma_wait3A_63 : memref<1x16xi32, #tpu.memory_space<vmem>> -> memref<16xi32, #tpu.memory_space<vmem>>
      %dma_wait3A_65 = tpu.memref_slice %arg3[%add3A_37] : memref<320000xi32, #tpu.memory_space<hbm>> -> memref<16xi32, #tpu.memory_space<hbm>>
      %dma_wait3A_66 = arith.constant 0 : i32
      %dma_wait3A_67 = tpu.memref_slice %arg12[%run_scoped3A_39, %dma_wait3A_66] : memref<1x16xi32, #tpu.memory_space<vmem>> -> memref<1x16xi32, #tpu.memory_space<vmem>>
      %dma_wait3A_68 = tpu.memref_squeeze %dma_wait3A_67 : memref<1x16xi32, #tpu.memory_space<vmem>> -> memref<16xi32, #tpu.memory_space<vmem>>
      %dma_wait3A_69 = tpu.memref_slice %arg3[%add3A_37] : memref<320000xi32, #tpu.memory_space<hbm>> -> memref<16xi32, #tpu.memory_space<hbm>>
      tpu.wait_dma2 semaphore(%run_scoped3A_54 : memref<!tpu.dma_semaphore, #tpu.memory_space<semaphore_mem>>) src(%dma_wait3A_69 : memref<16xi32, #tpu.memory_space<hbm>>) dst(%dma_wait3A_68 : memref<16xi32, #tpu.memory_space<vmem>>)
      tpu.yield
    }) : () -> ()
    %run_scoped3A_40 = arith.constant 0 : i32
    "tpu.region"() ({
      %run_scoped3A_54 = tpu.sem_alloc : memref<!tpu.dma_semaphore, #tpu.memory_space<semaphore_mem>>
      %dma_start3A_55 = arith.constant 0 : i32
      %dma_start3A_56 = tpu.memref_slice %arg11[%run_scoped3A_40, %dma_start3A_55] : memref<1x16xi32, #tpu.memory_space<vmem>> -> memref<1x16xi32, #tpu.memory_space<vmem>>
      %dma_start3A_57 = tpu.memref_squeeze %dma_start3A_56 : memref<1x16xi32, #tpu.memory_space<vmem>> -> memref<16xi32, #tpu.memory_space<vmem>>
      %dma_start3A_58 = arith.constant 0 : i32
      %dma_start3A_59 = arith.constant 0 : i32
      %dma_start3A_60 = tpu.memref_slice %arg4[%dma_start3A_58, %dma_start3A_59] : memref<10000x64xf32, #tpu.memory_space<hbm>> -> memref<10000x64xf32, #tpu.memory_space<hbm>>
      tpu.enqueue_indirect_dma source(%dma_start3A_60 : memref<10000x64xf32, #tpu.memory_space<hbm>>) target(%arg15 : memref<16x64xf32, #tpu.memory_space<vmem>>) offsets(%dma_start3A_57 : memref<16xi32, #tpu.memory_space<vmem>>) semaphore(%run_scoped3A_54 : memref<!tpu.dma_semaphore, #tpu.memory_space<semaphore_mem>>)
      %dma_wait3A = arith.constant 0 : i32
      %dma_wait3A_61 = tpu.memref_slice %arg11[%run_scoped3A_40, %dma_wait3A] : memref<1x16xi32, #tpu.memory_space<vmem>> -> memref<1x16xi32, #tpu.memory_space<vmem>>
      %dma_wait3A_62 = tpu.memref_squeeze %dma_wait3A_61 : memref<1x16xi32, #tpu.memory_space<vmem>> -> memref<16xi32, #tpu.memory_space<vmem>>
      %dma_wait3A_63 = arith.constant 0 : i32
      %dma_wait3A_64 = arith.constant 0 : i32
      %dma_wait3A_65 = tpu.memref_slice %arg4[%dma_wait3A_63, %dma_wait3A_64] : memref<10000x64xf32, #tpu.memory_space<hbm>> -> memref<10000x64xf32, #tpu.memory_space<hbm>>
      tpu.wait_indirect_dma semaphore(%run_scoped3A_54 : memref<!tpu.dma_semaphore, #tpu.memory_space<semaphore_mem>>) src(%dma_wait3A_65 : memref<10000x64xf32, #tpu.memory_space<hbm>>) dst(%arg15 : memref<16x64xf32, #tpu.memory_space<vmem>>)
      tpu.yield
    }) : () -> ()
    "tpu.region"() ({
      %run_scoped3A_54 = tpu.sem_alloc : memref<!tpu.dma_semaphore, #tpu.memory_space<semaphore_mem>>
      %dma_start3A_55 = arith.constant 0 : i32
      %dma_start3A_56 = tpu.memref_slice %arg5[%add3A_37, %dma_start3A_55] : memref<320000x16xf32, #tpu.memory_space<hbm>> -> memref<16x16xf32, #tpu.memory_space<hbm>>
      %dma_start3A_57 = arith.constant 0 : i32
      %dma_start3A_58 = tpu.memref_slice %arg5[%add3A_37, %dma_start3A_57] : memref<320000x16xf32, #tpu.memory_space<hbm>> -> memref<16x16xf32, #tpu.memory_space<hbm>>
      tpu.enqueue_dma source(%dma_start3A_58 : memref<16x16xf32, #tpu.memory_space<hbm>>) target(%arg18 : memref<16x16xf32, #tpu.memory_space<vmem>>) target_semaphore(%run_scoped3A_54 : memref<!tpu.dma_semaphore, #tpu.memory_space<semaphore_mem>>)
      %dma_wait3A = arith.constant 0 : i32
      %dma_wait3A_59 = tpu.memref_slice %arg5[%add3A_37, %dma_wait3A] : memref<320000x16xf32, #tpu.memory_space<hbm>> -> memref<16x16xf32, #tpu.memory_space<hbm>>
      %dma_wait3A_60 = arith.constant 0 : i32
      %dma_wait3A_61 = tpu.memref_slice %arg5[%add3A_37, %dma_wait3A_60] : memref<320000x16xf32, #tpu.memory_space<hbm>> -> memref<16x16xf32, #tpu.memory_space<hbm>>
      tpu.wait_dma2 semaphore(%run_scoped3A_54 : memref<!tpu.dma_semaphore, #tpu.memory_space<semaphore_mem>>) src(%dma_wait3A_61 : memref<16x16xf32, #tpu.memory_space<hbm>>) dst(%arg18 : memref<16x16xf32, #tpu.memory_space<vmem>>)
      tpu.yield
    }) : () -> ()
    %scan3A_41 = arith.constant 0 : i32
    %scan3A_42 = arith.constant 0 : i32
    %scan3A_43 = arith.constant 16 : i32
    %scan3A_44 = arith.addi %scan3A_42, %scan3A_43 : i32
    %scan3A_45 = arith.constant 1 : i32
    %scan3A_46 = scf.for %scan3A_54 = %scan3A_42 to %scan3A_44 step %scan3A_45 iter_args(%scan3A_55 = %scan3A_41) -> (i32)  : i32 {
      %get3A = arith.index_cast %scan3A_54 : i32 to index
      %get3A_56 = arith.constant 0 : index
      %get3A_57 = tpu.vector_load %arg18[%get3A, %get3A_56] {strides = array<i32>} : memref<16x16xf32, #tpu.memory_space<vmem>>, vector<1x16xf32>,
      %get3A_58 = vector.shape_cast %get3A_57 : vector<1x16xf32> to vector<16xf32>
      %slice3A = vector.extract_strided_slice %get3A_58 {offsets = [0], sizes = [1], strides = [1]} : vector<16xf32> to vector<1xf32>
      %squeeze3A = vector.extract %slice3A[0] : f32 from vector<1xf32>
      %broadcast_in_dim3A_59 = vector.broadcast %squeeze3A : f32 to vector<16xf32>
      %slice3A_60 = vector.extract_strided_slice %get3A_58 {offsets = [1], sizes = [1], strides = [1]} : vector<16xf32> to vector<1xf32>
      %squeeze3A_61 = vector.extract %slice3A_60[0] : f32 from vector<1xf32>
      %broadcast_in_dim3A_62 = vector.broadcast %squeeze3A_61 : f32 to vector<16xf32>
      %select_n3A = arith.select %lt3A_13, %broadcast_in_dim3A_59, %broadcast_in_dim3A_62 : vector<16xi1>, vector<16xf32>
      %get3A_63 = arith.index_cast %scan3A_54 : i32 to index
      %get3A_64 = arith.constant 0 : index
      %get3A_65 = tpu.vector_load %arg15[%get3A_63, %get3A_64] {strides = array<i32>} : memref<16x64xf32, #tpu.memory_space<vmem>>, vector<1x16xf32>,
      %get3A_66 = vector.shape_cast %get3A_65 : vector<1x16xf32> to vector<16xf32>
      %mul3A_67 = arith.mulf %get3A_66, %select_n3A : vector<16xf32>
      %swap3A = arith.index_cast %scan3A_54 : i32 to index
      %swap3A_68 = arith.constant 0 : index
      %swap3A_69 = tpu.vector_load %arg21[%swap3A, %swap3A_68] {strides = array<i32>} : memref<16x64xf32, #tpu.memory_space<vmem>>, vector<1x16xf32>,
      %swap3A_70 = vector.shape_cast %swap3A_69 : vector<1x16xf32> to vector<16xf32>
      %swap3A_71 = vector.shape_cast %mul3A_67 : vector<16xf32> to vector<1x16xf32>
      tpu.vector_store %arg21[%swap3A, %swap3A_68], %swap3A_71 {strides = array<i32>} : memref<16x64xf32, #tpu.memory_space<vmem>>, vector<1x16xf32>,
      %slice3A_72 = vector.extract_strided_slice %get3A_58 {offsets = [2], sizes = [1], strides = [1]} : vector<16xf32> to vector<1xf32>
      %squeeze3A_73 = vector.extract %slice3A_72[0] : f32 from vector<1xf32>
      %broadcast_in_dim3A_74 = vector.broadcast %squeeze3A_73 : f32 to vector<16xf32>
      %slice3A_75 = vector.extract_strided_slice %get3A_58 {offsets = [3], sizes = [1], strides = [1]} : vector<16xf32> to vector<1xf32>
      %squeeze3A_76 = vector.extract %slice3A_75[0] : f32 from vector<1xf32>
      %broadcast_in_dim3A_77 = vector.broadcast %squeeze3A_76 : f32 to vector<16xf32>
      %select_n3A_78 = arith.select %lt3A_13, %broadcast_in_dim3A_74, %broadcast_in_dim3A_77 : vector<16xi1>, vector<16xf32>
      %get3A_79 = arith.index_cast %scan3A_54 : i32 to index
      %get3A_80 = arith.constant 16 : index
      %get3A_81 = tpu.vector_load %arg15[%get3A_79, %get3A_80] {strides = array<i32>} : memref<16x64xf32, #tpu.memory_space<vmem>>, vector<1x16xf32>,
      %get3A_82 = vector.shape_cast %get3A_81 : vector<1x16xf32> to vector<16xf32>
      %mul3A_83 = arith.mulf %get3A_82, %select_n3A_78 : vector<16xf32>
      %swap3A_84 = arith.index_cast %scan3A_54 : i32 to index
      %swap3A_85 = arith.constant 16 : index
      %swap3A_86 = tpu.vector_load %arg21[%swap3A_84, %swap3A_85] {strides = array<i32>} : memref<16x64xf32, #tpu.memory_space<vmem>>, vector<1x16xf32>,
      %swap3A_87 = vector.shape_cast %swap3A_86 : vector<1x16xf32> to vector<16xf32>
      %swap3A_88 = vector.shape_cast %mul3A_83 : vector<16xf32> to vector<1x16xf32>
      tpu.vector_store %arg21[%swap3A_84, %swap3A_85], %swap3A_88 {strides = array<i32>} : memref<16x64xf32, #tpu.memory_space<vmem>>, vector<1x16xf32>,
      %slice3A_89 = vector.extract_strided_slice %get3A_58 {offsets = [4], sizes = [1], strides = [1]} : vector<16xf32> to vector<1xf32>
      %squeeze3A_90 = vector.extract %slice3A_89[0] : f32 from vector<1xf32>
      %broadcast_in_dim3A_91 = vector.broadcast %squeeze3A_90 : f32 to vector<16xf32>
      %slice3A_92 = vector.extract_strided_slice %get3A_58 {offsets = [5], sizes = [1], strides = [1]} : vector<16xf32> to vector<1xf32>
      %squeeze3A_93 = vector.extract %slice3A_92[0] : f32 from vector<1xf32>
      %broadcast_in_dim3A_94 = vector.broadcast %squeeze3A_93 : f32 to vector<16xf32>
      %select_n3A_95 = arith.select %lt3A_13, %broadcast_in_dim3A_91, %broadcast_in_dim3A_94 : vector<16xi1>, vector<16xf32>
      %get3A_96 = arith.index_cast %scan3A_54 : i32 to index
      %get3A_97 = arith.constant 32 : index
      %get3A_98 = tpu.vector_load %arg15[%get3A_96, %get3A_97] {strides = array<i32>} : memref<16x64xf32, #tpu.memory_space<vmem>>, vector<1x16xf32>,
      %get3A_99 = vector.shape_cast %get3A_98 : vector<1x16xf32> to vector<16xf32>
      %mul3A_100 = arith.mulf %get3A_99, %select_n3A_95 : vector<16xf32>
      %swap3A_101 = arith.index_cast %scan3A_54 : i32 to index
      %swap3A_102 = arith.constant 32 : index
      %swap3A_103 = tpu.vector_load %arg21[%swap3A_101, %swap3A_102] {strides = array<i32>} : memref<16x64xf32, #tpu.memory_space<vmem>>, vector<1x16xf32>,
      %swap3A_104 = vector.shape_cast %swap3A_103 : vector<1x16xf32> to vector<16xf32>
      %swap3A_105 = vector.shape_cast %mul3A_100 : vector<16xf32> to vector<1x16xf32>
      tpu.vector_store %arg21[%swap3A_101, %swap3A_102], %swap3A_105 {strides = array<i32>} : memref<16x64xf32, #tpu.memory_space<vmem>>, vector<1x16xf32>,
      %slice3A_106 = vector.extract_strided_slice %get3A_58 {offsets = [6], sizes = [1], strides = [1]} : vector<16xf32> to vector<1xf32>
      %squeeze3A_107 = vector.extract %slice3A_106[0] : f32 from vector<1xf32>
      %broadcast_in_dim3A_108 = vector.broadcast %squeeze3A_107 : f32 to vector<16xf32>
      %slice3A_109 = vector.extract_strided_slice %get3A_58 {offsets = [7], sizes = [1], strides = [1]} : vector<16xf32> to vector<1xf32>
      %squeeze3A_110 = vector.extract %slice3A_109[0] : f32 from vector<1xf32>
      %broadcast_in_dim3A_111 = vector.broadcast %squeeze3A_110 : f32 to vector<16xf32>
      %select_n3A_112 = arith.select %lt3A_13, %broadcast_in_dim3A_108, %broadcast_in_dim3A_111 : vector<16xi1>, vector<16xf32>
      %get3A_113 = arith.index_cast %scan3A_54 : i32 to index
      %get3A_114 = arith.constant 48 : index
      %get3A_115 = tpu.vector_load %arg15[%get3A_113, %get3A_114] {strides = array<i32>} : memref<16x64xf32, #tpu.memory_space<vmem>>, vector<1x16xf32>,
      %get3A_116 = vector.shape_cast %get3A_115 : vector<1x16xf32> to vector<16xf32>
      %mul3A_117 = arith.mulf %get3A_116, %select_n3A_112 : vector<16xf32>
      %swap3A_118 = arith.index_cast %scan3A_54 : i32 to index
      %swap3A_119 = arith.constant 48 : index
      %swap3A_120 = tpu.vector_load %arg21[%swap3A_118, %swap3A_119] {strides = array<i32>} : memref<16x64xf32, #tpu.memory_space<vmem>>, vector<1x16xf32>,
      %swap3A_121 = vector.shape_cast %swap3A_120 : vector<1x16xf32> to vector<16xf32>
      %swap3A_122 = vector.shape_cast %mul3A_117 : vector<16xf32> to vector<1x16xf32>
      tpu.vector_store %arg21[%swap3A_118, %swap3A_119], %swap3A_122 {strides = array<i32>} : memref<16x64xf32, #tpu.memory_space<vmem>>, vector<1x16xf32>,
      %scan3A_123 = arith.constant 0 : i32
      scf.yield %scan3A_123 : i32
    }
    %scan3A_47 = arith.constant 16 : i32
    %run_scoped3A_48 = arith.constant 0 : i32
    "tpu.region"() ({
      %run_scoped3A_54 = tpu.sem_alloc : memref<!tpu.dma_semaphore, #tpu.memory_space<semaphore_mem>>
      %dma_start3A_55 = arith.constant 0 : i32
      %dma_start3A_56 = tpu.memref_slice %arg12[%run_scoped3A_48, %dma_start3A_55] : memref<1x16xi32, #tpu.memory_space<vmem>> -> memref<1x16xi32, #tpu.memory_space<vmem>>
      %dma_start3A_57 = tpu.memref_squeeze %dma_start3A_56 : memref<1x16xi32, #tpu.memory_space<vmem>> -> memref<16xi32, #tpu.memory_space<vmem>>
      %dma_start3A_58 = arith.constant 0 : i32
      %dma_start3A_59 = arith.constant 0 : i32
      %dma_start3A_60 = tpu.memref_slice %arg23[%dma_start3A_58, %dma_start3A_59] : memref<10240x64xf32, #tpu.memory_space<vmem_shared>> -> memref<10240x64xf32, #tpu.memory_space<vmem_shared>>
      tpu.enqueue_indirect_dma source(%arg21 : memref<16x64xf32, #tpu.memory_space<vmem>>) target(%dma_start3A_60 : memref<10240x64xf32, #tpu.memory_space<vmem_shared>>) offsets(%dma_start3A_57 : memref<16xi32, #tpu.memory_space<vmem>>) semaphore(%run_scoped3A_54 : memref<!tpu.dma_semaphore, #tpu.memory_space<semaphore_mem>>) {add = true}
      %dma_wait3A = arith.constant 0 : i32
      %dma_wait3A_61 = tpu.memref_slice %arg12[%run_scoped3A_48, %dma_wait3A] : memref<1x16xi32, #tpu.memory_space<vmem>> -> memref<1x16xi32, #tpu.memory_space<vmem>>
      %dma_wait3A_62 = tpu.memref_squeeze %dma_wait3A_61 : memref<1x16xi32, #tpu.memory_space<vmem>> -> memref<16xi32, #tpu.memory_space<vmem>>
      %dma_wait3A_63 = arith.constant 0 : i32
      %dma_wait3A_64 = arith.constant 0 : i32
      %dma_wait3A_65 = tpu.memref_slice %arg23[%dma_wait3A_63, %dma_wait3A_64] : memref<10240x64xf32, #tpu.memory_space<vmem_shared>> -> memref<10240x64xf32, #tpu.memory_space<vmem_shared>>
      tpu.wait_indirect_dma semaphore(%run_scoped3A_54 : memref<!tpu.dma_semaphore, #tpu.memory_space<semaphore_mem>>) src(%arg21 : memref<16x64xf32, #tpu.memory_space<vmem>>) dst(%dma_wait3A_65 : memref<10240x64xf32, #tpu.memory_space<vmem_shared>>)
      tpu.yield
    }) : () -> ()
    %barrier3A_49 = arith.constant 0 : index
    tpu.barrier barrier_id(%barrier3A_49)
    %mul3A_50 = arith.constant 640 : i32
    %mul3A_51 = arith.muli %arg1, %mul3A_50 : i32
    %mul3A_52 = arith.constant 640 : i32
    %mul3A_53 = arith.muli %arg1, %mul3A_52 : i32
    "tpu.region"() ({
      %run_scoped3A_54 = tpu.sem_alloc : memref<!tpu.dma_semaphore, #tpu.memory_space<semaphore_mem>>
      %dma_start3A_55 = arith.constant 0 : i32
      %dma_start3A_56 = tpu.memref_slice %arg6[%arg0, %mul3A_53, %dma_start3A_55] : memref<2x10240x64xf32, #tpu.memory_space<hbm>> -> memref<1x640x64xf32, #tpu.memory_space<hbm>>
      %dma_start3A_57 = tpu.memref_squeeze %dma_start3A_56 : memref<1x640x64xf32, #tpu.memory_space<hbm>> -> memref<640x64xf32, #tpu.memory_space<hbm>>
      %dma_start3A_58 = arith.constant 0 : i32
      %dma_start3A_59 = tpu.memref_slice %arg23[%mul3A_51, %dma_start3A_58] : memref<10240x64xf32, #tpu.memory_space<vmem_shared>> -> memref<640x64xf32, #tpu.memory_space<vmem_shared>>
      tpu.enqueue_dma source(%dma_start3A_59 : memref<640x64xf32, #tpu.memory_space<vmem_shared>>) target(%dma_start3A_57 : memref<640x64xf32, #tpu.memory_space<hbm>>) target_semaphore(%run_scoped3A_54 : memref<!tpu.dma_semaphore, #tpu.memory_space<semaphore_mem>>)
      %dma_wait3A = arith.constant 0 : i32
      %dma_wait3A_60 = tpu.memref_slice %arg6[%arg0, %mul3A_53, %dma_wait3A] : memref<2x10240x64xf32, #tpu.memory_space<hbm>> -> memref<1x640x64xf32, #tpu.memory_space<hbm>>
      %dma_wait3A_61 = tpu.memref_squeeze %dma_wait3A_60 : memref<1x640x64xf32, #tpu.memory_space<hbm>> -> memref<640x64xf32, #tpu.memory_space<hbm>>
      %dma_wait3A_62 = arith.constant 0 : i32
      %dma_wait3A_63 = tpu.memref_slice %arg23[%mul3A_51, %dma_wait3A_62] : memref<10240x64xf32, #tpu.memory_space<vmem_shared>> -> memref<640x64xf32, #tpu.memory_space<vmem_shared>>
      tpu.wait_dma2 semaphore(%run_scoped3A_54 : memref<!tpu.dma_semaphore, #tpu.memory_space<semaphore_mem>>) src(%dma_wait3A_63 : memref<640x64xf32, #tpu.memory_space<vmem_shared>>) dst(%dma_wait3A_61 : memref<640x64xf32, #tpu.memory_space<hbm>>)
      tpu.yield
    }) : () -> ()
    return
  }
}

#map = affine_map<(d0, d1) -> (0)>
#map1 = affine_map<(d0, d1) -> (0, 0)>
#map2 = affine_map<(d0, d1) -> (0, 0, 0)>
module attributes {stable_mosaic.version = 14 : i64} {
  func.func @body(%arg0: i32, %arg1: i32, %arg2: memref<320000xi32, #tpu.memory_space<hbm>>, %arg3: memref<320000xi32, #tpu.memory_space<hbm>>, %arg4: memref<10000x64xf32, #tpu.memory_space<hbm>>, %arg5: memref<320000x16xf32, #tpu.memory_space<hbm>>, %arg6: memref<2x10240x64xf32, #tpu.memory_space<hbm>>, %arg7: memref<1x128xi32, #tpu.memory_space<vmem>>, %arg8: memref<1x128xi32, #tpu.memory_space<vmem>>, %arg9: memref<1x128xi32, #tpu.memory_space<vmem>>, %arg10: memref<1x128xi32, #tpu.memory_space<vmem>>, %arg11: memref<1x16xi32, #tpu.memory_space<vmem>>, %arg12: memref<1x16xi32, #tpu.memory_space<vmem>>, %arg13: memref<128x64xf32, #tpu.memory_space<vmem>>, %arg14: memref<128x64xf32, #tpu.memory_space<vmem>>, %arg15: memref<16x64xf32, #tpu.memory_space<vmem>>, %arg16: memref<128x16xf32, #tpu.memory_space<vmem>>, %arg17: memref<128x16xf32, #tpu.memory_space<vmem>>, %arg18: memref<16x16xf32, #tpu.memory_space<vmem>>, %arg19: memref<128x64xf32, #tpu.memory_space<vmem>>, %arg20: memref<128x64xf32, #tpu.memory_space<vmem>>, %arg21: memref<16x64xf32, #tpu.memory_space<vmem>>, %arg22: memref<640x64xf32, #tpu.memory_space<vmem>>, %arg23: memref<10240x64xf32, #tpu.memory_space<vmem_shared>>, %arg24: memref<!tpu.dma_semaphore, #tpu.memory_space<semaphore_mem>>, %arg25: memref<!tpu.dma_semaphore, #tpu.memory_space<semaphore_mem>>) attributes {dimension_semantics = [#tpu.dimension_semantics<core_parallel>, #tpu.dimension_semantics<subcore_parallel>], iteration_bounds = array<i64: 2, 16>, scalar_prefetch = 0 : i64, scratch_operands = 19 : i64, tpu.core_type = #tpu.core_type<sc_vector_subcore>, window_params = [{transform_indices = #map}, {transform_indices = #map}, {transform_indices = #map1}, {transform_indices = #map1}, {transform_indices = #map2}]} {
    %mul3A = arith.constant 2 : i32
    %mul3A_0 = arith.muli %arg1, %mul3A : i32
    %add3A = arith.addi %mul3A_0, %arg0 : i32
    %mul3A_1 = arith.constant 10000 : i32
    %mul3A_2 = arith.muli %add3A, %mul3A_1 : i32
    %broadcast_in_dim3A = arith.constant 0.000000e+00 : f32
    %broadcast_in_dim3A_3 = vector.broadcast %broadcast_in_dim3A : f32 to vector<16xf32>
    %scan3A = arith.constant 0 : i32
    %scan3A_4 = arith.constant 0 : i32
    %scan3A_5 = arith.constant 640 : i32
    %scan3A_6 = arith.addi %scan3A_4, %scan3A_5 : i32
    %scan3A_7 = arith.constant 1 : i32
    %scan3A_8 = scf.for %scan3A_54 = %scan3A_4 to %scan3A_6 step %scan3A_7 iter_args(%scan3A_55 = %scan3A) -> (i32)  : i32 {
      %swap3A = arith.index_cast %scan3A_54 : i32 to index
      %swap3A_56 = arith.constant 0 : index
      %swap3A_57 = tpu.vector_load %arg22[%swap3A, %swap3A_56] {strides = array<i32>} : memref<640x64xf32, #tpu.memory_space<vmem>>, vector<1x16xf32>,
      %swap3A_58 = vector.shape_cast %swap3A_57 : vector<1x16xf32> to vector<16xf32>
      %swap3A_59 = vector.shape_cast %broadcast_in_dim3A_3 : vector<16xf32> to vector<1x16xf32>
      tpu.vector_store %arg22[%swap3A, %swap3A_56], %swap3A_59 {strides = array<i32>} : memref<640x64xf32, #tpu.memory_space<vmem>>, vector<1x16xf32>,
      %swap3A_60 = arith.index_cast %scan3A_54 : i32 to index
      %swap3A_61 = arith.constant 16 : index
      %swap3A_62 = tpu.vector_load %arg22[%swap3A_60, %swap3A_61] {strides = array<i32>} : memref<640x64xf32, #tpu.memory_space<vmem>>, vector<1x16xf32>,
      %swap3A_63 = vector.shape_cast %swap3A_62 : vector<1x16xf32> to vector<16xf32>
      %swap3A_64 = vector.shape_cast %broadcast_in_dim3A_3 : vector<16xf32> to vector<1x16xf32>
      tpu.vector_store %arg22[%swap3A_60, %swap3A_61], %swap3A_64 {strides = array<i32>} : memref<640x64xf32, #tpu.memory_space<vmem>>, vector<1x16xf32>,
      %swap3A_65 = arith.index_cast %scan3A_54 : i32 to index
      %swap3A_66 = arith.constant 32 : index
      %swap3A_67 = tpu.vector_load %arg22[%swap3A_65, %swap3A_66] {strides = array<i32>} : memref<640x64xf32, #tpu.memory_space<vmem>>, vector<1x16xf32>,
      %swap3A_68 = vector.shape_cast %swap3A_67 : vector<1x16xf32> to vector<16xf32>
      %swap3A_69 = vector.shape_cast %broadcast_in_dim3A_3 : vector<16xf32> to vector<1x16xf32>
      tpu.vector_store %arg22[%swap3A_65, %swap3A_66], %swap3A_69 {strides = array<i32>} : memref<640x64xf32, #tpu.memory_space<vmem>>, vector<1x16xf32>,
      %swap3A_70 = arith.index_cast %scan3A_54 : i32 to index
      %swap3A_71 = arith.constant 48 : index
      %swap3A_72 = tpu.vector_load %arg22[%swap3A_70, %swap3A_71] {strides = array<i32>} : memref<640x64xf32, #tpu.memory_space<vmem>>, vector<1x16xf32>,
      %swap3A_73 = vector.shape_cast %swap3A_72 : vector<1x16xf32> to vector<16xf32>
      %swap3A_74 = vector.shape_cast %broadcast_in_dim3A_3 : vector<16xf32> to vector<1x16xf32>
      tpu.vector_store %arg22[%swap3A_70, %swap3A_71], %swap3A_74 {strides = array<i32>} : memref<640x64xf32, #tpu.memory_space<vmem>>, vector<1x16xf32>,
      %scan3A_75 = arith.constant 0 : i32
      scf.yield %scan3A_75 : i32
    }
    %scan3A_9 = arith.constant 640 : i32
    %mul3A_10 = arith.constant 640 : i32
    %mul3A_11 = arith.muli %arg1, %mul3A_10 : i32
    "tpu.region"() ({
      %run_scoped3A_54 = tpu.sem_alloc : memref<!tpu.dma_semaphore, #tpu.memory_space<semaphore_mem>>
      %dma_start3A_55 = arith.constant 0 : i32
      %dma_start3A_56 = tpu.memref_slice %arg23[%mul3A_11, %dma_start3A_55] : memref<10240x64xf32, #tpu.memory_space<vmem_shared>> -> memref<640x64xf32, #tpu.memory_space<vmem_shared>>
      %dma_start3A_57 = arith.constant 0 : i32
      %dma_start3A_58 = tpu.memref_slice %arg23[%mul3A_11, %dma_start3A_57] : memref<10240x64xf32, #tpu.memory_space<vmem_shared>> -> memref<640x64xf32, #tpu.memory_space<vmem_shared>>
      tpu.enqueue_dma source(%arg22 : memref<640x64xf32, #tpu.memory_space<vmem>>) target(%dma_start3A_58 : memref<640x64xf32, #tpu.memory_space<vmem_shared>>) target_semaphore(%run_scoped3A_54 : memref<!tpu.dma_semaphore, #tpu.memory_space<semaphore_mem>>)
      %dma_wait3A = arith.constant 0 : i32
      %dma_wait3A_59 = tpu.memref_slice %arg23[%mul3A_11, %dma_wait3A] : memref<10240x64xf32, #tpu.memory_space<vmem_shared>> -> memref<640x64xf32, #tpu.memory_space<vmem_shared>>
      %dma_wait3A_60 = arith.constant 0 : i32
      %dma_wait3A_61 = tpu.memref_slice %arg23[%mul3A_11, %dma_wait3A_60] : memref<10240x64xf32, #tpu.memory_space<vmem_shared>> -> memref<640x64xf32, #tpu.memory_space<vmem_shared>>
      tpu.wait_dma2 semaphore(%run_scoped3A_54 : memref<!tpu.dma_semaphore, #tpu.memory_space<semaphore_mem>>) src(%arg22 : memref<640x64xf32, #tpu.memory_space<vmem>>) dst(%dma_wait3A_61 : memref<640x64xf32, #tpu.memory_space<vmem_shared>>)
      tpu.yield
    }) : () -> ()
    %barrier3A = arith.constant 0 : index
    tpu.barrier barrier_id(%barrier3A)
    %iota3A = tpu.iota {dimensions = array<i32: 0>} : vector<16xi32>
    %lt3A = arith.constant 8 : i32
    %lt3A_12 = vector.broadcast %lt3A : i32 to vector<16xi32>
    %lt3A_13 = arith.cmpi slt, %iota3A, %lt3A_12 : vector<16xi32>
    %add3A_14 = arith.constant 0 : i32
    %add3A_15 = arith.addi %mul3A_2, %add3A_14 : i32
    %run_scoped3A = arith.constant 0 : i32
    "tpu.region"() ({
      %run_scoped3A_54 = tpu.sem_alloc : memref<!tpu.dma_semaphore, #tpu.memory_space<semaphore_mem>>
      %dma_start3A_55 = arith.constant 0 : i32
      %dma_start3A_56 = tpu.memref_slice %arg7[%run_scoped3A, %dma_start3A_55] : memref<1x128xi32, #tpu.memory_space<vmem>> -> memref<1x128xi32, #tpu.memory_space<vmem>>
      %dma_start3A_57 = tpu.memref_squeeze %dma_start3A_56 : memref<1x128xi32, #tpu.memory_space<vmem>> -> memref<128xi32, #tpu.memory_space<vmem>>
      %dma_start3A_58 = tpu.memref_slice %arg2[%add3A_15] : memref<320000xi32, #tpu.memory_space<hbm>> -> memref<128xi32, #tpu.memory_space<hbm>>
      %dma_start3A_59 = arith.constant 0 : i32
      %dma_start3A_60 = tpu.memref_slice %arg7[%run_scoped3A, %dma_start3A_59] : memref<1x128xi32, #tpu.memory_space<vmem>> -> memref<1x128xi32, #tpu.memory_space<vmem>>
      %dma_start3A_61 = tpu.memref_squeeze %dma_start3A_60 : memref<1x128xi32, #tpu.memory_space<vmem>> -> memref<128xi32, #tpu.memory_space<vmem>>
      %dma_start3A_62 = tpu.memref_slice %arg2[%add3A_15] : memref<320000xi32, #tpu.memory_space<hbm>> -> memref<128xi32, #tpu.memory_space<hbm>>
      tpu.enqueue_dma source(%dma_start3A_62 : memref<128xi32, #tpu.memory_space<hbm>>) target(%dma_start3A_61 : memref<128xi32, #tpu.memory_space<vmem>>) target_semaphore(%run_scoped3A_54 : memref<!tpu.dma_semaphore, #tpu.memory_space<semaphore_mem>>)
      %dma_wait3A = arith.constant 0 : i32
      %dma_wait3A_63 = tpu.memref_slice %arg7[%run_scoped3A, %dma_wait3A] : memref<1x128xi32, #tpu.memory_space<vmem>> -> memref<1x128xi32, #tpu.memory_space<vmem>>
      %dma_wait3A_64 = tpu.memref_squeeze %dma_wait3A_63 : memref<1x128xi32, #tpu.memory_space<vmem>> -> memref<128xi32, #tpu.memory_space<vmem>>
      %dma_wait3A_65 = tpu.memref_slice %arg2[%add3A_15] : memref<320000xi32, #tpu.memory_space<hbm>> -> memref<128xi32, #tpu.memory_space<hbm>>
      %dma_wait3A_66 = arith.constant 0 : i32
      %dma_wait3A_67 = tpu.memref_slice %arg7[%run_scoped3A, %dma_wait3A_66] : memref<1x128xi32, #tpu.memory_space<vmem>> -> memref<1x128xi32, #tpu.memory_space<vmem>>
      %dma_wait3A_68 = tpu.memref_squeeze %dma_wait3A_67 : memref<1x128xi32, #tpu.memory_space<vmem>> -> memref<128xi32, #tpu.memory_space<vmem>>
      %dma_wait3A_69 = tpu.memref_slice %arg2[%add3A_15] : memref<320000xi32, #tpu.memory_space<hbm>> -> memref<128xi32, #tpu.memory_space<hbm>>
      tpu.wait_dma2 semaphore(%run_scoped3A_54 : memref<!tpu.dma_semaphore, #tpu.memory_space<semaphore_mem>>) src(%dma_wait3A_69 : memref<128xi32, #tpu.memory_space<hbm>>) dst(%dma_wait3A_68 : memref<128xi32, #tpu.memory_space<vmem>>)
      tpu.yield
    }) : () -> ()
    %run_scoped3A_16 = arith.constant 0 : i32
    "tpu.region"() ({
      %run_scoped3A_54 = tpu.sem_alloc : memref<!tpu.dma_semaphore, #tpu.memory_space<semaphore_mem>>
      %dma_start3A_55 = arith.constant 0 : i32
      %dma_start3A_56 = tpu.memref_slice %arg9[%run_scoped3A_16, %dma_start3A_55] : memref<1x128xi32, #tpu.memory_space<vmem>> -> memref<1x128xi32, #tpu.memory_space<vmem>>
      %dma_start3A_57 = tpu.memref_squeeze %dma_start3A_56 : memref<1x128xi32, #tpu.memory_space<vmem>> -> memref<128xi32, #tpu.memory_space<vmem>>
      %dma_start3A_58 = tpu.memref_slice %arg3[%add3A_15] : memref<320000xi32, #tpu.memory_space<hbm>> -> memref<128xi32, #tpu.memory_space<hbm>>
      %dma_start3A_59 = arith.constant 0 : i32
      %dma_start3A_60 = tpu.memref_slice %arg9[%run_scoped3A_16, %dma_start3A_59] : memref<1x128xi32, #tpu.memory_space<vmem>> -> memref<1x128xi32, #tpu.memory_space<vmem>>
      %dma_start3A_61 = tpu.memref_squeeze %dma_start3A_60 : memref<1x128xi32, #tpu.memory_space<vmem>> -> memref<128xi32, #tpu.memory_space<vmem>>
      %dma_start3A_62 = tpu.memref_slice %arg3[%add3A_15] : memref<320000xi32, #tpu.memory_space<hbm>> -> memref<128xi32, #tpu.memory_space<hbm>>
      tpu.enqueue_dma source(%dma_start3A_62 : memref<128xi32, #tpu.memory_space<hbm>>) target(%dma_start3A_61 : memref<128xi32, #tpu.memory_space<vmem>>) target_semaphore(%run_scoped3A_54 : memref<!tpu.dma_semaphore, #tpu.memory_space<semaphore_mem>>)
      %dma_wait3A = arith.constant 0 : i32
      %dma_wait3A_63 = tpu.memref_slice %arg9[%run_scoped3A_16, %dma_wait3A] : memref<1x128xi32, #tpu.memory_space<vmem>> -> memref<1x128xi32, #tpu.memory_space<vmem>>
      %dma_wait3A_64 = tpu.memref_squeeze %dma_wait3A_63 : memref<1x128xi32, #tpu.memory_space<vmem>> -> memref<128xi32, #tpu.memory_space<vmem>>
      %dma_wait3A_65 = tpu.memref_slice %arg3[%add3A_15] : memref<320000xi32, #tpu.memory_space<hbm>> -> memref<128xi32, #tpu.memory_space<hbm>>
      %dma_wait3A_66 = arith.constant 0 : i32
      %dma_wait3A_67 = tpu.memref_slice %arg9[%run_scoped3A_16, %dma_wait3A_66] : memref<1x128xi32, #tpu.memory_space<vmem>> -> memref<1x128xi32, #tpu.memory_space<vmem>>
      %dma_wait3A_68 = tpu.memref_squeeze %dma_wait3A_67 : memref<1x128xi32, #tpu.memory_space<vmem>> -> memref<128xi32, #tpu.memory_space<vmem>>
      %dma_wait3A_69 = tpu.memref_slice %arg3[%add3A_15] : memref<320000xi32, #tpu.memory_space<hbm>> -> memref<128xi32, #tpu.memory_space<hbm>>
      tpu.wait_dma2 semaphore(%run_scoped3A_54 : memref<!tpu.dma_semaphore, #tpu.memory_space<semaphore_mem>>) src(%dma_wait3A_69 : memref<128xi32, #tpu.memory_space<hbm>>) dst(%dma_wait3A_68 : memref<128xi32, #tpu.memory_space<vmem>>)
      tpu.yield
    }) : () -> ()
    %dma_start3A = arith.constant 0 : i32
    %dma_start3A_17 = arith.constant 0 : i32
    %dma_start3A_18 = tpu.memref_slice %arg7[%dma_start3A, %dma_start3A_17] : memref<1x128xi32, #tpu.memory_space<vmem>> -> memref<1x128xi32, #tpu.memory_space<vmem>>
    %dma_start3A_19 = tpu.memref_squeeze %dma_start3A_18 : memref<1x128xi32, #tpu.memory_space<vmem>> -> memref<128xi32, #tpu.memory_space<vmem>>
    %dma_start3A_20 = arith.constant 0 : i32
    %dma_start3A_21 = arith.constant 0 : i32
    %dma_start3A_22 = tpu.memref_slice %arg4[%dma_start3A_20, %dma_start3A_21] : memref<10000x64xf32, #tpu.memory_space<hbm>> -> memref<10000x64xf32, #tpu.memory_space<hbm>>
    tpu.enqueue_indirect_dma source(%dma_start3A_22 : memref<10000x64xf32, #tpu.memory_space<hbm>>) target(%arg13 : memref<128x64xf32, #tpu.memory_space<vmem>>) offsets(%dma_start3A_19 : memref<128xi32, #tpu.memory_space<vmem>>) semaphore(%arg24 : memref<!tpu.dma_semaphore, #tpu.memory_space<semaphore_mem>>)
    %add3A_23 = arith.constant 0 : i32
    %add3A_24 = arith.addi %mul3A_2, %add3A_23 : i32
    %dma_start3A_25 = arith.constant 0 : i32
    %dma_start3A_26 = tpu.memref_slice %arg5[%add3A_24, %dma_start3A_25] : memref<320000x16xf32, #tpu.memory_space<hbm>> -> memref<128x16xf32, #tpu.memory_space<hbm>>
    %dma_start3A_27 = arith.constant 0 : i32
    %dma_start3A_28 = tpu.memref_slice %arg5[%add3A_24, %dma_start3A_27] : memref<320000x16xf32, #tpu.memory_space<hbm>> -> memref<128x16xf32, #tpu.memory_space<hbm>>
    tpu.enqueue_dma source(%dma_start3A_28 : memref<128x16xf32, #tpu.memory_space<hbm>>) target(%arg16 : memref<128x16xf32, #tpu.memory_space<vmem>>) target_semaphore(%arg24 : memref<!tpu.dma_semaphore, #tpu.memory_space<semaphore_mem>>)
    %scan3A_29 = arith.constant 0 : i32
    %scan3A_30 = arith.constant 0 : i32
    %scan3A_31 = arith.constant 39 : i32
    %scan3A_32 = arith.addi %scan3A_30, %scan3A_31 : i32
    %scan3A_33 = arith.constant 1 : i32
    %scan3A_34 = scf.for %scan3A_54 = %scan3A_30 to %scan3A_32 step %scan3A_33 iter_args(%scan3A_55 = %scan3A_29) -> (i32)  : i32 {
      %mul3A_56 = arith.constant 2 : i32
      %mul3A_57 = arith.muli %mul3A_56, %scan3A_54 : i32
      %add3A_58 = arith.constant 1 : i32
      %add3A_59 = arith.addi %mul3A_57, %add3A_58 : i32
      %mul3A_60 = arith.constant 128 : i32
      %mul3A_61 = arith.muli %add3A_59, %mul3A_60 : i32
      %add3A_62 = arith.addi %mul3A_2, %mul3A_61 : i32
      %run_scoped3A_63 = arith.constant 0 : i32
      "tpu.region"() ({
        %run_scoped3A_126 = tpu.sem_alloc : memref<!tpu.dma_semaphore, #tpu.memory_space<semaphore_mem>>
        %dma_start3A_127 = arith.constant 0 : i32
        %dma_start3A_128 = tpu.memref_slice %arg8[%run_scoped3A_63, %dma_start3A_127] : memref<1x128xi32, #tpu.memory_space<vmem>> -> memref<1x128xi32, #tpu.memory_space<vmem>>
        %dma_start3A_129 = tpu.memref_squeeze %dma_start3A_128 : memref<1x128xi32, #tpu.memory_space<vmem>> -> memref<128xi32, #tpu.memory_space<vmem>>
        %dma_start3A_130 = tpu.memref_slice %arg2[%add3A_62] : memref<320000xi32, #tpu.memory_space<hbm>> -> memref<128xi32, #tpu.memory_space<hbm>>
        %dma_start3A_131 = arith.constant 0 : i32
        %dma_start3A_132 = tpu.memref_slice %arg8[%run_scoped3A_63, %dma_start3A_131] : memref<1x128xi32, #tpu.memory_space<vmem>> -> memref<1x128xi32, #tpu.memory_space<vmem>>
        %dma_start3A_133 = tpu.memref_squeeze %dma_start3A_132 : memref<1x128xi32, #tpu.memory_space<vmem>> -> memref<128xi32, #tpu.memory_space<vmem>>
        %dma_start3A_134 = tpu.memref_slice %arg2[%add3A_62] : memref<320000xi32, #tpu.memory_space<hbm>> -> memref<128xi32, #tpu.memory_space<hbm>>
        tpu.enqueue_dma source(%dma_start3A_134 : memref<128xi32, #tpu.memory_space<hbm>>) target(%dma_start3A_133 : memref<128xi32, #tpu.memory_space<vmem>>) target_semaphore(%run_scoped3A_126 : memref<!tpu.dma_semaphore, #tpu.memory_space<semaphore_mem>>)
        %dma_wait3A_135 = arith.constant 0 : i32
        %dma_wait3A_136 = tpu.memref_slice %arg8[%run_scoped3A_63, %dma_wait3A_135] : memref<1x128xi32, #tpu.memory_space<vmem>> -> memref<1x128xi32, #tpu.memory_space<vmem>>
        %dma_wait3A_137 = tpu.memref_squeeze %dma_wait3A_136 : memref<1x128xi32, #tpu.memory_space<vmem>> -> memref<128xi32, #tpu.memory_space<vmem>>
        %dma_wait3A_138 = tpu.memref_slice %arg2[%add3A_62] : memref<320000xi32, #tpu.memory_space<hbm>> -> memref<128xi32, #tpu.memory_space<hbm>>
        %dma_wait3A_139 = arith.constant 0 : i32
        %dma_wait3A_140 = tpu.memref_slice %arg8[%run_scoped3A_63, %dma_wait3A_139] : memref<1x128xi32, #tpu.memory_space<vmem>> -> memref<1x128xi32, #tpu.memory_space<vmem>>
        %dma_wait3A_141 = tpu.memref_squeeze %dma_wait3A_140 : memref<1x128xi32, #tpu.memory_space<vmem>> -> memref<128xi32, #tpu.memory_space<vmem>>
        %dma_wait3A_142 = tpu.memref_slice %arg2[%add3A_62] : memref<320000xi32, #tpu.memory_space<hbm>> -> memref<128xi32, #tpu.memory_space<hbm>>
        tpu.wait_dma2 semaphore(%run_scoped3A_126 : memref<!tpu.dma_semaphore, #tpu.memory_space<semaphore_mem>>) src(%dma_wait3A_142 : memref<128xi32, #tpu.memory_space<hbm>>) dst(%dma_wait3A_141 : memref<128xi32, #tpu.memory_space<vmem>>)
        tpu.yield
      }) : () -> ()
      %run_scoped3A_64 = arith.constant 0 : i32
      "tpu.region"() ({
        %run_scoped3A_126 = tpu.sem_alloc : memref<!tpu.dma_semaphore, #tpu.memory_space<semaphore_mem>>
        %dma_start3A_127 = arith.constant 0 : i32
        %dma_start3A_128 = tpu.memref_slice %arg10[%run_scoped3A_64, %dma_start3A_127] : memref<1x128xi32, #tpu.memory_space<vmem>> -> memref<1x128xi32, #tpu.memory_space<vmem>>
        %dma_start3A_129 = tpu.memref_squeeze %dma_start3A_128 : memref<1x128xi32, #tpu.memory_space<vmem>> -> memref<128xi32, #tpu.memory_space<vmem>>
        %dma_start3A_130 = tpu.memref_slice %arg3[%add3A_62] : memref<320000xi32, #tpu.memory_space<hbm>> -> memref<128xi32, #tpu.memory_space<hbm>>
        %dma_start3A_131 = arith.constant 0 : i32
        %dma_start3A_132 = tpu.memref_slice %arg10[%run_scoped3A_64, %dma_start3A_131] : memref<1x128xi32, #tpu.memory_space<vmem>> -> memref<1x128xi32, #tpu.memory_space<vmem>>
        %dma_start3A_133 = tpu.memref_squeeze %dma_start3A_132 : memref<1x128xi32, #tpu.memory_space<vmem>> -> memref<128xi32, #tpu.memory_space<vmem>>
        %dma_start3A_134 = tpu.memref_slice %arg3[%add3A_62] : memref<320000xi32, #tpu.memory_space<hbm>> -> memref<128xi32, #tpu.memory_space<hbm>>
        tpu.enqueue_dma source(%dma_start3A_134 : memref<128xi32, #tpu.memory_space<hbm>>) target(%dma_start3A_133 : memref<128xi32, #tpu.memory_space<vmem>>) target_semaphore(%run_scoped3A_126 : memref<!tpu.dma_semaphore, #tpu.memory_space<semaphore_mem>>)
        %dma_wait3A_135 = arith.constant 0 : i32
        %dma_wait3A_136 = tpu.memref_slice %arg10[%run_scoped3A_64, %dma_wait3A_135] : memref<1x128xi32, #tpu.memory_space<vmem>> -> memref<1x128xi32, #tpu.memory_space<vmem>>
        %dma_wait3A_137 = tpu.memref_squeeze %dma_wait3A_136 : memref<1x128xi32, #tpu.memory_space<vmem>> -> memref<128xi32, #tpu.memory_space<vmem>>
        %dma_wait3A_138 = tpu.memref_slice %arg3[%add3A_62] : memref<320000xi32, #tpu.memory_space<hbm>> -> memref<128xi32, #tpu.memory_space<hbm>>
        %dma_wait3A_139 = arith.constant 0 : i32
        %dma_wait3A_140 = tpu.memref_slice %arg10[%run_scoped3A_64, %dma_wait3A_139] : memref<1x128xi32, #tpu.memory_space<vmem>> -> memref<1x128xi32, #tpu.memory_space<vmem>>
        %dma_wait3A_141 = tpu.memref_squeeze %dma_wait3A_140 : memref<1x128xi32, #tpu.memory_space<vmem>> -> memref<128xi32, #tpu.memory_space<vmem>>
        %dma_wait3A_142 = tpu.memref_slice %arg3[%add3A_62] : memref<320000xi32, #tpu.memory_space<hbm>> -> memref<128xi32, #tpu.memory_space<hbm>>
        tpu.wait_dma2 semaphore(%run_scoped3A_126 : memref<!tpu.dma_semaphore, #tpu.memory_space<semaphore_mem>>) src(%dma_wait3A_142 : memref<128xi32, #tpu.memory_space<hbm>>) dst(%dma_wait3A_141 : memref<128xi32, #tpu.memory_space<vmem>>)
        tpu.yield
      }) : () -> ()
      %dma_start3A_65 = arith.constant 0 : i32
      %dma_start3A_66 = arith.constant 0 : i32
      %dma_start3A_67 = tpu.memref_slice %arg8[%dma_start3A_65, %dma_start3A_66] : memref<1x128xi32, #tpu.memory_space<vmem>> -> memref<1x128xi32, #tpu.memory_space<vmem>>
      %dma_start3A_68 = tpu.memref_squeeze %dma_start3A_67 : memref<1x128xi32, #tpu.memory_space<vmem>> -> memref<128xi32, #tpu.memory_space<vmem>>
      %dma_start3A_69 = arith.constant 0 : i32
      %dma_start3A_70 = arith.constant 0 : i32
      %dma_start3A_71 = tpu.memref_slice %arg4[%dma_start3A_69, %dma_start3A_70] : memref<10000x64xf32, #tpu.memory_space<hbm>> -> memref<10000x64xf32, #tpu.memory_space<hbm>>
      tpu.enqueue_indirect_dma source(%dma_start3A_71 : memref<10000x64xf32, #tpu.memory_space<hbm>>) target(%arg14 : memref<128x64xf32, #tpu.memory_space<vmem>>) offsets(%dma_start3A_68 : memref<128xi32, #tpu.memory_space<vmem>>) semaphore(%arg25 : memref<!tpu.dma_semaphore, #tpu.memory_space<semaphore_mem>>)
      %mul3A_72 = arith.constant 128 : i32
      %mul3A_73 = arith.muli %add3A_59, %mul3A_72 : i32
      %add3A_74 = arith.addi %mul3A_2, %mul3A_73 : i32
      %dma_start3A_75 = arith.constant 0 : i32
      %dma_start3A_76 = tpu.memref_slice %arg5[%add3A_74, %dma_start3A_75] : memref<320000x16xf32, #tpu.memory_space<hbm>> -> memref<128x16xf32, #tpu.memory_space<hbm>>
      %dma_start3A_77 = arith.constant 0 : i32
      %dma_start3A_78 = tpu.memref_slice %arg5[%add3A_74, %dma_start3A_77] : memref<320000x16xf32, #tpu.memory_space<hbm>> -> memref<128x16xf32, #tpu.memory_space<hbm>>
      tpu.enqueue_dma source(%dma_start3A_78 : memref<128x16xf32, #tpu.memory_space<hbm>>) target(%arg17 : memref<128x16xf32, #tpu.memory_space<vmem>>) target_semaphore(%arg25 : memref<!tpu.dma_semaphore, #tpu.memory_space<semaphore_mem>>)
      %dma_wait3A = arith.constant 0 : i32
      %dma_wait3A_79 = arith.constant 0 : i32
      %dma_wait3A_80 = tpu.memref_slice %arg7[%dma_wait3A, %dma_wait3A_79] : memref<1x128xi32, #tpu.memory_space<vmem>> -> memref<1x128xi32, #tpu.memory_space<vmem>>
      %dma_wait3A_81 = tpu.memref_squeeze %dma_wait3A_80 : memref<1x128xi32, #tpu.memory_space<vmem>> -> memref<128xi32, #tpu.memory_space<vmem>>
      %dma_wait3A_82 = arith.constant 0 : i32
      %dma_wait3A_83 = arith.constant 0 : i32
      %dma_wait3A_84 = tpu.memref_slice %arg4[%dma_wait3A_82, %dma_wait3A_83] : memref<10000x64xf32, #tpu.memory_space<hbm>> -> memref<10000x64xf32, #tpu.memory_space<hbm>>
      tpu.wait_indirect_dma semaphore(%arg24 : memref<!tpu.dma_semaphore, #tpu.memory_space<semaphore_mem>>) src(%dma_wait3A_84 : memref<10000x64xf32, #tpu.memory_space<hbm>>) dst(%arg13 : memref<128x64xf32, #tpu.memory_space<vmem>>)
      %mul3A_85 = arith.constant 128 : i32
      %mul3A_86 = arith.muli %mul3A_57, %mul3A_85 : i32
      %add3A_87 = arith.addi %mul3A_2, %mul3A_86 : i32
      %dma_wait3A_88 = arith.constant 0 : i32
      %dma_wait3A_89 = tpu.memref_slice %arg5[%add3A_87, %dma_wait3A_88] : memref<320000x16xf32, #tpu.memory_space<hbm>> -> memref<128x16xf32, #tpu.memory_space<hbm>>
      %dma_wait3A_90 = arith.constant 0 : i32
      %dma_wait3A_91 = tpu.memref_slice %arg5[%add3A_87, %dma_wait3A_90] : memref<320000x16xf32, #tpu.memory_space<hbm>> -> memref<128x16xf32, #tpu.memory_space<hbm>>
      tpu.wait_dma2 semaphore(%arg24 : memref<!tpu.dma_semaphore, #tpu.memory_space<semaphore_mem>>) src(%dma_wait3A_91 : memref<128x16xf32, #tpu.memory_space<hbm>>) dst(%arg16 : memref<128x16xf32, #tpu.memory_space<vmem>>)
      %scan3A_92 = arith.constant 0 : i32
      %scan3A_93 = arith.constant 0 : i32
      %scan3A_94 = arith.constant 128 : i32
      %scan3A_95 = arith.addi %scan3A_93, %scan3A_94 : i32
      %scan3A_96 = arith.constant 1 : i32
      %scan3A_97 = scf.for %scan3A_126 = %scan3A_93 to %scan3A_95 step %scan3A_96 iter_args(%scan3A_127 = %scan3A_92) -> (i32)  : i32 {
        %get3A = arith.index_cast %scan3A_126 : i32 to index
        %get3A_128 = arith.constant 0 : index
        %get3A_129 = tpu.vector_load %arg16[%get3A, %get3A_128] {strides = array<i32>} : memref<128x16xf32, #tpu.memory_space<vmem>>, vector<1x16xf32>,
        %get3A_130 = vector.shape_cast %get3A_129 : vector<1x16xf32> to vector<16xf32>
        %slice3A = vector.extract_strided_slice %get3A_130 {offsets = [0], sizes = [1], strides = [1]} : vector<16xf32> to vector<1xf32>
        %squeeze3A = vector.extract %slice3A[0] : f32 from vector<1xf32>
        %broadcast_in_dim3A_131 = vector.broadcast %squeeze3A : f32 to vector<16xf32>
        %slice3A_132 = vector.extract_strided_slice %get3A_130 {offsets = [1], sizes = [1], strides = [1]} : vector<16xf32> to vector<1xf32>
        %squeeze3A_133 = vector.extract %slice3A_132[0] : f32 from vector<1xf32>
        %broadcast_in_dim3A_134 = vector.broadcast %squeeze3A_133 : f32 to vector<16xf32>
        %select_n3A = arith.select %lt3A_13, %broadcast_in_dim3A_131, %broadcast_in_dim3A_134 : vector<16xi1>, vector<16xf32>
        %get3A_135 = arith.index_cast %scan3A_126 : i32 to index
        %get3A_136 = arith.constant 0 : index
        %get3A_137 = tpu.vector_load %arg13[%get3A_135, %get3A_136] {strides = array<i32>} : memref<128x64xf32, #tpu.memory_space<vmem>>, vector<1x16xf32>,
        %get3A_138 = vector.shape_cast %get3A_137 : vector<1x16xf32> to vector<16xf32>
        %mul3A_139 = arith.mulf %get3A_138, %select_n3A : vector<16xf32>
        %swap3A = arith.index_cast %scan3A_126 : i32 to index
        %swap3A_140 = arith.constant 0 : index
        %swap3A_141 = tpu.vector_load %arg19[%swap3A, %swap3A_140] {strides = array<i32>} : memref<128x64xf32, #tpu.memory_space<vmem>>, vector<1x16xf32>,
        %swap3A_142 = vector.shape_cast %swap3A_141 : vector<1x16xf32> to vector<16xf32>
        %swap3A_143 = vector.shape_cast %mul3A_139 : vector<16xf32> to vector<1x16xf32>
        tpu.vector_store %arg19[%swap3A, %swap3A_140], %swap3A_143 {strides = array<i32>} : memref<128x64xf32, #tpu.memory_space<vmem>>, vector<1x16xf32>,
        %slice3A_144 = vector.extract_strided_slice %get3A_130 {offsets = [2], sizes = [1], strides = [1]} : vector<16xf32> to vector<1xf32>
        %squeeze3A_145 = vector.extract %slice3A_144[0] : f32 from vector<1xf32>
        %broadcast_in_dim3A_146 = vector.broadcast %squeeze3A_145 : f32 to vector<16xf32>
        %slice3A_147 = vector.extract_strided_slice %get3A_130 {offsets = [3], sizes = [1], strides = [1]} : vector<16xf32> to vector<1xf32>
        %squeeze3A_148 = vector.extract %slice3A_147[0] : f32 from vector<1xf32>
        %broadcast_in_dim3A_149 = vector.broadcast %squeeze3A_148 : f32 to vector<16xf32>
        %select_n3A_150 = arith.select %lt3A_13, %broadcast_in_dim3A_146, %broadcast_in_dim3A_149 : vector<16xi1>, vector<16xf32>
        %get3A_151 = arith.index_cast %scan3A_126 : i32 to index
        %get3A_152 = arith.constant 16 : index
        %get3A_153 = tpu.vector_load %arg13[%get3A_151, %get3A_152] {strides = array<i32>} : memref<128x64xf32, #tpu.memory_space<vmem>>, vector<1x16xf32>,
        %get3A_154 = vector.shape_cast %get3A_153 : vector<1x16xf32> to vector<16xf32>
        %mul3A_155 = arith.mulf %get3A_154, %select_n3A_150 : vector<16xf32>
        %swap3A_156 = arith.index_cast %scan3A_126 : i32 to index
        %swap3A_157 = arith.constant 16 : index
        %swap3A_158 = tpu.vector_load %arg19[%swap3A_156, %swap3A_157] {strides = array<i32>} : memref<128x64xf32, #tpu.memory_space<vmem>>, vector<1x16xf32>,
        %swap3A_159 = vector.shape_cast %swap3A_158 : vector<1x16xf32> to vector<16xf32>
        %swap3A_160 = vector.shape_cast %mul3A_155 : vector<16xf32> to vector<1x16xf32>
        tpu.vector_store %arg19[%swap3A_156, %swap3A_157], %swap3A_160 {strides = array<i32>} : memref<128x64xf32, #tpu.memory_space<vmem>>, vector<1x16xf32>,
        %slice3A_161 = vector.extract_strided_slice %get3A_130 {offsets = [4], sizes = [1], strides = [1]} : vector<16xf32> to vector<1xf32>
        %squeeze3A_162 = vector.extract %slice3A_161[0] : f32 from vector<1xf32>
        %broadcast_in_dim3A_163 = vector.broadcast %squeeze3A_162 : f32 to vector<16xf32>
        %slice3A_164 = vector.extract_strided_slice %get3A_130 {offsets = [5], sizes = [1], strides = [1]} : vector<16xf32> to vector<1xf32>
        %squeeze3A_165 = vector.extract %slice3A_164[0] : f32 from vector<1xf32>
        %broadcast_in_dim3A_166 = vector.broadcast %squeeze3A_165 : f32 to vector<16xf32>
        %select_n3A_167 = arith.select %lt3A_13, %broadcast_in_dim3A_163, %broadcast_in_dim3A_166 : vector<16xi1>, vector<16xf32>
        %get3A_168 = arith.index_cast %scan3A_126 : i32 to index
        %get3A_169 = arith.constant 32 : index
        %get3A_170 = tpu.vector_load %arg13[%get3A_168, %get3A_169] {strides = array<i32>} : memref<128x64xf32, #tpu.memory_space<vmem>>, vector<1x16xf32>,
        %get3A_171 = vector.shape_cast %get3A_170 : vector<1x16xf32> to vector<16xf32>
        %mul3A_172 = arith.mulf %get3A_171, %select_n3A_167 : vector<16xf32>
        %swap3A_173 = arith.index_cast %scan3A_126 : i32 to index
        %swap3A_174 = arith.constant 32 : index
        %swap3A_175 = tpu.vector_load %arg19[%swap3A_173, %swap3A_174] {strides = array<i32>} : memref<128x64xf32, #tpu.memory_space<vmem>>, vector<1x16xf32>,
        %swap3A_176 = vector.shape_cast %swap3A_175 : vector<1x16xf32> to vector<16xf32>
        %swap3A_177 = vector.shape_cast %mul3A_172 : vector<16xf32> to vector<1x16xf32>
        tpu.vector_store %arg19[%swap3A_173, %swap3A_174], %swap3A_177 {strides = array<i32>} : memref<128x64xf32, #tpu.memory_space<vmem>>, vector<1x16xf32>,
        %slice3A_178 = vector.extract_strided_slice %get3A_130 {offsets = [6], sizes = [1], strides = [1]} : vector<16xf32> to vector<1xf32>
        %squeeze3A_179 = vector.extract %slice3A_178[0] : f32 from vector<1xf32>
        %broadcast_in_dim3A_180 = vector.broadcast %squeeze3A_179 : f32 to vector<16xf32>
        %slice3A_181 = vector.extract_strided_slice %get3A_130 {offsets = [7], sizes = [1], strides = [1]} : vector<16xf32> to vector<1xf32>
        %squeeze3A_182 = vector.extract %slice3A_181[0] : f32 from vector<1xf32>
        %broadcast_in_dim3A_183 = vector.broadcast %squeeze3A_182 : f32 to vector<16xf32>
        %select_n3A_184 = arith.select %lt3A_13, %broadcast_in_dim3A_180, %broadcast_in_dim3A_183 : vector<16xi1>, vector<16xf32>
        %get3A_185 = arith.index_cast %scan3A_126 : i32 to index
        %get3A_186 = arith.constant 48 : index
        %get3A_187 = tpu.vector_load %arg13[%get3A_185, %get3A_186] {strides = array<i32>} : memref<128x64xf32, #tpu.memory_space<vmem>>, vector<1x16xf32>,
        %get3A_188 = vector.shape_cast %get3A_187 : vector<1x16xf32> to vector<16xf32>
        %mul3A_189 = arith.mulf %get3A_188, %select_n3A_184 : vector<16xf32>
        %swap3A_190 = arith.index_cast %scan3A_126 : i32 to index
        %swap3A_191 = arith.constant 48 : index
        %swap3A_192 = tpu.vector_load %arg19[%swap3A_190, %swap3A_191] {strides = array<i32>} : memref<128x64xf32, #tpu.memory_space<vmem>>, vector<1x16xf32>,
        %swap3A_193 = vector.shape_cast %swap3A_192 : vector<1x16xf32> to vector<16xf32>
        %swap3A_194 = vector.shape_cast %mul3A_189 : vector<16xf32> to vector<1x16xf32>
        tpu.vector_store %arg19[%swap3A_190, %swap3A_191], %swap3A_194 {strides = array<i32>} : memref<128x64xf32, #tpu.memory_space<vmem>>, vector<1x16xf32>,
        %scan3A_195 = arith.constant 0 : i32
        scf.yield %scan3A_195 : i32
      }
      %scan3A_98 = arith.constant 128 : i32
      %run_scoped3A_99 = arith.constant 0 : i32
      "tpu.region"() ({
        %run_scoped3A_126 = tpu.sem_alloc : memref<!tpu.dma_semaphore, #tpu.memory_space<semaphore_mem>>
        %dma_start3A_127 = arith.constant 0 : i32
        %dma_start3A_128 = tpu.memref_slice %arg9[%run_scoped3A_99, %dma_start3A_127] : memref<1x128xi32, #tpu.memory_space<vmem>> -> memref<1x128xi32, #tpu.memory_space<vmem>>
        %dma_start3A_129 = tpu.memref_squeeze %dma_start3A_128 : memref<1x128xi32, #tpu.memory_space<vmem>> -> memref<128xi32, #tpu.memory_space<vmem>>
        %dma_start3A_130 = arith.constant 0 : i32
        %dma_start3A_131 = arith.constant 0 : i32
        %dma_start3A_132 = tpu.memref_slice %arg23[%dma_start3A_130, %dma_start3A_131] : memref<10240x64xf32, #tpu.memory_space<vmem_shared>> -> memref<10240x64xf32, #tpu.memory_space<vmem_shared>>
        tpu.enqueue_indirect_dma source(%arg19 : memref<128x64xf32, #tpu.memory_space<vmem>>) target(%dma_start3A_132 : memref<10240x64xf32, #tpu.memory_space<vmem_shared>>) offsets(%dma_start3A_129 : memref<128xi32, #tpu.memory_space<vmem>>) semaphore(%run_scoped3A_126 : memref<!tpu.dma_semaphore, #tpu.memory_space<semaphore_mem>>) {add = true}
        %dma_wait3A_133 = arith.constant 0 : i32
        %dma_wait3A_134 = tpu.memref_slice %arg9[%run_scoped3A_99, %dma_wait3A_133] : memref<1x128xi32, #tpu.memory_space<vmem>> -> memref<1x128xi32, #tpu.memory_space<vmem>>
        %dma_wait3A_135 = tpu.memref_squeeze %dma_wait3A_134 : memref<1x128xi32, #tpu.memory_space<vmem>> -> memref<128xi32, #tpu.memory_space<vmem>>
        %dma_wait3A_136 = arith.constant 0 : i32
        %dma_wait3A_137 = arith.constant 0 : i32
        %dma_wait3A_138 = tpu.memref_slice %arg23[%dma_wait3A_136, %dma_wait3A_137] : memref<10240x64xf32, #tpu.memory_space<vmem_shared>> -> memref<10240x64xf32, #tpu.memory_space<vmem_shared>>
        tpu.wait_indirect_dma semaphore(%run_scoped3A_126 : memref<!tpu.dma_semaphore, #tpu.memory_space<semaphore_mem>>) src(%arg19 : memref<128x64xf32, #tpu.memory_space<vmem>>) dst(%dma_wait3A_138 : memref<10240x64xf32, #tpu.memory_space<vmem_shared>>)
        tpu.yield
      }) : () -> ()
      %lt3A_100 = arith.constant 38 : i32
      %lt3A_101 = arith.cmpi slt, %scan3A_54, %lt3A_100 : i32
      %convert_element_type3A = arith.extui %lt3A_101 : i1 to i32
      %cond3A = arith.constant 0 : i32
      %cond3A_102 = arith.cmpi ne, %convert_element_type3A, %cond3A : i32
      scf.if %cond3A_102 {
        %add3A_126 = arith.constant 2 : i32
        %add3A_127 = arith.addi %mul3A_57, %add3A_126 : i32
        %mul3A_128 = arith.constant 128 : i32
        %mul3A_129 = arith.muli %add3A_127, %mul3A_128 : i32
        %add3A_130 = arith.addi %mul3A_2, %mul3A_129 : i32
        %run_scoped3A_131 = arith.constant 0 : i32
        "tpu.region"() ({
          %run_scoped3A_149 = tpu.sem_alloc : memref<!tpu.dma_semaphore, #tpu.memory_space<semaphore_mem>>
          %dma_start3A_150 = arith.constant 0 : i32
          %dma_start3A_151 = tpu.memref_slice %arg7[%run_scoped3A_131, %dma_start3A_150] : memref<1x128xi32, #tpu.memory_space<vmem>> -> memref<1x128xi32, #tpu.memory_space<vmem>>
          %dma_start3A_152 = tpu.memref_squeeze %dma_start3A_151 : memref<1x128xi32, #tpu.memory_space<vmem>> -> memref<128xi32, #tpu.memory_space<vmem>>
          %dma_start3A_153 = tpu.memref_slice %arg2[%add3A_130] : memref<320000xi32, #tpu.memory_space<hbm>> -> memref<128xi32, #tpu.memory_space<hbm>>
          %dma_start3A_154 = arith.constant 0 : i32
          %dma_start3A_155 = tpu.memref_slice %arg7[%run_scoped3A_131, %dma_start3A_154] : memref<1x128xi32, #tpu.memory_space<vmem>> -> memref<1x128xi32, #tpu.memory_space<vmem>>
          %dma_start3A_156 = tpu.memref_squeeze %dma_start3A_155 : memref<1x128xi32, #tpu.memory_space<vmem>> -> memref<128xi32, #tpu.memory_space<vmem>>
          %dma_start3A_157 = tpu.memref_slice %arg2[%add3A_130] : memref<320000xi32, #tpu.memory_space<hbm>> -> memref<128xi32, #tpu.memory_space<hbm>>
          tpu.enqueue_dma source(%dma_start3A_157 : memref<128xi32, #tpu.memory_space<hbm>>) target(%dma_start3A_156 : memref<128xi32, #tpu.memory_space<vmem>>) target_semaphore(%run_scoped3A_149 : memref<!tpu.dma_semaphore, #tpu.memory_space<semaphore_mem>>)
          %dma_wait3A_158 = arith.constant 0 : i32
          %dma_wait3A_159 = tpu.memref_slice %arg7[%run_scoped3A_131, %dma_wait3A_158] : memref<1x128xi32, #tpu.memory_space<vmem>> -> memref<1x128xi32, #tpu.memory_space<vmem>>
          %dma_wait3A_160 = tpu.memref_squeeze %dma_wait3A_159 : memref<1x128xi32, #tpu.memory_space<vmem>> -> memref<128xi32, #tpu.memory_space<vmem>>
          %dma_wait3A_161 = tpu.memref_slice %arg2[%add3A_130] : memref<320000xi32, #tpu.memory_space<hbm>> -> memref<128xi32, #tpu.memory_space<hbm>>
          %dma_wait3A_162 = arith.constant 0 : i32
          %dma_wait3A_163 = tpu.memref_slice %arg7[%run_scoped3A_131, %dma_wait3A_162] : memref<1x128xi32, #tpu.memory_space<vmem>> -> memref<1x128xi32, #tpu.memory_space<vmem>>
          %dma_wait3A_164 = tpu.memref_squeeze %dma_wait3A_163 : memref<1x128xi32, #tpu.memory_space<vmem>> -> memref<128xi32, #tpu.memory_space<vmem>>
          %dma_wait3A_165 = tpu.memref_slice %arg2[%add3A_130] : memref<320000xi32, #tpu.memory_space<hbm>> -> memref<128xi32, #tpu.memory_space<hbm>>
          tpu.wait_dma2 semaphore(%run_scoped3A_149 : memref<!tpu.dma_semaphore, #tpu.memory_space<semaphore_mem>>) src(%dma_wait3A_165 : memref<128xi32, #tpu.memory_space<hbm>>) dst(%dma_wait3A_164 : memref<128xi32, #tpu.memory_space<vmem>>)
          tpu.yield
        }) : () -> ()
        %run_scoped3A_132 = arith.constant 0 : i32
        "tpu.region"() ({
          %run_scoped3A_149 = tpu.sem_alloc : memref<!tpu.dma_semaphore, #tpu.memory_space<semaphore_mem>>
          %dma_start3A_150 = arith.constant 0 : i32
          %dma_start3A_151 = tpu.memref_slice %arg9[%run_scoped3A_132, %dma_start3A_150] : memref<1x128xi32, #tpu.memory_space<vmem>> -> memref<1x128xi32, #tpu.memory_space<vmem>>
          %dma_start3A_152 = tpu.memref_squeeze %dma_start3A_151 : memref<1x128xi32, #tpu.memory_space<vmem>> -> memref<128xi32, #tpu.memory_space<vmem>>
          %dma_start3A_153 = tpu.memref_slice %arg3[%add3A_130] : memref<320000xi32, #tpu.memory_space<hbm>> -> memref<128xi32, #tpu.memory_space<hbm>>
          %dma_start3A_154 = arith.constant 0 : i32
          %dma_start3A_155 = tpu.memref_slice %arg9[%run_scoped3A_132, %dma_start3A_154] : memref<1x128xi32, #tpu.memory_space<vmem>> -> memref<1x128xi32, #tpu.memory_space<vmem>>
          %dma_start3A_156 = tpu.memref_squeeze %dma_start3A_155 : memref<1x128xi32, #tpu.memory_space<vmem>> -> memref<128xi32, #tpu.memory_space<vmem>>
          %dma_start3A_157 = tpu.memref_slice %arg3[%add3A_130] : memref<320000xi32, #tpu.memory_space<hbm>> -> memref<128xi32, #tpu.memory_space<hbm>>
          tpu.enqueue_dma source(%dma_start3A_157 : memref<128xi32, #tpu.memory_space<hbm>>) target(%dma_start3A_156 : memref<128xi32, #tpu.memory_space<vmem>>) target_semaphore(%run_scoped3A_149 : memref<!tpu.dma_semaphore, #tpu.memory_space<semaphore_mem>>)
          %dma_wait3A_158 = arith.constant 0 : i32
          %dma_wait3A_159 = tpu.memref_slice %arg9[%run_scoped3A_132, %dma_wait3A_158] : memref<1x128xi32, #tpu.memory_space<vmem>> -> memref<1x128xi32, #tpu.memory_space<vmem>>
          %dma_wait3A_160 = tpu.memref_squeeze %dma_wait3A_159 : memref<1x128xi32, #tpu.memory_space<vmem>> -> memref<128xi32, #tpu.memory_space<vmem>>
          %dma_wait3A_161 = tpu.memref_slice %arg3[%add3A_130] : memref<320000xi32, #tpu.memory_space<hbm>> -> memref<128xi32, #tpu.memory_space<hbm>>
          %dma_wait3A_162 = arith.constant 0 : i32
          %dma_wait3A_163 = tpu.memref_slice %arg9[%run_scoped3A_132, %dma_wait3A_162] : memref<1x128xi32, #tpu.memory_space<vmem>> -> memref<1x128xi32, #tpu.memory_space<vmem>>
          %dma_wait3A_164 = tpu.memref_squeeze %dma_wait3A_163 : memref<1x128xi32, #tpu.memory_space<vmem>> -> memref<128xi32, #tpu.memory_space<vmem>>
          %dma_wait3A_165 = tpu.memref_slice %arg3[%add3A_130] : memref<320000xi32, #tpu.memory_space<hbm>> -> memref<128xi32, #tpu.memory_space<hbm>>
          tpu.wait_dma2 semaphore(%run_scoped3A_149 : memref<!tpu.dma_semaphore, #tpu.memory_space<semaphore_mem>>) src(%dma_wait3A_165 : memref<128xi32, #tpu.memory_space<hbm>>) dst(%dma_wait3A_164 : memref<128xi32, #tpu.memory_space<vmem>>)
          tpu.yield
        }) : () -> ()
        %add3A_133 = arith.constant 2 : i32
        %add3A_134 = arith.addi %mul3A_57, %add3A_133 : i32
        %dma_start3A_135 = arith.constant 0 : i32
        %dma_start3A_136 = arith.constant 0 : i32
        %dma_start3A_137 = tpu.memref_slice %arg7[%dma_start3A_135, %dma_start3A_136] : memref<1x128xi32, #tpu.memory_space<vmem>> -> memref<1x128xi32, #tpu.memory_space<vmem>>
        %dma_start3A_138 = tpu.memref_squeeze %dma_start3A_137 : memref<1x128xi32, #tpu.memory_space<vmem>> -> memref<128xi32, #tpu.memory_space<vmem>>
        %dma_start3A_139 = arith.constant 0 : i32
        %dma_start3A_140 = arith.constant 0 : i32
        %dma_start3A_141 = tpu.memref_slice %arg4[%dma_start3A_139, %dma_start3A_140] : memref<10000x64xf32, #tpu.memory_space<hbm>> -> memref<10000x64xf32, #tpu.memory_space<hbm>>
        tpu.enqueue_indirect_dma source(%dma_start3A_141 : memref<10000x64xf32, #tpu.memory_space<hbm>>) target(%arg13 : memref<128x64xf32, #tpu.memory_space<vmem>>) offsets(%dma_start3A_138 : memref<128xi32, #tpu.memory_space<vmem>>) semaphore(%arg24 : memref<!tpu.dma_semaphore, #tpu.memory_space<semaphore_mem>>)
        %mul3A_142 = arith.constant 128 : i32
        %mul3A_143 = arith.muli %add3A_134, %mul3A_142 : i32
        %add3A_144 = arith.addi %mul3A_2, %mul3A_143 : i32
        %dma_start3A_145 = arith.constant 0 : i32
        %dma_start3A_146 = tpu.memref_slice %arg5[%add3A_144, %dma_start3A_145] : memref<320000x16xf32, #tpu.memory_space<hbm>> -> memref<128x16xf32, #tpu.memory_space<hbm>>
        %dma_start3A_147 = arith.constant 0 : i32
        %dma_start3A_148 = tpu.memref_slice %arg5[%add3A_144, %dma_start3A_147] : memref<320000x16xf32, #tpu.memory_space<hbm>> -> memref<128x16xf32, #tpu.memory_space<hbm>>
        tpu.enqueue_dma source(%dma_start3A_148 : memref<128x16xf32, #tpu.memory_space<hbm>>) target(%arg16 : memref<128x16xf32, #tpu.memory_space<vmem>>) target_semaphore(%arg24 : memref<!tpu.dma_semaphore, #tpu.memory_space<semaphore_mem>>)
      } else {
      }
      %dma_wait3A_103 = arith.constant 0 : i32
      %dma_wait3A_104 = arith.constant 0 : i32
      %dma_wait3A_105 = tpu.memref_slice %arg8[%dma_wait3A_103, %dma_wait3A_104] : memref<1x128xi32, #tpu.memory_space<vmem>> -> memref<1x128xi32, #tpu.memory_space<vmem>>
      %dma_wait3A_106 = tpu.memref_squeeze %dma_wait3A_105 : memref<1x128xi32, #tpu.memory_space<vmem>> -> memref<128xi32, #tpu.memory_space<vmem>>
      %dma_wait3A_107 = arith.constant 0 : i32
      %dma_wait3A_108 = arith.constant 0 : i32
      %dma_wait3A_109 = tpu.memref_slice %arg4[%dma_wait3A_107, %dma_wait3A_108] : memref<10000x64xf32, #tpu.memory_space<hbm>> -> memref<10000x64xf32, #tpu.memory_space<hbm>>
      tpu.wait_indirect_dma semaphore(%arg25 : memref<!tpu.dma_semaphore, #tpu.memory_space<semaphore_mem>>) src(%dma_wait3A_109 : memref<10000x64xf32, #tpu.memory_space<hbm>>) dst(%arg14 : memref<128x64xf32, #tpu.memory_space<vmem>>)
      %mul3A_110 = arith.constant 128 : i32
      %mul3A_111 = arith.muli %add3A_59, %mul3A_110 : i32
      %add3A_112 = arith.addi %mul3A_2, %mul3A_111 : i32
      %dma_wait3A_113 = arith.constant 0 : i32
      %dma_wait3A_114 = tpu.memref_slice %arg5[%add3A_112, %dma_wait3A_113] : memref<320000x16xf32, #tpu.memory_space<hbm>> -> memref<128x16xf32, #tpu.memory_space<hbm>>
      %dma_wait3A_115 = arith.constant 0 : i32
      %dma_wait3A_116 = tpu.memref_slice %arg5[%add3A_112, %dma_wait3A_115] : memref<320000x16xf32, #tpu.memory_space<hbm>> -> memref<128x16xf32, #tpu.memory_space<hbm>>
      tpu.wait_dma2 semaphore(%arg25 : memref<!tpu.dma_semaphore, #tpu.memory_space<semaphore_mem>>) src(%dma_wait3A_116 : memref<128x16xf32, #tpu.memory_space<hbm>>) dst(%arg17 : memref<128x16xf32, #tpu.memory_space<vmem>>)
      %scan3A_117 = arith.constant 0 : i32
      %scan3A_118 = arith.constant 0 : i32
      %scan3A_119 = arith.constant 128 : i32
      %scan3A_120 = arith.addi %scan3A_118, %scan3A_119 : i32
      %scan3A_121 = arith.constant 1 : i32
      %scan3A_122 = scf.for %scan3A_126 = %scan3A_118 to %scan3A_120 step %scan3A_121 iter_args(%scan3A_127 = %scan3A_117) -> (i32)  : i32 {
        %get3A = arith.index_cast %scan3A_126 : i32 to index
        %get3A_128 = arith.constant 0 : index
        %get3A_129 = tpu.vector_load %arg17[%get3A, %get3A_128] {strides = array<i32>} : memref<128x16xf32, #tpu.memory_space<vmem>>, vector<1x16xf32>,
        %get3A_130 = vector.shape_cast %get3A_129 : vector<1x16xf32> to vector<16xf32>
        %slice3A = vector.extract_strided_slice %get3A_130 {offsets = [0], sizes = [1], strides = [1]} : vector<16xf32> to vector<1xf32>
        %squeeze3A = vector.extract %slice3A[0] : f32 from vector<1xf32>
        %broadcast_in_dim3A_131 = vector.broadcast %squeeze3A : f32 to vector<16xf32>
        %slice3A_132 = vector.extract_strided_slice %get3A_130 {offsets = [1], sizes = [1], strides = [1]} : vector<16xf32> to vector<1xf32>
        %squeeze3A_133 = vector.extract %slice3A_132[0] : f32 from vector<1xf32>
        %broadcast_in_dim3A_134 = vector.broadcast %squeeze3A_133 : f32 to vector<16xf32>
        %select_n3A = arith.select %lt3A_13, %broadcast_in_dim3A_131, %broadcast_in_dim3A_134 : vector<16xi1>, vector<16xf32>
        %get3A_135 = arith.index_cast %scan3A_126 : i32 to index
        %get3A_136 = arith.constant 0 : index
        %get3A_137 = tpu.vector_load %arg14[%get3A_135, %get3A_136] {strides = array<i32>} : memref<128x64xf32, #tpu.memory_space<vmem>>, vector<1x16xf32>,
        %get3A_138 = vector.shape_cast %get3A_137 : vector<1x16xf32> to vector<16xf32>
        %mul3A_139 = arith.mulf %get3A_138, %select_n3A : vector<16xf32>
        %swap3A = arith.index_cast %scan3A_126 : i32 to index
        %swap3A_140 = arith.constant 0 : index
        %swap3A_141 = tpu.vector_load %arg20[%swap3A, %swap3A_140] {strides = array<i32>} : memref<128x64xf32, #tpu.memory_space<vmem>>, vector<1x16xf32>,
        %swap3A_142 = vector.shape_cast %swap3A_141 : vector<1x16xf32> to vector<16xf32>
        %swap3A_143 = vector.shape_cast %mul3A_139 : vector<16xf32> to vector<1x16xf32>
        tpu.vector_store %arg20[%swap3A, %swap3A_140], %swap3A_143 {strides = array<i32>} : memref<128x64xf32, #tpu.memory_space<vmem>>, vector<1x16xf32>,
        %slice3A_144 = vector.extract_strided_slice %get3A_130 {offsets = [2], sizes = [1], strides = [1]} : vector<16xf32> to vector<1xf32>
        %squeeze3A_145 = vector.extract %slice3A_144[0] : f32 from vector<1xf32>
        %broadcast_in_dim3A_146 = vector.broadcast %squeeze3A_145 : f32 to vector<16xf32>
        %slice3A_147 = vector.extract_strided_slice %get3A_130 {offsets = [3], sizes = [1], strides = [1]} : vector<16xf32> to vector<1xf32>
        %squeeze3A_148 = vector.extract %slice3A_147[0] : f32 from vector<1xf32>
        %broadcast_in_dim3A_149 = vector.broadcast %squeeze3A_148 : f32 to vector<16xf32>
        %select_n3A_150 = arith.select %lt3A_13, %broadcast_in_dim3A_146, %broadcast_in_dim3A_149 : vector<16xi1>, vector<16xf32>
        %get3A_151 = arith.index_cast %scan3A_126 : i32 to index
        %get3A_152 = arith.constant 16 : index
        %get3A_153 = tpu.vector_load %arg14[%get3A_151, %get3A_152] {strides = array<i32>} : memref<128x64xf32, #tpu.memory_space<vmem>>, vector<1x16xf32>,
        %get3A_154 = vector.shape_cast %get3A_153 : vector<1x16xf32> to vector<16xf32>
        %mul3A_155 = arith.mulf %get3A_154, %select_n3A_150 : vector<16xf32>
        %swap3A_156 = arith.index_cast %scan3A_126 : i32 to index
        %swap3A_157 = arith.constant 16 : index
        %swap3A_158 = tpu.vector_load %arg20[%swap3A_156, %swap3A_157] {strides = array<i32>} : memref<128x64xf32, #tpu.memory_space<vmem>>, vector<1x16xf32>,
        %swap3A_159 = vector.shape_cast %swap3A_158 : vector<1x16xf32> to vector<16xf32>
        %swap3A_160 = vector.shape_cast %mul3A_155 : vector<16xf32> to vector<1x16xf32>
        tpu.vector_store %arg20[%swap3A_156, %swap3A_157], %swap3A_160 {strides = array<i32>} : memref<128x64xf32, #tpu.memory_space<vmem>>, vector<1x16xf32>,
        %slice3A_161 = vector.extract_strided_slice %get3A_130 {offsets = [4], sizes = [1], strides = [1]} : vector<16xf32> to vector<1xf32>
        %squeeze3A_162 = vector.extract %slice3A_161[0] : f32 from vector<1xf32>
        %broadcast_in_dim3A_163 = vector.broadcast %squeeze3A_162 : f32 to vector<16xf32>
        %slice3A_164 = vector.extract_strided_slice %get3A_130 {offsets = [5], sizes = [1], strides = [1]} : vector<16xf32> to vector<1xf32>
        %squeeze3A_165 = vector.extract %slice3A_164[0] : f32 from vector<1xf32>
        %broadcast_in_dim3A_166 = vector.broadcast %squeeze3A_165 : f32 to vector<16xf32>
        %select_n3A_167 = arith.select %lt3A_13, %broadcast_in_dim3A_163, %broadcast_in_dim3A_166 : vector<16xi1>, vector<16xf32>
        %get3A_168 = arith.index_cast %scan3A_126 : i32 to index
        %get3A_169 = arith.constant 32 : index
        %get3A_170 = tpu.vector_load %arg14[%get3A_168, %get3A_169] {strides = array<i32>} : memref<128x64xf32, #tpu.memory_space<vmem>>, vector<1x16xf32>,
        %get3A_171 = vector.shape_cast %get3A_170 : vector<1x16xf32> to vector<16xf32>
        %mul3A_172 = arith.mulf %get3A_171, %select_n3A_167 : vector<16xf32>
        %swap3A_173 = arith.index_cast %scan3A_126 : i32 to index
        %swap3A_174 = arith.constant 32 : index
        %swap3A_175 = tpu.vector_load %arg20[%swap3A_173, %swap3A_174] {strides = array<i32>} : memref<128x64xf32, #tpu.memory_space<vmem>>, vector<1x16xf32>,
        %swap3A_176 = vector.shape_cast %swap3A_175 : vector<1x16xf32> to vector<16xf32>
        %swap3A_177 = vector.shape_cast %mul3A_172 : vector<16xf32> to vector<1x16xf32>
        tpu.vector_store %arg20[%swap3A_173, %swap3A_174], %swap3A_177 {strides = array<i32>} : memref<128x64xf32, #tpu.memory_space<vmem>>, vector<1x16xf32>,
        %slice3A_178 = vector.extract_strided_slice %get3A_130 {offsets = [6], sizes = [1], strides = [1]} : vector<16xf32> to vector<1xf32>
        %squeeze3A_179 = vector.extract %slice3A_178[0] : f32 from vector<1xf32>
        %broadcast_in_dim3A_180 = vector.broadcast %squeeze3A_179 : f32 to vector<16xf32>
        %slice3A_181 = vector.extract_strided_slice %get3A_130 {offsets = [7], sizes = [1], strides = [1]} : vector<16xf32> to vector<1xf32>
        %squeeze3A_182 = vector.extract %slice3A_181[0] : f32 from vector<1xf32>
        %broadcast_in_dim3A_183 = vector.broadcast %squeeze3A_182 : f32 to vector<16xf32>
        %select_n3A_184 = arith.select %lt3A_13, %broadcast_in_dim3A_180, %broadcast_in_dim3A_183 : vector<16xi1>, vector<16xf32>
        %get3A_185 = arith.index_cast %scan3A_126 : i32 to index
        %get3A_186 = arith.constant 48 : index
        %get3A_187 = tpu.vector_load %arg14[%get3A_185, %get3A_186] {strides = array<i32>} : memref<128x64xf32, #tpu.memory_space<vmem>>, vector<1x16xf32>,
        %get3A_188 = vector.shape_cast %get3A_187 : vector<1x16xf32> to vector<16xf32>
        %mul3A_189 = arith.mulf %get3A_188, %select_n3A_184 : vector<16xf32>
        %swap3A_190 = arith.index_cast %scan3A_126 : i32 to index
        %swap3A_191 = arith.constant 48 : index
        %swap3A_192 = tpu.vector_load %arg20[%swap3A_190, %swap3A_191] {strides = array<i32>} : memref<128x64xf32, #tpu.memory_space<vmem>>, vector<1x16xf32>,
        %swap3A_193 = vector.shape_cast %swap3A_192 : vector<1x16xf32> to vector<16xf32>
        %swap3A_194 = vector.shape_cast %mul3A_189 : vector<16xf32> to vector<1x16xf32>
        tpu.vector_store %arg20[%swap3A_190, %swap3A_191], %swap3A_194 {strides = array<i32>} : memref<128x64xf32, #tpu.memory_space<vmem>>, vector<1x16xf32>,
        %scan3A_195 = arith.constant 0 : i32
        scf.yield %scan3A_195 : i32
      }
      %scan3A_123 = arith.constant 128 : i32
      %run_scoped3A_124 = arith.constant 0 : i32
      "tpu.region"() ({
        %run_scoped3A_126 = tpu.sem_alloc : memref<!tpu.dma_semaphore, #tpu.memory_space<semaphore_mem>>
        %dma_start3A_127 = arith.constant 0 : i32
        %dma_start3A_128 = tpu.memref_slice %arg10[%run_scoped3A_124, %dma_start3A_127] : memref<1x128xi32, #tpu.memory_space<vmem>> -> memref<1x128xi32, #tpu.memory_space<vmem>>
        %dma_start3A_129 = tpu.memref_squeeze %dma_start3A_128 : memref<1x128xi32, #tpu.memory_space<vmem>> -> memref<128xi32, #tpu.memory_space<vmem>>
        %dma_start3A_130 = arith.constant 0 : i32
        %dma_start3A_131 = arith.constant 0 : i32
        %dma_start3A_132 = tpu.memref_slice %arg23[%dma_start3A_130, %dma_start3A_131] : memref<10240x64xf32, #tpu.memory_space<vmem_shared>> -> memref<10240x64xf32, #tpu.memory_space<vmem_shared>>
        tpu.enqueue_indirect_dma source(%arg20 : memref<128x64xf32, #tpu.memory_space<vmem>>) target(%dma_start3A_132 : memref<10240x64xf32, #tpu.memory_space<vmem_shared>>) offsets(%dma_start3A_129 : memref<128xi32, #tpu.memory_space<vmem>>) semaphore(%run_scoped3A_126 : memref<!tpu.dma_semaphore, #tpu.memory_space<semaphore_mem>>) {add = true}
        %dma_wait3A_133 = arith.constant 0 : i32
        %dma_wait3A_134 = tpu.memref_slice %arg10[%run_scoped3A_124, %dma_wait3A_133] : memref<1x128xi32, #tpu.memory_space<vmem>> -> memref<1x128xi32, #tpu.memory_space<vmem>>
        %dma_wait3A_135 = tpu.memref_squeeze %dma_wait3A_134 : memref<1x128xi32, #tpu.memory_space<vmem>> -> memref<128xi32, #tpu.memory_space<vmem>>
        %dma_wait3A_136 = arith.constant 0 : i32
        %dma_wait3A_137 = arith.constant 0 : i32
        %dma_wait3A_138 = tpu.memref_slice %arg23[%dma_wait3A_136, %dma_wait3A_137] : memref<10240x64xf32, #tpu.memory_space<vmem_shared>> -> memref<10240x64xf32, #tpu.memory_space<vmem_shared>>
        tpu.wait_indirect_dma semaphore(%run_scoped3A_126 : memref<!tpu.dma_semaphore, #tpu.memory_space<semaphore_mem>>) src(%arg20 : memref<128x64xf32, #tpu.memory_space<vmem>>) dst(%dma_wait3A_138 : memref<10240x64xf32, #tpu.memory_space<vmem_shared>>)
        tpu.yield
      }) : () -> ()
      %scan3A_125 = arith.constant 0 : i32
      scf.yield %scan3A_125 : i32
    }
    %scan3A_35 = arith.constant 39 : i32
    %add3A_36 = arith.constant 9984 : i32
    %add3A_37 = arith.addi %mul3A_2, %add3A_36 : i32
    %run_scoped3A_38 = arith.constant 0 : i32
    "tpu.region"() ({
      %run_scoped3A_54 = tpu.sem_alloc : memref<!tpu.dma_semaphore, #tpu.memory_space<semaphore_mem>>
      %dma_start3A_55 = arith.constant 0 : i32
      %dma_start3A_56 = tpu.memref_slice %arg11[%run_scoped3A_38, %dma_start3A_55] : memref<1x16xi32, #tpu.memory_space<vmem>> -> memref<1x16xi32, #tpu.memory_space<vmem>>
      %dma_start3A_57 = tpu.memref_squeeze %dma_start3A_56 : memref<1x16xi32, #tpu.memory_space<vmem>> -> memref<16xi32, #tpu.memory_space<vmem>>
      %dma_start3A_58 = tpu.memref_slice %arg2[%add3A_37] : memref<320000xi32, #tpu.memory_space<hbm>> -> memref<16xi32, #tpu.memory_space<hbm>>
      %dma_start3A_59 = arith.constant 0 : i32
      %dma_start3A_60 = tpu.memref_slice %arg11[%run_scoped3A_38, %dma_start3A_59] : memref<1x16xi32, #tpu.memory_space<vmem>> -> memref<1x16xi32, #tpu.memory_space<vmem>>
      %dma_start3A_61 = tpu.memref_squeeze %dma_start3A_60 : memref<1x16xi32, #tpu.memory_space<vmem>> -> memref<16xi32, #tpu.memory_space<vmem>>
      %dma_start3A_62 = tpu.memref_slice %arg2[%add3A_37] : memref<320000xi32, #tpu.memory_space<hbm>> -> memref<16xi32, #tpu.memory_space<hbm>>
      tpu.enqueue_dma source(%dma_start3A_62 : memref<16xi32, #tpu.memory_space<hbm>>) target(%dma_start3A_61 : memref<16xi32, #tpu.memory_space<vmem>>) target_semaphore(%run_scoped3A_54 : memref<!tpu.dma_semaphore, #tpu.memory_space<semaphore_mem>>)
      %dma_wait3A = arith.constant 0 : i32
      %dma_wait3A_63 = tpu.memref_slice %arg11[%run_scoped3A_38, %dma_wait3A] : memref<1x16xi32, #tpu.memory_space<vmem>> -> memref<1x16xi32, #tpu.memory_space<vmem>>
      %dma_wait3A_64 = tpu.memref_squeeze %dma_wait3A_63 : memref<1x16xi32, #tpu.memory_space<vmem>> -> memref<16xi32, #tpu.memory_space<vmem>>
      %dma_wait3A_65 = tpu.memref_slice %arg2[%add3A_37] : memref<320000xi32, #tpu.memory_space<hbm>> -> memref<16xi32, #tpu.memory_space<hbm>>
      %dma_wait3A_66 = arith.constant 0 : i32
      %dma_wait3A_67 = tpu.memref_slice %arg11[%run_scoped3A_38, %dma_wait3A_66] : memref<1x16xi32, #tpu.memory_space<vmem>> -> memref<1x16xi32, #tpu.memory_space<vmem>>
      %dma_wait3A_68 = tpu.memref_squeeze %dma_wait3A_67 : memref<1x16xi32, #tpu.memory_space<vmem>> -> memref<16xi32, #tpu.memory_space<vmem>>
      %dma_wait3A_69 = tpu.memref_slice %arg2[%add3A_37] : memref<320000xi32, #tpu.memory_space<hbm>> -> memref<16xi32, #tpu.memory_space<hbm>>
      tpu.wait_dma2 semaphore(%run_scoped3A_54 : memref<!tpu.dma_semaphore, #tpu.memory_space<semaphore_mem>>) src(%dma_wait3A_69 : memref<16xi32, #tpu.memory_space<hbm>>) dst(%dma_wait3A_68 : memref<16xi32, #tpu.memory_space<vmem>>)
      tpu.yield
    }) : () -> ()
    %run_scoped3A_39 = arith.constant 0 : i32
    "tpu.region"() ({
      %run_scoped3A_54 = tpu.sem_alloc : memref<!tpu.dma_semaphore, #tpu.memory_space<semaphore_mem>>
      %dma_start3A_55 = arith.constant 0 : i32
      %dma_start3A_56 = tpu.memref_slice %arg12[%run_scoped3A_39, %dma_start3A_55] : memref<1x16xi32, #tpu.memory_space<vmem>> -> memref<1x16xi32, #tpu.memory_space<vmem>>
      %dma_start3A_57 = tpu.memref_squeeze %dma_start3A_56 : memref<1x16xi32, #tpu.memory_space<vmem>> -> memref<16xi32, #tpu.memory_space<vmem>>
      %dma_start3A_58 = tpu.memref_slice %arg3[%add3A_37] : memref<320000xi32, #tpu.memory_space<hbm>> -> memref<16xi32, #tpu.memory_space<hbm>>
      %dma_start3A_59 = arith.constant 0 : i32
      %dma_start3A_60 = tpu.memref_slice %arg12[%run_scoped3A_39, %dma_start3A_59] : memref<1x16xi32, #tpu.memory_space<vmem>> -> memref<1x16xi32, #tpu.memory_space<vmem>>
      %dma_start3A_61 = tpu.memref_squeeze %dma_start3A_60 : memref<1x16xi32, #tpu.memory_space<vmem>> -> memref<16xi32, #tpu.memory_space<vmem>>
      %dma_start3A_62 = tpu.memref_slice %arg3[%add3A_37] : memref<320000xi32, #tpu.memory_space<hbm>> -> memref<16xi32, #tpu.memory_space<hbm>>
      tpu.enqueue_dma source(%dma_start3A_62 : memref<16xi32, #tpu.memory_space<hbm>>) target(%dma_start3A_61 : memref<16xi32, #tpu.memory_space<vmem>>) target_semaphore(%run_scoped3A_54 : memref<!tpu.dma_semaphore, #tpu.memory_space<semaphore_mem>>)
      %dma_wait3A = arith.constant 0 : i32
      %dma_wait3A_63 = tpu.memref_slice %arg12[%run_scoped3A_39, %dma_wait3A] : memref<1x16xi32, #tpu.memory_space<vmem>> -> memref<1x16xi32, #tpu.memory_space<vmem>>
      %dma_wait3A_64 = tpu.memref_squeeze %dma_wait3A_63 : memref<1x16xi32, #tpu.memory_space<vmem>> -> memref<16xi32, #tpu.memory_space<vmem>>
      %dma_wait3A_65 = tpu.memref_slice %arg3[%add3A_37] : memref<320000xi32, #tpu.memory_space<hbm>> -> memref<16xi32, #tpu.memory_space<hbm>>
      %dma_wait3A_66 = arith.constant 0 : i32
      %dma_wait3A_67 = tpu.memref_slice %arg12[%run_scoped3A_39, %dma_wait3A_66] : memref<1x16xi32, #tpu.memory_space<vmem>> -> memref<1x16xi32, #tpu.memory_space<vmem>>
      %dma_wait3A_68 = tpu.memref_squeeze %dma_wait3A_67 : memref<1x16xi32, #tpu.memory_space<vmem>> -> memref<16xi32, #tpu.memory_space<vmem>>
      %dma_wait3A_69 = tpu.memref_slice %arg3[%add3A_37] : memref<320000xi32, #tpu.memory_space<hbm>> -> memref<16xi32, #tpu.memory_space<hbm>>
      tpu.wait_dma2 semaphore(%run_scoped3A_54 : memref<!tpu.dma_semaphore, #tpu.memory_space<semaphore_mem>>) src(%dma_wait3A_69 : memref<16xi32, #tpu.memory_space<hbm>>) dst(%dma_wait3A_68 : memref<16xi32, #tpu.memory_space<vmem>>)
      tpu.yield
    }) : () -> ()
    %run_scoped3A_40 = arith.constant 0 : i32
    "tpu.region"() ({
      %run_scoped3A_54 = tpu.sem_alloc : memref<!tpu.dma_semaphore, #tpu.memory_space<semaphore_mem>>
      %dma_start3A_55 = arith.constant 0 : i32
      %dma_start3A_56 = tpu.memref_slice %arg11[%run_scoped3A_40, %dma_start3A_55] : memref<1x16xi32, #tpu.memory_space<vmem>> -> memref<1x16xi32, #tpu.memory_space<vmem>>
      %dma_start3A_57 = tpu.memref_squeeze %dma_start3A_56 : memref<1x16xi32, #tpu.memory_space<vmem>> -> memref<16xi32, #tpu.memory_space<vmem>>
      %dma_start3A_58 = arith.constant 0 : i32
      %dma_start3A_59 = arith.constant 0 : i32
      %dma_start3A_60 = tpu.memref_slice %arg4[%dma_start3A_58, %dma_start3A_59] : memref<10000x64xf32, #tpu.memory_space<hbm>> -> memref<10000x64xf32, #tpu.memory_space<hbm>>
      tpu.enqueue_indirect_dma source(%dma_start3A_60 : memref<10000x64xf32, #tpu.memory_space<hbm>>) target(%arg15 : memref<16x64xf32, #tpu.memory_space<vmem>>) offsets(%dma_start3A_57 : memref<16xi32, #tpu.memory_space<vmem>>) semaphore(%run_scoped3A_54 : memref<!tpu.dma_semaphore, #tpu.memory_space<semaphore_mem>>)
      %dma_wait3A = arith.constant 0 : i32
      %dma_wait3A_61 = tpu.memref_slice %arg11[%run_scoped3A_40, %dma_wait3A] : memref<1x16xi32, #tpu.memory_space<vmem>> -> memref<1x16xi32, #tpu.memory_space<vmem>>
      %dma_wait3A_62 = tpu.memref_squeeze %dma_wait3A_61 : memref<1x16xi32, #tpu.memory_space<vmem>> -> memref<16xi32, #tpu.memory_space<vmem>>
      %dma_wait3A_63 = arith.constant 0 : i32
      %dma_wait3A_64 = arith.constant 0 : i32
      %dma_wait3A_65 = tpu.memref_slice %arg4[%dma_wait3A_63, %dma_wait3A_64] : memref<10000x64xf32, #tpu.memory_space<hbm>> -> memref<10000x64xf32, #tpu.memory_space<hbm>>
      tpu.wait_indirect_dma semaphore(%run_scoped3A_54 : memref<!tpu.dma_semaphore, #tpu.memory_space<semaphore_mem>>) src(%dma_wait3A_65 : memref<10000x64xf32, #tpu.memory_space<hbm>>) dst(%arg15 : memref<16x64xf32, #tpu.memory_space<vmem>>)
      tpu.yield
    }) : () -> ()
    "tpu.region"() ({
      %run_scoped3A_54 = tpu.sem_alloc : memref<!tpu.dma_semaphore, #tpu.memory_space<semaphore_mem>>
      %dma_start3A_55 = arith.constant 0 : i32
      %dma_start3A_56 = tpu.memref_slice %arg5[%add3A_37, %dma_start3A_55] : memref<320000x16xf32, #tpu.memory_space<hbm>> -> memref<16x16xf32, #tpu.memory_space<hbm>>
      %dma_start3A_57 = arith.constant 0 : i32
      %dma_start3A_58 = tpu.memref_slice %arg5[%add3A_37, %dma_start3A_57] : memref<320000x16xf32, #tpu.memory_space<hbm>> -> memref<16x16xf32, #tpu.memory_space<hbm>>
      tpu.enqueue_dma source(%dma_start3A_58 : memref<16x16xf32, #tpu.memory_space<hbm>>) target(%arg18 : memref<16x16xf32, #tpu.memory_space<vmem>>) target_semaphore(%run_scoped3A_54 : memref<!tpu.dma_semaphore, #tpu.memory_space<semaphore_mem>>)
      %dma_wait3A = arith.constant 0 : i32
      %dma_wait3A_59 = tpu.memref_slice %arg5[%add3A_37, %dma_wait3A] : memref<320000x16xf32, #tpu.memory_space<hbm>> -> memref<16x16xf32, #tpu.memory_space<hbm>>
      %dma_wait3A_60 = arith.constant 0 : i32
      %dma_wait3A_61 = tpu.memref_slice %arg5[%add3A_37, %dma_wait3A_60] : memref<320000x16xf32, #tpu.memory_space<hbm>> -> memref<16x16xf32, #tpu.memory_space<hbm>>
      tpu.wait_dma2 semaphore(%run_scoped3A_54 : memref<!tpu.dma_semaphore, #tpu.memory_space<semaphore_mem>>) src(%dma_wait3A_61 : memref<16x16xf32, #tpu.memory_space<hbm>>) dst(%arg18 : memref<16x16xf32, #tpu.memory_space<vmem>>)
      tpu.yield
    }) : () -> ()
    %scan3A_41 = arith.constant 0 : i32
    %scan3A_42 = arith.constant 0 : i32
    %scan3A_43 = arith.constant 16 : i32
    %scan3A_44 = arith.addi %scan3A_42, %scan3A_43 : i32
    %scan3A_45 = arith.constant 1 : i32
    %scan3A_46 = scf.for %scan3A_54 = %scan3A_42 to %scan3A_44 step %scan3A_45 iter_args(%scan3A_55 = %scan3A_41) -> (i32)  : i32 {
      %get3A = arith.index_cast %scan3A_54 : i32 to index
      %get3A_56 = arith.constant 0 : index
      %get3A_57 = tpu.vector_load %arg18[%get3A, %get3A_56] {strides = array<i32>} : memref<16x16xf32, #tpu.memory_space<vmem>>, vector<1x16xf32>,
      %get3A_58 = vector.shape_cast %get3A_57 : vector<1x16xf32> to vector<16xf32>
      %slice3A = vector.extract_strided_slice %get3A_58 {offsets = [0], sizes = [1], strides = [1]} : vector<16xf32> to vector<1xf32>
      %squeeze3A = vector.extract %slice3A[0] : f32 from vector<1xf32>
      %broadcast_in_dim3A_59 = vector.broadcast %squeeze3A : f32 to vector<16xf32>
      %slice3A_60 = vector.extract_strided_slice %get3A_58 {offsets = [1], sizes = [1], strides = [1]} : vector<16xf32> to vector<1xf32>
      %squeeze3A_61 = vector.extract %slice3A_60[0] : f32 from vector<1xf32>
      %broadcast_in_dim3A_62 = vector.broadcast %squeeze3A_61 : f32 to vector<16xf32>
      %select_n3A = arith.select %lt3A_13, %broadcast_in_dim3A_59, %broadcast_in_dim3A_62 : vector<16xi1>, vector<16xf32>
      %get3A_63 = arith.index_cast %scan3A_54 : i32 to index
      %get3A_64 = arith.constant 0 : index
      %get3A_65 = tpu.vector_load %arg15[%get3A_63, %get3A_64] {strides = array<i32>} : memref<16x64xf32, #tpu.memory_space<vmem>>, vector<1x16xf32>,
      %get3A_66 = vector.shape_cast %get3A_65 : vector<1x16xf32> to vector<16xf32>
      %mul3A_67 = arith.mulf %get3A_66, %select_n3A : vector<16xf32>
      %swap3A = arith.index_cast %scan3A_54 : i32 to index
      %swap3A_68 = arith.constant 0 : index
      %swap3A_69 = tpu.vector_load %arg21[%swap3A, %swap3A_68] {strides = array<i32>} : memref<16x64xf32, #tpu.memory_space<vmem>>, vector<1x16xf32>,
      %swap3A_70 = vector.shape_cast %swap3A_69 : vector<1x16xf32> to vector<16xf32>
      %swap3A_71 = vector.shape_cast %mul3A_67 : vector<16xf32> to vector<1x16xf32>
      tpu.vector_store %arg21[%swap3A, %swap3A_68], %swap3A_71 {strides = array<i32>} : memref<16x64xf32, #tpu.memory_space<vmem>>, vector<1x16xf32>,
      %slice3A_72 = vector.extract_strided_slice %get3A_58 {offsets = [2], sizes = [1], strides = [1]} : vector<16xf32> to vector<1xf32>
      %squeeze3A_73 = vector.extract %slice3A_72[0] : f32 from vector<1xf32>
      %broadcast_in_dim3A_74 = vector.broadcast %squeeze3A_73 : f32 to vector<16xf32>
      %slice3A_75 = vector.extract_strided_slice %get3A_58 {offsets = [3], sizes = [1], strides = [1]} : vector<16xf32> to vector<1xf32>
      %squeeze3A_76 = vector.extract %slice3A_75[0] : f32 from vector<1xf32>
      %broadcast_in_dim3A_77 = vector.broadcast %squeeze3A_76 : f32 to vector<16xf32>
      %select_n3A_78 = arith.select %lt3A_13, %broadcast_in_dim3A_74, %broadcast_in_dim3A_77 : vector<16xi1>, vector<16xf32>
      %get3A_79 = arith.index_cast %scan3A_54 : i32 to index
      %get3A_80 = arith.constant 16 : index
      %get3A_81 = tpu.vector_load %arg15[%get3A_79, %get3A_80] {strides = array<i32>} : memref<16x64xf32, #tpu.memory_space<vmem>>, vector<1x16xf32>,
      %get3A_82 = vector.shape_cast %get3A_81 : vector<1x16xf32> to vector<16xf32>
      %mul3A_83 = arith.mulf %get3A_82, %select_n3A_78 : vector<16xf32>
      %swap3A_84 = arith.index_cast %scan3A_54 : i32 to index
      %swap3A_85 = arith.constant 16 : index
      %swap3A_86 = tpu.vector_load %arg21[%swap3A_84, %swap3A_85] {strides = array<i32>} : memref<16x64xf32, #tpu.memory_space<vmem>>, vector<1x16xf32>,
      %swap3A_87 = vector.shape_cast %swap3A_86 : vector<1x16xf32> to vector<16xf32>
      %swap3A_88 = vector.shape_cast %mul3A_83 : vector<16xf32> to vector<1x16xf32>
      tpu.vector_store %arg21[%swap3A_84, %swap3A_85], %swap3A_88 {strides = array<i32>} : memref<16x64xf32, #tpu.memory_space<vmem>>, vector<1x16xf32>,
      %slice3A_89 = vector.extract_strided_slice %get3A_58 {offsets = [4], sizes = [1], strides = [1]} : vector<16xf32> to vector<1xf32>
      %squeeze3A_90 = vector.extract %slice3A_89[0] : f32 from vector<1xf32>
      %broadcast_in_dim3A_91 = vector.broadcast %squeeze3A_90 : f32 to vector<16xf32>
      %slice3A_92 = vector.extract_strided_slice %get3A_58 {offsets = [5], sizes = [1], strides = [1]} : vector<16xf32> to vector<1xf32>
      %squeeze3A_93 = vector.extract %slice3A_92[0] : f32 from vector<1xf32>
      %broadcast_in_dim3A_94 = vector.broadcast %squeeze3A_93 : f32 to vector<16xf32>
      %select_n3A_95 = arith.select %lt3A_13, %broadcast_in_dim3A_91, %broadcast_in_dim3A_94 : vector<16xi1>, vector<16xf32>
      %get3A_96 = arith.index_cast %scan3A_54 : i32 to index
      %get3A_97 = arith.constant 32 : index
      %get3A_98 = tpu.vector_load %arg15[%get3A_96, %get3A_97] {strides = array<i32>} : memref<16x64xf32, #tpu.memory_space<vmem>>, vector<1x16xf32>,
      %get3A_99 = vector.shape_cast %get3A_98 : vector<1x16xf32> to vector<16xf32>
      %mul3A_100 = arith.mulf %get3A_99, %select_n3A_95 : vector<16xf32>
      %swap3A_101 = arith.index_cast %scan3A_54 : i32 to index
      %swap3A_102 = arith.constant 32 : index
      %swap3A_103 = tpu.vector_load %arg21[%swap3A_101, %swap3A_102] {strides = array<i32>} : memref<16x64xf32, #tpu.memory_space<vmem>>, vector<1x16xf32>,
      %swap3A_104 = vector.shape_cast %swap3A_103 : vector<1x16xf32> to vector<16xf32>
      %swap3A_105 = vector.shape_cast %mul3A_100 : vector<16xf32> to vector<1x16xf32>
      tpu.vector_store %arg21[%swap3A_101, %swap3A_102], %swap3A_105 {strides = array<i32>} : memref<16x64xf32, #tpu.memory_space<vmem>>, vector<1x16xf32>,
      %slice3A_106 = vector.extract_strided_slice %get3A_58 {offsets = [6], sizes = [1], strides = [1]} : vector<16xf32> to vector<1xf32>
      %squeeze3A_107 = vector.extract %slice3A_106[0] : f32 from vector<1xf32>
      %broadcast_in_dim3A_108 = vector.broadcast %squeeze3A_107 : f32 to vector<16xf32>
      %slice3A_109 = vector.extract_strided_slice %get3A_58 {offsets = [7], sizes = [1], strides = [1]} : vector<16xf32> to vector<1xf32>
      %squeeze3A_110 = vector.extract %slice3A_109[0] : f32 from vector<1xf32>
      %broadcast_in_dim3A_111 = vector.broadcast %squeeze3A_110 : f32 to vector<16xf32>
      %select_n3A_112 = arith.select %lt3A_13, %broadcast_in_dim3A_108, %broadcast_in_dim3A_111 : vector<16xi1>, vector<16xf32>
      %get3A_113 = arith.index_cast %scan3A_54 : i32 to index
      %get3A_114 = arith.constant 48 : index
      %get3A_115 = tpu.vector_load %arg15[%get3A_113, %get3A_114] {strides = array<i32>} : memref<16x64xf32, #tpu.memory_space<vmem>>, vector<1x16xf32>,
      %get3A_116 = vector.shape_cast %get3A_115 : vector<1x16xf32> to vector<16xf32>
      %mul3A_117 = arith.mulf %get3A_116, %select_n3A_112 : vector<16xf32>
      %swap3A_118 = arith.index_cast %scan3A_54 : i32 to index
      %swap3A_119 = arith.constant 48 : index
      %swap3A_120 = tpu.vector_load %arg21[%swap3A_118, %swap3A_119] {strides = array<i32>} : memref<16x64xf32, #tpu.memory_space<vmem>>, vector<1x16xf32>,
      %swap3A_121 = vector.shape_cast %swap3A_120 : vector<1x16xf32> to vector<16xf32>
      %swap3A_122 = vector.shape_cast %mul3A_117 : vector<16xf32> to vector<1x16xf32>
      tpu.vector_store %arg21[%swap3A_118, %swap3A_119], %swap3A_122 {strides = array<i32>} : memref<16x64xf32, #tpu.memory_space<vmem>>, vector<1x16xf32>,
      %scan3A_123 = arith.constant 0 : i32
      scf.yield %scan3A_123 : i32
    }
    %scan3A_47 = arith.constant 16 : i32
    %run_scoped3A_48 = arith.constant 0 : i32
    "tpu.region"() ({
      %run_scoped3A_54 = tpu.sem_alloc : memref<!tpu.dma_semaphore, #tpu.memory_space<semaphore_mem>>
      %dma_start3A_55 = arith.constant 0 : i32
      %dma_start3A_56 = tpu.memref_slice %arg12[%run_scoped3A_48, %dma_start3A_55] : memref<1x16xi32, #tpu.memory_space<vmem>> -> memref<1x16xi32, #tpu.memory_space<vmem>>
      %dma_start3A_57 = tpu.memref_squeeze %dma_start3A_56 : memref<1x16xi32, #tpu.memory_space<vmem>> -> memref<16xi32, #tpu.memory_space<vmem>>
      %dma_start3A_58 = arith.constant 0 : i32
      %dma_start3A_59 = arith.constant 0 : i32
      %dma_start3A_60 = tpu.memref_slice %arg23[%dma_start3A_58, %dma_start3A_59] : memref<10240x64xf32, #tpu.memory_space<vmem_shared>> -> memref<10240x64xf32, #tpu.memory_space<vmem_shared>>
      tpu.enqueue_indirect_dma source(%arg21 : memref<16x64xf32, #tpu.memory_space<vmem>>) target(%dma_start3A_60 : memref<10240x64xf32, #tpu.memory_space<vmem_shared>>) offsets(%dma_start3A_57 : memref<16xi32, #tpu.memory_space<vmem>>) semaphore(%run_scoped3A_54 : memref<!tpu.dma_semaphore, #tpu.memory_space<semaphore_mem>>) {add = true}
      %dma_wait3A = arith.constant 0 : i32
      %dma_wait3A_61 = tpu.memref_slice %arg12[%run_scoped3A_48, %dma_wait3A] : memref<1x16xi32, #tpu.memory_space<vmem>> -> memref<1x16xi32, #tpu.memory_space<vmem>>
      %dma_wait3A_62 = tpu.memref_squeeze %dma_wait3A_61 : memref<1x16xi32, #tpu.memory_space<vmem>> -> memref<16xi32, #tpu.memory_space<vmem>>
      %dma_wait3A_63 = arith.constant 0 : i32
      %dma_wait3A_64 = arith.constant 0 : i32
      %dma_wait3A_65 = tpu.memref_slice %arg23[%dma_wait3A_63, %dma_wait3A_64] : memref<10240x64xf32, #tpu.memory_space<vmem_shared>> -> memref<10240x64xf32, #tpu.memory_space<vmem_shared>>
      tpu.wait_indirect_dma semaphore(%run_scoped3A_54 : memref<!tpu.dma_semaphore, #tpu.memory_space<semaphore_mem>>) src(%arg21 : memref<16x64xf32, #tpu.memory_space<vmem>>) dst(%dma_wait3A_65 : memref<10240x64xf32, #tpu.memory_space<vmem_shared>>)
      tpu.yield
    }) : () -> ()
    %barrier3A_49 = arith.constant 0 : index
    tpu.barrier barrier_id(%barrier3A_49)
    %mul3A_50 = arith.constant 640 : i32
    %mul3A_51 = arith.muli %arg1, %mul3A_50 : i32
    %mul3A_52 = arith.constant 640 : i32
    %mul3A_53 = arith.muli %arg1, %mul3A_52 : i32
    "tpu.region"() ({
      %run_scoped3A_54 = tpu.sem_alloc : memref<!tpu.dma_semaphore, #tpu.memory_space<semaphore_mem>>
      %dma_start3A_55 = arith.constant 0 : i32
      %dma_start3A_56 = tpu.memref_slice %arg6[%arg0, %mul3A_53, %dma_start3A_55] : memref<2x10240x64xf32, #tpu.memory_space<hbm>> -> memref<1x640x64xf32, #tpu.memory_space<hbm>>
      %dma_start3A_57 = tpu.memref_squeeze %dma_start3A_56 : memref<1x640x64xf32, #tpu.memory_space<hbm>> -> memref<640x64xf32, #tpu.memory_space<hbm>>
      %dma_start3A_58 = arith.constant 0 : i32
      %dma_start3A_59 = tpu.memref_slice %arg23[%mul3A_51, %dma_start3A_58] : memref<10240x64xf32, #tpu.memory_space<vmem_shared>> -> memref<640x64xf32, #tpu.memory_space<vmem_shared>>
      tpu.enqueue_dma source(%dma_start3A_59 : memref<640x64xf32, #tpu.memory_space<vmem_shared>>) target(%dma_start3A_57 : memref<640x64xf32, #tpu.memory_space<hbm>>) target_semaphore(%run_scoped3A_54 : memref<!tpu.dma_semaphore, #tpu.memory_space<semaphore_mem>>)
      %dma_wait3A = arith.constant 0 : i32
      %dma_wait3A_60 = tpu.memref_slice %arg6[%arg0, %mul3A_53, %dma_wait3A] : memref<2x10240x64xf32, #tpu.memory_space<hbm>> -> memref<1x640x64xf32, #tpu.memory_space<hbm>>
      %dma_wait3A_61 = tpu.memref_squeeze %dma_wait3A_60 : memref<1x640x64xf32, #tpu.memory_space<hbm>> -> memref<640x64xf32, #tpu.memory_space<hbm>>
      %dma_wait3A_62 = arith.constant 0 : i32
      %dma_wait3A_63 = tpu.memref_slice %arg23[%mul3A_51, %dma_wait3A_62] : memref<10240x64xf32, #tpu.memory_space<vmem_shared>> -> memref<640x64xf32, #tpu.memory_space<vmem_shared>>
      tpu.wait_dma2 semaphore(%run_scoped3A_54 : memref<!tpu.dma_semaphore, #tpu.memory_space<semaphore_mem>>) src(%dma_wait3A_63 : memref<640x64xf32, #tpu.memory_space<vmem_shared>>) dst(%dma_wait3A_61 : memref<640x64xf32, #tpu.memory_space<hbm>>)
      tpu.yield
    }) : () -> ()
    return
  }
}

#map = affine_map<(d0, d1) -> (0)>
#map1 = affine_map<(d0, d1) -> (0, 0)>
#map2 = affine_map<(d0, d1) -> (0, 0, 0)>
module attributes {stable_mosaic.version = 14 : i64} {
  func.func @body(%arg0: i32, %arg1: i32, %arg2: memref<320000xi32, #tpu.memory_space<hbm>>, %arg3: memref<320000xi32, #tpu.memory_space<hbm>>, %arg4: memref<10000x16xf32, #tpu.memory_space<hbm>>, %arg5: memref<2x10240x16xf32, #tpu.memory_space<hbm>>, %arg6: memref<1x128xi32, #tpu.memory_space<vmem>>, %arg7: memref<1x128xi32, #tpu.memory_space<vmem>>, %arg8: memref<1x128xi32, #tpu.memory_space<vmem>>, %arg9: memref<1x128xi32, #tpu.memory_space<vmem>>, %arg10: memref<1x16xi32, #tpu.memory_space<vmem>>, %arg11: memref<1x16xi32, #tpu.memory_space<vmem>>, %arg12: memref<128x16xf32, #tpu.memory_space<vmem>>, %arg13: memref<128x16xf32, #tpu.memory_space<vmem>>, %arg14: memref<16x16xf32, #tpu.memory_space<vmem>>, %arg15: memref<640x16xf32, #tpu.memory_space<vmem>>, %arg16: memref<10240x16xf32, #tpu.memory_space<vmem_shared>>, %arg17: memref<!tpu.dma_semaphore, #tpu.memory_space<semaphore_mem>>, %arg18: memref<!tpu.dma_semaphore, #tpu.memory_space<semaphore_mem>>) attributes {dimension_semantics = [#tpu.dimension_semantics<core_parallel>, #tpu.dimension_semantics<subcore_parallel>], iteration_bounds = array<i64: 2, 16>, scalar_prefetch = 0 : i64, scratch_operands = 13 : i64, tpu.core_type = #tpu.core_type<sc_vector_subcore>, window_params = [{transform_indices = #map}, {transform_indices = #map}, {transform_indices = #map1}, {transform_indices = #map2}]} {
    %mul3A = arith.constant 2 : i32
    %mul3A_0 = arith.muli %arg1, %mul3A : i32
    %add3A = arith.addi %mul3A_0, %arg0 : i32
    %mul3A_1 = arith.constant 10000 : i32
    %mul3A_2 = arith.muli %add3A, %mul3A_1 : i32
    %broadcast_in_dim3A = arith.constant 0.000000e+00 : f32
    %broadcast_in_dim3A_3 = vector.broadcast %broadcast_in_dim3A : f32 to vector<16xf32>
    %scan3A = arith.constant 0 : i32
    %scan3A_4 = arith.constant 0 : i32
    %scan3A_5 = arith.constant 640 : i32
    %scan3A_6 = arith.addi %scan3A_4, %scan3A_5 : i32
    %scan3A_7 = arith.constant 1 : i32
    %scan3A_8 = scf.for %scan3A_41 = %scan3A_4 to %scan3A_6 step %scan3A_7 iter_args(%scan3A_42 = %scan3A) -> (i32)  : i32 {
      %swap3A = arith.index_cast %scan3A_41 : i32 to index
      %swap3A_43 = arith.constant 0 : index
      %swap3A_44 = tpu.vector_load %arg15[%swap3A, %swap3A_43] {strides = array<i32>} : memref<640x16xf32, #tpu.memory_space<vmem>>, vector<1x16xf32>,
      %swap3A_45 = vector.shape_cast %swap3A_44 : vector<1x16xf32> to vector<16xf32>
      %swap3A_46 = vector.shape_cast %broadcast_in_dim3A_3 : vector<16xf32> to vector<1x16xf32>
      tpu.vector_store %arg15[%swap3A, %swap3A_43], %swap3A_46 {strides = array<i32>} : memref<640x16xf32, #tpu.memory_space<vmem>>, vector<1x16xf32>,
      %scan3A_47 = arith.constant 0 : i32
      scf.yield %scan3A_47 : i32
    }
    %scan3A_9 = arith.constant 640 : i32
    %mul3A_10 = arith.constant 640 : i32
    %mul3A_11 = arith.muli %arg1, %mul3A_10 : i32
    "tpu.region"() ({
      %run_scoped3A_41 = tpu.sem_alloc : memref<!tpu.dma_semaphore, #tpu.memory_space<semaphore_mem>>
      %dma_start3A_42 = arith.constant 0 : i32
      %dma_start3A_43 = tpu.memref_slice %arg16[%mul3A_11, %dma_start3A_42] : memref<10240x16xf32, #tpu.memory_space<vmem_shared>> -> memref<640x16xf32, #tpu.memory_space<vmem_shared>>
      %dma_start3A_44 = arith.constant 0 : i32
      %dma_start3A_45 = tpu.memref_slice %arg16[%mul3A_11, %dma_start3A_44] : memref<10240x16xf32, #tpu.memory_space<vmem_shared>> -> memref<640x16xf32, #tpu.memory_space<vmem_shared>>
      tpu.enqueue_dma source(%arg15 : memref<640x16xf32, #tpu.memory_space<vmem>>) target(%dma_start3A_45 : memref<640x16xf32, #tpu.memory_space<vmem_shared>>) target_semaphore(%run_scoped3A_41 : memref<!tpu.dma_semaphore, #tpu.memory_space<semaphore_mem>>)
      %dma_wait3A = arith.constant 0 : i32
      %dma_wait3A_46 = tpu.memref_slice %arg16[%mul3A_11, %dma_wait3A] : memref<10240x16xf32, #tpu.memory_space<vmem_shared>> -> memref<640x16xf32, #tpu.memory_space<vmem_shared>>
      %dma_wait3A_47 = arith.constant 0 : i32
      %dma_wait3A_48 = tpu.memref_slice %arg16[%mul3A_11, %dma_wait3A_47] : memref<10240x16xf32, #tpu.memory_space<vmem_shared>> -> memref<640x16xf32, #tpu.memory_space<vmem_shared>>
      tpu.wait_dma2 semaphore(%run_scoped3A_41 : memref<!tpu.dma_semaphore, #tpu.memory_space<semaphore_mem>>) src(%arg15 : memref<640x16xf32, #tpu.memory_space<vmem>>) dst(%dma_wait3A_48 : memref<640x16xf32, #tpu.memory_space<vmem_shared>>)
      tpu.yield
    }) : () -> ()
    %barrier3A = arith.constant 0 : index
    tpu.barrier barrier_id(%barrier3A)
    %iota3A = tpu.iota {dimensions = array<i32: 0>} : vector<16xi32>
    %lt3A = arith.constant 8 : i32
    %lt3A_12 = vector.broadcast %lt3A : i32 to vector<16xi32>
    %lt3A_13 = arith.cmpi slt, %iota3A, %lt3A_12 : vector<16xi32>
    %add3A_14 = arith.constant 0 : i32
    %add3A_15 = arith.addi %mul3A_2, %add3A_14 : i32
    %run_scoped3A = arith.constant 0 : i32
    "tpu.region"() ({
      %run_scoped3A_41 = tpu.sem_alloc : memref<!tpu.dma_semaphore, #tpu.memory_space<semaphore_mem>>
      %dma_start3A_42 = arith.constant 0 : i32
      %dma_start3A_43 = tpu.memref_slice %arg6[%run_scoped3A, %dma_start3A_42] : memref<1x128xi32, #tpu.memory_space<vmem>> -> memref<1x128xi32, #tpu.memory_space<vmem>>
      %dma_start3A_44 = tpu.memref_squeeze %dma_start3A_43 : memref<1x128xi32, #tpu.memory_space<vmem>> -> memref<128xi32, #tpu.memory_space<vmem>>
      %dma_start3A_45 = tpu.memref_slice %arg2[%add3A_15] : memref<320000xi32, #tpu.memory_space<hbm>> -> memref<128xi32, #tpu.memory_space<hbm>>
      %dma_start3A_46 = arith.constant 0 : i32
      %dma_start3A_47 = tpu.memref_slice %arg6[%run_scoped3A, %dma_start3A_46] : memref<1x128xi32, #tpu.memory_space<vmem>> -> memref<1x128xi32, #tpu.memory_space<vmem>>
      %dma_start3A_48 = tpu.memref_squeeze %dma_start3A_47 : memref<1x128xi32, #tpu.memory_space<vmem>> -> memref<128xi32, #tpu.memory_space<vmem>>
      %dma_start3A_49 = tpu.memref_slice %arg2[%add3A_15] : memref<320000xi32, #tpu.memory_space<hbm>> -> memref<128xi32, #tpu.memory_space<hbm>>
      tpu.enqueue_dma source(%dma_start3A_49 : memref<128xi32, #tpu.memory_space<hbm>>) target(%dma_start3A_48 : memref<128xi32, #tpu.memory_space<vmem>>) target_semaphore(%run_scoped3A_41 : memref<!tpu.dma_semaphore, #tpu.memory_space<semaphore_mem>>)
      %dma_wait3A = arith.constant 0 : i32
      %dma_wait3A_50 = tpu.memref_slice %arg6[%run_scoped3A, %dma_wait3A] : memref<1x128xi32, #tpu.memory_space<vmem>> -> memref<1x128xi32, #tpu.memory_space<vmem>>
      %dma_wait3A_51 = tpu.memref_squeeze %dma_wait3A_50 : memref<1x128xi32, #tpu.memory_space<vmem>> -> memref<128xi32, #tpu.memory_space<vmem>>
      %dma_wait3A_52 = tpu.memref_slice %arg2[%add3A_15] : memref<320000xi32, #tpu.memory_space<hbm>> -> memref<128xi32, #tpu.memory_space<hbm>>
      %dma_wait3A_53 = arith.constant 0 : i32
      %dma_wait3A_54 = tpu.memref_slice %arg6[%run_scoped3A, %dma_wait3A_53] : memref<1x128xi32, #tpu.memory_space<vmem>> -> memref<1x128xi32, #tpu.memory_space<vmem>>
      %dma_wait3A_55 = tpu.memref_squeeze %dma_wait3A_54 : memref<1x128xi32, #tpu.memory_space<vmem>> -> memref<128xi32, #tpu.memory_space<vmem>>
      %dma_wait3A_56 = tpu.memref_slice %arg2[%add3A_15] : memref<320000xi32, #tpu.memory_space<hbm>> -> memref<128xi32, #tpu.memory_space<hbm>>
      tpu.wait_dma2 semaphore(%run_scoped3A_41 : memref<!tpu.dma_semaphore, #tpu.memory_space<semaphore_mem>>) src(%dma_wait3A_56 : memref<128xi32, #tpu.memory_space<hbm>>) dst(%dma_wait3A_55 : memref<128xi32, #tpu.memory_space<vmem>>)
      tpu.yield
    }) : () -> ()
    %run_scoped3A_16 = arith.constant 0 : i32
    "tpu.region"() ({
      %run_scoped3A_41 = tpu.sem_alloc : memref<!tpu.dma_semaphore, #tpu.memory_space<semaphore_mem>>
      %dma_start3A_42 = arith.constant 0 : i32
      %dma_start3A_43 = tpu.memref_slice %arg8[%run_scoped3A_16, %dma_start3A_42] : memref<1x128xi32, #tpu.memory_space<vmem>> -> memref<1x128xi32, #tpu.memory_space<vmem>>
      %dma_start3A_44 = tpu.memref_squeeze %dma_start3A_43 : memref<1x128xi32, #tpu.memory_space<vmem>> -> memref<128xi32, #tpu.memory_space<vmem>>
      %dma_start3A_45 = tpu.memref_slice %arg3[%add3A_15] : memref<320000xi32, #tpu.memory_space<hbm>> -> memref<128xi32, #tpu.memory_space<hbm>>
      %dma_start3A_46 = arith.constant 0 : i32
      %dma_start3A_47 = tpu.memref_slice %arg8[%run_scoped3A_16, %dma_start3A_46] : memref<1x128xi32, #tpu.memory_space<vmem>> -> memref<1x128xi32, #tpu.memory_space<vmem>>
      %dma_start3A_48 = tpu.memref_squeeze %dma_start3A_47 : memref<1x128xi32, #tpu.memory_space<vmem>> -> memref<128xi32, #tpu.memory_space<vmem>>
      %dma_start3A_49 = tpu.memref_slice %arg3[%add3A_15] : memref<320000xi32, #tpu.memory_space<hbm>> -> memref<128xi32, #tpu.memory_space<hbm>>
      tpu.enqueue_dma source(%dma_start3A_49 : memref<128xi32, #tpu.memory_space<hbm>>) target(%dma_start3A_48 : memref<128xi32, #tpu.memory_space<vmem>>) target_semaphore(%run_scoped3A_41 : memref<!tpu.dma_semaphore, #tpu.memory_space<semaphore_mem>>)
      %dma_wait3A = arith.constant 0 : i32
      %dma_wait3A_50 = tpu.memref_slice %arg8[%run_scoped3A_16, %dma_wait3A] : memref<1x128xi32, #tpu.memory_space<vmem>> -> memref<1x128xi32, #tpu.memory_space<vmem>>
      %dma_wait3A_51 = tpu.memref_squeeze %dma_wait3A_50 : memref<1x128xi32, #tpu.memory_space<vmem>> -> memref<128xi32, #tpu.memory_space<vmem>>
      %dma_wait3A_52 = tpu.memref_slice %arg3[%add3A_15] : memref<320000xi32, #tpu.memory_space<hbm>> -> memref<128xi32, #tpu.memory_space<hbm>>
      %dma_wait3A_53 = arith.constant 0 : i32
      %dma_wait3A_54 = tpu.memref_slice %arg8[%run_scoped3A_16, %dma_wait3A_53] : memref<1x128xi32, #tpu.memory_space<vmem>> -> memref<1x128xi32, #tpu.memory_space<vmem>>
      %dma_wait3A_55 = tpu.memref_squeeze %dma_wait3A_54 : memref<1x128xi32, #tpu.memory_space<vmem>> -> memref<128xi32, #tpu.memory_space<vmem>>
      %dma_wait3A_56 = tpu.memref_slice %arg3[%add3A_15] : memref<320000xi32, #tpu.memory_space<hbm>> -> memref<128xi32, #tpu.memory_space<hbm>>
      tpu.wait_dma2 semaphore(%run_scoped3A_41 : memref<!tpu.dma_semaphore, #tpu.memory_space<semaphore_mem>>) src(%dma_wait3A_56 : memref<128xi32, #tpu.memory_space<hbm>>) dst(%dma_wait3A_55 : memref<128xi32, #tpu.memory_space<vmem>>)
      tpu.yield
    }) : () -> ()
    %dma_start3A = arith.constant 0 : i32
    %dma_start3A_17 = arith.constant 0 : i32
    %dma_start3A_18 = tpu.memref_slice %arg6[%dma_start3A, %dma_start3A_17] : memref<1x128xi32, #tpu.memory_space<vmem>> -> memref<1x128xi32, #tpu.memory_space<vmem>>
    %dma_start3A_19 = tpu.memref_squeeze %dma_start3A_18 : memref<1x128xi32, #tpu.memory_space<vmem>> -> memref<128xi32, #tpu.memory_space<vmem>>
    %dma_start3A_20 = arith.constant 0 : i32
    %dma_start3A_21 = arith.constant 0 : i32
    %dma_start3A_22 = tpu.memref_slice %arg4[%dma_start3A_20, %dma_start3A_21] : memref<10000x16xf32, #tpu.memory_space<hbm>> -> memref<10000x16xf32, #tpu.memory_space<hbm>>
    tpu.enqueue_indirect_dma source(%dma_start3A_22 : memref<10000x16xf32, #tpu.memory_space<hbm>>) target(%arg12 : memref<128x16xf32, #tpu.memory_space<vmem>>) offsets(%dma_start3A_19 : memref<128xi32, #tpu.memory_space<vmem>>) semaphore(%arg17 : memref<!tpu.dma_semaphore, #tpu.memory_space<semaphore_mem>>)
    %scan3A_23 = arith.constant 0 : i32
    %scan3A_24 = arith.constant 0 : i32
    %scan3A_25 = arith.constant 39 : i32
    %scan3A_26 = arith.addi %scan3A_24, %scan3A_25 : i32
    %scan3A_27 = arith.constant 1 : i32
    %scan3A_28 = scf.for %scan3A_41 = %scan3A_24 to %scan3A_26 step %scan3A_27 iter_args(%scan3A_42 = %scan3A_23) -> (i32)  : i32 {
      %mul3A_43 = arith.constant 2 : i32
      %mul3A_44 = arith.muli %mul3A_43, %scan3A_41 : i32
      %add3A_45 = arith.constant 1 : i32
      %add3A_46 = arith.addi %mul3A_44, %add3A_45 : i32
      %mul3A_47 = arith.constant 128 : i32
      %mul3A_48 = arith.muli %add3A_46, %mul3A_47 : i32
      %add3A_49 = arith.addi %mul3A_2, %mul3A_48 : i32
      %run_scoped3A_50 = arith.constant 0 : i32
      "tpu.region"() ({
        %run_scoped3A_78 = tpu.sem_alloc : memref<!tpu.dma_semaphore, #tpu.memory_space<semaphore_mem>>
        %dma_start3A_79 = arith.constant 0 : i32
        %dma_start3A_80 = tpu.memref_slice %arg7[%run_scoped3A_50, %dma_start3A_79] : memref<1x128xi32, #tpu.memory_space<vmem>> -> memref<1x128xi32, #tpu.memory_space<vmem>>
        %dma_start3A_81 = tpu.memref_squeeze %dma_start3A_80 : memref<1x128xi32, #tpu.memory_space<vmem>> -> memref<128xi32, #tpu.memory_space<vmem>>
        %dma_start3A_82 = tpu.memref_slice %arg2[%add3A_49] : memref<320000xi32, #tpu.memory_space<hbm>> -> memref<128xi32, #tpu.memory_space<hbm>>
        %dma_start3A_83 = arith.constant 0 : i32
        %dma_start3A_84 = tpu.memref_slice %arg7[%run_scoped3A_50, %dma_start3A_83] : memref<1x128xi32, #tpu.memory_space<vmem>> -> memref<1x128xi32, #tpu.memory_space<vmem>>
        %dma_start3A_85 = tpu.memref_squeeze %dma_start3A_84 : memref<1x128xi32, #tpu.memory_space<vmem>> -> memref<128xi32, #tpu.memory_space<vmem>>
        %dma_start3A_86 = tpu.memref_slice %arg2[%add3A_49] : memref<320000xi32, #tpu.memory_space<hbm>> -> memref<128xi32, #tpu.memory_space<hbm>>
        tpu.enqueue_dma source(%dma_start3A_86 : memref<128xi32, #tpu.memory_space<hbm>>) target(%dma_start3A_85 : memref<128xi32, #tpu.memory_space<vmem>>) target_semaphore(%run_scoped3A_78 : memref<!tpu.dma_semaphore, #tpu.memory_space<semaphore_mem>>)
        %dma_wait3A_87 = arith.constant 0 : i32
        %dma_wait3A_88 = tpu.memref_slice %arg7[%run_scoped3A_50, %dma_wait3A_87] : memref<1x128xi32, #tpu.memory_space<vmem>> -> memref<1x128xi32, #tpu.memory_space<vmem>>
        %dma_wait3A_89 = tpu.memref_squeeze %dma_wait3A_88 : memref<1x128xi32, #tpu.memory_space<vmem>> -> memref<128xi32, #tpu.memory_space<vmem>>
        %dma_wait3A_90 = tpu.memref_slice %arg2[%add3A_49] : memref<320000xi32, #tpu.memory_space<hbm>> -> memref<128xi32, #tpu.memory_space<hbm>>
        %dma_wait3A_91 = arith.constant 0 : i32
        %dma_wait3A_92 = tpu.memref_slice %arg7[%run_scoped3A_50, %dma_wait3A_91] : memref<1x128xi32, #tpu.memory_space<vmem>> -> memref<1x128xi32, #tpu.memory_space<vmem>>
        %dma_wait3A_93 = tpu.memref_squeeze %dma_wait3A_92 : memref<1x128xi32, #tpu.memory_space<vmem>> -> memref<128xi32, #tpu.memory_space<vmem>>
        %dma_wait3A_94 = tpu.memref_slice %arg2[%add3A_49] : memref<320000xi32, #tpu.memory_space<hbm>> -> memref<128xi32, #tpu.memory_space<hbm>>
        tpu.wait_dma2 semaphore(%run_scoped3A_78 : memref<!tpu.dma_semaphore, #tpu.memory_space<semaphore_mem>>) src(%dma_wait3A_94 : memref<128xi32, #tpu.memory_space<hbm>>) dst(%dma_wait3A_93 : memref<128xi32, #tpu.memory_space<vmem>>)
        tpu.yield
      }) : () -> ()
      %run_scoped3A_51 = arith.constant 0 : i32
      "tpu.region"() ({
        %run_scoped3A_78 = tpu.sem_alloc : memref<!tpu.dma_semaphore, #tpu.memory_space<semaphore_mem>>
        %dma_start3A_79 = arith.constant 0 : i32
        %dma_start3A_80 = tpu.memref_slice %arg9[%run_scoped3A_51, %dma_start3A_79] : memref<1x128xi32, #tpu.memory_space<vmem>> -> memref<1x128xi32, #tpu.memory_space<vmem>>
        %dma_start3A_81 = tpu.memref_squeeze %dma_start3A_80 : memref<1x128xi32, #tpu.memory_space<vmem>> -> memref<128xi32, #tpu.memory_space<vmem>>
        %dma_start3A_82 = tpu.memref_slice %arg3[%add3A_49] : memref<320000xi32, #tpu.memory_space<hbm>> -> memref<128xi32, #tpu.memory_space<hbm>>
        %dma_start3A_83 = arith.constant 0 : i32
        %dma_start3A_84 = tpu.memref_slice %arg9[%run_scoped3A_51, %dma_start3A_83] : memref<1x128xi32, #tpu.memory_space<vmem>> -> memref<1x128xi32, #tpu.memory_space<vmem>>
        %dma_start3A_85 = tpu.memref_squeeze %dma_start3A_84 : memref<1x128xi32, #tpu.memory_space<vmem>> -> memref<128xi32, #tpu.memory_space<vmem>>
        %dma_start3A_86 = tpu.memref_slice %arg3[%add3A_49] : memref<320000xi32, #tpu.memory_space<hbm>> -> memref<128xi32, #tpu.memory_space<hbm>>
        tpu.enqueue_dma source(%dma_start3A_86 : memref<128xi32, #tpu.memory_space<hbm>>) target(%dma_start3A_85 : memref<128xi32, #tpu.memory_space<vmem>>) target_semaphore(%run_scoped3A_78 : memref<!tpu.dma_semaphore, #tpu.memory_space<semaphore_mem>>)
        %dma_wait3A_87 = arith.constant 0 : i32
        %dma_wait3A_88 = tpu.memref_slice %arg9[%run_scoped3A_51, %dma_wait3A_87] : memref<1x128xi32, #tpu.memory_space<vmem>> -> memref<1x128xi32, #tpu.memory_space<vmem>>
        %dma_wait3A_89 = tpu.memref_squeeze %dma_wait3A_88 : memref<1x128xi32, #tpu.memory_space<vmem>> -> memref<128xi32, #tpu.memory_space<vmem>>
        %dma_wait3A_90 = tpu.memref_slice %arg3[%add3A_49] : memref<320000xi32, #tpu.memory_space<hbm>> -> memref<128xi32, #tpu.memory_space<hbm>>
        %dma_wait3A_91 = arith.constant 0 : i32
        %dma_wait3A_92 = tpu.memref_slice %arg9[%run_scoped3A_51, %dma_wait3A_91] : memref<1x128xi32, #tpu.memory_space<vmem>> -> memref<1x128xi32, #tpu.memory_space<vmem>>
        %dma_wait3A_93 = tpu.memref_squeeze %dma_wait3A_92 : memref<1x128xi32, #tpu.memory_space<vmem>> -> memref<128xi32, #tpu.memory_space<vmem>>
        %dma_wait3A_94 = tpu.memref_slice %arg3[%add3A_49] : memref<320000xi32, #tpu.memory_space<hbm>> -> memref<128xi32, #tpu.memory_space<hbm>>
        tpu.wait_dma2 semaphore(%run_scoped3A_78 : memref<!tpu.dma_semaphore, #tpu.memory_space<semaphore_mem>>) src(%dma_wait3A_94 : memref<128xi32, #tpu.memory_space<hbm>>) dst(%dma_wait3A_93 : memref<128xi32, #tpu.memory_space<vmem>>)
        tpu.yield
      }) : () -> ()
      %dma_start3A_52 = arith.constant 0 : i32
      %dma_start3A_53 = arith.constant 0 : i32
      %dma_start3A_54 = tpu.memref_slice %arg7[%dma_start3A_52, %dma_start3A_53] : memref<1x128xi32, #tpu.memory_space<vmem>> -> memref<1x128xi32, #tpu.memory_space<vmem>>
      %dma_start3A_55 = tpu.memref_squeeze %dma_start3A_54 : memref<1x128xi32, #tpu.memory_space<vmem>> -> memref<128xi32, #tpu.memory_space<vmem>>
      %dma_start3A_56 = arith.constant 0 : i32
      %dma_start3A_57 = arith.constant 0 : i32
      %dma_start3A_58 = tpu.memref_slice %arg4[%dma_start3A_56, %dma_start3A_57] : memref<10000x16xf32, #tpu.memory_space<hbm>> -> memref<10000x16xf32, #tpu.memory_space<hbm>>
      tpu.enqueue_indirect_dma source(%dma_start3A_58 : memref<10000x16xf32, #tpu.memory_space<hbm>>) target(%arg13 : memref<128x16xf32, #tpu.memory_space<vmem>>) offsets(%dma_start3A_55 : memref<128xi32, #tpu.memory_space<vmem>>) semaphore(%arg18 : memref<!tpu.dma_semaphore, #tpu.memory_space<semaphore_mem>>)
      %dma_wait3A = arith.constant 0 : i32
      %dma_wait3A_59 = arith.constant 0 : i32
      %dma_wait3A_60 = tpu.memref_slice %arg6[%dma_wait3A, %dma_wait3A_59] : memref<1x128xi32, #tpu.memory_space<vmem>> -> memref<1x128xi32, #tpu.memory_space<vmem>>
      %dma_wait3A_61 = tpu.memref_squeeze %dma_wait3A_60 : memref<1x128xi32, #tpu.memory_space<vmem>> -> memref<128xi32, #tpu.memory_space<vmem>>
      %dma_wait3A_62 = arith.constant 0 : i32
      %dma_wait3A_63 = arith.constant 0 : i32
      %dma_wait3A_64 = tpu.memref_slice %arg4[%dma_wait3A_62, %dma_wait3A_63] : memref<10000x16xf32, #tpu.memory_space<hbm>> -> memref<10000x16xf32, #tpu.memory_space<hbm>>
      tpu.wait_indirect_dma semaphore(%arg17 : memref<!tpu.dma_semaphore, #tpu.memory_space<semaphore_mem>>) src(%dma_wait3A_64 : memref<10000x16xf32, #tpu.memory_space<hbm>>) dst(%arg12 : memref<128x16xf32, #tpu.memory_space<vmem>>)
      %run_scoped3A_65 = arith.constant 0 : i32
      "tpu.region"() ({
        %run_scoped3A_78 = tpu.sem_alloc : memref<!tpu.dma_semaphore, #tpu.memory_space<semaphore_mem>>
        %dma_start3A_79 = arith.constant 0 : i32
        %dma_start3A_80 = tpu.memref_slice %arg8[%run_scoped3A_65, %dma_start3A_79] : memref<1x128xi32, #tpu.memory_space<vmem>> -> memref<1x128xi32, #tpu.memory_space<vmem>>
        %dma_start3A_81 = tpu.memref_squeeze %dma_start3A_80 : memref<1x128xi32, #tpu.memory_space<vmem>> -> memref<128xi32, #tpu.memory_space<vmem>>
        %dma_start3A_82 = arith.constant 0 : i32
        %dma_start3A_83 = arith.constant 0 : i32
        %dma_start3A_84 = tpu.memref_slice %arg16[%dma_start3A_82, %dma_start3A_83] : memref<10240x16xf32, #tpu.memory_space<vmem_shared>> -> memref<10240x16xf32, #tpu.memory_space<vmem_shared>>
        tpu.enqueue_indirect_dma source(%arg12 : memref<128x16xf32, #tpu.memory_space<vmem>>) target(%dma_start3A_84 : memref<10240x16xf32, #tpu.memory_space<vmem_shared>>) offsets(%dma_start3A_81 : memref<128xi32, #tpu.memory_space<vmem>>) semaphore(%run_scoped3A_78 : memref<!tpu.dma_semaphore, #tpu.memory_space<semaphore_mem>>) {add = true}
        %dma_wait3A_85 = arith.constant 0 : i32
        %dma_wait3A_86 = tpu.memref_slice %arg8[%run_scoped3A_65, %dma_wait3A_85] : memref<1x128xi32, #tpu.memory_space<vmem>> -> memref<1x128xi32, #tpu.memory_space<vmem>>
        %dma_wait3A_87 = tpu.memref_squeeze %dma_wait3A_86 : memref<1x128xi32, #tpu.memory_space<vmem>> -> memref<128xi32, #tpu.memory_space<vmem>>
        %dma_wait3A_88 = arith.constant 0 : i32
        %dma_wait3A_89 = arith.constant 0 : i32
        %dma_wait3A_90 = tpu.memref_slice %arg16[%dma_wait3A_88, %dma_wait3A_89] : memref<10240x16xf32, #tpu.memory_space<vmem_shared>> -> memref<10240x16xf32, #tpu.memory_space<vmem_shared>>
        tpu.wait_indirect_dma semaphore(%run_scoped3A_78 : memref<!tpu.dma_semaphore, #tpu.memory_space<semaphore_mem>>) src(%arg12 : memref<128x16xf32, #tpu.memory_space<vmem>>) dst(%dma_wait3A_90 : memref<10240x16xf32, #tpu.memory_space<vmem_shared>>)
        tpu.yield
      }) : () -> ()
      %lt3A_66 = arith.constant 38 : i32
      %lt3A_67 = arith.cmpi slt, %scan3A_41, %lt3A_66 : i32
      %convert_element_type3A = arith.extui %lt3A_67 : i1 to i32
      %cond3A = arith.constant 0 : i32
      %cond3A_68 = arith.cmpi ne, %convert_element_type3A, %cond3A : i32
      scf.if %cond3A_68 {
        %add3A_78 = arith.constant 2 : i32
        %add3A_79 = arith.addi %mul3A_44, %add3A_78 : i32
        %mul3A_80 = arith.constant 128 : i32
        %mul3A_81 = arith.muli %add3A_79, %mul3A_80 : i32
        %add3A_82 = arith.addi %mul3A_2, %mul3A_81 : i32
        %run_scoped3A_83 = arith.constant 0 : i32
        "tpu.region"() ({
          %run_scoped3A_94 = tpu.sem_alloc : memref<!tpu.dma_semaphore, #tpu.memory_space<semaphore_mem>>
          %dma_start3A_95 = arith.constant 0 : i32
          %dma_start3A_96 = tpu.memref_slice %arg6[%run_scoped3A_83, %dma_start3A_95] : memref<1x128xi32, #tpu.memory_space<vmem>> -> memref<1x128xi32, #tpu.memory_space<vmem>>
          %dma_start3A_97 = tpu.memref_squeeze %dma_start3A_96 : memref<1x128xi32, #tpu.memory_space<vmem>> -> memref<128xi32, #tpu.memory_space<vmem>>
          %dma_start3A_98 = tpu.memref_slice %arg2[%add3A_82] : memref<320000xi32, #tpu.memory_space<hbm>> -> memref<128xi32, #tpu.memory_space<hbm>>
          %dma_start3A_99 = arith.constant 0 : i32
          %dma_start3A_100 = tpu.memref_slice %arg6[%run_scoped3A_83, %dma_start3A_99] : memref<1x128xi32, #tpu.memory_space<vmem>> -> memref<1x128xi32, #tpu.memory_space<vmem>>
          %dma_start3A_101 = tpu.memref_squeeze %dma_start3A_100 : memref<1x128xi32, #tpu.memory_space<vmem>> -> memref<128xi32, #tpu.memory_space<vmem>>
          %dma_start3A_102 = tpu.memref_slice %arg2[%add3A_82] : memref<320000xi32, #tpu.memory_space<hbm>> -> memref<128xi32, #tpu.memory_space<hbm>>
          tpu.enqueue_dma source(%dma_start3A_102 : memref<128xi32, #tpu.memory_space<hbm>>) target(%dma_start3A_101 : memref<128xi32, #tpu.memory_space<vmem>>) target_semaphore(%run_scoped3A_94 : memref<!tpu.dma_semaphore, #tpu.memory_space<semaphore_mem>>)
          %dma_wait3A_103 = arith.constant 0 : i32
          %dma_wait3A_104 = tpu.memref_slice %arg6[%run_scoped3A_83, %dma_wait3A_103] : memref<1x128xi32, #tpu.memory_space<vmem>> -> memref<1x128xi32, #tpu.memory_space<vmem>>
          %dma_wait3A_105 = tpu.memref_squeeze %dma_wait3A_104 : memref<1x128xi32, #tpu.memory_space<vmem>> -> memref<128xi32, #tpu.memory_space<vmem>>
          %dma_wait3A_106 = tpu.memref_slice %arg2[%add3A_82] : memref<320000xi32, #tpu.memory_space<hbm>> -> memref<128xi32, #tpu.memory_space<hbm>>
          %dma_wait3A_107 = arith.constant 0 : i32
          %dma_wait3A_108 = tpu.memref_slice %arg6[%run_scoped3A_83, %dma_wait3A_107] : memref<1x128xi32, #tpu.memory_space<vmem>> -> memref<1x128xi32, #tpu.memory_space<vmem>>
          %dma_wait3A_109 = tpu.memref_squeeze %dma_wait3A_108 : memref<1x128xi32, #tpu.memory_space<vmem>> -> memref<128xi32, #tpu.memory_space<vmem>>
          %dma_wait3A_110 = tpu.memref_slice %arg2[%add3A_82] : memref<320000xi32, #tpu.memory_space<hbm>> -> memref<128xi32, #tpu.memory_space<hbm>>
          tpu.wait_dma2 semaphore(%run_scoped3A_94 : memref<!tpu.dma_semaphore, #tpu.memory_space<semaphore_mem>>) src(%dma_wait3A_110 : memref<128xi32, #tpu.memory_space<hbm>>) dst(%dma_wait3A_109 : memref<128xi32, #tpu.memory_space<vmem>>)
          tpu.yield
        }) : () -> ()
        %run_scoped3A_84 = arith.constant 0 : i32
        "tpu.region"() ({
          %run_scoped3A_94 = tpu.sem_alloc : memref<!tpu.dma_semaphore, #tpu.memory_space<semaphore_mem>>
          %dma_start3A_95 = arith.constant 0 : i32
          %dma_start3A_96 = tpu.memref_slice %arg8[%run_scoped3A_84, %dma_start3A_95] : memref<1x128xi32, #tpu.memory_space<vmem>> -> memref<1x128xi32, #tpu.memory_space<vmem>>
          %dma_start3A_97 = tpu.memref_squeeze %dma_start3A_96 : memref<1x128xi32, #tpu.memory_space<vmem>> -> memref<128xi32, #tpu.memory_space<vmem>>
          %dma_start3A_98 = tpu.memref_slice %arg3[%add3A_82] : memref<320000xi32, #tpu.memory_space<hbm>> -> memref<128xi32, #tpu.memory_space<hbm>>
          %dma_start3A_99 = arith.constant 0 : i32
          %dma_start3A_100 = tpu.memref_slice %arg8[%run_scoped3A_84, %dma_start3A_99] : memref<1x128xi32, #tpu.memory_space<vmem>> -> memref<1x128xi32, #tpu.memory_space<vmem>>
          %dma_start3A_101 = tpu.memref_squeeze %dma_start3A_100 : memref<1x128xi32, #tpu.memory_space<vmem>> -> memref<128xi32, #tpu.memory_space<vmem>>
          %dma_start3A_102 = tpu.memref_slice %arg3[%add3A_82] : memref<320000xi32, #tpu.memory_space<hbm>> -> memref<128xi32, #tpu.memory_space<hbm>>
          tpu.enqueue_dma source(%dma_start3A_102 : memref<128xi32, #tpu.memory_space<hbm>>) target(%dma_start3A_101 : memref<128xi32, #tpu.memory_space<vmem>>) target_semaphore(%run_scoped3A_94 : memref<!tpu.dma_semaphore, #tpu.memory_space<semaphore_mem>>)
          %dma_wait3A_103 = arith.constant 0 : i32
          %dma_wait3A_104 = tpu.memref_slice %arg8[%run_scoped3A_84, %dma_wait3A_103] : memref<1x128xi32, #tpu.memory_space<vmem>> -> memref<1x128xi32, #tpu.memory_space<vmem>>
          %dma_wait3A_105 = tpu.memref_squeeze %dma_wait3A_104 : memref<1x128xi32, #tpu.memory_space<vmem>> -> memref<128xi32, #tpu.memory_space<vmem>>
          %dma_wait3A_106 = tpu.memref_slice %arg3[%add3A_82] : memref<320000xi32, #tpu.memory_space<hbm>> -> memref<128xi32, #tpu.memory_space<hbm>>
          %dma_wait3A_107 = arith.constant 0 : i32
          %dma_wait3A_108 = tpu.memref_slice %arg8[%run_scoped3A_84, %dma_wait3A_107] : memref<1x128xi32, #tpu.memory_space<vmem>> -> memref<1x128xi32, #tpu.memory_space<vmem>>
          %dma_wait3A_109 = tpu.memref_squeeze %dma_wait3A_108 : memref<1x128xi32, #tpu.memory_space<vmem>> -> memref<128xi32, #tpu.memory_space<vmem>>
          %dma_wait3A_110 = tpu.memref_slice %arg3[%add3A_82] : memref<320000xi32, #tpu.memory_space<hbm>> -> memref<128xi32, #tpu.memory_space<hbm>>
          tpu.wait_dma2 semaphore(%run_scoped3A_94 : memref<!tpu.dma_semaphore, #tpu.memory_space<semaphore_mem>>) src(%dma_wait3A_110 : memref<128xi32, #tpu.memory_space<hbm>>) dst(%dma_wait3A_109 : memref<128xi32, #tpu.memory_space<vmem>>)
          tpu.yield
        }) : () -> ()
        %add3A_85 = arith.constant 2 : i32
        %add3A_86 = arith.addi %mul3A_44, %add3A_85 : i32
        %dma_start3A_87 = arith.constant 0 : i32
        %dma_start3A_88 = arith.constant 0 : i32
        %dma_start3A_89 = tpu.memref_slice %arg6[%dma_start3A_87, %dma_start3A_88] : memref<1x128xi32, #tpu.memory_space<vmem>> -> memref<1x128xi32, #tpu.memory_space<vmem>>
        %dma_start3A_90 = tpu.memref_squeeze %dma_start3A_89 : memref<1x128xi32, #tpu.memory_space<vmem>> -> memref<128xi32, #tpu.memory_space<vmem>>
        %dma_start3A_91 = arith.constant 0 : i32
        %dma_start3A_92 = arith.constant 0 : i32
        %dma_start3A_93 = tpu.memref_slice %arg4[%dma_start3A_91, %dma_start3A_92] : memref<10000x16xf32, #tpu.memory_space<hbm>> -> memref<10000x16xf32, #tpu.memory_space<hbm>>
        tpu.enqueue_indirect_dma source(%dma_start3A_93 : memref<10000x16xf32, #tpu.memory_space<hbm>>) target(%arg12 : memref<128x16xf32, #tpu.memory_space<vmem>>) offsets(%dma_start3A_90 : memref<128xi32, #tpu.memory_space<vmem>>) semaphore(%arg17 : memref<!tpu.dma_semaphore, #tpu.memory_space<semaphore_mem>>)
      } else {
      }
      %dma_wait3A_69 = arith.constant 0 : i32
      %dma_wait3A_70 = arith.constant 0 : i32
      %dma_wait3A_71 = tpu.memref_slice %arg7[%dma_wait3A_69, %dma_wait3A_70] : memref<1x128xi32, #tpu.memory_space<vmem>> -> memref<1x128xi32, #tpu.memory_space<vmem>>
      %dma_wait3A_72 = tpu.memref_squeeze %dma_wait3A_71 : memref<1x128xi32, #tpu.memory_space<vmem>> -> memref<128xi32, #tpu.memory_space<vmem>>
      %dma_wait3A_73 = arith.constant 0 : i32
      %dma_wait3A_74 = arith.constant 0 : i32
      %dma_wait3A_75 = tpu.memref_slice %arg4[%dma_wait3A_73, %dma_wait3A_74] : memref<10000x16xf32, #tpu.memory_space<hbm>> -> memref<10000x16xf32, #tpu.memory_space<hbm>>
      tpu.wait_indirect_dma semaphore(%arg18 : memref<!tpu.dma_semaphore, #tpu.memory_space<semaphore_mem>>) src(%dma_wait3A_75 : memref<10000x16xf32, #tpu.memory_space<hbm>>) dst(%arg13 : memref<128x16xf32, #tpu.memory_space<vmem>>)
      %run_scoped3A_76 = arith.constant 0 : i32
      "tpu.region"() ({
        %run_scoped3A_78 = tpu.sem_alloc : memref<!tpu.dma_semaphore, #tpu.memory_space<semaphore_mem>>
        %dma_start3A_79 = arith.constant 0 : i32
        %dma_start3A_80 = tpu.memref_slice %arg9[%run_scoped3A_76, %dma_start3A_79] : memref<1x128xi32, #tpu.memory_space<vmem>> -> memref<1x128xi32, #tpu.memory_space<vmem>>
        %dma_start3A_81 = tpu.memref_squeeze %dma_start3A_80 : memref<1x128xi32, #tpu.memory_space<vmem>> -> memref<128xi32, #tpu.memory_space<vmem>>
        %dma_start3A_82 = arith.constant 0 : i32
        %dma_start3A_83 = arith.constant 0 : i32
        %dma_start3A_84 = tpu.memref_slice %arg16[%dma_start3A_82, %dma_start3A_83] : memref<10240x16xf32, #tpu.memory_space<vmem_shared>> -> memref<10240x16xf32, #tpu.memory_space<vmem_shared>>
        tpu.enqueue_indirect_dma source(%arg13 : memref<128x16xf32, #tpu.memory_space<vmem>>) target(%dma_start3A_84 : memref<10240x16xf32, #tpu.memory_space<vmem_shared>>) offsets(%dma_start3A_81 : memref<128xi32, #tpu.memory_space<vmem>>) semaphore(%run_scoped3A_78 : memref<!tpu.dma_semaphore, #tpu.memory_space<semaphore_mem>>) {add = true}
        %dma_wait3A_85 = arith.constant 0 : i32
        %dma_wait3A_86 = tpu.memref_slice %arg9[%run_scoped3A_76, %dma_wait3A_85] : memref<1x128xi32, #tpu.memory_space<vmem>> -> memref<1x128xi32, #tpu.memory_space<vmem>>
        %dma_wait3A_87 = tpu.memref_squeeze %dma_wait3A_86 : memref<1x128xi32, #tpu.memory_space<vmem>> -> memref<128xi32, #tpu.memory_space<vmem>>
        %dma_wait3A_88 = arith.constant 0 : i32
        %dma_wait3A_89 = arith.constant 0 : i32
        %dma_wait3A_90 = tpu.memref_slice %arg16[%dma_wait3A_88, %dma_wait3A_89] : memref<10240x16xf32, #tpu.memory_space<vmem_shared>> -> memref<10240x16xf32, #tpu.memory_space<vmem_shared>>
        tpu.wait_indirect_dma semaphore(%run_scoped3A_78 : memref<!tpu.dma_semaphore, #tpu.memory_space<semaphore_mem>>) src(%arg13 : memref<128x16xf32, #tpu.memory_space<vmem>>) dst(%dma_wait3A_90 : memref<10240x16xf32, #tpu.memory_space<vmem_shared>>)
        tpu.yield
      }) : () -> ()
      %scan3A_77 = arith.constant 0 : i32
      scf.yield %scan3A_77 : i32
    }
    %scan3A_29 = arith.constant 39 : i32
    %add3A_30 = arith.constant 9984 : i32
    %add3A_31 = arith.addi %mul3A_2, %add3A_30 : i32
    %run_scoped3A_32 = arith.constant 0 : i32
    "tpu.region"() ({
      %run_scoped3A_41 = tpu.sem_alloc : memref<!tpu.dma_semaphore, #tpu.memory_space<semaphore_mem>>
      %dma_start3A_42 = arith.constant 0 : i32
      %dma_start3A_43 = tpu.memref_slice %arg10[%run_scoped3A_32, %dma_start3A_42] : memref<1x16xi32, #tpu.memory_space<vmem>> -> memref<1x16xi32, #tpu.memory_space<vmem>>
      %dma_start3A_44 = tpu.memref_squeeze %dma_start3A_43 : memref<1x16xi32, #tpu.memory_space<vmem>> -> memref<16xi32, #tpu.memory_space<vmem>>
      %dma_start3A_45 = tpu.memref_slice %arg2[%add3A_31] : memref<320000xi32, #tpu.memory_space<hbm>> -> memref<16xi32, #tpu.memory_space<hbm>>
      %dma_start3A_46 = arith.constant 0 : i32
      %dma_start3A_47 = tpu.memref_slice %arg10[%run_scoped3A_32, %dma_start3A_46] : memref<1x16xi32, #tpu.memory_space<vmem>> -> memref<1x16xi32, #tpu.memory_space<vmem>>
      %dma_start3A_48 = tpu.memref_squeeze %dma_start3A_47 : memref<1x16xi32, #tpu.memory_space<vmem>> -> memref<16xi32, #tpu.memory_space<vmem>>
      %dma_start3A_49 = tpu.memref_slice %arg2[%add3A_31] : memref<320000xi32, #tpu.memory_space<hbm>> -> memref<16xi32, #tpu.memory_space<hbm>>
      tpu.enqueue_dma source(%dma_start3A_49 : memref<16xi32, #tpu.memory_space<hbm>>) target(%dma_start3A_48 : memref<16xi32, #tpu.memory_space<vmem>>) target_semaphore(%run_scoped3A_41 : memref<!tpu.dma_semaphore, #tpu.memory_space<semaphore_mem>>)
      %dma_wait3A = arith.constant 0 : i32
      %dma_wait3A_50 = tpu.memref_slice %arg10[%run_scoped3A_32, %dma_wait3A] : memref<1x16xi32, #tpu.memory_space<vmem>> -> memref<1x16xi32, #tpu.memory_space<vmem>>
      %dma_wait3A_51 = tpu.memref_squeeze %dma_wait3A_50 : memref<1x16xi32, #tpu.memory_space<vmem>> -> memref<16xi32, #tpu.memory_space<vmem>>
      %dma_wait3A_52 = tpu.memref_slice %arg2[%add3A_31] : memref<320000xi32, #tpu.memory_space<hbm>> -> memref<16xi32, #tpu.memory_space<hbm>>
      %dma_wait3A_53 = arith.constant 0 : i32
      %dma_wait3A_54 = tpu.memref_slice %arg10[%run_scoped3A_32, %dma_wait3A_53] : memref<1x16xi32, #tpu.memory_space<vmem>> -> memref<1x16xi32, #tpu.memory_space<vmem>>
      %dma_wait3A_55 = tpu.memref_squeeze %dma_wait3A_54 : memref<1x16xi32, #tpu.memory_space<vmem>> -> memref<16xi32, #tpu.memory_space<vmem>>
      %dma_wait3A_56 = tpu.memref_slice %arg2[%add3A_31] : memref<320000xi32, #tpu.memory_space<hbm>> -> memref<16xi32, #tpu.memory_space<hbm>>
      tpu.wait_dma2 semaphore(%run_scoped3A_41 : memref<!tpu.dma_semaphore, #tpu.memory_space<semaphore_mem>>) src(%dma_wait3A_56 : memref<16xi32, #tpu.memory_space<hbm>>) dst(%dma_wait3A_55 : memref<16xi32, #tpu.memory_space<vmem>>)
      tpu.yield
    }) : () -> ()
    %run_scoped3A_33 = arith.constant 0 : i32
    "tpu.region"() ({
      %run_scoped3A_41 = tpu.sem_alloc : memref<!tpu.dma_semaphore, #tpu.memory_space<semaphore_mem>>
      %dma_start3A_42 = arith.constant 0 : i32
      %dma_start3A_43 = tpu.memref_slice %arg11[%run_scoped3A_33, %dma_start3A_42] : memref<1x16xi32, #tpu.memory_space<vmem>> -> memref<1x16xi32, #tpu.memory_space<vmem>>
      %dma_start3A_44 = tpu.memref_squeeze %dma_start3A_43 : memref<1x16xi32, #tpu.memory_space<vmem>> -> memref<16xi32, #tpu.memory_space<vmem>>
      %dma_start3A_45 = tpu.memref_slice %arg3[%add3A_31] : memref<320000xi32, #tpu.memory_space<hbm>> -> memref<16xi32, #tpu.memory_space<hbm>>
      %dma_start3A_46 = arith.constant 0 : i32
      %dma_start3A_47 = tpu.memref_slice %arg11[%run_scoped3A_33, %dma_start3A_46] : memref<1x16xi32, #tpu.memory_space<vmem>> -> memref<1x16xi32, #tpu.memory_space<vmem>>
      %dma_start3A_48 = tpu.memref_squeeze %dma_start3A_47 : memref<1x16xi32, #tpu.memory_space<vmem>> -> memref<16xi32, #tpu.memory_space<vmem>>
      %dma_start3A_49 = tpu.memref_slice %arg3[%add3A_31] : memref<320000xi32, #tpu.memory_space<hbm>> -> memref<16xi32, #tpu.memory_space<hbm>>
      tpu.enqueue_dma source(%dma_start3A_49 : memref<16xi32, #tpu.memory_space<hbm>>) target(%dma_start3A_48 : memref<16xi32, #tpu.memory_space<vmem>>) target_semaphore(%run_scoped3A_41 : memref<!tpu.dma_semaphore, #tpu.memory_space<semaphore_mem>>)
      %dma_wait3A = arith.constant 0 : i32
      %dma_wait3A_50 = tpu.memref_slice %arg11[%run_scoped3A_33, %dma_wait3A] : memref<1x16xi32, #tpu.memory_space<vmem>> -> memref<1x16xi32, #tpu.memory_space<vmem>>
      %dma_wait3A_51 = tpu.memref_squeeze %dma_wait3A_50 : memref<1x16xi32, #tpu.memory_space<vmem>> -> memref<16xi32, #tpu.memory_space<vmem>>
      %dma_wait3A_52 = tpu.memref_slice %arg3[%add3A_31] : memref<320000xi32, #tpu.memory_space<hbm>> -> memref<16xi32, #tpu.memory_space<hbm>>
      %dma_wait3A_53 = arith.constant 0 : i32
      %dma_wait3A_54 = tpu.memref_slice %arg11[%run_scoped3A_33, %dma_wait3A_53] : memref<1x16xi32, #tpu.memory_space<vmem>> -> memref<1x16xi32, #tpu.memory_space<vmem>>
      %dma_wait3A_55 = tpu.memref_squeeze %dma_wait3A_54 : memref<1x16xi32, #tpu.memory_space<vmem>> -> memref<16xi32, #tpu.memory_space<vmem>>
      %dma_wait3A_56 = tpu.memref_slice %arg3[%add3A_31] : memref<320000xi32, #tpu.memory_space<hbm>> -> memref<16xi32, #tpu.memory_space<hbm>>
      tpu.wait_dma2 semaphore(%run_scoped3A_41 : memref<!tpu.dma_semaphore, #tpu.memory_space<semaphore_mem>>) src(%dma_wait3A_56 : memref<16xi32, #tpu.memory_space<hbm>>) dst(%dma_wait3A_55 : memref<16xi32, #tpu.memory_space<vmem>>)
      tpu.yield
    }) : () -> ()
    %run_scoped3A_34 = arith.constant 0 : i32
    "tpu.region"() ({
      %run_scoped3A_41 = tpu.sem_alloc : memref<!tpu.dma_semaphore, #tpu.memory_space<semaphore_mem>>
      %dma_start3A_42 = arith.constant 0 : i32
      %dma_start3A_43 = tpu.memref_slice %arg10[%run_scoped3A_34, %dma_start3A_42] : memref<1x16xi32, #tpu.memory_space<vmem>> -> memref<1x16xi32, #tpu.memory_space<vmem>>
      %dma_start3A_44 = tpu.memref_squeeze %dma_start3A_43 : memref<1x16xi32, #tpu.memory_space<vmem>> -> memref<16xi32, #tpu.memory_space<vmem>>
      %dma_start3A_45 = arith.constant 0 : i32
      %dma_start3A_46 = arith.constant 0 : i32
      %dma_start3A_47 = tpu.memref_slice %arg4[%dma_start3A_45, %dma_start3A_46] : memref<10000x16xf32, #tpu.memory_space<hbm>> -> memref<10000x16xf32, #tpu.memory_space<hbm>>
      tpu.enqueue_indirect_dma source(%dma_start3A_47 : memref<10000x16xf32, #tpu.memory_space<hbm>>) target(%arg14 : memref<16x16xf32, #tpu.memory_space<vmem>>) offsets(%dma_start3A_44 : memref<16xi32, #tpu.memory_space<vmem>>) semaphore(%run_scoped3A_41 : memref<!tpu.dma_semaphore, #tpu.memory_space<semaphore_mem>>)
      %dma_wait3A = arith.constant 0 : i32
      %dma_wait3A_48 = tpu.memref_slice %arg10[%run_scoped3A_34, %dma_wait3A] : memref<1x16xi32, #tpu.memory_space<vmem>> -> memref<1x16xi32, #tpu.memory_space<vmem>>
      %dma_wait3A_49 = tpu.memref_squeeze %dma_wait3A_48 : memref<1x16xi32, #tpu.memory_space<vmem>> -> memref<16xi32, #tpu.memory_space<vmem>>
      %dma_wait3A_50 = arith.constant 0 : i32
      %dma_wait3A_51 = arith.constant 0 : i32
      %dma_wait3A_52 = tpu.memref_slice %arg4[%dma_wait3A_50, %dma_wait3A_51] : memref<10000x16xf32, #tpu.memory_space<hbm>> -> memref<10000x16xf32, #tpu.memory_space<hbm>>
      tpu.wait_indirect_dma semaphore(%run_scoped3A_41 : memref<!tpu.dma_semaphore, #tpu.memory_space<semaphore_mem>>) src(%dma_wait3A_52 : memref<10000x16xf32, #tpu.memory_space<hbm>>) dst(%arg14 : memref<16x16xf32, #tpu.memory_space<vmem>>)
      tpu.yield
    }) : () -> ()
    %run_scoped3A_35 = arith.constant 0 : i32
    "tpu.region"() ({
      %run_scoped3A_41 = tpu.sem_alloc : memref<!tpu.dma_semaphore, #tpu.memory_space<semaphore_mem>>
      %dma_start3A_42 = arith.constant 0 : i32
      %dma_start3A_43 = tpu.memref_slice %arg11[%run_scoped3A_35, %dma_start3A_42] : memref<1x16xi32, #tpu.memory_space<vmem>> -> memref<1x16xi32, #tpu.memory_space<vmem>>
      %dma_start3A_44 = tpu.memref_squeeze %dma_start3A_43 : memref<1x16xi32, #tpu.memory_space<vmem>> -> memref<16xi32, #tpu.memory_space<vmem>>
      %dma_start3A_45 = arith.constant 0 : i32
      %dma_start3A_46 = arith.constant 0 : i32
      %dma_start3A_47 = tpu.memref_slice %arg16[%dma_start3A_45, %dma_start3A_46] : memref<10240x16xf32, #tpu.memory_space<vmem_shared>> -> memref<10240x16xf32, #tpu.memory_space<vmem_shared>>
      tpu.enqueue_indirect_dma source(%arg14 : memref<16x16xf32, #tpu.memory_space<vmem>>) target(%dma_start3A_47 : memref<10240x16xf32, #tpu.memory_space<vmem_shared>>) offsets(%dma_start3A_44 : memref<16xi32, #tpu.memory_space<vmem>>) semaphore(%run_scoped3A_41 : memref<!tpu.dma_semaphore, #tpu.memory_space<semaphore_mem>>) {add = true}
      %dma_wait3A = arith.constant 0 : i32
      %dma_wait3A_48 = tpu.memref_slice %arg11[%run_scoped3A_35, %dma_wait3A] : memref<1x16xi32, #tpu.memory_space<vmem>> -> memref<1x16xi32, #tpu.memory_space<vmem>>
      %dma_wait3A_49 = tpu.memref_squeeze %dma_wait3A_48 : memref<1x16xi32, #tpu.memory_space<vmem>> -> memref<16xi32, #tpu.memory_space<vmem>>
      %dma_wait3A_50 = arith.constant 0 : i32
      %dma_wait3A_51 = arith.constant 0 : i32
      %dma_wait3A_52 = tpu.memref_slice %arg16[%dma_wait3A_50, %dma_wait3A_51] : memref<10240x16xf32, #tpu.memory_space<vmem_shared>> -> memref<10240x16xf32, #tpu.memory_space<vmem_shared>>
      tpu.wait_indirect_dma semaphore(%run_scoped3A_41 : memref<!tpu.dma_semaphore, #tpu.memory_space<semaphore_mem>>) src(%arg14 : memref<16x16xf32, #tpu.memory_space<vmem>>) dst(%dma_wait3A_52 : memref<10240x16xf32, #tpu.memory_space<vmem_shared>>)
      tpu.yield
    }) : () -> ()
    %barrier3A_36 = arith.constant 0 : index
    tpu.barrier barrier_id(%barrier3A_36)
    %mul3A_37 = arith.constant 640 : i32
    %mul3A_38 = arith.muli %arg1, %mul3A_37 : i32
    %mul3A_39 = arith.constant 640 : i32
    %mul3A_40 = arith.muli %arg1, %mul3A_39 : i32
    "tpu.region"() ({
      %run_scoped3A_41 = tpu.sem_alloc : memref<!tpu.dma_semaphore, #tpu.memory_space<semaphore_mem>>
      %dma_start3A_42 = arith.constant 0 : i32
      %dma_start3A_43 = tpu.memref_slice %arg5[%arg0, %mul3A_40, %dma_start3A_42] : memref<2x10240x16xf32, #tpu.memory_space<hbm>> -> memref<1x640x16xf32, #tpu.memory_space<hbm>>
      %dma_start3A_44 = tpu.memref_squeeze %dma_start3A_43 : memref<1x640x16xf32, #tpu.memory_space<hbm>> -> memref<640x16xf32, #tpu.memory_space<hbm>>
      %dma_start3A_45 = arith.constant 0 : i32
      %dma_start3A_46 = tpu.memref_slice %arg16[%mul3A_38, %dma_start3A_45] : memref<10240x16xf32, #tpu.memory_space<vmem_shared>> -> memref<640x16xf32, #tpu.memory_space<vmem_shared>>
      tpu.enqueue_dma source(%dma_start3A_46 : memref<640x16xf32, #tpu.memory_space<vmem_shared>>) target(%dma_start3A_44 : memref<640x16xf32, #tpu.memory_space<hbm>>) target_semaphore(%run_scoped3A_41 : memref<!tpu.dma_semaphore, #tpu.memory_space<semaphore_mem>>)
      %dma_wait3A = arith.constant 0 : i32
      %dma_wait3A_47 = tpu.memref_slice %arg5[%arg0, %mul3A_40, %dma_wait3A] : memref<2x10240x16xf32, #tpu.memory_space<hbm>> -> memref<1x640x16xf32, #tpu.memory_space<hbm>>
      %dma_wait3A_48 = tpu.memref_squeeze %dma_wait3A_47 : memref<1x640x16xf32, #tpu.memory_space<hbm>> -> memref<640x16xf32, #tpu.memory_space<hbm>>
      %dma_wait3A_49 = arith.constant 0 : i32
      %dma_wait3A_50 = tpu.memref_slice %arg16[%mul3A_38, %dma_wait3A_49] : memref<10240x16xf32, #tpu.memory_space<vmem_shared>> -> memref<640x16xf32, #tpu.memory_space<vmem_shared>>
      tpu.wait_dma2 semaphore(%run_scoped3A_41 : memref<!tpu.dma_semaphore, #tpu.memory_space<semaphore_mem>>) src(%dma_wait3A_50 : memref<640x16xf32, #tpu.memory_space<vmem_shared>>) dst(%dma_wait3A_48 : memref<640x16xf32, #tpu.memory_space<hbm>>)
      tpu.yield
    }) : () -> ()
    return
  }
}

module attributes {stable_mosaic.version = 14 : i64} {
  func.func @_mm_kernel(%arg0: i32, %arg1: memref<1000x128xf32, #tpu.memory_space<vmem>>, %arg2: memref<128x64xf32, #tpu.memory_space<vmem>>, %arg3: memref<1000x64xf32, #tpu.memory_space<vmem>>) attributes {dimension_semantics = [#tpu.dimension_semantics<arbitrary>], iteration_bounds = array<i64: 10>, scalar_prefetch = 0 : i64, scratch_operands = 0 : i64, tpu.core_type = #tpu.core_type<tc>, window_params = [{transform_indices = @transform_0, window_bounds = array<i64: 1000, 128>}, {pipeline_mode = #tpu.pipeline_mode<synchronous>, transform_indices = @transform_1, window_bounds = array<i64: 128, 64>}, {transform_indices = @transform_2, window_bounds = array<i64: 1000, 64>}]} {
    %get3A = arith.constant 0 : index
    %get3A_0 = arith.constant 0 : index
    %get3A_1 = vector.load %arg1[%get3A, %get3A_0] : memref<1000x128xf32, #tpu.memory_space<vmem>>, vector<1000x128xf32>
    %get3A_2 = arith.constant 0 : index
    %get3A_3 = arith.constant 0 : index
    %get3A_4 = vector.load %arg2[%get3A_2, %get3A_3] : memref<128x64xf32, #tpu.memory_space<vmem>>, vector<128x64xf32>
    %dot_general3A = arith.constant dense<0.000000e+00> : vector<1000x64xf32>
    %dot_general3A_5 = tpu.matmul %get3A_1, %get3A_4, %dot_general3A {dimension_numbers = #tpu.dot_dimension_numbers<[1], [0], [0], [1], [0, 0, 1, 1], [], []>, transpose_lhs_hint = false} : vector<1000x128xf32>, vector<128x64xf32>, vector<1000x64xf32> -> vector<1000x64xf32>
    %swap3A = arith.constant 0 : index
    %swap3A_6 = arith.constant 0 : index
    %swap3A_7 = vector.load %arg3[%swap3A, %swap3A_6] : memref<1000x64xf32, #tpu.memory_space<vmem>>, vector<1000x64xf32>
    tpu.vector_store %arg3[%swap3A, %swap3A_6], %dot_general3A_5 {strides = array<i32>} : memref<1000x64xf32, #tpu.memory_space<vmem>>, vector<1000x64xf32>,
    return
  }
  func.func @transform_0(%arg0: i32) -> (i32, i32) {
    %c0_i32 = arith.constant 0 : i32
    %c0_i32_0 = arith.constant 0 : i32
    return %arg0, %c0_i32 : i32, i32
  }
  func.func @transform_1(%arg0: i32) -> (i32, i32) {
    %c0_i32 = arith.constant 0 : i32
    %c0_i32_0 = arith.constant 0 : i32
    %c0_i32_1 = arith.constant 0 : i32
    return %c0_i32, %c0_i32_0 : i32, i32
  }
  func.func @transform_2(%arg0: i32) -> (i32, i32) {
    %c0_i32 = arith.constant 0 : i32
    %c0_i32_0 = arith.constant 0 : i32
    return %arg0, %c0_i32 : i32, i32
  }
}

module attributes {stable_mosaic.version = 14 : i64} {
  func.func @_mm_kernel(%arg0: i32, %arg1: memref<1000x64xf32, #tpu.memory_space<vmem>>, %arg2: memref<64x8xf32, #tpu.memory_space<vmem>>, %arg3: memref<1000x8xf32, #tpu.memory_space<vmem>>) attributes {dimension_semantics = [#tpu.dimension_semantics<arbitrary>], iteration_bounds = array<i64: 10>, scalar_prefetch = 0 : i64, scratch_operands = 0 : i64, tpu.core_type = #tpu.core_type<tc>, window_params = [{transform_indices = @transform_0, window_bounds = array<i64: 1000, 64>}, {pipeline_mode = #tpu.pipeline_mode<synchronous>, transform_indices = @transform_1, window_bounds = array<i64: 64, 8>}, {transform_indices = @transform_2, window_bounds = array<i64: 1000, 8>}]} {
    %get3A = arith.constant 0 : index
    %get3A_0 = arith.constant 0 : index
    %get3A_1 = vector.load %arg1[%get3A, %get3A_0] : memref<1000x64xf32, #tpu.memory_space<vmem>>, vector<1000x64xf32>
    %get3A_2 = arith.constant 0 : index
    %get3A_3 = arith.constant 0 : index
    %get3A_4 = vector.load %arg2[%get3A_2, %get3A_3] : memref<64x8xf32, #tpu.memory_space<vmem>>, vector<64x8xf32>
    %dot_general3A = arith.constant dense<0.000000e+00> : vector<1000x8xf32>
    %dot_general3A_5 = tpu.matmul %get3A_1, %get3A_4, %dot_general3A {dimension_numbers = #tpu.dot_dimension_numbers<[1], [0], [0], [1], [0, 0, 1, 1], [], []>, transpose_lhs_hint = false} : vector<1000x64xf32>, vector<64x8xf32>, vector<1000x8xf32> -> vector<1000x8xf32>
    %swap3A = arith.constant 0 : index
    %swap3A_6 = arith.constant 0 : index
    %swap3A_7 = vector.load %arg3[%swap3A, %swap3A_6] : memref<1000x8xf32, #tpu.memory_space<vmem>>, vector<1000x8xf32>
    tpu.vector_store %arg3[%swap3A, %swap3A_6], %dot_general3A_5 {strides = array<i32>} : memref<1000x8xf32, #tpu.memory_space<vmem>>, vector<1000x8xf32>,
    return
  }
  func.func @transform_0(%arg0: i32) -> (i32, i32) {
    %c0_i32 = arith.constant 0 : i32
    %c0_i32_0 = arith.constant 0 : i32
    return %arg0, %c0_i32 : i32, i32
  }
  func.func @transform_1(%arg0: i32) -> (i32, i32) {
    %c0_i32 = arith.constant 0 : i32
    %c0_i32_0 = arith.constant 0 : i32
    %c0_i32_1 = arith.constant 0 : i32
    return %c0_i32, %c0_i32_0 : i32, i32
  }
  func.func @transform_2(%arg0: i32) -> (i32, i32) {
    %c0_i32 = arith.constant 0 : i32
    %c0_i32_0 = arith.constant 0 : i32
    return %arg0, %c0_i32 : i32, i32
  }
}

</mosaic_0001>

<sc_bundles>
// kernel: kernel.12.cloned.1.call-start
scs
__scs_entry_jumppad:
0x0: {  	(pc) =	sbr.rel $0x88, $3  }
0x1: {  	(tag) =	ssettag $0x0;
	lr =	simm.s32 $0x1  }
0x2: {  	[smem:$0x3F9A] =	sst lr;
	_ =	strace $0xD0000000  }
0x3: {  	_ = 	snop  }
0x4: {  	_ = 	snop  }
0x5: {  	_ = 	snop  }
0x6: {  	_ = 	snop  }
0x7: {  	_ = 	snop  }
__scs_overlays_trampoline_lowered:
0x8: {  	[smem:$0x3FA9] =	sst s0  }
0x9: {  	[smem:$0x3FAA] =	sst s1  }
0xa: {  	[smem:$0x3FAB] =	sst s2  }
0xb: {  	[smem:$0x3FAC] =	sst s3  }
0xc: {  	[smem:$0x3FAD] =	sst s4  }
0xd: {  	[smem:$0x3FAE] =	sst s5  }
0xe: {  	[smem:$0x3FAF] =	sst s6  }
0xf: {  	[smem:$0x3FB0] =	sst s7  }
0x10: {  	[smem:$0x3FB1] =	sst s8  }
0x11: {  	[smem:$0x3FB2] =	sst s9;
	s0 =	simm.s32 @!p0 $0x0  }
0x12: {  	s1 =	sld [smem:$0x3F98];
	s0 =	simm.s32 @p0 $0x1  }
0x13: {  	[smem:$0x3FB3] =	sst s0;
	s0 =	simm.s32 @!p1 $0x0  }
0x14: {  	s2 =	sld [smem:$0x3F97];
	s0 =	simm.s32 @p1 $0x1  }
0x15: {  	[smem:$0x3FB4] =	sst s0;
	s0 =	simm.s32 @!p2 $0x0  }
0x16: {  	s3 =	sld [smem:$0x3FDB];
	s0 =	simm.s32 @p2 $0x1  }
0x17: {  	s4 =	simm.s32 $0x1BF5;
	[smem:$0x3FB6] =	sst s0  }
0x18: {  	s0 =	sld [smem:$0x3F99];
	_ =	swait.ge [sflag:s4], $0x0  }
0x19: {  	s7 =	sld [smem:$0x3F9A]  }
0x1a: {  	s8 =	sadd.s32 $0xFFFFE003, lr  }
0x1b: {  	s9 =	sadd.s32 $0xFFFFFEF7, lr;
	s5 =	simm.s32 $0xFFFFFFFF;
	p2 =	slt.u32 s8, $0xFFFFF086  }
0x1c: {  	p1 =	slt.u32 s9, $0xF7A;
	s5 =	simm.s32 @!p2 $0x0  }
0x1d: {  	s5 =	simm.s32 @p1 $0x1;
	p0 =	seq.s32 s7, s2  }
0x1e: {  	s7 =	smul.u32 @!p0 $0xF7A, s2;
	p2 =	seq.s32 @!p0 s5, $0x0  }
0x1f: {  	s9 =	smul.u32 $0xF7A, s1;
	s8 =	simm.s32 @!p0 $0x1BF5;
	p2 =	por !p2, p0  }
0x20: {  	[sflag:s8] =	ssyncset.s32 @!p0 $0xFFFFF086;
	s6 =	sadd.s32 @!p0 s3, s7;
	s7 =	simm.s32 @!p0 $0x108  }
0x21: {  	s3 =	sadd.s32 s3, s9;
	s6 =	sadd.s32 @!p0 $0x88, s6;
	s7 =	simm.s32 @p2 $0x1082  }
0x22: {  	[simem:s7], [sflag:s8] =	dma.local @!p0 [hbm:s6], $0xF7A  }
0x23: {  	s9 =	sor.u32 $0xD0000000, s2;
	s6 =	simm.s32 $0x108;
	_ =	swait.ge @!p0 [sflag:s8], $0x0  }
0x24: {  	s3 =	sadd.s32 $0x88, s3;
	s6 =	simm.s32 @!p1 $0x1082;
	[sflag:s4] =	ssyncset.s32 $0xFFFFF086  }
0x25: {  	[simem:s6], [sflag:s4] =	dma.local [hbm:s3], $0xF7A  }
0x26: {  	[smem:$0x3F9A] =	sst s1;
	(tag) =	ssettag s2;
	_ =	strace s9  }
0x27: {  	s1 =	sld [smem:$0x3FAA]  }
0x28: {  	s2 =	sld [smem:$0x3FAB]  }
0x29: {  	s4 =	sld [smem:$0x3FAD]  }
0x2a: {  	p0 =	seq.s32 s5, $0x0;
	s5 =	sld [smem:$0x3FAE]  }
0x2b: {  	s6 =	sld [smem:$0x3FAF]  }
0x2c: {  	s7 =	sld [smem:$0x3FB0]  }
0x2d: {  	s3 =	simm.s32 $0x108;
	s8 =	sld [smem:$0x3FB1]  }
0x2e: {  	s3 =	simm.s32 @!p0 $0x1082;
	s9 =	sld [smem:$0x3FB2]  }
0x2f: {  	lr =	sadd.s32 s0, s3;
	s0 =	sld [smem:$0x3FA9]  }
0x30: {  	s3 =	sld [smem:$0x3FAC]  }
0x31: {  	[smem:$0x3FB5] =	sst s10  }
0x32: {  	s10 =	sld [smem:$0x3FB3];
	_ =	sdelay $0x3  }
0x33: {  	p0 =	seq.s32 s10, $0x1;
	s10 =	sld [smem:$0x3FB5];
	_ =	sdelay $0x3  }
0x34: {  	[smem:$0x3FB5] =	sst s10  }
0x35: {  	s10 =	sld [smem:$0x3FB4];
	_ =	sdelay $0x3  }
0x36: {  	p1 =	seq.s32 s10, $0x1;
	s10 =	sld [smem:$0x3FB5];
	_ =	sdelay $0x3  }
0x37: {  	[smem:$0x3FB5] =	sst s10  }
0x38: {  	s10 =	sld [smem:$0x3FB6]  }
0x39: {  	_ = 	snop;
	(pc) =	sbr.ind lr, $3  }
0x3a: {  	_ = 	snop  }
0x3b: {  	_ = 	snop  }
0x3c: {  	p2 =	seq.s32 s10, $0x1;
	s10 =	sld [smem:$0x3FB5]  }
0x3d: {  	_ =	shalt  }
0x3e: {  	_ =	shalt  }
0x3f: {  	_ =	shalt  }
0x40: {  	_ =	shalt  }
0x41: {  	_ =	shalt  }
0x42: {  	_ =	shalt  }
0x43: {  	_ =	shalt  }
0x44: {  	_ =	shalt  }
0x45: {  	_ =	shalt  }
0x46: {  	_ =	shalt  }
0x47: {  	_ =	shalt  }
0x48: {  	_ =	shalt  }
0x49: {  	_ =	shalt  }
0x4a: {  	_ =	shalt  }
0x4b: {  	_ =	shalt  }
0x4c: {  	_ =	shalt  }
0x4d: {  	_ =	shalt  }
0x4e: {  	_ =	shalt  }
0x4f: {  	_ =	shalt  }
0x50: {  	_ =	shalt  }
0x51: {  	_ =	shalt  }
0x52: {  	_ =	shalt  }
0x53: {  	_ =	shalt  }
0x54: {  	_ =	shalt  }
0x55: {  	_ =	shalt  }
0x56: {  	_ =	shalt  }
0x57: {  	_ =	shalt  }
0x58: {  	_ =	shalt  }
0x59: {  	_ =	shalt  }
0x5a: {  	_ =	shalt  }
0x5b: {  	_ =	shalt  }
0x5c: {  	_ =	shalt  }
0x5d: {  	_ =	shalt  }
0x5e: {  	_ =	shalt  }
0x5f: {  	_ =	shalt  }
0x60: {  	_ =	shalt  }
0x61: {  	_ =	shalt  }
0x62: {  	_ =	shalt  }
0x63: {  	_ =	shalt  }
0x64: {  	_ =	shalt  }
0x65: {  	_ =	shalt  }
0x66: {  	_ =	shalt  }
0x67: {  	_ =	shalt  }
0x68: {  	_ =	shalt  }
0x69: {  	_ =	shalt  }
0x6a: {  	_ =	shalt  }
0x6b: {  	_ =	shalt  }
0x6c: {  	_ =	shalt  }
0x6d: {  	_ =	shalt  }
0x6e: {  	_ =	shalt  }
0x6f: {  	_ =	shalt  }
0x70: {  	_ =	shalt  }
0x71: {  	_ =	shalt  }
0x72: {  	_ =	shalt  }
0x73: {  	_ =	shalt  }
0x74: {  	_ =	shalt  }
0x75: {  	_ =	shalt  }
0x76: {  	_ =	shalt  }
0x77: {  	_ =	shalt  }
0x78: {  	_ =	shalt  }
0x79: {  	_ =	shalt  }
0x7a: {  	_ =	shalt  }
0x7b: {  	_ =	shalt  }
0x7c: {  	_ =	shalt  }
0x7d: {  	_ =	shalt  }
0x7e: {  	_ =	shalt  }
0x7f: {  	_ =	shalt  }
0x80: {  	_ =	shalt  }
0x81: {  	_ =	shalt  }
0x82: {  	_ =	shalt  }
0x83: {  	_ =	shalt  }
0x84: {  	_ =	shalt  }
0x85: {  	_ =	shalt  }
0x86: {  	_ =	shalt  }
0x87: {  	_ =	shalt  }
.Lfunc_end0:
.L_simem_size_0:
called_computation.1_lowered:
.L_overlay_start_0:
0x88: {  	s2 =	sld [smem:$0x3FD9]  }
0x89: {  	s3 =	sld [smem:$0x3FFE];
	_ =	sdelay $0x1  }
0x8a: {  	s1 =	srdreg.scid  }
0x8b: {  	s0 =	sand.u32 $0x1, s1  }
0x8c: {  	s16 =	sshll.u32 s0, $0xA;
	s2 =	sadd.s32 s3, s2  }
0x8d: {  	s2 =	sadd.s32 s2, s16  }
0x8e: {  	[smem:$0x3FC1] =	sst s2  }
0x8f: {  	_ = 	snop  }
0x90: {  	(tm) =	ssettm $0x1  }
0x91: {  	s17 =	sld [smem:$0x3FFB];
	_ =	sdelay $0x3  }
0x92: {  	_ =	strace s17  }
0x93: {  	s2 =	sld [smem:$0x3FFC];
	_ =	sdelay $0x3  }
0x94: {  	_ =	strace s2  }
0x95: {  	s2 =	sld [smem:$0x3FFD];
	_ =	sdelay $0x3  }
0x96: {  	_ =	strace s2  }
0x97: {  	_ =	strace $0x8FFFFFFF  }
0x98: {  	s18 =	sld [smem:$0x3FDB];
	_ =	sdelay $0x1  }
0x99: {  	s19 =	simm.s32 $_scs_section_size  }
0x9a: {  	s4 =	simm.s32 $_size__tile_overlayer_lowered;
	s5 =	simm.s32 $_tile_overlayer_lowered  }
0x9b: {  	s22 =	simm.s32 $0x1BFF;
	s21 =	sshll.u32 s5, $0x1;
	s2 =	sadd.s32 s19, s18  }
0x9c: {  	s6 =	simm.s32 $0x0;
	s20 =	sshll.u32 s4, $0x1;
	s4 =	sadd.s32 s21, s2  }
0x9d: {  	[timem:s6], [sflag:s22] =	dma.local [hbm:s4], s20  }
0x9e: {  	_ =	swait.ge [sflag:s22], s20  }
0x9f: {  	s3 =	ssub.s32 $0x0, s20;
	[sflag:s22] =	ssyncset.done $0x0  }
0xa0: {  	[sflag:s22] =	ssyncadd.s32 s3;
	_ =	sdelay $0x1  }
0xa1: {  	s23 =	simm.s32 $0x1B8B  }
0xa2: {  	_ =	swait.ge [sflag:s23], $0x1  }
0xa3: {  	[sflag:s23] =	ssyncset.done $0x0  }
0xa4: {  	s25 =	simm.s32 $0x1B8E;
	s24 =	sld [smem:$0x3FFE];
	[sflag:s23] =	ssyncadd.s32 $0xFFFFFFFF  }
0xa5: {  	s26 =	simm.s32 $execute0_lowered;
	[smem:$0x3FD2] =	sst s25  }
0xa6: {  	s4 =	sshll.u32 s26, $0x1;
	_ =	strace $0x80000049;
	[dreg:$0x1] =	wrdreg $0xFFFFFFFF  }
0xa7: {  	s28 =	simm.s32 $_size_execute0_lowered;
	s2 =	sadd.s32 s2, s4;
	[dreg:$0x0] =	wrdreg $0x0  }
0xa8: {  	s4 =	sshll.u32 s28, $0x1;
	[dreg:$0x2] =	wrdreg s2  }
0xa9: {  	[dreg:$0x3] =	wrdreg s4  }
0xaa: {  	[dreg:$0x4] =	wrdreg $0xC0  }
0xab: {  	_ =	task [dreg:s6], $0x5FFFF  }
0xac: {  	[dreg:$0x1] =	wrdreg $0xFFFFFFFF  }
0xad: {  	[dreg:$0x0] =	wrdreg $0x60  }
0xae: {  	[dreg:$0x2] =	wrdreg s24  }
0xaf: {  	[dreg:$0x3] =	wrdreg $0x13B200  }
0xb0: {  	[dreg:$0x4] =	wrdreg $0x9  }
0xb1: {  	_ =	task.clear_ibuf [dreg:s6], $0x5FFFF;
	_ =	strace $0x90000049  }
0xb2: {  	s29 =	simm.s32 $0x9;
	_ =	strace $0x8000004B  }
0xb3: {  	_ =	swait.ge [sflag:s29], $0x1  }
0xb4: {  	[sflag:s29] =	ssyncadd.s32 $0xFFFFFFFF  }
0xb5: {  	_ =	strace $0x9000004B  }
0xb6: {  	_ =	sfence  }
0xb7: {  	s30 =	sld [smem:$0x0];
	_ =	sdelay $0x2  }
0xb8: {  	s31 =	sshll.u32 s1, $0xD;
	s1 =	sshrl.u32 s1, $0x2  }
0xb9: {  	s3 =	sand.u32 $0x4000, s31;
	s1 =	sadd.s32 s1, s30  }
0xba: {  	s0 =	sor.u32 s3, s0;
	s1 =	sshll.u32 s1, $0x11  }
0xbb: {  	s0 =	sor.u32 s1, s0  }
0xbc: {  	s0 =	sadd.s32 $0x8F2B, s0  }
0xbd: {  	[sflag:s0] =	ssyncadd.remote.s32 $0x1  }
0xbe: {  	_ =	sfence.sel $0xFFFF  }
0xbf: {  	[dreg:$0x0] =	wrdreg $0xFFFFFFFF;
	(pc) =	sbr.abs _section_cstart, $3  }
0xc0: {  	[dreg:$0x1] =	wrdreg $0xFFFFFFFF  }
0xc1: {  	_ =	task.clear_ibuf [dreg:s6], $0x2FFFF;
	_ =	strace $0x9FFFFFFF  }
0xc2: {  	(tm) =	ssettm $0x7FFFFFFF  }
0xc3: {  	_ =	shalt  }
tec
execute0_lowered:
.L_overlay_start_1:
0x0: {  	(tag) =	ssettag $0x1  }
0x1: {  	s1 =	rddreg [dreg:$0x0]  }
0x2: {  	s3 =	rddreg [dreg:$0x1];
	s4 =	simm.s32 $0x0  }
0x3: {  	s0 =	srdreg.scid;
	s8 =	stileid.u32;
	s20 =	simm.s32 $0x3  }
0x4: {  	s21 =	simm.s32 $0x100;
	s28 =	simm.s32 $0x4E20;
	s29 =	simm.s32 $0x1  }
0x5: {  	s30 =	simm.s32 $0x5720;
	s31 =	simm.s32 $0x2;
	s19 =	simm.s32 $0x200  }
0x6: {  	[smem:$0x7FF] =	sst s4;
	s0 =	sand.u32 $0x1, s0;
	s2 =	smul.u32 $0xA000, s8  }
0x7: {  	s5 =	sadd.s32 $0x9E00, s1;
	s6 =	sadd.s32 $0x13C00, s1;
	s7 =	smul.u32 $0xA0000, s0  }
0x8: {  	s8 =	sshll.u32 s8, $0x1;
	_ =	strace $0x8000004A;
	s9 =	ssub.s32 $0x2, s0  }
0x9: {  	s0 =	sor.u32 s0, s8;
	s8 =	sadd.s32 $0x31C00, s1;
	s7 =	sadd.s32 s2, s7  }
0xa: {  	s11 =	sshrl.u32 s9, $0x1;
	s10 =	sshrl.u32 s7, $0x3;
	s7 =	smul.u32 $0x2710, s0  }
0xb: {  	s11 =	ssub.s32 s9, s11;
	s9 =	sadd.s32 s2, s3;
	s0 =	smul.u32 $0x4E20, s0  }
0xc: {  	s18 =	smax.u32 s11, $0x1;
	s10 =	sadd.s32 s10, s1;
	s22 =	sshrl.u32 s7, $0x3  }
0xd: {  	s23 =	sadd.s32 $0x2700, s7;
	s0 =	sadd.s32 s8, s0;
	s13 =	sadd.s32 $0x100, s7  }
0xe: {  	s17 =	sadd.s32 $0xCE000, s10;
	s12 =	sadd.s32 s1, s22;
	s2 =	sadd.s32 s5, s22  }
0xf: {  	[dreg:$0x5] =	wrdreg s0;
	s24 =	sshrl.u32 s23, $0x3;
	s26 =	sshll.u32 s23, $0x1  }
0x10: {  	s22 =	simm.s32 $0x80;
	s23 =	simm.s32 $0x10;
	[dreg:$0x3] =	wrdreg s12  }
0x11: {  	[dreg:$0x4] =	wrdreg s2;
	s25 =	sadd.s32 s1, s24;
	s0 =	sadd.s32 s5, s24  }
0x12: {  	s2 =	simm.s32 $0x210;
	s24 =	simm.s32 $0x0;
	[dreg:$0x6] =	wrdreg s25  }
0x13: {  	[dreg:$0x7] =	wrdreg s0;
	s0 =	sadd.s32 s8, s26;
	s25 =	simm.s32 $0x180  }
0x14: {  	v0 =	vimm.f32 $0.0e+00;
	vm0 =	vmmov $0xff;
	s26 =	simm.s32 $0x2220;
	[dreg:$0x8] =	wrdreg s0;
	s0 =	simm.s32 $0x7720  }
.LBB2_1:
0x15: {  	s11 =	simm.s32 $0x100;
	s10 =	simm.s32 $0x0  }
.LBB2_2:
0x16: {  	p0 =	sne.s32 s11, $0x27F00;
	[tilespmem:s10+$0x9B50] =	vst v0;
	s12 =	smov.u32 s11;
	s11 =	sadd.s32 $0x100, s11  }
.Ltmp0:
0x17: {  	[tilespmem:s10+$0x9B40] =	vst v0;
	(pc) =	sbr.rel @p0 .LBB2_2-.Ltmp0, $3  }
0x18: {  	[tilespmem:s10+$0x9B20] =	vst v0  }
0x19: {  	[tilespmem:s10+$0x9B30] =	vst v0;
	_ =	sdelay $0x1  }
0x1a: {  	s10 =	sshra.s32 s12, $0x2  }
0x1b: {  	[tilespmem:s10+$0x9B50] =	vst v0  }
0x1c: {  	[tilespmem:s10+$0x9B40] =	vst v0  }
0x1d: {  	[tilespmem:s10+$0x9B20] =	vst v0  }
0x1e: {  	[tilespmem:s10+$0x9B30] =	vst v0;
	s11 =	simm.s32 $0x9B20  }
0x1f: {  	[spmem:s9] =	stream.linear.scatter [tilespmem:s11], [sflag:$0x3], $0xA000, $0x38;
	[tilespmem:$0x1DB20] =	vst v63  }
0x20: {  	_ =	swait.ge [sflag:s20], $0xA000  }
0x21: {  	[sflag:s20] =	ssyncset.done $0x0  }
0x22: {  	[sflag:s20] =	ssyncadd.s32 $0xFFFF6000  }
0x23: {  	[bflag:$0x0] =	sbarrier.arrive $0xFFFF  }
0x24: {  	s12 =	rddreg [dreg:$0x3]  }
0x25: {  	[tilespmem:s24], [sflag:$0x3] =	stream.linear.gather [hbm4b:s12+s24], $0x80, $0x38;
	[tilespmem:$0x1DB20] =	vst v63  }
0x26: {  	_ =	swait.ge [sflag:s20], $0x80  }
0x27: {  	[sflag:s20] =	ssyncset.done $0x0  }
0x28: {  	s14 =	rddreg [dreg:$0x4];
	[sflag:s20] =	ssyncadd.s32 $0xFFFFFF80  }
0x29: {  	[tilespmem:s21], [sflag:$0x3] =	stream.linear.gather [hbm4b:s14+s24], $0x80, $0x38;
	[tilespmem:$0x1DB20] =	vst v63  }
0x2a: {  	_ =	swait.ge [sflag:s20], $0x80  }
0x2b: {  	[sflag:s20] =	ssyncset.done $0x0  }
0x2c: {  	s15 =	simm.s32 $0x220;
	[sflag:s20] =	ssyncadd.s32 $0xFFFFFF80  }
0x2d: {  	[tilespmem:s15], [sflag:$0x1] =	stream.indirect.gather [hbm4b:s6+s22], $0x40, s24, s22, $0xb8;
	[tilespmem:$0x1DB20] =	vst v63  }
0x2e: {  	s10 =	simm.s32 $0x0;
	s11 =	simm.s32 $0x4620;
	s16 =	rddreg [dreg:$0x5]  }
0x2f: {  	[tilespmem:s11], [sflag:$0x1] =	stream.linear.gather [hbm4b:s16+s24], $0x800, $0x38;
	[tilespmem:$0x1DB20] =	vst v63  }
.LBB2_4:
0x30: {  	s11 =	sshll.u32 s10, $0x8  }
0x31: {  	s12 =	sadd.s32 s11, s7  }
0x32: {  	s12 =	sadd.s32 $0x80, s12  }
0x33: {  	s14 =	sshrl.u32 s12, $0x3  }
0x34: {  	s15 =	sadd.s32 s1, s14  }
0x35: {  	[tilespmem:s22], [sflag:$0x3] =	stream.linear.gather [hbm4b:s15+s24], $0x80, $0x38;
	[tilespmem:$0x1DB20] =	vst v63  }
0x36: {  	_ =	swait.ge [sflag:s20], $0x80  }
0x37: {  	[sflag:s20] =	ssyncset.done $0x0  }
0x38: {  	s14 =	sadd.s32 s5, s14;
	[sflag:s20] =	ssyncadd.s32 $0xFFFFFF80  }
0x39: {  	[tilespmem:s25], [sflag:$0x3] =	stream.linear.gather [hbm4b:s14+s24], $0x80, $0x38;
	[tilespmem:$0x1DB20] =	vst v63  }
0x3a: {  	_ =	swait.ge [sflag:s20], $0x80  }
0x3b: {  	s12 =	sshll.u32 s12, $0x1;
	[sflag:s20] =	ssyncset.done $0x0  }
0x3c: {  	s12 =	sand.u32 $0x1FFFFFE0, s12;
	[sflag:s20] =	ssyncadd.s32 $0xFFFFFF80  }
0x3d: {  	[tilespmem:s26], [sflag:$0x2] =	stream.indirect.gather [hbm4b:s6+s22], $0x40, s22, s22, $0xb8;
	[tilespmem:$0x1DB20] =	vst v63  }
0x3e: {  	s12 =	sadd.s32 s8, s12  }
0x3f: {  	[tilespmem:s28], [sflag:$0x2] =	stream.linear.gather [hbm4b:s12+s24], $0x800, $0x38;
	[tilespmem:$0x1DB20] =	vst v63  }
0x40: {  	_ =	swait.ge [sflag:s29], $0x2000  }
0x41: {  	[sflag:s29] =	ssyncset.done $0x0  }
0x42: {  	[sflag:s29] =	ssyncadd.s32 $0xFFFFE000  }
0x43: {  	_ =	swait.ge [sflag:s29], $0x800  }
0x44: {  	[sflag:s29] =	ssyncset.done $0x0  }
0x45: {  	s12 =	simm.s32 $0x4620;
	[sflag:s29] =	ssyncadd.s32 $0xFFFFF800  }
0x46: {  	s15 =	simm.s32 $0x0;
	s14 =	simm.s32 $0x100;
	v1 =	vld [tilespmem:s12+$0x0]  }
.LBB2_5:
0x47: {  	p0 =	sne.s32 s14, $0x7F00  }
0x48: {  	s16 =	sshra.s32 s15, $0x2;
	s15 =	smov.u32 s14  }
0x49: {  	v2 =	vld [tilespmem:s16+$0x220]  }
0x4a: {  	v3 =	vld [tilespmem:s16+$0x230]  }
0x4b: {  	v4 =	vbroadcast v1, $0x0;
	v5 =	vbroadcast v1, $0x1;
	v6 =	vld [tilespmem:s16+$0x240]  }
0x4c: {  	v7 =	vbroadcast v1, $0x2;
	v8 =	vbroadcast v1, $0x3  }
0x4d: {  	v9 =	vbroadcast v1, $0x5;
	v4 =	vsel vm0, v4, v5;
	v5 =	vbroadcast v1, $0x4;
	v10 =	vld [tilespmem:s16+$0x250]  }
0x4e: {  	v2 =	vmul.f32 v4, v2;
	v4 =	vsel vm0, v7, v8;
	v7 =	vbroadcast v1, $0x6  }
0x4f: {  	v1 =	vbroadcast v1, $0x7;
	v3 =	vmul.f32 v3, v4;
	v4 =	vsel vm0, v5, v9  }
0x50: {  	[tilespmem:s16+$0x5720] =	vst v2;
	v2 =	vmul.f32 v6, v4  }
.Ltmp1:
0x51: {  	v1 =	vsel vm0, v7, v1;
	[tilespmem:s16+$0x5730] =	vst v3;
	(pc) =	sbr.rel @p0 .LBB2_5-.Ltmp1, $3  }
0x52: {  	[tilespmem:s16+$0x5740] =	vst v2;
	v1 =	vmul.f32 v10, v1;
	_ =	sdelay $0x1  }
0x53: {  	s12 =	sadd.s32 $0x10, s12;
	[tilespmem:s16+$0x5750] =	vst v1  }
0x54: {  	s14 =	sadd.s32 $0x100, s14;
	v1 =	vld [tilespmem:s12+$0x0]  }
0x55: {  	_ =	sdelay $0x1  }
0x56: {  	s12 =	sshra.s32 s15, $0x2  }
0x57: {  	v2 =	vld [tilespmem:s12+$0x220]  }
0x58: {  	v3 =	vld [tilespmem:s12+$0x230];
	v4 =	vbroadcast v1, $0x0;
	v5 =	vbroadcast v1, $0x1  }
0x59: {  	v9 =	vld [tilespmem:s12+$0x250];
	v7 =	vbroadcast v1, $0x2;
	v8 =	vbroadcast v1, $0x3  }
0x5a: {  	v6 =	vld [tilespmem:s12+$0x240];
	v60 =	vbroadcast v1, $0x4;
	v10 =	vbroadcast v1, $0x5  }
0x5b: {  	v62 =	vbroadcast v1, $0x6;
	v1 =	vbroadcast v1, $0x7;
	v4 =	vsel vm0, v4, v5  }
0x5c: {  	v61 =	vsel vm0, v7, v8;
	v2 =	vmul.f32 v4, v2  }
0x5d: {  	v1 =	vsel vm0, v62, v1;
	v3 =	vmul.f32 v3, v61  }
0x5e: {  	v63 =	vsel vm0, v60, v10;
	v1 =	vmul.f32 v9, v1;
	[tilespmem:s12+$0x5720] =	vst v2  }
0x5f: {  	v2 =	vmul.f32 v6, v63;
	[tilespmem:s12+$0x5730] =	vst v3  }
0x60: {  	[tilespmem:s12+$0x5750] =	vst v1  }
0x61: {  	p0 =	seq.s32 s10, $0x26;
	[tilespmem:s12+$0x5740] =	vst v2  }
0x62: {  	[spmem:s3] =	stream.indirect.scatter.add.f32 [tilespmem:s30], [sflag:$0x3], $0x40, s21, s22, $0xb8;
	[tilespmem:$0x1DB20] =	vst v63  }
0x63: {  	s11 =	sadd.s32 @!p0 s11, s13;
	_ =	swait.ge [sflag:s20], $0x2000  }
0x64: {  	s12 =	sshrl.u32 @!p0 s11, $0x3;
	[sflag:s20] =	ssyncset.done $0x0  }
0x65: {  	s15 =	simm.s32 @!p0 $0x0;
	s14 =	sadd.s32 @!p0 s1, s12;
	[sflag:s20] =	ssyncadd.s32 $0xFFFFE000  }
0x66: {  	[tilespmem:s15], [sflag:$0x3] =	stream.linear.gather @!p0 [hbm4b:s14+s15], $0x80, $0x38;
	[tilespmem:$0x1DB20] =	vst v63  }
0x67: {  	s14 =	simm.s32 @!p0 $0x3  }
0x68: {  	_ =	swait.ge @!p0 [sflag:s14], $0x80  }
0x69: {  	[sflag:s14] =	ssyncset.done @!p0 $0x0  }
0x6a: {  	s16 =	simm.s32 @!p0 $0x100;
	s12 =	sadd.s32 @!p0 s5, s12;
	[sflag:s14] =	ssyncadd.s32 @!p0 $0xFFFFFF80  }
0x6b: {  	[tilespmem:s16], [sflag:$0x3] =	stream.linear.gather @!p0 [hbm4b:s12+s15], $0x80, $0x38;
	[tilespmem:$0x1DB20] =	vst v63  }
0x6c: {  	s11 =	sshll.u32 @!p0 s11, $0x1;
	_ =	swait.ge @!p0 [sflag:s14], $0x80  }
0x6d: {  	s11 =	sand.u32 @!p0 $0x1FFFFFE0, s11;
	[sflag:s14] =	ssyncset.done @!p0 $0x0  }
0x6e: {  	s12 =	simm.s32 @!p0 $0x80;
	[sflag:s14] =	ssyncadd.s32 @!p0 $0xFFFFFF80;
	s14 =	simm.s32 @!p0 $0x220  }
0x6f: {  	[tilespmem:s14], [sflag:$0x1] =	stream.indirect.gather @!p0 [hbm4b:s6+s12], $0x40, s15, s12, $0xb8;
	[tilespmem:$0x1DB20] =	vst v63  }
0x70: {  	s11 =	sadd.s32 @!p0 s8, s11;
	s12 =	simm.s32 @!p0 $0x4620  }
0x71: {  	[tilespmem:s12], [sflag:$0x1] =	stream.linear.gather @!p0 [hbm4b:s11+s15], $0x800, $0x38;
	[tilespmem:$0x1DB20] =	vst v63  }
0x72: {  	_ =	swait.ge [sflag:s31], $0x2000  }
0x73: {  	[sflag:s31] =	ssyncset.done $0x0  }
0x74: {  	[sflag:s31] =	ssyncadd.s32 $0xFFFFE000  }
0x75: {  	_ =	swait.ge [sflag:s31], $0x800  }
0x76: {  	[sflag:s31] =	ssyncset.done $0x0  }
0x77: {  	s11 =	simm.s32 $0x4E20;
	[sflag:s31] =	ssyncadd.s32 $0xFFFFF800  }
0x78: {  	s14 =	simm.s32 $0x100;
	s12 =	simm.s32 $0x0;
	v1 =	vld [tilespmem:s11+$0x0]  }
.LBB2_7:
0x79: {  	p0 =	sne.s32 s14, $0x7F00  }
0x7a: {  	s15 =	sshra.s32 s12, $0x2;
	s12 =	smov.u32 s14  }
0x7b: {  	v2 =	vld [tilespmem:s15+$0x2220]  }
0x7c: {  	v3 =	vld [tilespmem:s15+$0x2230]  }
0x7d: {  	v4 =	vbroadcast v1, $0x0;
	v5 =	vbroadcast v1, $0x1;
	v6 =	vld [tilespmem:s15+$0x2240]  }
0x7e: {  	v7 =	vbroadcast v1, $0x2;
	v8 =	vbroadcast v1, $0x3  }
0x7f: {  	v9 =	vbroadcast v1, $0x5;
	v4 =	vsel vm0, v4, v5;
	v5 =	vbroadcast v1, $0x4;
	v10 =	vld [tilespmem:s15+$0x2250]  }
0x80: {  	v2 =	vmul.f32 v4, v2;
	v4 =	vsel vm0, v7, v8;
	v7 =	vbroadcast v1, $0x6  }
0x81: {  	v1 =	vbroadcast v1, $0x7;
	v3 =	vmul.f32 v3, v4;
	v4 =	vsel vm0, v5, v9  }
0x82: {  	[tilespmem:s15+$0x7720] =	vst v2;
	v2 =	vmul.f32 v6, v4  }
.Ltmp2:
0x83: {  	v1 =	vsel vm0, v7, v1;
	[tilespmem:s15+$0x7730] =	vst v3;
	(pc) =	sbr.rel @p0 .LBB2_7-.Ltmp2, $3  }
0x84: {  	[tilespmem:s15+$0x7740] =	vst v2;
	v1 =	vmul.f32 v10, v1;
	_ =	sdelay $0x1  }
0x85: {  	s11 =	sadd.s32 $0x10, s11;
	[tilespmem:s15+$0x7750] =	vst v1  }
0x86: {  	s14 =	sadd.s32 $0x100, s14;
	v1 =	vld [tilespmem:s11+$0x0]  }
0x87: {  	_ =	sdelay $0x1  }
0x88: {  	s11 =	sshra.s32 s12, $0x2  }
0x89: {  	v2 =	vld [tilespmem:s11+$0x2220]  }
0x8a: {  	v3 =	vld [tilespmem:s11+$0x2230];
	v4 =	vbroadcast v1, $0x0;
	v5 =	vbroadcast v1, $0x1  }
0x8b: {  	v9 =	vld [tilespmem:s11+$0x2250];
	v7 =	vbroadcast v1, $0x2;
	v8 =	vbroadcast v1, $0x3  }
0x8c: {  	v6 =	vld [tilespmem:s11+$0x2240];
	v60 =	vbroadcast v1, $0x4;
	v10 =	vbroadcast v1, $0x5  }
0x8d: {  	v62 =	vbroadcast v1, $0x6;
	v1 =	vbroadcast v1, $0x7;
	v4 =	vsel vm0, v4, v5  }
0x8e: {  	v61 =	vsel vm0, v7, v8;
	v2 =	vmul.f32 v4, v2  }
0x8f: {  	v1 =	vsel vm0, v62, v1;
	v3 =	vmul.f32 v3, v61  }
0x90: {  	v63 =	vsel vm0, v60, v10;
	v1 =	vmul.f32 v9, v1;
	[tilespmem:s11+$0x7720] =	vst v2  }
0x91: {  	s10 =	sadd.s32 $0x1, s10;
	v2 =	vmul.f32 v6, v63;
	[tilespmem:s11+$0x7730] =	vst v3  }
0x92: {  	p0 =	sne.s32 s10, $0x27;
	[tilespmem:s11+$0x7750] =	vst v1  }
.Ltmp3:
0x93: {  	[tilespmem:s11+$0x7740] =	vst v2;
	(pc) =	sbr.rel @p0 .LBB2_4-.Ltmp3, $4  }
0x94: {  	[spmem:s3] =	stream.indirect.scatter.add.f32 [tilespmem:s0], [sflag:$0x3], $0x40, s25, s22, $0xb8;
	[tilespmem:$0x1DB20] =	vst v63  }
0x95: {  	_ =	swait.ge [sflag:s20], $0x2000  }
0x96: {  	[sflag:s20] =	ssyncset.done $0x0  }
0x97: {  	[sflag:s20] =	ssyncadd.s32 $0xFFFFE000  }
0x98: {  	s10 =	simm.s32 $0x0;
	s11 =	rddreg [dreg:$0x6]  }
0x99: {  	[tilespmem:s19], [sflag:$0x3] =	stream.linear.gather [hbm4b:s11+s10], $0x10, $0x38;
	[tilespmem:$0x1DB20] =	vst v63  }
0x9a: {  	_ =	swait.ge [sflag:s20], $0x10  }
0x9b: {  	[sflag:s20] =	ssyncset.done $0x0  }
0x9c: {  	s15 =	rddreg [dreg:$0x7];
	[sflag:s20] =	ssyncadd.s32 $0xFFFFFFF0  }
0x9d: {  	[tilespmem:s2], [sflag:$0x3] =	stream.linear.gather [hbm4b:s15+s10], $0x10, $0x38;
	[tilespmem:$0x1DB20] =	vst v63  }
0x9e: {  	_ =	swait.ge [sflag:s20], $0x10  }
0x9f: {  	[sflag:s20] =	ssyncset.done $0x0  }
0xa0: {  	s16 =	simm.s32 $0x4220;
	[sflag:s20] =	ssyncadd.s32 $0xFFFFFFF0  }
0xa1: {  	[tilespmem:s16], [sflag:$0x3] =	stream.indirect.gather [hbm4b:s6+s23], $0x40, s19, s23, $0xb8;
	[tilespmem:$0x1DB20] =	vst v63  }
0xa2: {  	_ =	swait.ge [sflag:s20], $0x400  }
0xa3: {  	[sflag:s20] =	ssyncset.done $0x0  }
0xa4: {  	s11 =	simm.s32 $0x5620;
	s12 =	rddreg [dreg:$0x8];
	[sflag:s20] =	ssyncadd.s32 $0xFFFFFC00  }
0xa5: {  	[tilespmem:s11], [sflag:$0x3] =	stream.linear.gather [hbm4b:s12+s10], $0x100, $0x38;
	[tilespmem:$0x1DB20] =	vst v63  }
0xa6: {  	_ =	swait.ge [sflag:s20], $0x100  }
0xa7: {  	[sflag:s20] =	ssyncset.done $0x0  }
0xa8: {  	[sflag:s20] =	ssyncadd.s32 $0xFFFFFF00  }
0xa9: {  	s12 =	simm.s32 $0x100;
	v1 =	vld [tilespmem:s11+$0x0]  }
.LBB2_10:
0xaa: {  	p0 =	sne.s32 s12, $0xF00  }
0xab: {  	s14 =	sshra.s32 s10, $0x2;
	s10 =	smov.u32 s12  }
0xac: {  	v2 =	vld [tilespmem:s14+$0x4220]  }
0xad: {  	v3 =	vld [tilespmem:s14+$0x4230]  }
0xae: {  	v4 =	vbroadcast v1, $0x0;
	v5 =	vbroadcast v1, $0x1;
	v6 =	vld [tilespmem:s14+$0x4240]  }
0xaf: {  	v7 =	vbroadcast v1, $0x2;
	v8 =	vbroadcast v1, $0x3  }
0xb0: {  	v9 =	vbroadcast v1, $0x5;
	v4 =	vsel vm0, v4, v5;
	v5 =	vbroadcast v1, $0x4;
	v10 =	vld [tilespmem:s14+$0x4250]  }
0xb1: {  	v2 =	vmul.f32 v4, v2;
	v4 =	vsel vm0, v7, v8;
	v7 =	vbroadcast v1, $0x6  }
0xb2: {  	v1 =	vbroadcast v1, $0x7;
	v3 =	vmul.f32 v3, v4;
	v4 =	vsel vm0, v5, v9  }
0xb3: {  	[tilespmem:s14+$0x9720] =	vst v2;
	v2 =	vmul.f32 v6, v4  }
.Ltmp4:
0xb4: {  	v1 =	vsel vm0, v7, v1;
	[tilespmem:s14+$0x9730] =	vst v3;
	(pc) =	sbr.rel @p0 .LBB2_10-.Ltmp4, $3  }
0xb5: {  	[tilespmem:s14+$0x9740] =	vst v2;
	v1 =	vmul.f32 v10, v1;
	_ =	sdelay $0x1  }
0xb6: {  	s11 =	sadd.s32 $0x10, s11;
	[tilespmem:s14+$0x9750] =	vst v1  }
0xb7: {  	s12 =	sadd.s32 $0x100, s12;
	v1 =	vld [tilespmem:s11+$0x0]  }
0xb8: {  	_ =	sdelay $0x1  }
0xb9: {  	s10 =	sshra.s32 s10, $0x2  }
0xba: {  	v2 =	vld [tilespmem:s10+$0x4220]  }
0xbb: {  	v3 =	vld [tilespmem:s10+$0x4230];
	v4 =	vbroadcast v1, $0x0;
	v5 =	vbroadcast v1, $0x1  }
0xbc: {  	v9 =	vld [tilespmem:s10+$0x4250];
	v7 =	vbroadcast v1, $0x2;
	v8 =	vbroadcast v1, $0x3  }
0xbd: {  	v6 =	vld [tilespmem:s10+$0x4240];
	v60 =	vbroadcast v1, $0x4;
	v10 =	vbroadcast v1, $0x5  }
0xbe: {  	v62 =	vbroadcast v1, $0x6;
	v1 =	vbroadcast v1, $0x7;
	v4 =	vsel vm0, v4, v5  }
0xbf: {  	v61 =	vsel vm0, v7, v8;
	v2 =	vmul.f32 v4, v2  }
0xc0: {  	v1 =	vsel vm0, v62, v1;
	v3 =	vmul.f32 v3, v61  }
0xc1: {  	v63 =	vsel vm0, v60, v10;
	v1 =	vmul.f32 v9, v1;
	[tilespmem:s10+$0x9720] =	vst v2  }
0xc2: {  	v2 =	vmul.f32 v6, v63;
	[tilespmem:s10+$0x9730] =	vst v3  }
0xc3: {  	[tilespmem:s10+$0x9750] =	vst v1  }
0xc4: {  	s15 =	simm.s32 $0x9720;
	[tilespmem:s10+$0x9740] =	vst v2  }
0xc5: {  	[spmem:s3] =	stream.indirect.scatter.add.f32 [tilespmem:s15], [sflag:$0x3], $0x40, s2, s23, $0xb8;
	[tilespmem:$0x1DB20] =	vst v63  }
0xc6: {  	s16 =	stileid.u32;
	_ =	swait.ge [sflag:s20], $0x400  }
0xc7: {  	s11 =	sshrl.u32 s9, $0x3;
	s4 =	sadd.s32 $0x1, s4;
	[sflag:s20] =	ssyncset.done $0x0  }
0xc8: {  	p0 =	sne.s32 s4, s18;
	s10 =	sshll.u32 s16, $0x6;
	[sflag:s20] =	ssyncadd.s32 $0xFFFFFC00  }
.Ltmp5:
0xc9: {  	s10 =	sor.u32 $0x1C03, s10;
	[bflag:$0x0] =	sbarrier.arrive $0xFFFF;
	(pc) =	sbr.rel @p0 .LBB2_1-.Ltmp5, $4  }
0xca: {  	[hbm:s17], [sflag:s10] =	dma.local [spmem:s11], $0x1400  }
0xcb: {  	_ =	swait.ge [sflag:s20], $0x1400  }
0xcc: {  	[sflag:s20] =	ssyncset.done $0x0  }
0xcd: {  	[sflag:s20] =	ssyncadd.s32 $0xFFFFEC00  }
0xce: {  	_ =	sfence.sel $0x180000  }
0xcf: {  	[bflag:$0x0] =	sbarrier.arrive $0xFFFF  }
0xd0: {  	_ =	strace $0x9000004A  }
0xd1: {  	s0 =	stileid.u32;
	[bflag:$0x2] =	sbarrier.arrive $0xFFFF  }
0xd2: {  	p0 =	sne.s32 s0, $0x0;
	s0 =	rddreg [dreg:$0x2]  }
0xd3: {  	s0 =	sadd.s32 @!p0 $0x100000, s0  }
0xd4: {  	[sflag:s0] =	ssyncadd.tile.s32 @!p0 $0x1;
	_ =	shalt  }
.Lfunc_end2:
_tile_overlayer_lowered:
.L_overlay_start_2:
0xd5: {  	(tag) =	ssettag $0x2  }
0xd6: {  	s0 =	rddreg [dreg:$0x0];
	s2 =	stileid.u32  }
0xd7: {  	s1 =	rddreg [dreg:$0x1];
	p0 =	sne.s32 s2, $0x0  }
0xd8: {  	s3 =	rddreg [dreg:$0x2];
	[bflag:$0x3] =	sbarrier.arrive $0xFFFF;
	s2 =	simm.s32 @!p0 $0x1C03  }
0xd9: {  	[timem:s3], [sflag:s2] =	dma.local @!p0 [hbm:s0], s1  }
0xda: {  	s0 =	simm.s32 @!p0 $0x3  }
0xdb: {  	_ =	swait.ge @!p0 [sflag:s0], s1  }
0xdc: {  	s1 =	ssub.s32 @!p0 $0x0, s1;
	[sflag:s0] =	ssyncset.done @!p0 $0x0  }
0xdd: {  	[sflag:s0] =	ssyncadd.s32 @!p0 s1  }
0xde: {  	[bflag:$0x3] =	sbarrier.arrive $0xFFFF  }
0xdf: {  	_ =	shalt  }

// kernel: kernel.15.cloned.1.call-start
scs
__scs_entry_jumppad:
0x0: {  	(pc) =	sbr.rel $0x88, $3  }
0x1: {  	(tag) =	ssettag $0x0;
	lr =	simm.s32 $0x1  }
0x2: {  	[smem:$0x3F9A] =	sst lr;
	_ =	strace $0xD0000000  }
0x3: {  	_ = 	snop  }
0x4: {  	_ = 	snop  }
0x5: {  	_ = 	snop  }
0x6: {  	_ = 	snop  }
0x7: {  	_ = 	snop  }
__scs_overlays_trampoline_lowered:
0x8: {  	[smem:$0x3FA9] =	sst s0  }
0x9: {  	[smem:$0x3FAA] =	sst s1  }
0xa: {  	[smem:$0x3FAB] =	sst s2  }
0xb: {  	[smem:$0x3FAC] =	sst s3  }
0xc: {  	[smem:$0x3FAD] =	sst s4  }
0xd: {  	[smem:$0x3FAE] =	sst s5  }
0xe: {  	[smem:$0x3FAF] =	sst s6  }
0xf: {  	[smem:$0x3FB0] =	sst s7  }
0x10: {  	[smem:$0x3FB1] =	sst s8  }
0x11: {  	[smem:$0x3FB2] =	sst s9;
	s0 =	simm.s32 @!p0 $0x0  }
0x12: {  	s1 =	sld [smem:$0x3F98];
	s0 =	simm.s32 @p0 $0x1  }
0x13: {  	[smem:$0x3FB3] =	sst s0;
	s0 =	simm.s32 @!p1 $0x0  }
0x14: {  	s2 =	sld [smem:$0x3F97];
	s0 =	simm.s32 @p1 $0x1  }
0x15: {  	[smem:$0x3FB4] =	sst s0;
	s0 =	simm.s32 @!p2 $0x0  }
0x16: {  	s3 =	sld [smem:$0x3FDB];
	s0 =	simm.s32 @p2 $0x1  }
0x17: {  	s4 =	simm.s32 $0x1BF5;
	[smem:$0x3FB6] =	sst s0  }
0x18: {  	s0 =	sld [smem:$0x3F99];
	_ =	swait.ge [sflag:s4], $0x0  }
0x19: {  	s7 =	sld [smem:$0x3F9A]  }
0x1a: {  	s8 =	sadd.s32 $0xFFFFE003, lr  }
0x1b: {  	s9 =	sadd.s32 $0xFFFFFEF7, lr;
	s5 =	simm.s32 $0xFFFFFFFF;
	p2 =	slt.u32 s8, $0xFFFFF086  }
0x1c: {  	p1 =	slt.u32 s9, $0xF7A;
	s5 =	simm.s32 @!p2 $0x0  }
0x1d: {  	s5 =	simm.s32 @p1 $0x1;
	p0 =	seq.s32 s7, s2  }
0x1e: {  	s7 =	smul.u32 @!p0 $0xF7A, s2;
	p2 =	seq.s32 @!p0 s5, $0x0  }
0x1f: {  	s9 =	smul.u32 $0xF7A, s1;
	s8 =	simm.s32 @!p0 $0x1BF5;
	p2 =	por !p2, p0  }
0x20: {  	[sflag:s8] =	ssyncset.s32 @!p0 $0xFFFFF086;
	s6 =	sadd.s32 @!p0 s3, s7;
	s7 =	simm.s32 @!p0 $0x108  }
0x21: {  	s3 =	sadd.s32 s3, s9;
	s6 =	sadd.s32 @!p0 $0x88, s6;
	s7 =	simm.s32 @p2 $0x1082  }
0x22: {  	[simem:s7], [sflag:s8] =	dma.local @!p0 [hbm:s6], $0xF7A  }
0x23: {  	s9 =	sor.u32 $0xD0000000, s2;
	s6 =	simm.s32 $0x108;
	_ =	swait.ge @!p0 [sflag:s8], $0x0  }
0x24: {  	s3 =	sadd.s32 $0x88, s3;
	s6 =	simm.s32 @!p1 $0x1082;
	[sflag:s4] =	ssyncset.s32 $0xFFFFF086  }
0x25: {  	[simem:s6], [sflag:s4] =	dma.local [hbm:s3], $0xF7A  }
0x26: {  	[smem:$0x3F9A] =	sst s1;
	(tag) =	ssettag s2;
	_ =	strace s9  }
0x27: {  	s1 =	sld [smem:$0x3FAA]  }
0x28: {  	s2 =	sld [smem:$0x3FAB]  }
0x29: {  	s4 =	sld [smem:$0x3FAD]  }
0x2a: {  	p0 =	seq.s32 s5, $0x0;
	s5 =	sld [smem:$0x3FAE]  }
0x2b: {  	s6 =	sld [smem:$0x3FAF]  }
0x2c: {  	s7 =	sld [smem:$0x3FB0]  }
0x2d: {  	s3 =	simm.s32 $0x108;
	s8 =	sld [smem:$0x3FB1]  }
0x2e: {  	s3 =	simm.s32 @!p0 $0x1082;
	s9 =	sld [smem:$0x3FB2]  }
0x2f: {  	lr =	sadd.s32 s0, s3;
	s0 =	sld [smem:$0x3FA9]  }
0x30: {  	s3 =	sld [smem:$0x3FAC]  }
0x31: {  	[smem:$0x3FB5] =	sst s10  }
0x32: {  	s10 =	sld [smem:$0x3FB3];
	_ =	sdelay $0x3  }
0x33: {  	p0 =	seq.s32 s10, $0x1;
	s10 =	sld [smem:$0x3FB5];
	_ =	sdelay $0x3  }
0x34: {  	[smem:$0x3FB5] =	sst s10  }
0x35: {  	s10 =	sld [smem:$0x3FB4];
	_ =	sdelay $0x3  }
0x36: {  	p1 =	seq.s32 s10, $0x1;
	s10 =	sld [smem:$0x3FB5];
	_ =	sdelay $0x3  }
0x37: {  	[smem:$0x3FB5] =	sst s10  }
0x38: {  	s10 =	sld [smem:$0x3FB6]  }
0x39: {  	_ = 	snop;
	(pc) =	sbr.ind lr, $3  }
0x3a: {  	_ = 	snop  }
0x3b: {  	_ = 	snop  }
0x3c: {  	p2 =	seq.s32 s10, $0x1;
	s10 =	sld [smem:$0x3FB5]  }
0x3d: {  	_ =	shalt  }
0x3e: {  	_ =	shalt  }
0x3f: {  	_ =	shalt  }
0x40: {  	_ =	shalt  }
0x41: {  	_ =	shalt  }
0x42: {  	_ =	shalt  }
0x43: {  	_ =	shalt  }
0x44: {  	_ =	shalt  }
0x45: {  	_ =	shalt  }
0x46: {  	_ =	shalt  }
0x47: {  	_ =	shalt  }
0x48: {  	_ =	shalt  }
0x49: {  	_ =	shalt  }
0x4a: {  	_ =	shalt  }
0x4b: {  	_ =	shalt  }
0x4c: {  	_ =	shalt  }
0x4d: {  	_ =	shalt  }
0x4e: {  	_ =	shalt  }
0x4f: {  	_ =	shalt  }
0x50: {  	_ =	shalt  }
0x51: {  	_ =	shalt  }
0x52: {  	_ =	shalt  }
0x53: {  	_ =	shalt  }
0x54: {  	_ =	shalt  }
0x55: {  	_ =	shalt  }
0x56: {  	_ =	shalt  }
0x57: {  	_ =	shalt  }
0x58: {  	_ =	shalt  }
0x59: {  	_ =	shalt  }
0x5a: {  	_ =	shalt  }
0x5b: {  	_ =	shalt  }
0x5c: {  	_ =	shalt  }
0x5d: {  	_ =	shalt  }
0x5e: {  	_ =	shalt  }
0x5f: {  	_ =	shalt  }
0x60: {  	_ =	shalt  }
0x61: {  	_ =	shalt  }
0x62: {  	_ =	shalt  }
0x63: {  	_ =	shalt  }
0x64: {  	_ =	shalt  }
0x65: {  	_ =	shalt  }
0x66: {  	_ =	shalt  }
0x67: {  	_ =	shalt  }
0x68: {  	_ =	shalt  }
0x69: {  	_ =	shalt  }
0x6a: {  	_ =	shalt  }
0x6b: {  	_ =	shalt  }
0x6c: {  	_ =	shalt  }
0x6d: {  	_ =	shalt  }
0x6e: {  	_ =	shalt  }
0x6f: {  	_ =	shalt  }
0x70: {  	_ =	shalt  }
0x71: {  	_ =	shalt  }
0x72: {  	_ =	shalt  }
0x73: {  	_ =	shalt  }
0x74: {  	_ =	shalt  }
0x75: {  	_ =	shalt  }
0x76: {  	_ =	shalt  }
0x77: {  	_ =	shalt  }
0x78: {  	_ =	shalt  }
0x79: {  	_ =	shalt  }
0x7a: {  	_ =	shalt  }
0x7b: {  	_ =	shalt  }
0x7c: {  	_ =	shalt  }
0x7d: {  	_ =	shalt  }
0x7e: {  	_ =	shalt  }
0x7f: {  	_ =	shalt  }
0x80: {  	_ =	shalt  }
0x81: {  	_ =	shalt  }
0x82: {  	_ =	shalt  }
0x83: {  	_ =	shalt  }
0x84: {  	_ =	shalt  }
0x85: {  	_ =	shalt  }
0x86: {  	_ =	shalt  }
0x87: {  	_ =	shalt  }
.Lfunc_end0:
.L_simem_size_0:
called_computation.2_lowered:
.L_overlay_start_0:
0x88: {  	s2 =	sld [smem:$0x3FD9]  }
0x89: {  	s3 =	sld [smem:$0x3FFE];
	_ =	sdelay $0x1  }
0x8a: {  	s1 =	srdreg.scid  }
0x8b: {  	s0 =	sand.u32 $0x1, s1  }
0x8c: {  	s16 =	sshll.u32 s0, $0xA;
	s2 =	sadd.s32 s3, s2  }
0x8d: {  	s2 =	sadd.s32 s2, s16  }
0x8e: {  	[smem:$0x3FC1] =	sst s2  }
0x8f: {  	_ = 	snop  }
0x90: {  	(tm) =	ssettm $0x1  }
0x91: {  	s17 =	sld [smem:$0x3FFB];
	_ =	sdelay $0x3  }
0x92: {  	_ =	strace s17  }
0x93: {  	s2 =	sld [smem:$0x3FFC];
	_ =	sdelay $0x3  }
0x94: {  	_ =	strace s2  }
0x95: {  	s2 =	sld [smem:$0x3FFD];
	_ =	sdelay $0x3  }
0x96: {  	_ =	strace s2  }
0x97: {  	_ =	strace $0x8FFFFFFF  }
0x98: {  	s18 =	sld [smem:$0x3FDB];
	_ =	sdelay $0x1  }
0x99: {  	s19 =	simm.s32 $_scs_section_size  }
0x9a: {  	s4 =	simm.s32 $_size__tile_overlayer_lowered;
	s5 =	simm.s32 $_tile_overlayer_lowered  }
0x9b: {  	s22 =	simm.s32 $0x1BFF;
	s21 =	sshll.u32 s5, $0x1;
	s2 =	sadd.s32 s19, s18  }
0x9c: {  	s6 =	simm.s32 $0x0;
	s20 =	sshll.u32 s4, $0x1;
	s4 =	sadd.s32 s21, s2  }
0x9d: {  	[timem:s6], [sflag:s22] =	dma.local [hbm:s4], s20  }
0x9e: {  	_ =	swait.ge [sflag:s22], s20  }
0x9f: {  	s3 =	ssub.s32 $0x0, s20;
	[sflag:s22] =	ssyncset.done $0x0  }
0xa0: {  	[sflag:s22] =	ssyncadd.s32 s3;
	_ =	sdelay $0x1  }
0xa1: {  	s23 =	simm.s32 $0x1B8B  }
0xa2: {  	_ =	swait.ge [sflag:s23], $0x1  }
0xa3: {  	[sflag:s23] =	ssyncset.done $0x0  }
0xa4: {  	s25 =	simm.s32 $0x1B8E;
	s24 =	sld [smem:$0x3FFE];
	[sflag:s23] =	ssyncadd.s32 $0xFFFFFFFF  }
0xa5: {  	s26 =	simm.s32 $execute0_lowered;
	[smem:$0x3FD2] =	sst s25  }
0xa6: {  	s4 =	sshll.u32 s26, $0x1;
	_ =	strace $0x8000004C;
	[dreg:$0x1] =	wrdreg $0xFFFFFFFF  }
0xa7: {  	s28 =	simm.s32 $_size_execute0_lowered;
	s2 =	sadd.s32 s2, s4;
	[dreg:$0x0] =	wrdreg $0x0  }
0xa8: {  	s4 =	sshll.u32 s28, $0x1;
	[dreg:$0x2] =	wrdreg s2  }
0xa9: {  	[dreg:$0x3] =	wrdreg s4  }
0xaa: {  	[dreg:$0x4] =	wrdreg $0xC0  }
0xab: {  	_ =	task [dreg:s6], $0x5FFFF  }
0xac: {  	[dreg:$0x1] =	wrdreg $0xFFFFFFFF  }
0xad: {  	[dreg:$0x0] =	wrdreg $0x60  }
0xae: {  	[dreg:$0x2] =	wrdreg s24  }
0xaf: {  	[dreg:$0x3] =	wrdreg $0x13B200  }
0xb0: {  	[dreg:$0x4] =	wrdreg $0x9  }
0xb1: {  	_ =	task.clear_ibuf [dreg:s6], $0x5FFFF;
	_ =	strace $0x9000004C  }
0xb2: {  	s29 =	simm.s32 $0x9;
	_ =	strace $0x8000004E  }
0xb3: {  	_ =	swait.ge [sflag:s29], $0x1  }
0xb4: {  	[sflag:s29] =	ssyncadd.s32 $0xFFFFFFFF  }
0xb5: {  	_ =	strace $0x9000004E  }
0xb6: {  	_ =	sfence  }
0xb7: {  	s30 =	sld [smem:$0x0];
	_ =	sdelay $0x2  }
0xb8: {  	s31 =	sshll.u32 s1, $0xD;
	s1 =	sshrl.u32 s1, $0x2  }
0xb9: {  	s3 =	sand.u32 $0x4000, s31;
	s1 =	sadd.s32 s1, s30  }
0xba: {  	s0 =	sor.u32 s3, s0;
	s1 =	sshll.u32 s1, $0x11  }
0xbb: {  	s0 =	sor.u32 s1, s0  }
0xbc: {  	s0 =	sadd.s32 $0x8F2B, s0  }
0xbd: {  	[sflag:s0] =	ssyncadd.remote.s32 $0x1  }
0xbe: {  	_ =	sfence.sel $0xFFFF  }
0xbf: {  	[dreg:$0x0] =	wrdreg $0xFFFFFFFF;
	(pc) =	sbr.abs _section_cstart, $3  }
0xc0: {  	[dreg:$0x1] =	wrdreg $0xFFFFFFFF  }
0xc1: {  	_ =	task.clear_ibuf [dreg:s6], $0x2FFFF;
	_ =	strace $0x9FFFFFFF  }
0xc2: {  	(tm) =	ssettm $0x7FFFFFFF  }
0xc3: {  	_ =	shalt  }
tec
execute0_lowered:
.L_overlay_start_1:
0x0: {  	(tag) =	ssettag $0x1  }
0x1: {  	s1 =	rddreg [dreg:$0x0]  }
0x2: {  	s3 =	rddreg [dreg:$0x1];
	s4 =	simm.s32 $0x0  }
0x3: {  	s0 =	srdreg.scid;
	s8 =	stileid.u32;
	s20 =	simm.s32 $0x3  }
0x4: {  	s21 =	simm.s32 $0x100;
	s28 =	simm.s32 $0x4E20;
	s29 =	simm.s32 $0x1  }
0x5: {  	s30 =	simm.s32 $0x5720;
	s31 =	simm.s32 $0x2;
	s19 =	simm.s32 $0x200  }
0x6: {  	[smem:$0x7FF] =	sst s4;
	s0 =	sand.u32 $0x1, s0;
	s2 =	smul.u32 $0xA000, s8  }
0x7: {  	s5 =	sadd.s32 $0x9E00, s1;
	s6 =	sadd.s32 $0x13C00, s1;
	s7 =	smul.u32 $0xA0000, s0  }
0x8: {  	s8 =	sshll.u32 s8, $0x1;
	_ =	strace $0x8000004D;
	s9 =	ssub.s32 $0x2, s0  }
0x9: {  	s0 =	sor.u32 s0, s8;
	s8 =	sadd.s32 $0x31C00, s1;
	s7 =	sadd.s32 s2, s7  }
0xa: {  	s11 =	sshrl.u32 s9, $0x1;
	s10 =	sshrl.u32 s7, $0x3;
	s7 =	smul.u32 $0x2710, s0  }
0xb: {  	s11 =	ssub.s32 s9, s11;
	s9 =	sadd.s32 s2, s3;
	s0 =	smul.u32 $0x4E20, s0  }
0xc: {  	s18 =	smax.u32 s11, $0x1;
	s10 =	sadd.s32 s10, s1;
	s22 =	sshrl.u32 s7, $0x3  }
0xd: {  	s23 =	sadd.s32 $0x2700, s7;
	s0 =	sadd.s32 s8, s0;
	s13 =	sadd.s32 $0x100, s7  }
0xe: {  	s17 =	sadd.s32 $0xCE000, s10;
	s12 =	sadd.s32 s5, s22;
	s2 =	sadd.s32 s1, s22  }
0xf: {  	[dreg:$0x5] =	wrdreg s0;
	s24 =	sshrl.u32 s23, $0x3;
	s26 =	sshll.u32 s23, $0x1  }
0x10: {  	s22 =	simm.s32 $0x80;
	s23 =	simm.s32 $0x10;
	[dreg:$0x3] =	wrdreg s12  }
0x11: {  	[dreg:$0x4] =	wrdreg s2;
	s25 =	sadd.s32 s5, s24;
	s0 =	sadd.s32 s1, s24  }
0x12: {  	s2 =	simm.s32 $0x210;
	s24 =	simm.s32 $0x0;
	[dreg:$0x6] =	wrdreg s25  }
0x13: {  	[dreg:$0x7] =	wrdreg s0;
	s0 =	sadd.s32 s8, s26;
	s25 =	simm.s32 $0x180  }
0x14: {  	v0 =	vimm.f32 $0.0e+00;
	vm0 =	vmmov $0xff;
	s26 =	simm.s32 $0x2220;
	[dreg:$0x8] =	wrdreg s0;
	s0 =	simm.s32 $0x7720  }
.LBB2_1:
0x15: {  	s11 =	simm.s32 $0x100;
	s10 =	simm.s32 $0x0  }
.LBB2_2:
0x16: {  	p0 =	sne.s32 s11, $0x27F00;
	[tilespmem:s10+$0x9B50] =	vst v0;
	s12 =	smov.u32 s11;
	s11 =	sadd.s32 $0x100, s11  }
.Ltmp0:
0x17: {  	[tilespmem:s10+$0x9B40] =	vst v0;
	(pc) =	sbr.rel @p0 .LBB2_2-.Ltmp0, $3  }
0x18: {  	[tilespmem:s10+$0x9B20] =	vst v0  }
0x19: {  	[tilespmem:s10+$0x9B30] =	vst v0;
	_ =	sdelay $0x1  }
0x1a: {  	s10 =	sshra.s32 s12, $0x2  }
0x1b: {  	[tilespmem:s10+$0x9B50] =	vst v0  }
0x1c: {  	[tilespmem:s10+$0x9B40] =	vst v0  }
0x1d: {  	[tilespmem:s10+$0x9B20] =	vst v0  }
0x1e: {  	[tilespmem:s10+$0x9B30] =	vst v0;
	s11 =	simm.s32 $0x9B20  }
0x1f: {  	[spmem:s9] =	stream.linear.scatter [tilespmem:s11], [sflag:$0x3], $0xA000, $0x38;
	[tilespmem:$0x1DB20] =	vst v63  }
0x20: {  	_ =	swait.ge [sflag:s20], $0xA000  }
0x21: {  	[sflag:s20] =	ssyncset.done $0x0  }
0x22: {  	[sflag:s20] =	ssyncadd.s32 $0xFFFF6000  }
0x23: {  	[bflag:$0x0] =	sbarrier.arrive $0xFFFF  }
0x24: {  	s12 =	rddreg [dreg:$0x3]  }
0x25: {  	[tilespmem:s24], [sflag:$0x3] =	stream.linear.gather [hbm4b:s12+s24], $0x80, $0x38;
	[tilespmem:$0x1DB20] =	vst v63  }
0x26: {  	_ =	swait.ge [sflag:s20], $0x80  }
0x27: {  	[sflag:s20] =	ssyncset.done $0x0  }
0x28: {  	s14 =	rddreg [dreg:$0x4];
	[sflag:s20] =	ssyncadd.s32 $0xFFFFFF80  }
0x29: {  	[tilespmem:s21], [sflag:$0x3] =	stream.linear.gather [hbm4b:s14+s24], $0x80, $0x38;
	[tilespmem:$0x1DB20] =	vst v63  }
0x2a: {  	_ =	swait.ge [sflag:s20], $0x80  }
0x2b: {  	[sflag:s20] =	ssyncset.done $0x0  }
0x2c: {  	s15 =	simm.s32 $0x220;
	[sflag:s20] =	ssyncadd.s32 $0xFFFFFF80  }
0x2d: {  	[tilespmem:s15], [sflag:$0x1] =	stream.indirect.gather [hbm4b:s6+s22], $0x40, s24, s22, $0xb8;
	[tilespmem:$0x1DB20] =	vst v63  }
0x2e: {  	s10 =	simm.s32 $0x0;
	s11 =	simm.s32 $0x4620;
	s16 =	rddreg [dreg:$0x5]  }
0x2f: {  	[tilespmem:s11], [sflag:$0x1] =	stream.linear.gather [hbm4b:s16+s24], $0x800, $0x38;
	[tilespmem:$0x1DB20] =	vst v63  }
.LBB2_4:
0x30: {  	s11 =	sshll.u32 s10, $0x8  }
0x31: {  	s12 =	sadd.s32 s11, s7  }
0x32: {  	s12 =	sadd.s32 $0x80, s12  }
0x33: {  	s14 =	sshrl.u32 s12, $0x3  }
0x34: {  	s15 =	sadd.s32 s5, s14  }
0x35: {  	[tilespmem:s22], [sflag:$0x3] =	stream.linear.gather [hbm4b:s15+s24], $0x80, $0x38;
	[tilespmem:$0x1DB20] =	vst v63  }
0x36: {  	_ =	swait.ge [sflag:s20], $0x80  }
0x37: {  	[sflag:s20] =	ssyncset.done $0x0  }
0x38: {  	s14 =	sadd.s32 s1, s14;
	[sflag:s20] =	ssyncadd.s32 $0xFFFFFF80  }
0x39: {  	[tilespmem:s25], [sflag:$0x3] =	stream.linear.gather [hbm4b:s14+s24], $0x80, $0x38;
	[tilespmem:$0x1DB20] =	vst v63  }
0x3a: {  	_ =	swait.ge [sflag:s20], $0x80  }
0x3b: {  	s12 =	sshll.u32 s12, $0x1;
	[sflag:s20] =	ssyncset.done $0x0  }
0x3c: {  	s12 =	sand.u32 $0x1FFFFFE0, s12;
	[sflag:s20] =	ssyncadd.s32 $0xFFFFFF80  }
0x3d: {  	[tilespmem:s26], [sflag:$0x2] =	stream.indirect.gather [hbm4b:s6+s22], $0x40, s22, s22, $0xb8;
	[tilespmem:$0x1DB20] =	vst v63  }
0x3e: {  	s12 =	sadd.s32 s8, s12  }
0x3f: {  	[tilespmem:s28], [sflag:$0x2] =	stream.linear.gather [hbm4b:s12+s24], $0x800, $0x38;
	[tilespmem:$0x1DB20] =	vst v63  }
0x40: {  	_ =	swait.ge [sflag:s29], $0x2000  }
0x41: {  	[sflag:s29] =	ssyncset.done $0x0  }
0x42: {  	[sflag:s29] =	ssyncadd.s32 $0xFFFFE000  }
0x43: {  	_ =	swait.ge [sflag:s29], $0x800  }
0x44: {  	[sflag:s29] =	ssyncset.done $0x0  }
0x45: {  	s12 =	simm.s32 $0x4620;
	[sflag:s29] =	ssyncadd.s32 $0xFFFFF800  }
0x46: {  	s15 =	simm.s32 $0x0;
	s14 =	simm.s32 $0x100;
	v1 =	vld [tilespmem:s12+$0x0]  }
.LBB2_5:
0x47: {  	p0 =	sne.s32 s14, $0x7F00  }
0x48: {  	s16 =	sshra.s32 s15, $0x2;
	s15 =	smov.u32 s14  }
0x49: {  	v2 =	vld [tilespmem:s16+$0x220]  }
0x4a: {  	v3 =	vld [tilespmem:s16+$0x230]  }
0x4b: {  	v4 =	vbroadcast v1, $0x0;
	v5 =	vbroadcast v1, $0x1;
	v6 =	vld [tilespmem:s16+$0x240]  }
0x4c: {  	v7 =	vbroadcast v1, $0x2;
	v8 =	vbroadcast v1, $0x3  }
0x4d: {  	v9 =	vbroadcast v1, $0x5;
	v4 =	vsel vm0, v4, v5;
	v5 =	vbroadcast v1, $0x4;
	v10 =	vld [tilespmem:s16+$0x250]  }
0x4e: {  	v2 =	vmul.f32 v4, v2;
	v4 =	vsel vm0, v7, v8;
	v7 =	vbroadcast v1, $0x6  }
0x4f: {  	v1 =	vbroadcast v1, $0x7;
	v3 =	vmul.f32 v3, v4;
	v4 =	vsel vm0, v5, v9  }
0x50: {  	[tilespmem:s16+$0x5720] =	vst v2;
	v2 =	vmul.f32 v6, v4  }
.Ltmp1:
0x51: {  	v1 =	vsel vm0, v7, v1;
	[tilespmem:s16+$0x5730] =	vst v3;
	(pc) =	sbr.rel @p0 .LBB2_5-.Ltmp1, $3  }
0x52: {  	[tilespmem:s16+$0x5740] =	vst v2;
	v1 =	vmul.f32 v10, v1;
	_ =	sdelay $0x1  }
0x53: {  	s12 =	sadd.s32 $0x10, s12;
	[tilespmem:s16+$0x5750] =	vst v1  }
0x54: {  	s14 =	sadd.s32 $0x100, s14;
	v1 =	vld [tilespmem:s12+$0x0]  }
0x55: {  	_ =	sdelay $0x1  }
0x56: {  	s12 =	sshra.s32 s15, $0x2  }
0x57: {  	v2 =	vld [tilespmem:s12+$0x220]  }
0x58: {  	v3 =	vld [tilespmem:s12+$0x230];
	v4 =	vbroadcast v1, $0x0;
	v5 =	vbroadcast v1, $0x1  }
0x59: {  	v9 =	vld [tilespmem:s12+$0x250];
	v7 =	vbroadcast v1, $0x2;
	v8 =	vbroadcast v1, $0x3  }
0x5a: {  	v6 =	vld [tilespmem:s12+$0x240];
	v60 =	vbroadcast v1, $0x4;
	v10 =	vbroadcast v1, $0x5  }
0x5b: {  	v62 =	vbroadcast v1, $0x6;
	v1 =	vbroadcast v1, $0x7;
	v4 =	vsel vm0, v4, v5  }
0x5c: {  	v61 =	vsel vm0, v7, v8;
	v2 =	vmul.f32 v4, v2  }
0x5d: {  	v1 =	vsel vm0, v62, v1;
	v3 =	vmul.f32 v3, v61  }
0x5e: {  	v63 =	vsel vm0, v60, v10;
	v1 =	vmul.f32 v9, v1;
	[tilespmem:s12+$0x5720] =	vst v2  }
0x5f: {  	v2 =	vmul.f32 v6, v63;
	[tilespmem:s12+$0x5730] =	vst v3  }
0x60: {  	[tilespmem:s12+$0x5750] =	vst v1  }
0x61: {  	p0 =	seq.s32 s10, $0x26;
	[tilespmem:s12+$0x5740] =	vst v2  }
0x62: {  	[spmem:s3] =	stream.indirect.scatter.add.f32 [tilespmem:s30], [sflag:$0x3], $0x40, s21, s22, $0xb8;
	[tilespmem:$0x1DB20] =	vst v63  }
0x63: {  	s11 =	sadd.s32 @!p0 s11, s13;
	_ =	swait.ge [sflag:s20], $0x2000  }
0x64: {  	s12 =	sshrl.u32 @!p0 s11, $0x3;
	[sflag:s20] =	ssyncset.done $0x0  }
0x65: {  	s15 =	simm.s32 @!p0 $0x0;
	s14 =	sadd.s32 @!p0 s5, s12;
	[sflag:s20] =	ssyncadd.s32 $0xFFFFE000  }
0x66: {  	[tilespmem:s15], [sflag:$0x3] =	stream.linear.gather @!p0 [hbm4b:s14+s15], $0x80, $0x38;
	[tilespmem:$0x1DB20] =	vst v63  }
0x67: {  	s14 =	simm.s32 @!p0 $0x3  }
0x68: {  	_ =	swait.ge @!p0 [sflag:s14], $0x80  }
0x69: {  	[sflag:s14] =	ssyncset.done @!p0 $0x0  }
0x6a: {  	s16 =	simm.s32 @!p0 $0x100;
	s12 =	sadd.s32 @!p0 s1, s12;
	[sflag:s14] =	ssyncadd.s32 @!p0 $0xFFFFFF80  }
0x6b: {  	[tilespmem:s16], [sflag:$0x3] =	stream.linear.gather @!p0 [hbm4b:s12+s15], $0x80, $0x38;
	[tilespmem:$0x1DB20] =	vst v63  }
0x6c: {  	s11 =	sshll.u32 @!p0 s11, $0x1;
	_ =	swait.ge @!p0 [sflag:s14], $0x80  }
0x6d: {  	s11 =	sand.u32 @!p0 $0x1FFFFFE0, s11;
	[sflag:s14] =	ssyncset.done @!p0 $0x0  }
0x6e: {  	s12 =	simm.s32 @!p0 $0x80;
	[sflag:s14] =	ssyncadd.s32 @!p0 $0xFFFFFF80;
	s14 =	simm.s32 @!p0 $0x220  }
0x6f: {  	[tilespmem:s14], [sflag:$0x1] =	stream.indirect.gather @!p0 [hbm4b:s6+s12], $0x40, s15, s12, $0xb8;
	[tilespmem:$0x1DB20] =	vst v63  }
0x70: {  	s11 =	sadd.s32 @!p0 s8, s11;
	s12 =	simm.s32 @!p0 $0x4620  }
0x71: {  	[tilespmem:s12], [sflag:$0x1] =	stream.linear.gather @!p0 [hbm4b:s11+s15], $0x800, $0x38;
	[tilespmem:$0x1DB20] =	vst v63  }
0x72: {  	_ =	swait.ge [sflag:s31], $0x2000  }
0x73: {  	[sflag:s31] =	ssyncset.done $0x0  }
0x74: {  	[sflag:s31] =	ssyncadd.s32 $0xFFFFE000  }
0x75: {  	_ =	swait.ge [sflag:s31], $0x800  }
0x76: {  	[sflag:s31] =	ssyncset.done $0x0  }
0x77: {  	s11 =	simm.s32 $0x4E20;
	[sflag:s31] =	ssyncadd.s32 $0xFFFFF800  }
0x78: {  	s14 =	simm.s32 $0x100;
	s12 =	simm.s32 $0x0;
	v1 =	vld [tilespmem:s11+$0x0]  }
.LBB2_7:
0x79: {  	p0 =	sne.s32 s14, $0x7F00  }
0x7a: {  	s15 =	sshra.s32 s12, $0x2;
	s12 =	smov.u32 s14  }
0x7b: {  	v2 =	vld [tilespmem:s15+$0x2220]  }
0x7c: {  	v3 =	vld [tilespmem:s15+$0x2230]  }
0x7d: {  	v4 =	vbroadcast v1, $0x0;
	v5 =	vbroadcast v1, $0x1;
	v6 =	vld [tilespmem:s15+$0x2240]  }
0x7e: {  	v7 =	vbroadcast v1, $0x2;
	v8 =	vbroadcast v1, $0x3  }
0x7f: {  	v9 =	vbroadcast v1, $0x5;
	v4 =	vsel vm0, v4, v5;
	v5 =	vbroadcast v1, $0x4;
	v10 =	vld [tilespmem:s15+$0x2250]  }
0x80: {  	v2 =	vmul.f32 v4, v2;
	v4 =	vsel vm0, v7, v8;
	v7 =	vbroadcast v1, $0x6  }
0x81: {  	v1 =	vbroadcast v1, $0x7;
	v3 =	vmul.f32 v3, v4;
	v4 =	vsel vm0, v5, v9  }
0x82: {  	[tilespmem:s15+$0x7720] =	vst v2;
	v2 =	vmul.f32 v6, v4  }
.Ltmp2:
0x83: {  	v1 =	vsel vm0, v7, v1;
	[tilespmem:s15+$0x7730] =	vst v3;
	(pc) =	sbr.rel @p0 .LBB2_7-.Ltmp2, $3  }
0x84: {  	[tilespmem:s15+$0x7740] =	vst v2;
	v1 =	vmul.f32 v10, v1;
	_ =	sdelay $0x1  }
0x85: {  	s11 =	sadd.s32 $0x10, s11;
	[tilespmem:s15+$0x7750] =	vst v1  }
0x86: {  	s14 =	sadd.s32 $0x100, s14;
	v1 =	vld [tilespmem:s11+$0x0]  }
0x87: {  	_ =	sdelay $0x1  }
0x88: {  	s11 =	sshra.s32 s12, $0x2  }
0x89: {  	v2 =	vld [tilespmem:s11+$0x2220]  }
0x8a: {  	v3 =	vld [tilespmem:s11+$0x2230];
	v4 =	vbroadcast v1, $0x0;
	v5 =	vbroadcast v1, $0x1  }
0x8b: {  	v9 =	vld [tilespmem:s11+$0x2250];
	v7 =	vbroadcast v1, $0x2;
	v8 =	vbroadcast v1, $0x3  }
0x8c: {  	v6 =	vld [tilespmem:s11+$0x2240];
	v60 =	vbroadcast v1, $0x4;
	v10 =	vbroadcast v1, $0x5  }
0x8d: {  	v62 =	vbroadcast v1, $0x6;
	v1 =	vbroadcast v1, $0x7;
	v4 =	vsel vm0, v4, v5  }
0x8e: {  	v61 =	vsel vm0, v7, v8;
	v2 =	vmul.f32 v4, v2  }
0x8f: {  	v1 =	vsel vm0, v62, v1;
	v3 =	vmul.f32 v3, v61  }
0x90: {  	v63 =	vsel vm0, v60, v10;
	v1 =	vmul.f32 v9, v1;
	[tilespmem:s11+$0x7720] =	vst v2  }
0x91: {  	s10 =	sadd.s32 $0x1, s10;
	v2 =	vmul.f32 v6, v63;
	[tilespmem:s11+$0x7730] =	vst v3  }
0x92: {  	p0 =	sne.s32 s10, $0x27;
	[tilespmem:s11+$0x7750] =	vst v1  }
.Ltmp3:
0x93: {  	[tilespmem:s11+$0x7740] =	vst v2;
	(pc) =	sbr.rel @p0 .LBB2_4-.Ltmp3, $4  }
0x94: {  	[spmem:s3] =	stream.indirect.scatter.add.f32 [tilespmem:s0], [sflag:$0x3], $0x40, s25, s22, $0xb8;
	[tilespmem:$0x1DB20] =	vst v63  }
0x95: {  	_ =	swait.ge [sflag:s20], $0x2000  }
0x96: {  	[sflag:s20] =	ssyncset.done $0x0  }
0x97: {  	[sflag:s20] =	ssyncadd.s32 $0xFFFFE000  }
0x98: {  	s10 =	simm.s32 $0x0;
	s11 =	rddreg [dreg:$0x6]  }
0x99: {  	[tilespmem:s19], [sflag:$0x3] =	stream.linear.gather [hbm4b:s11+s10], $0x10, $0x38;
	[tilespmem:$0x1DB20] =	vst v63  }
0x9a: {  	_ =	swait.ge [sflag:s20], $0x10  }
0x9b: {  	[sflag:s20] =	ssyncset.done $0x0  }
0x9c: {  	s15 =	rddreg [dreg:$0x7];
	[sflag:s20] =	ssyncadd.s32 $0xFFFFFFF0  }
0x9d: {  	[tilespmem:s2], [sflag:$0x3] =	stream.linear.gather [hbm4b:s15+s10], $0x10, $0x38;
	[tilespmem:$0x1DB20] =	vst v63  }
0x9e: {  	_ =	swait.ge [sflag:s20], $0x10  }
0x9f: {  	[sflag:s20] =	ssyncset.done $0x0  }
0xa0: {  	s16 =	simm.s32 $0x4220;
	[sflag:s20] =	ssyncadd.s32 $0xFFFFFFF0  }
0xa1: {  	[tilespmem:s16], [sflag:$0x3] =	stream.indirect.gather [hbm4b:s6+s23], $0x40, s19, s23, $0xb8;
	[tilespmem:$0x1DB20] =	vst v63  }
0xa2: {  	_ =	swait.ge [sflag:s20], $0x400  }
0xa3: {  	[sflag:s20] =	ssyncset.done $0x0  }
0xa4: {  	s11 =	simm.s32 $0x5620;
	s12 =	rddreg [dreg:$0x8];
	[sflag:s20] =	ssyncadd.s32 $0xFFFFFC00  }
0xa5: {  	[tilespmem:s11], [sflag:$0x3] =	stream.linear.gather [hbm4b:s12+s10], $0x100, $0x38;
	[tilespmem:$0x1DB20] =	vst v63  }
0xa6: {  	_ =	swait.ge [sflag:s20], $0x100  }
0xa7: {  	[sflag:s20] =	ssyncset.done $0x0  }
0xa8: {  	[sflag:s20] =	ssyncadd.s32 $0xFFFFFF00  }
0xa9: {  	s12 =	simm.s32 $0x100;
	v1 =	vld [tilespmem:s11+$0x0]  }
.LBB2_10:
0xaa: {  	p0 =	sne.s32 s12, $0xF00  }
0xab: {  	s14 =	sshra.s32 s10, $0x2;
	s10 =	smov.u32 s12  }
0xac: {  	v2 =	vld [tilespmem:s14+$0x4220]  }
0xad: {  	v3 =	vld [tilespmem:s14+$0x4230]  }
0xae: {  	v4 =	vbroadcast v1, $0x0;
	v5 =	vbroadcast v1, $0x1;
	v6 =	vld [tilespmem:s14+$0x4240]  }
0xaf: {  	v7 =	vbroadcast v1, $0x2;
	v8 =	vbroadcast v1, $0x3  }
0xb0: {  	v9 =	vbroadcast v1, $0x5;
	v4 =	vsel vm0, v4, v5;
	v5 =	vbroadcast v1, $0x4;
	v10 =	vld [tilespmem:s14+$0x4250]  }
0xb1: {  	v2 =	vmul.f32 v4, v2;
	v4 =	vsel vm0, v7, v8;
	v7 =	vbroadcast v1, $0x6  }
0xb2: {  	v1 =	vbroadcast v1, $0x7;
	v3 =	vmul.f32 v3, v4;
	v4 =	vsel vm0, v5, v9  }
0xb3: {  	[tilespmem:s14+$0x9720] =	vst v2;
	v2 =	vmul.f32 v6, v4  }
.Ltmp4:
0xb4: {  	v1 =	vsel vm0, v7, v1;
	[tilespmem:s14+$0x9730] =	vst v3;
	(pc) =	sbr.rel @p0 .LBB2_10-.Ltmp4, $3  }
0xb5: {  	[tilespmem:s14+$0x9740] =	vst v2;
	v1 =	vmul.f32 v10, v1;
	_ =	sdelay $0x1  }
0xb6: {  	s11 =	sadd.s32 $0x10, s11;
	[tilespmem:s14+$0x9750] =	vst v1  }
0xb7: {  	s12 =	sadd.s32 $0x100, s12;
	v1 =	vld [tilespmem:s11+$0x0]  }
0xb8: {  	_ =	sdelay $0x1  }
0xb9: {  	s10 =	sshra.s32 s10, $0x2  }
0xba: {  	v2 =	vld [tilespmem:s10+$0x4220]  }
0xbb: {  	v3 =	vld [tilespmem:s10+$0x4230];
	v4 =	vbroadcast v1, $0x0;
	v5 =	vbroadcast v1, $0x1  }
0xbc: {  	v9 =	vld [tilespmem:s10+$0x4250];
	v7 =	vbroadcast v1, $0x2;
	v8 =	vbroadcast v1, $0x3  }
0xbd: {  	v6 =	vld [tilespmem:s10+$0x4240];
	v60 =	vbroadcast v1, $0x4;
	v10 =	vbroadcast v1, $0x5  }
0xbe: {  	v62 =	vbroadcast v1, $0x6;
	v1 =	vbroadcast v1, $0x7;
	v4 =	vsel vm0, v4, v5  }
0xbf: {  	v61 =	vsel vm0, v7, v8;
	v2 =	vmul.f32 v4, v2  }
0xc0: {  	v1 =	vsel vm0, v62, v1;
	v3 =	vmul.f32 v3, v61  }
0xc1: {  	v63 =	vsel vm0, v60, v10;
	v1 =	vmul.f32 v9, v1;
	[tilespmem:s10+$0x9720] =	vst v2  }
0xc2: {  	v2 =	vmul.f32 v6, v63;
	[tilespmem:s10+$0x9730] =	vst v3  }
0xc3: {  	[tilespmem:s10+$0x9750] =	vst v1  }
0xc4: {  	s15 =	simm.s32 $0x9720;
	[tilespmem:s10+$0x9740] =	vst v2  }
0xc5: {  	[spmem:s3] =	stream.indirect.scatter.add.f32 [tilespmem:s15], [sflag:$0x3], $0x40, s2, s23, $0xb8;
	[tilespmem:$0x1DB20] =	vst v63  }
0xc6: {  	s16 =	stileid.u32;
	_ =	swait.ge [sflag:s20], $0x400  }
0xc7: {  	s11 =	sshrl.u32 s9, $0x3;
	s4 =	sadd.s32 $0x1, s4;
	[sflag:s20] =	ssyncset.done $0x0  }
0xc8: {  	p0 =	sne.s32 s4, s18;
	s10 =	sshll.u32 s16, $0x6;
	[sflag:s20] =	ssyncadd.s32 $0xFFFFFC00  }
.Ltmp5:
0xc9: {  	s10 =	sor.u32 $0x1C03, s10;
	[bflag:$0x0] =	sbarrier.arrive $0xFFFF;
	(pc) =	sbr.rel @p0 .LBB2_1-.Ltmp5, $4  }
0xca: {  	[hbm:s17], [sflag:s10] =	dma.local [spmem:s11], $0x1400  }
0xcb: {  	_ =	swait.ge [sflag:s20], $0x1400  }
0xcc: {  	[sflag:s20] =	ssyncset.done $0x0  }
0xcd: {  	[sflag:s20] =	ssyncadd.s32 $0xFFFFEC00  }
0xce: {  	_ =	sfence.sel $0x180000  }
0xcf: {  	[bflag:$0x0] =	sbarrier.arrive $0xFFFF  }
0xd0: {  	_ =	strace $0x9000004D  }
0xd1: {  	s0 =	stileid.u32;
	[bflag:$0x2] =	sbarrier.arrive $0xFFFF  }
0xd2: {  	p0 =	sne.s32 s0, $0x0;
	s0 =	rddreg [dreg:$0x2]  }
0xd3: {  	s0 =	sadd.s32 @!p0 $0x100000, s0  }
0xd4: {  	[sflag:s0] =	ssyncadd.tile.s32 @!p0 $0x1;
	_ =	shalt  }
.Lfunc_end2:
_tile_overlayer_lowered:
.L_overlay_start_2:
0xd5: {  	(tag) =	ssettag $0x2  }
0xd6: {  	s0 =	rddreg [dreg:$0x0];
	s2 =	stileid.u32  }
0xd7: {  	s1 =	rddreg [dreg:$0x1];
	p0 =	sne.s32 s2, $0x0  }
0xd8: {  	s3 =	rddreg [dreg:$0x2];
	[bflag:$0x3] =	sbarrier.arrive $0xFFFF;
	s2 =	simm.s32 @!p0 $0x1C03  }
0xd9: {  	[timem:s3], [sflag:s2] =	dma.local @!p0 [hbm:s0], s1  }
0xda: {  	s0 =	simm.s32 @!p0 $0x3  }
0xdb: {  	_ =	swait.ge @!p0 [sflag:s0], s1  }
0xdc: {  	s1 =	ssub.s32 @!p0 $0x0, s1;
	[sflag:s0] =	ssyncset.done @!p0 $0x0  }
0xdd: {  	[sflag:s0] =	ssyncadd.s32 @!p0 s1  }
0xde: {  	[bflag:$0x3] =	sbarrier.arrive $0xFFFF  }
0xdf: {  	_ =	shalt  }

// kernel: kernel.18.cloned.1.call-start
scs
__scs_entry_jumppad:
0x0: {  	(pc) =	sbr.rel $0x88, $3  }
0x1: {  	(tag) =	ssettag $0x0;
	lr =	simm.s32 $0x1  }
0x2: {  	[smem:$0x3F9A] =	sst lr;
	_ =	strace $0xD0000000  }
0x3: {  	_ = 	snop  }
0x4: {  	_ = 	snop  }
0x5: {  	_ = 	snop  }
0x6: {  	_ = 	snop  }
0x7: {  	_ = 	snop  }
__scs_overlays_trampoline_lowered:
0x8: {  	[smem:$0x3FA9] =	sst s0  }
0x9: {  	[smem:$0x3FAA] =	sst s1  }
0xa: {  	[smem:$0x3FAB] =	sst s2  }
0xb: {  	[smem:$0x3FAC] =	sst s3  }
0xc: {  	[smem:$0x3FAD] =	sst s4  }
0xd: {  	[smem:$0x3FAE] =	sst s5  }
0xe: {  	[smem:$0x3FAF] =	sst s6  }
0xf: {  	[smem:$0x3FB0] =	sst s7  }
0x10: {  	[smem:$0x3FB1] =	sst s8  }
0x11: {  	[smem:$0x3FB2] =	sst s9;
	s0 =	simm.s32 @!p0 $0x0  }
0x12: {  	s1 =	sld [smem:$0x3F98];
	s0 =	simm.s32 @p0 $0x1  }
0x13: {  	[smem:$0x3FB3] =	sst s0;
	s0 =	simm.s32 @!p1 $0x0  }
0x14: {  	s2 =	sld [smem:$0x3F97];
	s0 =	simm.s32 @p1 $0x1  }
0x15: {  	[smem:$0x3FB4] =	sst s0;
	s0 =	simm.s32 @!p2 $0x0  }
0x16: {  	s3 =	sld [smem:$0x3FDB];
	s0 =	simm.s32 @p2 $0x1  }
0x17: {  	s4 =	simm.s32 $0x1BF5;
	[smem:$0x3FB6] =	sst s0  }
0x18: {  	s0 =	sld [smem:$0x3F99];
	_ =	swait.ge [sflag:s4], $0x0  }
0x19: {  	s7 =	sld [smem:$0x3F9A]  }
0x1a: {  	s8 =	sadd.s32 $0xFFFFE003, lr  }
0x1b: {  	s9 =	sadd.s32 $0xFFFFFEF7, lr;
	s5 =	simm.s32 $0xFFFFFFFF;
	p2 =	slt.u32 s8, $0xFFFFF086  }
0x1c: {  	p1 =	slt.u32 s9, $0xF7A;
	s5 =	simm.s32 @!p2 $0x0  }
0x1d: {  	s5 =	simm.s32 @p1 $0x1;
	p0 =	seq.s32 s7, s2  }
0x1e: {  	s7 =	smul.u32 @!p0 $0xF7A, s2;
	p2 =	seq.s32 @!p0 s5, $0x0  }
0x1f: {  	s9 =	smul.u32 $0xF7A, s1;
	s8 =	simm.s32 @!p0 $0x1BF5;
	p2 =	por !p2, p0  }
0x20: {  	[sflag:s8] =	ssyncset.s32 @!p0 $0xFFFFF086;
	s6 =	sadd.s32 @!p0 s3, s7;
	s7 =	simm.s32 @!p0 $0x108  }
0x21: {  	s3 =	sadd.s32 s3, s9;
	s6 =	sadd.s32 @!p0 $0x88, s6;
	s7 =	simm.s32 @p2 $0x1082  }
0x22: {  	[simem:s7], [sflag:s8] =	dma.local @!p0 [hbm:s6], $0xF7A  }
0x23: {  	s9 =	sor.u32 $0xD0000000, s2;
	s6 =	simm.s32 $0x108;
	_ =	swait.ge @!p0 [sflag:s8], $0x0  }
0x24: {  	s3 =	sadd.s32 $0x88, s3;
	s6 =	simm.s32 @!p1 $0x1082;
	[sflag:s4] =	ssyncset.s32 $0xFFFFF086  }
0x25: {  	[simem:s6], [sflag:s4] =	dma.local [hbm:s3], $0xF7A  }
0x26: {  	[smem:$0x3F9A] =	sst s1;
	(tag) =	ssettag s2;
	_ =	strace s9  }
0x27: {  	s1 =	sld [smem:$0x3FAA]  }
0x28: {  	s2 =	sld [smem:$0x3FAB]  }
0x29: {  	s4 =	sld [smem:$0x3FAD]  }
0x2a: {  	p0 =	seq.s32 s5, $0x0;
	s5 =	sld [smem:$0x3FAE]  }
0x2b: {  	s6 =	sld [smem:$0x3FAF]  }
0x2c: {  	s7 =	sld [smem:$0x3FB0]  }
0x2d: {  	s3 =	simm.s32 $0x108;
	s8 =	sld [smem:$0x3FB1]  }
0x2e: {  	s3 =	simm.s32 @!p0 $0x1082;
	s9 =	sld [smem:$0x3FB2]  }
0x2f: {  	lr =	sadd.s32 s0, s3;
	s0 =	sld [smem:$0x3FA9]  }
0x30: {  	s3 =	sld [smem:$0x3FAC]  }
0x31: {  	[smem:$0x3FB5] =	sst s10  }
0x32: {  	s10 =	sld [smem:$0x3FB3];
	_ =	sdelay $0x3  }
0x33: {  	p0 =	seq.s32 s10, $0x1;
	s10 =	sld [smem:$0x3FB5];
	_ =	sdelay $0x3  }
0x34: {  	[smem:$0x3FB5] =	sst s10  }
0x35: {  	s10 =	sld [smem:$0x3FB4];
	_ =	sdelay $0x3  }
0x36: {  	p1 =	seq.s32 s10, $0x1;
	s10 =	sld [smem:$0x3FB5];
	_ =	sdelay $0x3  }
0x37: {  	[smem:$0x3FB5] =	sst s10  }
0x38: {  	s10 =	sld [smem:$0x3FB6]  }
0x39: {  	_ = 	snop;
	(pc) =	sbr.ind lr, $3  }
0x3a: {  	_ = 	snop  }
0x3b: {  	_ = 	snop  }
0x3c: {  	p2 =	seq.s32 s10, $0x1;
	s10 =	sld [smem:$0x3FB5]  }
0x3d: {  	_ =	shalt  }
0x3e: {  	_ =	shalt  }
0x3f: {  	_ =	shalt  }
0x40: {  	_ =	shalt  }
0x41: {  	_ =	shalt  }
0x42: {  	_ =	shalt  }
0x43: {  	_ =	shalt  }
0x44: {  	_ =	shalt  }
0x45: {  	_ =	shalt  }
0x46: {  	_ =	shalt  }
0x47: {  	_ =	shalt  }
0x48: {  	_ =	shalt  }
0x49: {  	_ =	shalt  }
0x4a: {  	_ =	shalt  }
0x4b: {  	_ =	shalt  }
0x4c: {  	_ =	shalt  }
0x4d: {  	_ =	shalt  }
0x4e: {  	_ =	shalt  }
0x4f: {  	_ =	shalt  }
0x50: {  	_ =	shalt  }
0x51: {  	_ =	shalt  }
0x52: {  	_ =	shalt  }
0x53: {  	_ =	shalt  }
0x54: {  	_ =	shalt  }
0x55: {  	_ =	shalt  }
0x56: {  	_ =	shalt  }
0x57: {  	_ =	shalt  }
0x58: {  	_ =	shalt  }
0x59: {  	_ =	shalt  }
0x5a: {  	_ =	shalt  }
0x5b: {  	_ =	shalt  }
0x5c: {  	_ =	shalt  }
0x5d: {  	_ =	shalt  }
0x5e: {  	_ =	shalt  }
0x5f: {  	_ =	shalt  }
0x60: {  	_ =	shalt  }
0x61: {  	_ =	shalt  }
0x62: {  	_ =	shalt  }
0x63: {  	_ =	shalt  }
0x64: {  	_ =	shalt  }
0x65: {  	_ =	shalt  }
0x66: {  	_ =	shalt  }
0x67: {  	_ =	shalt  }
0x68: {  	_ =	shalt  }
0x69: {  	_ =	shalt  }
0x6a: {  	_ =	shalt  }
0x6b: {  	_ =	shalt  }
0x6c: {  	_ =	shalt  }
0x6d: {  	_ =	shalt  }
0x6e: {  	_ =	shalt  }
0x6f: {  	_ =	shalt  }
0x70: {  	_ =	shalt  }
0x71: {  	_ =	shalt  }
0x72: {  	_ =	shalt  }
0x73: {  	_ =	shalt  }
0x74: {  	_ =	shalt  }
0x75: {  	_ =	shalt  }
0x76: {  	_ =	shalt  }
0x77: {  	_ =	shalt  }
0x78: {  	_ =	shalt  }
0x79: {  	_ =	shalt  }
0x7a: {  	_ =	shalt  }
0x7b: {  	_ =	shalt  }
0x7c: {  	_ =	shalt  }
0x7d: {  	_ =	shalt  }
0x7e: {  	_ =	shalt  }
0x7f: {  	_ =	shalt  }
0x80: {  	_ =	shalt  }
0x81: {  	_ =	shalt  }
0x82: {  	_ =	shalt  }
0x83: {  	_ =	shalt  }
0x84: {  	_ =	shalt  }
0x85: {  	_ =	shalt  }
0x86: {  	_ =	shalt  }
0x87: {  	_ =	shalt  }
.Lfunc_end0:
.L_simem_size_0:
called_computation.3_lowered:
.L_overlay_start_0:
0x88: {  	s2 =	sld [smem:$0x3FD9]  }
0x89: {  	s3 =	sld [smem:$0x3FFE];
	_ =	sdelay $0x1  }
0x8a: {  	s1 =	srdreg.scid  }
0x8b: {  	s0 =	sand.u32 $0x1, s1  }
0x8c: {  	s16 =	sshll.u32 s0, $0xA;
	s2 =	sadd.s32 s3, s2  }
0x8d: {  	s2 =	sadd.s32 s2, s16  }
0x8e: {  	[smem:$0x3FC1] =	sst s2  }
0x8f: {  	_ = 	snop  }
0x90: {  	(tm) =	ssettm $0x1  }
0x91: {  	s17 =	sld [smem:$0x3FFB];
	_ =	sdelay $0x3  }
0x92: {  	_ =	strace s17  }
0x93: {  	s2 =	sld [smem:$0x3FFC];
	_ =	sdelay $0x3  }
0x94: {  	_ =	strace s2  }
0x95: {  	s2 =	sld [smem:$0x3FFD];
	_ =	sdelay $0x3  }
0x96: {  	_ =	strace s2  }
0x97: {  	_ =	strace $0x8FFFFFFF  }
0x98: {  	s18 =	sld [smem:$0x3FDB];
	_ =	sdelay $0x1  }
0x99: {  	s19 =	simm.s32 $_scs_section_size  }
0x9a: {  	s4 =	simm.s32 $_size__tile_overlayer_lowered;
	s5 =	simm.s32 $_tile_overlayer_lowered  }
0x9b: {  	s22 =	simm.s32 $0x1BFF;
	s21 =	sshll.u32 s5, $0x1;
	s2 =	sadd.s32 s19, s18  }
0x9c: {  	s6 =	simm.s32 $0x0;
	s20 =	sshll.u32 s4, $0x1;
	s4 =	sadd.s32 s21, s2  }
0x9d: {  	[timem:s6], [sflag:s22] =	dma.local [hbm:s4], s20  }
0x9e: {  	_ =	swait.ge [sflag:s22], s20  }
0x9f: {  	s3 =	ssub.s32 $0x0, s20;
	[sflag:s22] =	ssyncset.done $0x0  }
0xa0: {  	[sflag:s22] =	ssyncadd.s32 s3;
	_ =	sdelay $0x1  }
0xa1: {  	s23 =	simm.s32 $0x1B8B  }
0xa2: {  	_ =	swait.ge [sflag:s23], $0x1  }
0xa3: {  	[sflag:s23] =	ssyncset.done $0x0  }
0xa4: {  	s25 =	simm.s32 $0x1B8E;
	s24 =	sld [smem:$0x3FFE];
	[sflag:s23] =	ssyncadd.s32 $0xFFFFFFFF  }
0xa5: {  	s26 =	simm.s32 $execute0_lowered;
	[smem:$0x3FD2] =	sst s25  }
0xa6: {  	s4 =	sshll.u32 s26, $0x1;
	_ =	strace $0x8000004F;
	[dreg:$0x1] =	wrdreg $0xFFFFFFFF  }
0xa7: {  	s28 =	simm.s32 $_size_execute0_lowered;
	s2 =	sadd.s32 s2, s4;
	[dreg:$0x0] =	wrdreg $0x0  }
0xa8: {  	s4 =	sshll.u32 s28, $0x1;
	[dreg:$0x2] =	wrdreg s2  }
0xa9: {  	[dreg:$0x3] =	wrdreg s4  }
0xaa: {  	[dreg:$0x4] =	wrdreg $0xC0  }
0xab: {  	_ =	task [dreg:s6], $0x5FFFF  }
0xac: {  	[dreg:$0x1] =	wrdreg $0xFFFFFFFF  }
0xad: {  	[dreg:$0x0] =	wrdreg $0x60  }
0xae: {  	[dreg:$0x2] =	wrdreg s24  }
0xaf: {  	[dreg:$0x3] =	wrdreg $0x3B200  }
0xb0: {  	[dreg:$0x4] =	wrdreg $0x9  }
0xb1: {  	_ =	task.clear_ibuf [dreg:s6], $0x5FFFF;
	_ =	strace $0x9000004F  }
0xb2: {  	s29 =	simm.s32 $0x9;
	_ =	strace $0x80000051  }
0xb3: {  	_ =	swait.ge [sflag:s29], $0x1  }
0xb4: {  	[sflag:s29] =	ssyncadd.s32 $0xFFFFFFFF  }
0xb5: {  	_ =	strace $0x90000051  }
0xb6: {  	_ =	sfence  }
0xb7: {  	s30 =	sld [smem:$0x0];
	_ =	sdelay $0x2  }
0xb8: {  	s31 =	sshll.u32 s1, $0xD;
	s1 =	sshrl.u32 s1, $0x2  }
0xb9: {  	s3 =	sand.u32 $0x4000, s31;
	s1 =	sadd.s32 s1, s30  }
0xba: {  	s0 =	sor.u32 s3, s0;
	s1 =	sshll.u32 s1, $0x11  }
0xbb: {  	s0 =	sor.u32 s1, s0  }
0xbc: {  	s0 =	sadd.s32 $0x8F2B, s0  }
0xbd: {  	[sflag:s0] =	ssyncadd.remote.s32 $0x1  }
0xbe: {  	_ =	sfence.sel $0xFFFF  }
0xbf: {  	[dreg:$0x0] =	wrdreg $0xFFFFFFFF;
	(pc) =	sbr.abs _section_cstart, $3  }
0xc0: {  	[dreg:$0x1] =	wrdreg $0xFFFFFFFF  }
0xc1: {  	_ =	task.clear_ibuf [dreg:s6], $0x2FFFF;
	_ =	strace $0x9FFFFFFF  }
0xc2: {  	(tm) =	ssettm $0x7FFFFFFF  }
0xc3: {  	_ =	shalt  }
tec
execute0_lowered:
.L_overlay_start_1:
0x0: {  	(tag) =	ssettag $0x1  }
0x1: {  	s1 =	rddreg [dreg:$0x0]  }
0x2: {  	s3 =	rddreg [dreg:$0x1]  }
0x3: {  	s4 =	simm.s32 $0x0;
	s0 =	srdreg.scid;
	s11 =	stileid.u32  }
0x4: {  	s28 =	simm.s32 $0x2;
	s29 =	simm.s32 $0x200;
	s30 =	simm.s32 $0x210  }
0x5: {  	s31 =	simm.s32 $0x10;
	[smem:$0x7FF] =	sst s4;
	s2 =	smul.u32 $0x2800, s11  }
0x6: {  	s0 =	sand.u32 $0x1, s0;
	s5 =	sadd.s32 $0x9E00, s1;
	s20 =	smul.u32 $0x4E20, s11  }
0x7: {  	s6 =	sadd.s32 $0x13C00, s1;
	s8 =	sshll.u32 s11, $0x1;
	s7 =	smul.u32 $0x28000, s0  }
0x8: {  	s9 =	ssub.s32 $0x2, s0;
	s8 =	sor.u32 s0, s8;
	s0 =	smul.u32 $0x2710, s0  }
0x9: {  	_ =	strace $0x80000050;
	s10 =	sshrl.u32 s9, $0x1;
	s8 =	smul.u32 $0x2710, s8  }
0xa: {  	s7 =	sadd.s32 s2, s7;
	s9 =	ssub.s32 s9, s10;
	s0 =	sadd.s32 s0, s20  }
0xb: {  	s20 =	simm.s32 $0x3;
	s7 =	sshrl.u32 s7, $0x3;
	s21 =	sshrl.u32 s8, $0x3  }
0xc: {  	s26 =	sadd.s32 $0x80, s0;
	s13 =	smax.u32 s9, $0x1;
	s16 =	sadd.s32 $0x100, s0  }
0xd: {  	s0 =	simm.s32 $0x1220;
	s12 =	sadd.s32 s7, s1;
	s7 =	sadd.s32 s2, s3  }
0xe: {  	s8 =	sadd.s32 s1, s21;
	s22 =	sadd.s32 s5, s21;
	s23 =	sadd.s32 $0x4E0, s21  }
0xf: {  	s2 =	sadd.s32 $0x4D0, s21;
	s21 =	simm.s32 $0x100;
	[dreg:$0x3] =	wrdreg s8  }
0x10: {  	[dreg:$0x4] =	wrdreg s22;
	s24 =	sadd.s32 s1, s23;
	s8 =	sadd.s32 s5, s23  }
0x11: {  	s25 =	sadd.s32 $0x18C00, s12;
	s14 =	sadd.s32 s1, s2;
	[dreg:$0x5] =	wrdreg s24  }
0x12: {  	s15 =	sadd.s32 s5, s2;
	s22 =	simm.s32 $0x80;
	[dreg:$0x6] =	wrdreg s8  }
0x13: {  	s23 =	simm.s32 $0x220;
	s2 =	simm.s32 $0x0;
	[dreg:$0x7] =	wrdreg s25  }
0x14: {  	s8 =	sshrl.u32 s26, $0x3;
	s24 =	simm.s32 $0x180;
	s25 =	simm.s32 $0xA20  }
0x15: {  	v0 =	vimm.f32 $0.0e+00;
	s26 =	simm.s32 $0x1;
	s17 =	sadd.s32 s8, s5;
	s18 =	sadd.s32 s8, s1  }
.LBB2_1:
0x16: {  	s8 =	simm.s32 $0x40;
	s9 =	simm.s32 $0x0  }
.LBB2_2:
0x17: {  	p0 =	sne.s32 s8, $0x9FC0;
	[tilespmem:s9+$0x1320] =	vst v0;
	s9 =	smov.u32 s8;
	s8 =	sadd.s32 $0x40, s8  }
.Ltmp0:
0x18: {  	(pc) =	sbr.rel @p0 .LBB2_2-.Ltmp0, $2  }
0x19: {  	_ =	sdelay $0x2  }
0x1a: {  	s9 =	sshra.s32 s9, $0x2  }
0x1b: {  	[tilespmem:s9+$0x1320] =	vst v0;
	s8 =	simm.s32 $0x1320  }
0x1c: {  	[spmem:s7] =	stream.linear.scatter [tilespmem:s8], [sflag:$0x3], $0x2800, $0x38;
	[tilespmem:$0x6320] =	vst v63  }
0x1d: {  	_ =	swait.ge [sflag:s20], $0x2800  }
0x1e: {  	[sflag:s20] =	ssyncset.done $0x0  }
0x1f: {  	[sflag:s20] =	ssyncadd.s32 $0xFFFFD800  }
0x20: {  	[bflag:$0x0] =	sbarrier.arrive $0xFFFF  }
0x21: {  	s11 =	simm.s32 $0x0;
	s12 =	rddreg [dreg:$0x3]  }
0x22: {  	[tilespmem:s11], [sflag:$0x3] =	stream.linear.gather [hbm4b:s12+s11], $0x80, $0x38;
	[tilespmem:$0x6320] =	vst v63  }
0x23: {  	_ =	swait.ge [sflag:s20], $0x80  }
0x24: {  	[sflag:s20] =	ssyncset.done $0x0  }
0x25: {  	s19 =	rddreg [dreg:$0x4];
	[sflag:s20] =	ssyncadd.s32 $0xFFFFFF80  }
0x26: {  	[tilespmem:s21], [sflag:$0x3] =	stream.linear.gather [hbm4b:s19+s11], $0x80, $0x38;
	[tilespmem:$0x6320] =	vst v63  }
0x27: {  	_ =	swait.ge [sflag:s20], $0x80  }
0x28: {  	[sflag:s20] =	ssyncset.done $0x0  }
0x29: {  	[sflag:s20] =	ssyncadd.s32 $0xFFFFFF80  }
0x2a: {  	[tilespmem:s23], [sflag:$0x1] =	stream.indirect.gather [hbm4b:s6+s22], $0x10, s11, s22, $0xb8;
	[tilespmem:$0x6320] =	vst v63  }
0x2b: {  	s10 =	sadd.s32 $0x0, s18  }
0x2c: {  	[tilespmem:s22], [sflag:$0x3] =	stream.linear.gather [hbm4b:s10+s4], $0x80, $0x38;
	[tilespmem:$0x6320] =	vst v63  }
0x2d: {  	_ =	swait.ge [sflag:s20], $0x80  }
0x2e: {  	[sflag:s20] =	ssyncset.done $0x0  }
0x2f: {  	s11 =	sadd.s32 $0x0, s17;
	[sflag:s20] =	ssyncadd.s32 $0xFFFFFF80  }
0x30: {  	[tilespmem:s24], [sflag:$0x3] =	stream.linear.gather [hbm4b:s11+s4], $0x80, $0x38;
	[tilespmem:$0x6320] =	vst v63  }
0x31: {  	_ =	swait.ge [sflag:s20], $0x80  }
0x32: {  	[sflag:s20] =	ssyncset.done $0x0  }
0x33: {  	[sflag:s20] =	ssyncadd.s32 $0xFFFFFF80  }
0x34: {  	[tilespmem:s25], [sflag:$0x2] =	stream.indirect.gather [hbm4b:s6+s22], $0x10, s22, s22, $0xb8;
	[tilespmem:$0x6320] =	vst v63  }
0x35: {  	_ =	swait.ge [sflag:s26], $0x800  }
0x36: {  	[sflag:s26] =	ssyncset.done $0x0  }
0x37: {  	[sflag:s26] =	ssyncadd.s32 $0xFFFFF800  }
0x38: {  	[spmem:s3] =	stream.indirect.scatter.add.f32 [tilespmem:s23], [sflag:$0x3], $0x10, s21, s22, $0xb8;
	[tilespmem:$0x6320] =	vst v63  }
0x39: {  	_ =	swait.ge [sflag:s20], $0x800  }
0x3a: {  	s12 =	sshrl.u32 s16, $0x3;
	[sflag:s20] =	ssyncset.done $0x0  }
0x3b: {  	s19 =	sadd.s32 s1, s12;
	[sflag:s20] =	ssyncadd.s32 $0xFFFFF800  }
0x3c: {  	[tilespmem:s4], [sflag:$0x3] =	stream.linear.gather [hbm4b:s19+s4], $0x80, $0x38;
	[tilespmem:$0x6320] =	vst v63  }
0x3d: {  	_ =	swait.ge [sflag:s20], $0x80  }
0x3e: {  	[sflag:s20] =	ssyncset.done $0x0  }
0x3f: {  	s8 =	sadd.s32 s5, s12;
	[sflag:s20] =	ssyncadd.s32 $0xFFFFFF80  }
0x40: {  	[tilespmem:s21], [sflag:$0x3] =	stream.linear.gather [hbm4b:s8+s4], $0x80, $0x38;
	[tilespmem:$0x6320] =	vst v63  }
0x41: {  	_ =	swait.ge [sflag:s20], $0x80  }
0x42: {  	[sflag:s20] =	ssyncset.done $0x0  }
0x43: {  	[sflag:s20] =	ssyncadd.s32 $0xFFFFFF80  }
0x44: {  	[tilespmem:s23], [sflag:$0x1] =	stream.indirect.gather [hbm4b:s6+s22], $0x10, s4, s22, $0xb8;
	[tilespmem:$0x6320] =	vst v63  }
0x45: {  	_ =	swait.ge [sflag:s28], $0x800  }
0x46: {  	[sflag:s28] =	ssyncset.done $0x0  }
0x47: {  	[sflag:s28] =	ssyncadd.s32 $0xFFFFF800  }
0x48: {  	[spmem:s3] =	stream.indirect.scatter.add.f32 [tilespmem:s25], [sflag:$0x3], $0x10, s24, s22, $0xb8;
	[tilespmem:$0x6320] =	vst v63  }
0x49: {  	s9 =	simm.s32 $0x40;
	_ =	swait.ge [sflag:s20], $0x800  }
0x4a: {  	s19 =	sadd.s32 $0x100, s16;
	s8 =	simm.s32 $0x20;
	[sflag:s20] =	ssyncset.done $0x0  }
.LBB2_4:
0x4b: {  	s11 =	sadd.s32 s8, s18  }
0x4c: {  	[sflag:s20] =	ssyncadd.s32 $0xFFFFF800;
	s12 =	smov.u32 s9;
	s10 =	sadd.s32 $0x20, s9  }
0x4d: {  	[tilespmem:s22], [sflag:$0x3] =	stream.linear.gather [hbm4b:s11+s4], $0x80, $0x38;
	[tilespmem:$0x6320] =	vst v63  }
0x4e: {  	p0 =	sne.s32 s9, $0x4A0;
	_ =	swait.ge [sflag:s20], $0x80  }
0x4f: {  	[sflag:s20] =	ssyncset.done $0x0  }
0x50: {  	s9 =	sadd.s32 s8, s17;
	s8 =	smov.u32 s12;
	[sflag:s20] =	ssyncadd.s32 $0xFFFFFF80  }
0x51: {  	[tilespmem:s24], [sflag:$0x3] =	stream.linear.gather [hbm4b:s9+s4], $0x80, $0x38;
	[tilespmem:$0x6320] =	vst v63  }
0x52: {  	_ =	swait.ge [sflag:s20], $0x80  }
0x53: {  	[sflag:s20] =	ssyncset.done $0x0  }
0x54: {  	[sflag:s20] =	ssyncadd.s32 $0xFFFFFF80  }
0x55: {  	[tilespmem:s25], [sflag:$0x2] =	stream.indirect.gather [hbm4b:s6+s22], $0x10, s22, s22, $0xb8;
	[tilespmem:$0x6320] =	vst v63  }
0x56: {  	_ =	swait.ge [sflag:s26], $0x800  }
0x57: {  	[sflag:s26] =	ssyncset.done $0x0  }
0x58: {  	[sflag:s26] =	ssyncadd.s32 $0xFFFFF800  }
0x59: {  	[spmem:s3] =	stream.indirect.scatter.add.f32 [tilespmem:s23], [sflag:$0x3], $0x10, s21, s22, $0xb8;
	[tilespmem:$0x6320] =	vst v63  }
0x5a: {  	_ =	swait.ge [sflag:s20], $0x800  }
0x5b: {  	s9 =	sshrl.u32 s19, $0x3;
	[sflag:s20] =	ssyncset.done $0x0  }
0x5c: {  	s11 =	sadd.s32 s1, s9;
	[sflag:s20] =	ssyncadd.s32 $0xFFFFF800  }
0x5d: {  	[tilespmem:s4], [sflag:$0x3] =	stream.linear.gather [hbm4b:s11+s4], $0x80, $0x38;
	[tilespmem:$0x6320] =	vst v63  }
0x5e: {  	_ =	swait.ge [sflag:s20], $0x80  }
0x5f: {  	[sflag:s20] =	ssyncset.done $0x0  }
0x60: {  	s9 =	sadd.s32 s5, s9;
	[sflag:s20] =	ssyncadd.s32 $0xFFFFFF80  }
0x61: {  	[tilespmem:s21], [sflag:$0x3] =	stream.linear.gather [hbm4b:s9+s4], $0x80, $0x38;
	[tilespmem:$0x6320] =	vst v63  }
0x62: {  	_ =	swait.ge [sflag:s20], $0x80  }
0x63: {  	[sflag:s20] =	ssyncset.done $0x0  }
0x64: {  	[sflag:s20] =	ssyncadd.s32 $0xFFFFFF80  }
0x65: {  	[tilespmem:s23], [sflag:$0x1] =	stream.indirect.gather [hbm4b:s6+s22], $0x10, s4, s22, $0xb8;
	[tilespmem:$0x6320] =	vst v63  }
0x66: {  	_ =	swait.ge [sflag:s28], $0x800  }
.Ltmp1:
0x67: {  	[sflag:s28] =	ssyncset.done $0x0;
	(pc) =	sbr.rel @p0 .LBB2_4-.Ltmp1, $4  }
0x68: {  	[sflag:s28] =	ssyncadd.s32 $0xFFFFF800  }
0x69: {  	[spmem:s3] =	stream.indirect.scatter.add.f32 [tilespmem:s25], [sflag:$0x3], $0x10, s24, s22, $0xb8;
	[tilespmem:$0x6320] =	vst v63  }
0x6a: {  	_ =	swait.ge [sflag:s20], $0x800  }
0x6b: {  	s19 =	sadd.s32 $0x100, s19;
	s9 =	smov.u32 s10;
	[sflag:s20] =	ssyncset.done $0x0  }
0x6c: {  	s9 =	sadd.s32 s8, s18;
	[sflag:s20] =	ssyncadd.s32 $0xFFFFF800  }
0x6d: {  	[tilespmem:s22], [sflag:$0x3] =	stream.linear.gather [hbm4b:s9+s4], $0x80, $0x38;
	[tilespmem:$0x6320] =	vst v63  }
0x6e: {  	_ =	swait.ge [sflag:s20], $0x80  }
0x6f: {  	[sflag:s20] =	ssyncset.done $0x0  }
0x70: {  	s11 =	sadd.s32 s8, s17;
	[sflag:s20] =	ssyncadd.s32 $0xFFFFFF80  }
0x71: {  	[tilespmem:s24], [sflag:$0x3] =	stream.linear.gather [hbm4b:s11+s4], $0x80, $0x38;
	[tilespmem:$0x6320] =	vst v63  }
0x72: {  	_ =	swait.ge [sflag:s20], $0x80  }
0x73: {  	[sflag:s20] =	ssyncset.done $0x0  }
0x74: {  	[sflag:s20] =	ssyncadd.s32 $0xFFFFFF80  }
0x75: {  	[tilespmem:s25], [sflag:$0x2] =	stream.indirect.gather [hbm4b:s6+s22], $0x10, s22, s22, $0xb8;
	[tilespmem:$0x6320] =	vst v63  }
0x76: {  	_ =	swait.ge [sflag:s26], $0x800  }
0x77: {  	[sflag:s26] =	ssyncset.done $0x0  }
0x78: {  	[sflag:s26] =	ssyncadd.s32 $0xFFFFF800  }
0x79: {  	[spmem:s3] =	stream.indirect.scatter.add.f32 [tilespmem:s23], [sflag:$0x3], $0x10, s21, s22, $0xb8;
	[tilespmem:$0x6320] =	vst v63  }
0x7a: {  	_ =	swait.ge [sflag:s20], $0x800  }
0x7b: {  	s12 =	sshrl.u32 s19, $0x3;
	[sflag:s20] =	ssyncset.done $0x0  }
0x7c: {  	s19 =	sadd.s32 s1, s12;
	[sflag:s20] =	ssyncadd.s32 $0xFFFFF800  }
0x7d: {  	[tilespmem:s4], [sflag:$0x3] =	stream.linear.gather [hbm4b:s19+s4], $0x80, $0x38;
	[tilespmem:$0x6320] =	vst v63  }
0x7e: {  	_ =	swait.ge [sflag:s20], $0x80  }
0x7f: {  	[sflag:s20] =	ssyncset.done $0x0  }
0x80: {  	s8 =	sadd.s32 s5, s12;
	[sflag:s20] =	ssyncadd.s32 $0xFFFFFF80  }
0x81: {  	[tilespmem:s21], [sflag:$0x3] =	stream.linear.gather [hbm4b:s8+s4], $0x80, $0x38;
	[tilespmem:$0x6320] =	vst v63  }
0x82: {  	_ =	swait.ge [sflag:s20], $0x80  }
0x83: {  	[sflag:s20] =	ssyncset.done $0x0  }
0x84: {  	[sflag:s20] =	ssyncadd.s32 $0xFFFFFF80  }
0x85: {  	[tilespmem:s23], [sflag:$0x1] =	stream.indirect.gather [hbm4b:s6+s22], $0x10, s4, s22, $0xb8;
	[tilespmem:$0x6320] =	vst v63  }
0x86: {  	_ =	swait.ge [sflag:s28], $0x800  }
0x87: {  	[sflag:s28] =	ssyncset.done $0x0  }
0x88: {  	[sflag:s28] =	ssyncadd.s32 $0xFFFFF800  }
0x89: {  	[spmem:s3] =	stream.indirect.scatter.add.f32 [tilespmem:s25], [sflag:$0x3], $0x10, s24, s22, $0xb8;
	[tilespmem:$0x6320] =	vst v63  }
0x8a: {  	_ =	swait.ge [sflag:s20], $0x800  }
0x8b: {  	[sflag:s20] =	ssyncset.done $0x0  }
0x8c: {  	[sflag:s20] =	ssyncadd.s32 $0xFFFFF800  }
0x8d: {  	[tilespmem:s22], [sflag:$0x3] =	stream.linear.gather [hbm4b:s14+s4], $0x80, $0x38;
	[tilespmem:$0x6320] =	vst v63  }
0x8e: {  	_ =	swait.ge [sflag:s20], $0x80  }
0x8f: {  	[sflag:s20] =	ssyncset.done $0x0  }
0x90: {  	[sflag:s20] =	ssyncadd.s32 $0xFFFFFF80  }
0x91: {  	[tilespmem:s24], [sflag:$0x3] =	stream.linear.gather [hbm4b:s15+s4], $0x80, $0x38;
	[tilespmem:$0x6320] =	vst v63  }
0x92: {  	_ =	swait.ge [sflag:s20], $0x80  }
0x93: {  	[sflag:s20] =	ssyncset.done $0x0  }
0x94: {  	[sflag:s20] =	ssyncadd.s32 $0xFFFFFF80  }
0x95: {  	[tilespmem:s25], [sflag:$0x2] =	stream.indirect.gather [hbm4b:s6+s22], $0x10, s22, s22, $0xb8;
	[tilespmem:$0x6320] =	vst v63  }
0x96: {  	_ =	swait.ge [sflag:s26], $0x800  }
0x97: {  	[sflag:s26] =	ssyncset.done $0x0  }
0x98: {  	[sflag:s26] =	ssyncadd.s32 $0xFFFFF800  }
0x99: {  	[spmem:s3] =	stream.indirect.scatter.add.f32 [tilespmem:s23], [sflag:$0x3], $0x10, s21, s22, $0xb8;
	[tilespmem:$0x6320] =	vst v63  }
0x9a: {  	_ =	swait.ge [sflag:s20], $0x800  }
0x9b: {  	[sflag:s20] =	ssyncset.done $0x0  }
0x9c: {  	[sflag:s20] =	ssyncadd.s32 $0xFFFFF800  }
0x9d: {  	_ =	swait.ge [sflag:s28], $0x800  }
0x9e: {  	[sflag:s28] =	ssyncset.done $0x0  }
0x9f: {  	[sflag:s28] =	ssyncadd.s32 $0xFFFFF800  }
0xa0: {  	[spmem:s3] =	stream.indirect.scatter.add.f32 [tilespmem:s25], [sflag:$0x3], $0x10, s24, s22, $0xb8;
	[tilespmem:$0x6320] =	vst v63  }
0xa1: {  	_ =	swait.ge [sflag:s20], $0x800  }
0xa2: {  	[sflag:s20] =	ssyncset.done $0x0  }
0xa3: {  	s10 =	rddreg [dreg:$0x5];
	[sflag:s20] =	ssyncadd.s32 $0xFFFFF800  }
0xa4: {  	[tilespmem:s29], [sflag:$0x3] =	stream.linear.gather [hbm4b:s10+s4], $0x10, $0x38;
	[tilespmem:$0x6320] =	vst v63  }
0xa5: {  	_ =	swait.ge [sflag:s20], $0x10  }
0xa6: {  	[sflag:s20] =	ssyncset.done $0x0  }
0xa7: {  	s11 =	rddreg [dreg:$0x6];
	[sflag:s20] =	ssyncadd.s32 $0xFFFFFFF0  }
0xa8: {  	[tilespmem:s30], [sflag:$0x3] =	stream.linear.gather [hbm4b:s11+s4], $0x10, $0x38;
	[tilespmem:$0x6320] =	vst v63  }
0xa9: {  	_ =	swait.ge [sflag:s20], $0x10  }
0xaa: {  	[sflag:s20] =	ssyncset.done $0x0  }
0xab: {  	[sflag:s20] =	ssyncadd.s32 $0xFFFFFFF0  }
0xac: {  	[tilespmem:s0], [sflag:$0x3] =	stream.indirect.gather [hbm4b:s6+s31], $0x10, s29, s31, $0xb8;
	[tilespmem:$0x6320] =	vst v63  }
0xad: {  	_ =	swait.ge [sflag:s20], $0x100  }
0xae: {  	[sflag:s20] =	ssyncset.done $0x0  }
0xaf: {  	[sflag:s20] =	ssyncadd.s32 $0xFFFFFF00  }
0xb0: {  	[spmem:s3] =	stream.indirect.scatter.add.f32 [tilespmem:s0], [sflag:$0x3], $0x10, s30, s31, $0xb8;
	[tilespmem:$0x6320] =	vst v63  }
0xb1: {  	_ =	swait.ge [sflag:s20], $0x100  }
0xb2: {  	s2 =	sadd.s32 $0x1, s2;
	[sflag:s20] =	ssyncset.done $0x0  }
0xb3: {  	s12 =	stileid.u32;
	p0 =	sne.s32 s2, s13;
	[sflag:s20] =	ssyncadd.s32 $0xFFFFFF00  }
0xb4: {  	s19 =	sshrl.u32 s7, $0x3;
	s8 =	sshll.u32 s12, $0x6;
	[bflag:$0x0] =	sbarrier.arrive $0xFFFF  }
.Ltmp2:
0xb5: {  	s8 =	sor.u32 $0x1C03, s8;
	s10 =	rddreg [dreg:$0x7];
	(pc) =	sbr.rel @p0 .LBB2_1-.Ltmp2, $4  }
0xb6: {  	[hbm:s10], [sflag:s8] =	dma.local [spmem:s19], $0x500  }
0xb7: {  	_ =	swait.ge [sflag:s20], $0x500  }
0xb8: {  	[sflag:s20] =	ssyncset.done $0x0  }
0xb9: {  	[sflag:s20] =	ssyncadd.s32 $0xFFFFFB00  }
0xba: {  	_ =	sfence.sel $0x180000  }
0xbb: {  	[bflag:$0x0] =	sbarrier.arrive $0xFFFF  }
0xbc: {  	_ =	strace $0x90000050  }
0xbd: {  	s0 =	stileid.u32;
	[bflag:$0x2] =	sbarrier.arrive $0xFFFF  }
0xbe: {  	p0 =	sne.s32 s0, $0x0;
	s0 =	rddreg [dreg:$0x2]  }
0xbf: {  	s0 =	sadd.s32 @!p0 $0x100000, s0  }
0xc0: {  	[sflag:s0] =	ssyncadd.tile.s32 @!p0 $0x1;
	_ =	shalt  }
.Lfunc_end2:
_tile_overlayer_lowered:
.L_overlay_start_2:
0xc1: {  	(tag) =	ssettag $0x2  }
0xc2: {  	s0 =	rddreg [dreg:$0x0];
	s2 =	stileid.u32  }
0xc3: {  	s1 =	rddreg [dreg:$0x1];
	p0 =	sne.s32 s2, $0x0  }
0xc4: {  	s3 =	rddreg [dreg:$0x2];
	[bflag:$0x3] =	sbarrier.arrive $0xFFFF;
	s2 =	simm.s32 @!p0 $0x1C03  }
0xc5: {  	[timem:s3], [sflag:s2] =	dma.local @!p0 [hbm:s0], s1  }
0xc6: {  	s0 =	simm.s32 @!p0 $0x3  }
0xc7: {  	_ =	swait.ge @!p0 [sflag:s0], s1  }
0xc8: {  	s1 =	ssub.s32 @!p0 $0x0, s1;
	[sflag:s0] =	ssyncset.done @!p0 $0x0  }
0xc9: {  	[sflag:s0] =	ssyncadd.s32 @!p0 s1  }
0xca: {  	[bflag:$0x3] =	sbarrier.arrive $0xFFFF  }
0xcb: {  	_ =	shalt  }

// kernel: kernel.21.cloned.1.call-start
scs
__scs_entry_jumppad:
0x0: {  	(pc) =	sbr.rel $0x88, $3  }
0x1: {  	(tag) =	ssettag $0x0;
	lr =	simm.s32 $0x1  }
0x2: {  	[smem:$0x3F9A] =	sst lr;
	_ =	strace $0xD0000000  }
0x3: {  	_ = 	snop  }
0x4: {  	_ = 	snop  }
0x5: {  	_ = 	snop  }
0x6: {  	_ = 	snop  }
0x7: {  	_ = 	snop  }
__scs_overlays_trampoline_lowered:
0x8: {  	[smem:$0x3FA9] =	sst s0  }
0x9: {  	[smem:$0x3FAA] =	sst s1  }
0xa: {  	[smem:$0x3FAB] =	sst s2  }
0xb: {  	[smem:$0x3FAC] =	sst s3  }
0xc: {  	[smem:$0x3FAD] =	sst s4  }
0xd: {  	[smem:$0x3FAE] =	sst s5  }
0xe: {  	[smem:$0x3FAF] =	sst s6  }
0xf: {  	[smem:$0x3FB0] =	sst s7  }
0x10: {  	[smem:$0x3FB1] =	sst s8  }
0x11: {  	[smem:$0x3FB2] =	sst s9;
	s0 =	simm.s32 @!p0 $0x0  }
0x12: {  	s1 =	sld [smem:$0x3F98];
	s0 =	simm.s32 @p0 $0x1  }
0x13: {  	[smem:$0x3FB3] =	sst s0;
	s0 =	simm.s32 @!p1 $0x0  }
0x14: {  	s2 =	sld [smem:$0x3F97];
	s0 =	simm.s32 @p1 $0x1  }
0x15: {  	[smem:$0x3FB4] =	sst s0;
	s0 =	simm.s32 @!p2 $0x0  }
0x16: {  	s3 =	sld [smem:$0x3FDB];
	s0 =	simm.s32 @p2 $0x1  }
0x17: {  	s4 =	simm.s32 $0x1BF5;
	[smem:$0x3FB6] =	sst s0  }
0x18: {  	s0 =	sld [smem:$0x3F99];
	_ =	swait.ge [sflag:s4], $0x0  }
0x19: {  	s7 =	sld [smem:$0x3F9A]  }
0x1a: {  	s8 =	sadd.s32 $0xFFFFE003, lr  }
0x1b: {  	s9 =	sadd.s32 $0xFFFFFEF7, lr;
	s5 =	simm.s32 $0xFFFFFFFF;
	p2 =	slt.u32 s8, $0xFFFFF086  }
0x1c: {  	p1 =	slt.u32 s9, $0xF7A;
	s5 =	simm.s32 @!p2 $0x0  }
0x1d: {  	s5 =	simm.s32 @p1 $0x1;
	p0 =	seq.s32 s7, s2  }
0x1e: {  	s7 =	smul.u32 @!p0 $0xF7A, s2;
	p2 =	seq.s32 @!p0 s5, $0x0  }
0x1f: {  	s9 =	smul.u32 $0xF7A, s1;
	s8 =	simm.s32 @!p0 $0x1BF5;
	p2 =	por !p2, p0  }
0x20: {  	[sflag:s8] =	ssyncset.s32 @!p0 $0xFFFFF086;
	s6 =	sadd.s32 @!p0 s3, s7;
	s7 =	simm.s32 @!p0 $0x108  }
0x21: {  	s3 =	sadd.s32 s3, s9;
	s6 =	sadd.s32 @!p0 $0x88, s6;
	s7 =	simm.s32 @p2 $0x1082  }
0x22: {  	[simem:s7], [sflag:s8] =	dma.local @!p0 [hbm:s6], $0xF7A  }
0x23: {  	s9 =	sor.u32 $0xD0000000, s2;
	s6 =	simm.s32 $0x108;
	_ =	swait.ge @!p0 [sflag:s8], $0x0  }
0x24: {  	s3 =	sadd.s32 $0x88, s3;
	s6 =	simm.s32 @!p1 $0x1082;
	[sflag:s4] =	ssyncset.s32 $0xFFFFF086  }
0x25: {  	[simem:s6], [sflag:s4] =	dma.local [hbm:s3], $0xF7A  }
0x26: {  	[smem:$0x3F9A] =	sst s1;
	(tag) =	ssettag s2;
	_ =	strace s9  }
0x27: {  	s1 =	sld [smem:$0x3FAA]  }
0x28: {  	s2 =	sld [smem:$0x3FAB]  }
0x29: {  	s4 =	sld [smem:$0x3FAD]  }
0x2a: {  	p0 =	seq.s32 s5, $0x0;
	s5 =	sld [smem:$0x3FAE]  }
0x2b: {  	s6 =	sld [smem:$0x3FAF]  }
0x2c: {  	s7 =	sld [smem:$0x3FB0]  }
0x2d: {  	s3 =	simm.s32 $0x108;
	s8 =	sld [smem:$0x3FB1]  }
0x2e: {  	s3 =	simm.s32 @!p0 $0x1082;
	s9 =	sld [smem:$0x3FB2]  }
0x2f: {  	lr =	sadd.s32 s0, s3;
	s0 =	sld [smem:$0x3FA9]  }
0x30: {  	s3 =	sld [smem:$0x3FAC]  }
0x31: {  	[smem:$0x3FB5] =	sst s10  }
0x32: {  	s10 =	sld [smem:$0x3FB3];
	_ =	sdelay $0x3  }
0x33: {  	p0 =	seq.s32 s10, $0x1;
	s10 =	sld [smem:$0x3FB5];
	_ =	sdelay $0x3  }
0x34: {  	[smem:$0x3FB5] =	sst s10  }
0x35: {  	s10 =	sld [smem:$0x3FB4];
	_ =	sdelay $0x3  }
0x36: {  	p1 =	seq.s32 s10, $0x1;
	s10 =	sld [smem:$0x3FB5];
	_ =	sdelay $0x3  }
0x37: {  	[smem:$0x3FB5] =	sst s10  }
0x38: {  	s10 =	sld [smem:$0x3FB6]  }
0x39: {  	_ = 	snop;
	(pc) =	sbr.ind lr, $3  }
0x3a: {  	_ = 	snop  }
0x3b: {  	_ = 	snop  }
0x3c: {  	p2 =	seq.s32 s10, $0x1;
	s10 =	sld [smem:$0x3FB5]  }
0x3d: {  	_ =	shalt  }
0x3e: {  	_ =	shalt  }
0x3f: {  	_ =	shalt  }
0x40: {  	_ =	shalt  }
0x41: {  	_ =	shalt  }
0x42: {  	_ =	shalt  }
0x43: {  	_ =	shalt  }
0x44: {  	_ =	shalt  }
0x45: {  	_ =	shalt  }
0x46: {  	_ =	shalt  }
0x47: {  	_ =	shalt  }
0x48: {  	_ =	shalt  }
0x49: {  	_ =	shalt  }
0x4a: {  	_ =	shalt  }
0x4b: {  	_ =	shalt  }
0x4c: {  	_ =	shalt  }
0x4d: {  	_ =	shalt  }
0x4e: {  	_ =	shalt  }
0x4f: {  	_ =	shalt  }
0x50: {  	_ =	shalt  }
0x51: {  	_ =	shalt  }
0x52: {  	_ =	shalt  }
0x53: {  	_ =	shalt  }
0x54: {  	_ =	shalt  }
0x55: {  	_ =	shalt  }
0x56: {  	_ =	shalt  }
0x57: {  	_ =	shalt  }
0x58: {  	_ =	shalt  }
0x59: {  	_ =	shalt  }
0x5a: {  	_ =	shalt  }
0x5b: {  	_ =	shalt  }
0x5c: {  	_ =	shalt  }
0x5d: {  	_ =	shalt  }
0x5e: {  	_ =	shalt  }
0x5f: {  	_ =	shalt  }
0x60: {  	_ =	shalt  }
0x61: {  	_ =	shalt  }
0x62: {  	_ =	shalt  }
0x63: {  	_ =	shalt  }
0x64: {  	_ =	shalt  }
0x65: {  	_ =	shalt  }
0x66: {  	_ =	shalt  }
0x67: {  	_ =	shalt  }
0x68: {  	_ =	shalt  }
0x69: {  	_ =	shalt  }
0x6a: {  	_ =	shalt  }
0x6b: {  	_ =	shalt  }
0x6c: {  	_ =	shalt  }
0x6d: {  	_ =	shalt  }
0x6e: {  	_ =	shalt  }
0x6f: {  	_ =	shalt  }
0x70: {  	_ =	shalt  }
0x71: {  	_ =	shalt  }
0x72: {  	_ =	shalt  }
0x73: {  	_ =	shalt  }
0x74: {  	_ =	shalt  }
0x75: {  	_ =	shalt  }
0x76: {  	_ =	shalt  }
0x77: {  	_ =	shalt  }
0x78: {  	_ =	shalt  }
0x79: {  	_ =	shalt  }
0x7a: {  	_ =	shalt  }
0x7b: {  	_ =	shalt  }
0x7c: {  	_ =	shalt  }
0x7d: {  	_ =	shalt  }
0x7e: {  	_ =	shalt  }
0x7f: {  	_ =	shalt  }
0x80: {  	_ =	shalt  }
0x81: {  	_ =	shalt  }
0x82: {  	_ =	shalt  }
0x83: {  	_ =	shalt  }
0x84: {  	_ =	shalt  }
0x85: {  	_ =	shalt  }
0x86: {  	_ =	shalt  }
0x87: {  	_ =	shalt  }
.Lfunc_end0:
.L_simem_size_0:
called_computation.4_lowered:
.L_overlay_start_0:
0x88: {  	s2 =	sld [smem:$0x3FD9]  }
0x89: {  	s3 =	sld [smem:$0x3FFE];
	_ =	sdelay $0x1  }
0x8a: {  	s1 =	srdreg.scid  }
0x8b: {  	s0 =	sand.u32 $0x1, s1  }
0x8c: {  	s16 =	sshll.u32 s0, $0xA;
	s2 =	sadd.s32 s3, s2  }
0x8d: {  	s2 =	sadd.s32 s2, s16  }
0x8e: {  	[smem:$0x3FC1] =	sst s2  }
0x8f: {  	_ = 	snop  }
0x90: {  	(tm) =	ssettm $0x1  }
0x91: {  	s17 =	sld [smem:$0x3FFB];
	_ =	sdelay $0x3  }
0x92: {  	_ =	strace s17  }
0x93: {  	s2 =	sld [smem:$0x3FFC];
	_ =	sdelay $0x3  }
0x94: {  	_ =	strace s2  }
0x95: {  	s2 =	sld [smem:$0x3FFD];
	_ =	sdelay $0x3  }
0x96: {  	_ =	strace s2  }
0x97: {  	_ =	strace $0x8FFFFFFF  }
0x98: {  	s18 =	sld [smem:$0x3FDB];
	_ =	sdelay $0x1  }
0x99: {  	s19 =	simm.s32 $_scs_section_size  }
0x9a: {  	s4 =	simm.s32 $_size__tile_overlayer_lowered;
	s5 =	simm.s32 $_tile_overlayer_lowered  }
0x9b: {  	s22 =	simm.s32 $0x1BFF;
	s21 =	sshll.u32 s5, $0x1;
	s2 =	sadd.s32 s19, s18  }
0x9c: {  	s6 =	simm.s32 $0x0;
	s20 =	sshll.u32 s4, $0x1;
	s4 =	sadd.s32 s21, s2  }
0x9d: {  	[timem:s6], [sflag:s22] =	dma.local [hbm:s4], s20  }
0x9e: {  	_ =	swait.ge [sflag:s22], s20  }
0x9f: {  	s3 =	ssub.s32 $0x0, s20;
	[sflag:s22] =	ssyncset.done $0x0  }
0xa0: {  	[sflag:s22] =	ssyncadd.s32 s3;
	_ =	sdelay $0x1  }
0xa1: {  	s23 =	simm.s32 $0x1B8B  }
0xa2: {  	_ =	swait.ge [sflag:s23], $0x1  }
0xa3: {  	[sflag:s23] =	ssyncset.done $0x0  }
0xa4: {  	s25 =	simm.s32 $0x1B8E;
	s24 =	sld [smem:$0x3FFE];
	[sflag:s23] =	ssyncadd.s32 $0xFFFFFFFF  }
0xa5: {  	s26 =	simm.s32 $execute0_lowered;
	[smem:$0x3FD2] =	sst s25  }
0xa6: {  	s4 =	sshll.u32 s26, $0x1;
	_ =	strace $0x80000052;
	[dreg:$0x1] =	wrdreg $0xFFFFFFFF  }
0xa7: {  	s28 =	simm.s32 $_size_execute0_lowered;
	s2 =	sadd.s32 s2, s4;
	[dreg:$0x0] =	wrdreg $0x0  }
0xa8: {  	s4 =	sshll.u32 s28, $0x1;
	[dreg:$0x2] =	wrdreg s2  }
0xa9: {  	[dreg:$0x3] =	wrdreg s4  }
0xaa: {  	[dreg:$0x4] =	wrdreg $0xC0  }
0xab: {  	_ =	task [dreg:s6], $0x5FFFF  }
0xac: {  	[dreg:$0x1] =	wrdreg $0xFFFFFFFF  }
0xad: {  	[dreg:$0x0] =	wrdreg $0x60  }
0xae: {  	[dreg:$0x2] =	wrdreg s24  }
0xaf: {  	[dreg:$0x3] =	wrdreg $0x3B200  }
0xb0: {  	[dreg:$0x4] =	wrdreg $0x9  }
0xb1: {  	_ =	task.clear_ibuf [dreg:s6], $0x5FFFF;
	_ =	strace $0x90000052  }
0xb2: {  	s29 =	simm.s32 $0x9;
	_ =	strace $0x80000054  }
0xb3: {  	_ =	swait.ge [sflag:s29], $0x1  }
0xb4: {  	[sflag:s29] =	ssyncadd.s32 $0xFFFFFFFF  }
0xb5: {  	_ =	strace $0x90000054  }
0xb6: {  	_ =	sfence  }
0xb7: {  	s30 =	sld [smem:$0x0];
	_ =	sdelay $0x2  }
0xb8: {  	s31 =	sshll.u32 s1, $0xD;
	s1 =	sshrl.u32 s1, $0x2  }
0xb9: {  	s3 =	sand.u32 $0x4000, s31;
	s1 =	sadd.s32 s1, s30  }
0xba: {  	s0 =	sor.u32 s3, s0;
	s1 =	sshll.u32 s1, $0x11  }
0xbb: {  	s0 =	sor.u32 s1, s0  }
0xbc: {  	s0 =	sadd.s32 $0x8F2B, s0  }
0xbd: {  	[sflag:s0] =	ssyncadd.remote.s32 $0x1  }
0xbe: {  	_ =	sfence.sel $0xFFFF  }
0xbf: {  	[dreg:$0x0] =	wrdreg $0xFFFFFFFF;
	(pc) =	sbr.abs _section_cstart, $3  }
0xc0: {  	[dreg:$0x1] =	wrdreg $0xFFFFFFFF  }
0xc1: {  	_ =	task.clear_ibuf [dreg:s6], $0x2FFFF;
	_ =	strace $0x9FFFFFFF  }
0xc2: {  	(tm) =	ssettm $0x7FFFFFFF  }
0xc3: {  	_ =	shalt  }
tec
execute0_lowered:
.L_overlay_start_1:
0x0: {  	(tag) =	ssettag $0x1  }
0x1: {  	s1 =	rddreg [dreg:$0x0]  }
0x2: {  	s3 =	rddreg [dreg:$0x1]  }
0x3: {  	s4 =	simm.s32 $0x0;
	s0 =	srdreg.scid;
	s11 =	stileid.u32  }
0x4: {  	s28 =	simm.s32 $0x2;
	s29 =	simm.s32 $0x200;
	s30 =	simm.s32 $0x210  }
0x5: {  	s31 =	simm.s32 $0x10;
	[smem:$0x7FF] =	sst s4;
	s2 =	smul.u32 $0x2800, s11  }
0x6: {  	s0 =	sand.u32 $0x1, s0;
	s5 =	sadd.s32 $0x9E00, s1;
	s20 =	smul.u32 $0x4E20, s11  }
0x7: {  	s6 =	sadd.s32 $0x13C00, s1;
	s8 =	sshll.u32 s11, $0x1;
	s7 =	smul.u32 $0x28000, s0  }
0x8: {  	s9 =	ssub.s32 $0x2, s0;
	s8 =	sor.u32 s0, s8;
	s0 =	smul.u32 $0x2710, s0  }
0x9: {  	_ =	strace $0x80000053;
	s10 =	sshrl.u32 s9, $0x1;
	s8 =	smul.u32 $0x2710, s8  }
0xa: {  	s7 =	sadd.s32 s2, s7;
	s9 =	ssub.s32 s9, s10;
	s0 =	sadd.s32 s0, s20  }
0xb: {  	s20 =	simm.s32 $0x3;
	s7 =	sshrl.u32 s7, $0x3;
	s21 =	sshrl.u32 s8, $0x3  }
0xc: {  	s26 =	sadd.s32 $0x80, s0;
	s13 =	smax.u32 s9, $0x1;
	s16 =	sadd.s32 $0x100, s0  }
0xd: {  	s0 =	simm.s32 $0x1220;
	s12 =	sadd.s32 s7, s1;
	s7 =	sadd.s32 s2, s3  }
0xe: {  	s8 =	sadd.s32 s5, s21;
	s22 =	sadd.s32 s1, s21;
	s23 =	sadd.s32 $0x4E0, s21  }
0xf: {  	s2 =	sadd.s32 $0x4D0, s21;
	s21 =	simm.s32 $0x100;
	[dreg:$0x3] =	wrdreg s8  }
0x10: {  	[dreg:$0x4] =	wrdreg s22;
	s24 =	sadd.s32 s5, s23;
	s8 =	sadd.s32 s1, s23  }
0x11: {  	s25 =	sadd.s32 $0x18C00, s12;
	s14 =	sadd.s32 s5, s2;
	[dreg:$0x5] =	wrdreg s24  }
0x12: {  	s15 =	sadd.s32 s1, s2;
	s22 =	simm.s32 $0x80;
	[dreg:$0x6] =	wrdreg s8  }
0x13: {  	s23 =	simm.s32 $0x220;
	s2 =	simm.s32 $0x0;
	[dreg:$0x7] =	wrdreg s25  }
0x14: {  	s8 =	sshrl.u32 s26, $0x3;
	s24 =	simm.s32 $0x180;
	s25 =	simm.s32 $0xA20  }
0x15: {  	v0 =	vimm.f32 $0.0e+00;
	s26 =	simm.s32 $0x1;
	s17 =	sadd.s32 s8, s1;
	s18 =	sadd.s32 s8, s5  }
.LBB2_1:
0x16: {  	s8 =	simm.s32 $0x40;
	s9 =	simm.s32 $0x0  }
.LBB2_2:
0x17: {  	p0 =	sne.s32 s8, $0x9FC0;
	[tilespmem:s9+$0x1320] =	vst v0;
	s9 =	smov.u32 s8;
	s8 =	sadd.s32 $0x40, s8  }
.Ltmp0:
0x18: {  	(pc) =	sbr.rel @p0 .LBB2_2-.Ltmp0, $2  }
0x19: {  	_ =	sdelay $0x2  }
0x1a: {  	s9 =	sshra.s32 s9, $0x2  }
0x1b: {  	[tilespmem:s9+$0x1320] =	vst v0;
	s8 =	simm.s32 $0x1320  }
0x1c: {  	[spmem:s7] =	stream.linear.scatter [tilespmem:s8], [sflag:$0x3], $0x2800, $0x38;
	[tilespmem:$0x6320] =	vst v63  }
0x1d: {  	_ =	swait.ge [sflag:s20], $0x2800  }
0x1e: {  	[sflag:s20] =	ssyncset.done $0x0  }
0x1f: {  	[sflag:s20] =	ssyncadd.s32 $0xFFFFD800  }
0x20: {  	[bflag:$0x0] =	sbarrier.arrive $0xFFFF  }
0x21: {  	s11 =	simm.s32 $0x0;
	s12 =	rddreg [dreg:$0x3]  }
0x22: {  	[tilespmem:s11], [sflag:$0x3] =	stream.linear.gather [hbm4b:s12+s11], $0x80, $0x38;
	[tilespmem:$0x6320] =	vst v63  }
0x23: {  	_ =	swait.ge [sflag:s20], $0x80  }
0x24: {  	[sflag:s20] =	ssyncset.done $0x0  }
0x25: {  	s19 =	rddreg [dreg:$0x4];
	[sflag:s20] =	ssyncadd.s32 $0xFFFFFF80  }
0x26: {  	[tilespmem:s21], [sflag:$0x3] =	stream.linear.gather [hbm4b:s19+s11], $0x80, $0x38;
	[tilespmem:$0x6320] =	vst v63  }
0x27: {  	_ =	swait.ge [sflag:s20], $0x80  }
0x28: {  	[sflag:s20] =	ssyncset.done $0x0  }
0x29: {  	[sflag:s20] =	ssyncadd.s32 $0xFFFFFF80  }
0x2a: {  	[tilespmem:s23], [sflag:$0x1] =	stream.indirect.gather [hbm4b:s6+s22], $0x10, s11, s22, $0xb8;
	[tilespmem:$0x6320] =	vst v63  }
0x2b: {  	s10 =	sadd.s32 $0x0, s18  }
0x2c: {  	[tilespmem:s22], [sflag:$0x3] =	stream.linear.gather [hbm4b:s10+s4], $0x80, $0x38;
	[tilespmem:$0x6320] =	vst v63  }
0x2d: {  	_ =	swait.ge [sflag:s20], $0x80  }
0x2e: {  	[sflag:s20] =	ssyncset.done $0x0  }
0x2f: {  	s11 =	sadd.s32 $0x0, s17;
	[sflag:s20] =	ssyncadd.s32 $0xFFFFFF80  }
0x30: {  	[tilespmem:s24], [sflag:$0x3] =	stream.linear.gather [hbm4b:s11+s4], $0x80, $0x38;
	[tilespmem:$0x6320] =	vst v63  }
0x31: {  	_ =	swait.ge [sflag:s20], $0x80  }
0x32: {  	[sflag:s20] =	ssyncset.done $0x0  }
0x33: {  	[sflag:s20] =	ssyncadd.s32 $0xFFFFFF80  }
0x34: {  	[tilespmem:s25], [sflag:$0x2] =	stream.indirect.gather [hbm4b:s6+s22], $0x10, s22, s22, $0xb8;
	[tilespmem:$0x6320] =	vst v63  }
0x35: {  	_ =	swait.ge [sflag:s26], $0x800  }
0x36: {  	[sflag:s26] =	ssyncset.done $0x0  }
0x37: {  	[sflag:s26] =	ssyncadd.s32 $0xFFFFF800  }
0x38: {  	[spmem:s3] =	stream.indirect.scatter.add.f32 [tilespmem:s23], [sflag:$0x3], $0x10, s21, s22, $0xb8;
	[tilespmem:$0x6320] =	vst v63  }
0x39: {  	_ =	swait.ge [sflag:s20], $0x800  }
0x3a: {  	s12 =	sshrl.u32 s16, $0x3;
	[sflag:s20] =	ssyncset.done $0x0  }
0x3b: {  	s19 =	sadd.s32 s5, s12;
	[sflag:s20] =	ssyncadd.s32 $0xFFFFF800  }
0x3c: {  	[tilespmem:s4], [sflag:$0x3] =	stream.linear.gather [hbm4b:s19+s4], $0x80, $0x38;
	[tilespmem:$0x6320] =	vst v63  }
0x3d: {  	_ =	swait.ge [sflag:s20], $0x80  }
0x3e: {  	[sflag:s20] =	ssyncset.done $0x0  }
0x3f: {  	s8 =	sadd.s32 s1, s12;
	[sflag:s20] =	ssyncadd.s32 $0xFFFFFF80  }
0x40: {  	[tilespmem:s21], [sflag:$0x3] =	stream.linear.gather [hbm4b:s8+s4], $0x80, $0x38;
	[tilespmem:$0x6320] =	vst v63  }
0x41: {  	_ =	swait.ge [sflag:s20], $0x80  }
0x42: {  	[sflag:s20] =	ssyncset.done $0x0  }
0x43: {  	[sflag:s20] =	ssyncadd.s32 $0xFFFFFF80  }
0x44: {  	[tilespmem:s23], [sflag:$0x1] =	stream.indirect.gather [hbm4b:s6+s22], $0x10, s4, s22, $0xb8;
	[tilespmem:$0x6320] =	vst v63  }
0x45: {  	_ =	swait.ge [sflag:s28], $0x800  }
0x46: {  	[sflag:s28] =	ssyncset.done $0x0  }
0x47: {  	[sflag:s28] =	ssyncadd.s32 $0xFFFFF800  }
0x48: {  	[spmem:s3] =	stream.indirect.scatter.add.f32 [tilespmem:s25], [sflag:$0x3], $0x10, s24, s22, $0xb8;
	[tilespmem:$0x6320] =	vst v63  }
0x49: {  	s9 =	simm.s32 $0x40;
	_ =	swait.ge [sflag:s20], $0x800  }
0x4a: {  	s19 =	sadd.s32 $0x100, s16;
	s8 =	simm.s32 $0x20;
	[sflag:s20] =	ssyncset.done $0x0  }
.LBB2_4:
0x4b: {  	s11 =	sadd.s32 s8, s18  }
0x4c: {  	[sflag:s20] =	ssyncadd.s32 $0xFFFFF800;
	s12 =	smov.u32 s9;
	s10 =	sadd.s32 $0x20, s9  }
0x4d: {  	[tilespmem:s22], [sflag:$0x3] =	stream.linear.gather [hbm4b:s11+s4], $0x80, $0x38;
	[tilespmem:$0x6320] =	vst v63  }
0x4e: {  	p0 =	sne.s32 s9, $0x4A0;
	_ =	swait.ge [sflag:s20], $0x80  }
0x4f: {  	[sflag:s20] =	ssyncset.done $0x0  }
0x50: {  	s9 =	sadd.s32 s8, s17;
	s8 =	smov.u32 s12;
	[sflag:s20] =	ssyncadd.s32 $0xFFFFFF80  }
0x51: {  	[tilespmem:s24], [sflag:$0x3] =	stream.linear.gather [hbm4b:s9+s4], $0x80, $0x38;
	[tilespmem:$0x6320] =	vst v63  }
0x52: {  	_ =	swait.ge [sflag:s20], $0x80  }
0x53: {  	[sflag:s20] =	ssyncset.done $0x0  }
0x54: {  	[sflag:s20] =	ssyncadd.s32 $0xFFFFFF80  }
0x55: {  	[tilespmem:s25], [sflag:$0x2] =	stream.indirect.gather [hbm4b:s6+s22], $0x10, s22, s22, $0xb8;
	[tilespmem:$0x6320] =	vst v63  }
0x56: {  	_ =	swait.ge [sflag:s26], $0x800  }
0x57: {  	[sflag:s26] =	ssyncset.done $0x0  }
0x58: {  	[sflag:s26] =	ssyncadd.s32 $0xFFFFF800  }
0x59: {  	[spmem:s3] =	stream.indirect.scatter.add.f32 [tilespmem:s23], [sflag:$0x3], $0x10, s21, s22, $0xb8;
	[tilespmem:$0x6320] =	vst v63  }
0x5a: {  	_ =	swait.ge [sflag:s20], $0x800  }
0x5b: {  	s9 =	sshrl.u32 s19, $0x3;
	[sflag:s20] =	ssyncset.done $0x0  }
0x5c: {  	s11 =	sadd.s32 s5, s9;
	[sflag:s20] =	ssyncadd.s32 $0xFFFFF800  }
0x5d: {  	[tilespmem:s4], [sflag:$0x3] =	stream.linear.gather [hbm4b:s11+s4], $0x80, $0x38;
	[tilespmem:$0x6320] =	vst v63  }
0x5e: {  	_ =	swait.ge [sflag:s20], $0x80  }
0x5f: {  	[sflag:s20] =	ssyncset.done $0x0  }
0x60: {  	s9 =	sadd.s32 s1, s9;
	[sflag:s20] =	ssyncadd.s32 $0xFFFFFF80  }
0x61: {  	[tilespmem:s21], [sflag:$0x3] =	stream.linear.gather [hbm4b:s9+s4], $0x80, $0x38;
	[tilespmem:$0x6320] =	vst v63  }
0x62: {  	_ =	swait.ge [sflag:s20], $0x80  }
0x63: {  	[sflag:s20] =	ssyncset.done $0x0  }
0x64: {  	[sflag:s20] =	ssyncadd.s32 $0xFFFFFF80  }
0x65: {  	[tilespmem:s23], [sflag:$0x1] =	stream.indirect.gather [hbm4b:s6+s22], $0x10, s4, s22, $0xb8;
	[tilespmem:$0x6320] =	vst v63  }
0x66: {  	_ =	swait.ge [sflag:s28], $0x800  }
.Ltmp1:
0x67: {  	[sflag:s28] =	ssyncset.done $0x0;
	(pc) =	sbr.rel @p0 .LBB2_4-.Ltmp1, $4  }
0x68: {  	[sflag:s28] =	ssyncadd.s32 $0xFFFFF800  }
0x69: {  	[spmem:s3] =	stream.indirect.scatter.add.f32 [tilespmem:s25], [sflag:$0x3], $0x10, s24, s22, $0xb8;
	[tilespmem:$0x6320] =	vst v63  }
0x6a: {  	_ =	swait.ge [sflag:s20], $0x800  }
0x6b: {  	s19 =	sadd.s32 $0x100, s19;
	s9 =	smov.u32 s10;
	[sflag:s20] =	ssyncset.done $0x0  }
0x6c: {  	s9 =	sadd.s32 s8, s18;
	[sflag:s20] =	ssyncadd.s32 $0xFFFFF800  }
0x6d: {  	[tilespmem:s22], [sflag:$0x3] =	stream.linear.gather [hbm4b:s9+s4], $0x80, $0x38;
	[tilespmem:$0x6320] =	vst v63  }
0x6e: {  	_ =	swait.ge [sflag:s20], $0x80  }
0x6f: {  	[sflag:s20] =	ssyncset.done $0x0  }
0x70: {  	s11 =	sadd.s32 s8, s17;
	[sflag:s20] =	ssyncadd.s32 $0xFFFFFF80  }
0x71: {  	[tilespmem:s24], [sflag:$0x3] =	stream.linear.gather [hbm4b:s11+s4], $0x80, $0x38;
	[tilespmem:$0x6320] =	vst v63  }
0x72: {  	_ =	swait.ge [sflag:s20], $0x80  }
0x73: {  	[sflag:s20] =	ssyncset.done $0x0  }
0x74: {  	[sflag:s20] =	ssyncadd.s32 $0xFFFFFF80  }
0x75: {  	[tilespmem:s25], [sflag:$0x2] =	stream.indirect.gather [hbm4b:s6+s22], $0x10, s22, s22, $0xb8;
	[tilespmem:$0x6320] =	vst v63  }
0x76: {  	_ =	swait.ge [sflag:s26], $0x800  }
0x77: {  	[sflag:s26] =	ssyncset.done $0x0  }
0x78: {  	[sflag:s26] =	ssyncadd.s32 $0xFFFFF800  }
0x79: {  	[spmem:s3] =	stream.indirect.scatter.add.f32 [tilespmem:s23], [sflag:$0x3], $0x10, s21, s22, $0xb8;
	[tilespmem:$0x6320] =	vst v63  }
0x7a: {  	_ =	swait.ge [sflag:s20], $0x800  }
0x7b: {  	s12 =	sshrl.u32 s19, $0x3;
	[sflag:s20] =	ssyncset.done $0x0  }
0x7c: {  	s19 =	sadd.s32 s5, s12;
	[sflag:s20] =	ssyncadd.s32 $0xFFFFF800  }
0x7d: {  	[tilespmem:s4], [sflag:$0x3] =	stream.linear.gather [hbm4b:s19+s4], $0x80, $0x38;
	[tilespmem:$0x6320] =	vst v63  }
0x7e: {  	_ =	swait.ge [sflag:s20], $0x80  }
0x7f: {  	[sflag:s20] =	ssyncset.done $0x0  }
0x80: {  	s8 =	sadd.s32 s1, s12;
	[sflag:s20] =	ssyncadd.s32 $0xFFFFFF80  }
0x81: {  	[tilespmem:s21], [sflag:$0x3] =	stream.linear.gather [hbm4b:s8+s4], $0x80, $0x38;
	[tilespmem:$0x6320] =	vst v63  }
0x82: {  	_ =	swait.ge [sflag:s20], $0x80  }
0x83: {  	[sflag:s20] =	ssyncset.done $0x0  }
0x84: {  	[sflag:s20] =	ssyncadd.s32 $0xFFFFFF80  }
0x85: {  	[tilespmem:s23], [sflag:$0x1] =	stream.indirect.gather [hbm4b:s6+s22], $0x10, s4, s22, $0xb8;
	[tilespmem:$0x6320] =	vst v63  }
0x86: {  	_ =	swait.ge [sflag:s28], $0x800  }
0x87: {  	[sflag:s28] =	ssyncset.done $0x0  }
0x88: {  	[sflag:s28] =	ssyncadd.s32 $0xFFFFF800  }
0x89: {  	[spmem:s3] =	stream.indirect.scatter.add.f32 [tilespmem:s25], [sflag:$0x3], $0x10, s24, s22, $0xb8;
	[tilespmem:$0x6320] =	vst v63  }
0x8a: {  	_ =	swait.ge [sflag:s20], $0x800  }
0x8b: {  	[sflag:s20] =	ssyncset.done $0x0  }
0x8c: {  	[sflag:s20] =	ssyncadd.s32 $0xFFFFF800  }
0x8d: {  	[tilespmem:s22], [sflag:$0x3] =	stream.linear.gather [hbm4b:s14+s4], $0x80, $0x38;
	[tilespmem:$0x6320] =	vst v63  }
0x8e: {  	_ =	swait.ge [sflag:s20], $0x80  }
0x8f: {  	[sflag:s20] =	ssyncset.done $0x0  }
0x90: {  	[sflag:s20] =	ssyncadd.s32 $0xFFFFFF80  }
0x91: {  	[tilespmem:s24], [sflag:$0x3] =	stream.linear.gather [hbm4b:s15+s4], $0x80, $0x38;
	[tilespmem:$0x6320] =	vst v63  }
0x92: {  	_ =	swait.ge [sflag:s20], $0x80  }
0x93: {  	[sflag:s20] =	ssyncset.done $0x0  }
0x94: {  	[sflag:s20] =	ssyncadd.s32 $0xFFFFFF80  }
0x95: {  	[tilespmem:s25], [sflag:$0x2] =	stream.indirect.gather [hbm4b:s6+s22], $0x10, s22, s22, $0xb8;
	[tilespmem:$0x6320] =	vst v63  }
0x96: {  	_ =	swait.ge [sflag:s26], $0x800  }
0x97: {  	[sflag:s26] =	ssyncset.done $0x0  }
0x98: {  	[sflag:s26] =	ssyncadd.s32 $0xFFFFF800  }
0x99: {  	[spmem:s3] =	stream.indirect.scatter.add.f32 [tilespmem:s23], [sflag:$0x3], $0x10, s21, s22, $0xb8;
	[tilespmem:$0x6320] =	vst v63  }
0x9a: {  	_ =	swait.ge [sflag:s20], $0x800  }
0x9b: {  	[sflag:s20] =	ssyncset.done $0x0  }
0x9c: {  	[sflag:s20] =	ssyncadd.s32 $0xFFFFF800  }
0x9d: {  	_ =	swait.ge [sflag:s28], $0x800  }
0x9e: {  	[sflag:s28] =	ssyncset.done $0x0  }
0x9f: {  	[sflag:s28] =	ssyncadd.s32 $0xFFFFF800  }
0xa0: {  	[spmem:s3] =	stream.indirect.scatter.add.f32 [tilespmem:s25], [sflag:$0x3], $0x10, s24, s22, $0xb8;
	[tilespmem:$0x6320] =	vst v63  }
0xa1: {  	_ =	swait.ge [sflag:s20], $0x800  }
0xa2: {  	[sflag:s20] =	ssyncset.done $0x0  }
0xa3: {  	s10 =	rddreg [dreg:$0x5];
	[sflag:s20] =	ssyncadd.s32 $0xFFFFF800  }
0xa4: {  	[tilespmem:s29], [sflag:$0x3] =	stream.linear.gather [hbm4b:s10+s4], $0x10, $0x38;
	[tilespmem:$0x6320] =	vst v63  }
0xa5: {  	_ =	swait.ge [sflag:s20], $0x10  }
0xa6: {  	[sflag:s20] =	ssyncset.done $0x0  }
0xa7: {  	s11 =	rddreg [dreg:$0x6];
	[sflag:s20] =	ssyncadd.s32 $0xFFFFFFF0  }
0xa8: {  	[tilespmem:s30], [sflag:$0x3] =	stream.linear.gather [hbm4b:s11+s4], $0x10, $0x38;
	[tilespmem:$0x6320] =	vst v63  }
0xa9: {  	_ =	swait.ge [sflag:s20], $0x10  }
0xaa: {  	[sflag:s20] =	ssyncset.done $0x0  }
0xab: {  	[sflag:s20] =	ssyncadd.s32 $0xFFFFFFF0  }
0xac: {  	[tilespmem:s0], [sflag:$0x3] =	stream.indirect.gather [hbm4b:s6+s31], $0x10, s29, s31, $0xb8;
	[tilespmem:$0x6320] =	vst v63  }
0xad: {  	_ =	swait.ge [sflag:s20], $0x100  }
0xae: {  	[sflag:s20] =	ssyncset.done $0x0  }
0xaf: {  	[sflag:s20] =	ssyncadd.s32 $0xFFFFFF00  }
0xb0: {  	[spmem:s3] =	stream.indirect.scatter.add.f32 [tilespmem:s0], [sflag:$0x3], $0x10, s30, s31, $0xb8;
	[tilespmem:$0x6320] =	vst v63  }
0xb1: {  	_ =	swait.ge [sflag:s20], $0x100  }
0xb2: {  	s2 =	sadd.s32 $0x1, s2;
	[sflag:s20] =	ssyncset.done $0x0  }
0xb3: {  	s12 =	stileid.u32;
	p0 =	sne.s32 s2, s13;
	[sflag:s20] =	ssyncadd.s32 $0xFFFFFF00  }
0xb4: {  	s19 =	sshrl.u32 s7, $0x3;
	s8 =	sshll.u32 s12, $0x6;
	[bflag:$0x0] =	sbarrier.arrive $0xFFFF  }
.Ltmp2:
0xb5: {  	s8 =	sor.u32 $0x1C03, s8;
	s10 =	rddreg [dreg:$0x7];
	(pc) =	sbr.rel @p0 .LBB2_1-.Ltmp2, $4  }
0xb6: {  	[hbm:s10], [sflag:s8] =	dma.local [spmem:s19], $0x500  }
0xb7: {  	_ =	swait.ge [sflag:s20], $0x500  }
0xb8: {  	[sflag:s20] =	ssyncset.done $0x0  }
0xb9: {  	[sflag:s20] =	ssyncadd.s32 $0xFFFFFB00  }
0xba: {  	_ =	sfence.sel $0x180000  }
0xbb: {  	[bflag:$0x0] =	sbarrier.arrive $0xFFFF  }
0xbc: {  	_ =	strace $0x90000053  }
0xbd: {  	s0 =	stileid.u32;
	[bflag:$0x2] =	sbarrier.arrive $0xFFFF  }
0xbe: {  	p0 =	sne.s32 s0, $0x0;
	s0 =	rddreg [dreg:$0x2]  }
0xbf: {  	s0 =	sadd.s32 @!p0 $0x100000, s0  }
0xc0: {  	[sflag:s0] =	ssyncadd.tile.s32 @!p0 $0x1;
	_ =	shalt  }
.Lfunc_end2:
_tile_overlayer_lowered:
.L_overlay_start_2:
0xc1: {  	(tag) =	ssettag $0x2  }
0xc2: {  	s0 =	rddreg [dreg:$0x0];
	s2 =	stileid.u32  }
0xc3: {  	s1 =	rddreg [dreg:$0x1];
	p0 =	sne.s32 s2, $0x0  }
0xc4: {  	s3 =	rddreg [dreg:$0x2];
	[bflag:$0x3] =	sbarrier.arrive $0xFFFF;
	s2 =	simm.s32 @!p0 $0x1C03  }
0xc5: {  	[timem:s3], [sflag:s2] =	dma.local @!p0 [hbm:s0], s1  }
0xc6: {  	s0 =	simm.s32 @!p0 $0x3  }
0xc7: {  	_ =	swait.ge @!p0 [sflag:s0], s1  }
0xc8: {  	s1 =	ssub.s32 @!p0 $0x0, s1;
	[sflag:s0] =	ssyncset.done @!p0 $0x0  }
0xc9: {  	[sflag:s0] =	ssyncadd.s32 @!p0 s1  }
0xca: {  	[bflag:$0x3] =	sbarrier.arrive $0xFFFF  }
0xcb: {  	_ =	shalt  }

// kernel: kernel.9.cloned.1.call-start
scs
__scs_entry_jumppad:
0x0: {  	(pc) =	sbr.rel $0x88, $3  }
0x1: {  	(tag) =	ssettag $0x0;
	lr =	simm.s32 $0x1  }
0x2: {  	[smem:$0x3F9A] =	sst lr;
	_ =	strace $0xD0000000  }
0x3: {  	_ = 	snop  }
0x4: {  	_ = 	snop  }
0x5: {  	_ = 	snop  }
0x6: {  	_ = 	snop  }
0x7: {  	_ = 	snop  }
__scs_overlays_trampoline_lowered:
0x8: {  	[smem:$0x3FA9] =	sst s0  }
0x9: {  	[smem:$0x3FAA] =	sst s1  }
0xa: {  	[smem:$0x3FAB] =	sst s2  }
0xb: {  	[smem:$0x3FAC] =	sst s3  }
0xc: {  	[smem:$0x3FAD] =	sst s4  }
0xd: {  	[smem:$0x3FAE] =	sst s5  }
0xe: {  	[smem:$0x3FAF] =	sst s6  }
0xf: {  	[smem:$0x3FB0] =	sst s7  }
0x10: {  	[smem:$0x3FB1] =	sst s8  }
0x11: {  	[smem:$0x3FB2] =	sst s9;
	s0 =	simm.s32 @!p0 $0x0  }
0x12: {  	s1 =	sld [smem:$0x3F98];
	s0 =	simm.s32 @p0 $0x1  }
0x13: {  	[smem:$0x3FB3] =	sst s0;
	s0 =	simm.s32 @!p1 $0x0  }
0x14: {  	s2 =	sld [smem:$0x3F97];
	s0 =	simm.s32 @p1 $0x1  }
0x15: {  	[smem:$0x3FB4] =	sst s0;
	s0 =	simm.s32 @!p2 $0x0  }
0x16: {  	s3 =	sld [smem:$0x3FDB];
	s0 =	simm.s32 @p2 $0x1  }
0x17: {  	s4 =	simm.s32 $0x1BF5;
	[smem:$0x3FB6] =	sst s0  }
0x18: {  	s0 =	sld [smem:$0x3F99];
	_ =	swait.ge [sflag:s4], $0x0  }
0x19: {  	s7 =	sld [smem:$0x3F9A]  }
0x1a: {  	s8 =	sadd.s32 $0xFFFFE003, lr  }
0x1b: {  	s9 =	sadd.s32 $0xFFFFFEF7, lr;
	s5 =	simm.s32 $0xFFFFFFFF;
	p2 =	slt.u32 s8, $0xFFFFF086  }
0x1c: {  	p1 =	slt.u32 s9, $0xF7A;
	s5 =	simm.s32 @!p2 $0x0  }
0x1d: {  	s5 =	simm.s32 @p1 $0x1;
	p0 =	seq.s32 s7, s2  }
0x1e: {  	s7 =	smul.u32 @!p0 $0xF7A, s2;
	p2 =	seq.s32 @!p0 s5, $0x0  }
0x1f: {  	s9 =	smul.u32 $0xF7A, s1;
	s8 =	simm.s32 @!p0 $0x1BF5;
	p2 =	por !p2, p0  }
0x20: {  	[sflag:s8] =	ssyncset.s32 @!p0 $0xFFFFF086;
	s6 =	sadd.s32 @!p0 s3, s7;
	s7 =	simm.s32 @!p0 $0x108  }
0x21: {  	s3 =	sadd.s32 s3, s9;
	s6 =	sadd.s32 @!p0 $0x88, s6;
	s7 =	simm.s32 @p2 $0x1082  }
0x22: {  	[simem:s7], [sflag:s8] =	dma.local @!p0 [hbm:s6], $0xF7A  }
0x23: {  	s9 =	sor.u32 $0xD0000000, s2;
	s6 =	simm.s32 $0x108;
	_ =	swait.ge @!p0 [sflag:s8], $0x0  }
0x24: {  	s3 =	sadd.s32 $0x88, s3;
	s6 =	simm.s32 @!p1 $0x1082;
	[sflag:s4] =	ssyncset.s32 $0xFFFFF086  }
0x25: {  	[simem:s6], [sflag:s4] =	dma.local [hbm:s3], $0xF7A  }
0x26: {  	[smem:$0x3F9A] =	sst s1;
	(tag) =	ssettag s2;
	_ =	strace s9  }
0x27: {  	s1 =	sld [smem:$0x3FAA]  }
0x28: {  	s2 =	sld [smem:$0x3FAB]  }
0x29: {  	s4 =	sld [smem:$0x3FAD]  }
0x2a: {  	p0 =	seq.s32 s5, $0x0;
	s5 =	sld [smem:$0x3FAE]  }
0x2b: {  	s6 =	sld [smem:$0x3FAF]  }
0x2c: {  	s7 =	sld [smem:$0x3FB0]  }
0x2d: {  	s3 =	simm.s32 $0x108;
	s8 =	sld [smem:$0x3FB1]  }
0x2e: {  	s3 =	simm.s32 @!p0 $0x1082;
	s9 =	sld [smem:$0x3FB2]  }
0x2f: {  	lr =	sadd.s32 s0, s3;
	s0 =	sld [smem:$0x3FA9]  }
0x30: {  	s3 =	sld [smem:$0x3FAC]  }
0x31: {  	[smem:$0x3FB5] =	sst s10  }
0x32: {  	s10 =	sld [smem:$0x3FB3];
	_ =	sdelay $0x3  }
0x33: {  	p0 =	seq.s32 s10, $0x1;
	s10 =	sld [smem:$0x3FB5];
	_ =	sdelay $0x3  }
0x34: {  	[smem:$0x3FB5] =	sst s10  }
0x35: {  	s10 =	sld [smem:$0x3FB4];
	_ =	sdelay $0x3  }
0x36: {  	p1 =	seq.s32 s10, $0x1;
	s10 =	sld [smem:$0x3FB5];
	_ =	sdelay $0x3  }
0x37: {  	[smem:$0x3FB5] =	sst s10  }
0x38: {  	s10 =	sld [smem:$0x3FB6]  }
0x39: {  	_ = 	snop;
	(pc) =	sbr.ind lr, $3  }
0x3a: {  	_ = 	snop  }
0x3b: {  	_ = 	snop  }
0x3c: {  	p2 =	seq.s32 s10, $0x1;
	s10 =	sld [smem:$0x3FB5]  }
0x3d: {  	_ =	shalt  }
0x3e: {  	_ =	shalt  }
0x3f: {  	_ =	shalt  }
0x40: {  	_ =	shalt  }
0x41: {  	_ =	shalt  }
0x42: {  	_ =	shalt  }
0x43: {  	_ =	shalt  }
0x44: {  	_ =	shalt  }
0x45: {  	_ =	shalt  }
0x46: {  	_ =	shalt  }
0x47: {  	_ =	shalt  }
0x48: {  	_ =	shalt  }
0x49: {  	_ =	shalt  }
0x4a: {  	_ =	shalt  }
0x4b: {  	_ =	shalt  }
0x4c: {  	_ =	shalt  }
0x4d: {  	_ =	shalt  }
0x4e: {  	_ =	shalt  }
0x4f: {  	_ =	shalt  }
0x50: {  	_ =	shalt  }
0x51: {  	_ =	shalt  }
0x52: {  	_ =	shalt  }
0x53: {  	_ =	shalt  }
0x54: {  	_ =	shalt  }
0x55: {  	_ =	shalt  }
0x56: {  	_ =	shalt  }
0x57: {  	_ =	shalt  }
0x58: {  	_ =	shalt  }
0x59: {  	_ =	shalt  }
0x5a: {  	_ =	shalt  }
0x5b: {  	_ =	shalt  }
0x5c: {  	_ =	shalt  }
0x5d: {  	_ =	shalt  }
0x5e: {  	_ =	shalt  }
0x5f: {  	_ =	shalt  }
0x60: {  	_ =	shalt  }
0x61: {  	_ =	shalt  }
0x62: {  	_ =	shalt  }
0x63: {  	_ =	shalt  }
0x64: {  	_ =	shalt  }
0x65: {  	_ =	shalt  }
0x66: {  	_ =	shalt  }
0x67: {  	_ =	shalt  }
0x68: {  	_ =	shalt  }
0x69: {  	_ =	shalt  }
0x6a: {  	_ =	shalt  }
0x6b: {  	_ =	shalt  }
0x6c: {  	_ =	shalt  }
0x6d: {  	_ =	shalt  }
0x6e: {  	_ =	shalt  }
0x6f: {  	_ =	shalt  }
0x70: {  	_ =	shalt  }
0x71: {  	_ =	shalt  }
0x72: {  	_ =	shalt  }
0x73: {  	_ =	shalt  }
0x74: {  	_ =	shalt  }
0x75: {  	_ =	shalt  }
0x76: {  	_ =	shalt  }
0x77: {  	_ =	shalt  }
0x78: {  	_ =	shalt  }
0x79: {  	_ =	shalt  }
0x7a: {  	_ =	shalt  }
0x7b: {  	_ =	shalt  }
0x7c: {  	_ =	shalt  }
0x7d: {  	_ =	shalt  }
0x7e: {  	_ =	shalt  }
0x7f: {  	_ =	shalt  }
0x80: {  	_ =	shalt  }
0x81: {  	_ =	shalt  }
0x82: {  	_ =	shalt  }
0x83: {  	_ =	shalt  }
0x84: {  	_ =	shalt  }
0x85: {  	_ =	shalt  }
0x86: {  	_ =	shalt  }
0x87: {  	_ =	shalt  }
.Lfunc_end0:
.L_simem_size_0:
called_computation_lowered:
.L_overlay_start_0:
0x88: {  	s2 =	sld [smem:$0x3FD9]  }
0x89: {  	s3 =	sld [smem:$0x3FFE];
	_ =	sdelay $0x1  }
0x8a: {  	s1 =	srdreg.scid  }
0x8b: {  	s0 =	sand.u32 $0x1, s1  }
0x8c: {  	s17 =	sshll.u32 s0, $0xA;
	s2 =	sadd.s32 s3, s2  }
0x8d: {  	s2 =	sadd.s32 s2, s17  }
0x8e: {  	[smem:$0x3FC1] =	sst s2  }
0x8f: {  	_ = 	snop  }
0x90: {  	s2 =	sld [smem:$0x3FD0];
	(tm) =	ssettm $0x1  }
0x91: {  	s18 =	sld [smem:$0x3FFB];
	_ =	sdelay $0x3  }
0x92: {  	_ =	strace s18  }
0x93: {  	s3 =	sld [smem:$0x3FFC];
	_ =	sdelay $0x3  }
0x94: {  	_ =	strace s3  }
0x95: {  	s3 =	sld [smem:$0x3FFD];
	_ =	sdelay $0x3  }
0x96: {  	_ =	strace s3  }
0x97: {  	_ =	strace $0x8FFFFFFF  }
0x98: {  	s19 =	sld [smem:$0x3FDB];
	_ =	sdelay $0x1  }
0x99: {  	s4 =	simm.s32 $_scs_section_size  }
0x9a: {  	s5 =	simm.s32 $_size__tile_overlayer_lowered;
	s6 =	simm.s32 $_tile_overlayer_lowered  }
0x9b: {  	s22 =	simm.s32 $0x1BFF;
	s21 =	sshll.u32 s6, $0x1;
	s3 =	sadd.s32 s4, s19  }
0x9c: {  	s7 =	simm.s32 $0x0;
	s20 =	sshll.u32 s5, $0x1;
	s5 =	sadd.s32 s21, s3  }
0x9d: {  	[timem:s7], [sflag:s22] =	dma.local [hbm:s5], s20  }
0x9e: {  	_ =	swait.ge [sflag:s22], s20  }
0x9f: {  	s4 =	ssub.s32 $0x0, s20;
	[sflag:s22] =	ssyncset.done $0x0  }
0xa0: {  	[sflag:s22] =	ssyncadd.s32 s4;
	_ =	sdelay $0x1  }
0xa1: {  	s23 =	simm.s32 $0x1B8B  }
0xa2: {  	_ =	swait.ge [sflag:s23], $0x1  }
0xa3: {  	[sflag:s23] =	ssyncset.done $0x0  }
0xa4: {  	s25 =	simm.s32 $0x1B8E;
	s24 =	sld [smem:$0x3FFE];
	[sflag:s23] =	ssyncadd.s32 $0xFFFFFFFF  }
0xa5: {  	s26 =	simm.s32 $execute0_lowered;
	[smem:$0x3FD2] =	sst s25  }
0xa6: {  	s5 =	sshll.u32 s26, $0x1;
	_ =	strace $0x80000046;
	[dreg:$0x1] =	wrdreg $0xFFFFFFFF  }
0xa7: {  	s28 =	simm.s32 $_size_execute0_lowered;
	s3 =	sadd.s32 s3, s5;
	[dreg:$0x0] =	wrdreg $0x0  }
0xa8: {  	s5 =	sshll.u32 s28, $0x1;
	[dreg:$0x2] =	wrdreg s3  }
0xa9: {  	[dreg:$0x3] =	wrdreg s5  }
0xaa: {  	[dreg:$0x4] =	wrdreg $0xC0  }
0xab: {  	_ =	task [dreg:s7], $0x5FFFF  }
0xac: {  	[dreg:$0x1] =	wrdreg $0xFFFFFFFF  }
0xad: {  	[dreg:$0x0] =	wrdreg $0x60  }
0xae: {  	[dreg:$0x2] =	wrdreg s24  }
0xaf: {  	[dreg:$0x3] =	wrdreg s2  }
0xb0: {  	[dreg:$0x4] =	wrdreg $0x5D300  }
0xb1: {  	[dreg:$0x5] =	wrdreg $0x85300  }
0xb2: {  	[dreg:$0x6] =	wrdreg $0x9  }
0xb3: {  	_ =	task.clear_ibuf [dreg:s7], $0x7FFFF;
	_ =	strace $0x90000046  }
0xb4: {  	s29 =	simm.s32 $0x9;
	_ =	strace $0x80000048  }
0xb5: {  	_ =	swait.ge [sflag:s29], $0x1  }
0xb6: {  	[sflag:s29] =	ssyncadd.s32 $0xFFFFFFFF  }
0xb7: {  	_ =	strace $0x90000048  }
0xb8: {  	_ =	sfence  }
0xb9: {  	s30 =	sld [smem:$0x0];
	_ =	sdelay $0x2  }
0xba: {  	s31 =	sshll.u32 s1, $0xD;
	s1 =	sshrl.u32 s1, $0x2  }
0xbb: {  	s3 =	sand.u32 $0x4000, s31;
	s1 =	sadd.s32 s1, s30  }
0xbc: {  	s0 =	sor.u32 s3, s0;
	s1 =	sshll.u32 s1, $0x11  }
0xbd: {  	s0 =	sor.u32 s1, s0  }
0xbe: {  	s0 =	sadd.s32 $0x8F2B, s0  }
0xbf: {  	[sflag:s0] =	ssyncadd.remote.s32 $0x1  }
0xc0: {  	_ =	sfence.sel $0xFFFF  }
0xc1: {  	[dreg:$0x0] =	wrdreg $0xFFFFFFFF;
	(pc) =	sbr.abs _section_cstart, $3  }
0xc2: {  	[dreg:$0x1] =	wrdreg $0xFFFFFFFF  }
0xc3: {  	_ =	task.clear_ibuf [dreg:s7], $0x2FFFF;
	_ =	strace $0x9FFFFFFF  }
0xc4: {  	(tm) =	ssettm $0x7FFFFFFF  }
0xc5: {  	_ =	shalt  }
tec
execute0_lowered:
.L_overlay_start_1:
0x0: {  	(tag) =	ssettag $0x1  }
0x1: {  	s1 =	rddreg [dreg:$0x0]  }
0x2: {  	s3 =	rddreg [dreg:$0x2]  }
0x3: {  	s4 =	rddreg [dreg:$0x3];
	s6 =	simm.s32 $0x0  }
0x4: {  	s0 =	srdreg.scid;
	s8 =	stileid.u32;
	s28 =	simm.s32 $0x100  }
0x5: {  	s29 =	simm.s32 $0x80;
	s30 =	simm.s32 $0x2420;
	s31 =	simm.s32 $0x2  }
0x6: {  	s14 =	simm.s32 $0x2C20;
	[smem:$0x7FF] =	sst s6;
	s0 =	sand.u32 $0x1, s0  }
0x7: {  	s2 =	smul.u32 $0x2800, s8;
	s7 =	sadd.s32 $0x9E00, s1;
	s10 =	sshll.u32 s8, $0x1  }
0x8: {  	s8 =	sadd.s32 $0x18C00, s1;
	s9 =	sadd.s32 $0x13C00, s1;
	s11 =	sadd.s32 $0x31C00, s1  }
0x9: {  	s5 =	smul.u32 $0x28000, s0;
	s12 =	sor.u32 s0, s10;
	s0 =	ssub.s32 $0x2, s0  }
0xa: {  	_ =	strace $0x80000047;
	s10 =	smul.u32 $0x2710, s12;
	s13 =	sshrl.u32 s0, $0x1  }
0xb: {  	s15 =	sadd.s32 s2, s3;
	s18 =	sadd.s32 s2, s4;
	s16 =	smul.u32 $0x27100, s12  }
0xc: {  	s5 =	sadd.s32 s2, s5;
	s0 =	ssub.s32 s0, s13;
	[dreg:$0x5] =	wrdreg s15  }
0xd: {  	[dreg:$0x6] =	wrdreg s18;
	s19 =	sshrl.u32 s10, $0x3;
	s0 =	smax.u32 s0, $0x1  }
0xe: {  	s22 =	sadd.s32 $0x2700, s10;
	s20 =	sadd.s32 s1, s19;
	[dreg:$0xe] =	wrdreg s0  }
0xf: {  	s21 =	sadd.s32 s7, s19;
	s23 =	sshrl.u32 s22, $0x3;
	[dreg:$0x7] =	wrdreg s20  }
0x10: {  	s5 =	sshrl.u32 s5, $0x3;
	[dreg:$0x8] =	wrdreg s21;
	s24 =	sadd.s32 s1, s23  }
0x11: {  	s2 =	sshll.u32 s22, $0x1;
	s12 =	sadd.s32 s7, s23;
	[dreg:$0x9] =	wrdreg s24  }
0x12: {  	s5 =	sadd.s32 s5, s1;
	s2 =	sadd.s32 s11, s2;
	[dreg:$0xa] =	wrdreg s12  }
0x13: {  	s13 =	simm.s32 $0x0;
	s25 =	sadd.s32 $0x1DC00, s5;
	[dreg:$0xb] =	wrdreg s2  }
0x14: {  	s17 =	sadd.s32 $0x100, s10;
	s26 =	sadd.s32 $0x27C00, s5;
	[dreg:$0xc] =	wrdreg s25  }
0x15: {  	v0 =	vimm.f32 $0.0e+00;
	vm0 =	vcmask $0x2320;
	s0 =	simm.s32 $0x180;
	s5 =	simm.s32 $0x1;
	[dreg:$0xd] =	wrdreg s26  }
0x16: {  	v1 =	vsel vm0, $0x3F800000, v0;
	vm0 =	vmmov $0xff;
	s25 =	simm.s32 $0x3;
	s2 =	simm.s32 $0xA20;
	s26 =	simm.s32 $0x1B20  }
.LBB2_1:
0x17: {  	[dreg:$0xf] =	wrdreg s13;
	s12 =	simm.s32 $0x40;
	s13 =	simm.s32 $0x0  }
.LBB2_2:
0x18: {  	p0 =	sne.s32 s12, $0x9FC0;
	[tilespmem:s13+$0x3520] =	vst v0;
	s13 =	smov.u32 s12;
	s12 =	sadd.s32 $0x40, s12  }
.Ltmp0:
0x19: {  	(pc) =	sbr.rel @p0 .LBB2_2-.Ltmp0, $2  }
0x1a: {  	_ =	sdelay $0x2  }
0x1b: {  	s13 =	sshra.s32 s13, $0x2  }
0x1c: {  	[tilespmem:s13+$0x3520] =	vst v0;
	s12 =	simm.s32 $0x3520  }
0x1d: {  	[spmem:s15] =	stream.linear.scatter [tilespmem:s12], [sflag:$0x3], $0x2800, $0x38;
	[tilespmem:$0xAD30] =	vst v63  }
0x1e: {  	_ =	swait.ge [sflag:s25], $0x2800  }
0x1f: {  	[sflag:s25] =	ssyncset.done $0x0  }
0x20: {  	[sflag:s25] =	ssyncadd.s32 $0xFFFFD800  }
0x21: {  	[spmem:s18] =	stream.linear.scatter [tilespmem:s12], [sflag:$0x3], $0x2800, $0x38;
	[tilespmem:$0xAD30] =	vst v63  }
0x22: {  	_ =	swait.ge [sflag:s25], $0x2800  }
0x23: {  	[sflag:s25] =	ssyncset.done $0x0  }
0x24: {  	[sflag:s25] =	ssyncadd.s32 $0xFFFFD800  }
0x25: {  	s21 =	simm.s32 $0x0;
	s19 =	simm.s32 $0x5D20;
	s18 =	rddreg [dreg:$0x1]  }
0x26: {  	[tilespmem:s19], [sflag:$0x3] =	stream.linear.gather [hbm4b:s18+s21], $0x10, $0x38;
	[tilespmem:$0xAD30] =	vst v63  }
0x27: {  	_ =	swait.ge [sflag:s25], $0x10  }
0x28: {  	[sflag:s25] =	ssyncset.done $0x0  }
0x29: {  	[sflag:s25] =	ssyncadd.s32 $0xFFFFFFF0  }
0x2a: {  	[bflag:$0x0] =	sbarrier.arrive $0xFFFF  }
0x2b: {  	s20 =	rddreg [dreg:$0x7]  }
0x2c: {  	v2 =	vld [tilespmem:$0x5D20];
	[tilespmem:s21], [sflag:$0x3] =	stream.linear.gather [hbm4b:s20+s21], $0x80, $0x38  }
0x2d: {  	_ =	swait.ge [sflag:s25], $0x80  }
0x2e: {  	[sflag:s25] =	ssyncset.done $0x0  }
0x2f: {  	s22 =	rddreg [dreg:$0x8];
	[sflag:s25] =	ssyncadd.s32 $0xFFFFFF80  }
0x30: {  	[tilespmem:s28], [sflag:$0x3] =	stream.linear.gather [hbm4b:s22+s21], $0x80, $0x38;
	[tilespmem:$0xAD30] =	vst v63  }
0x31: {  	_ =	swait.ge [sflag:s25], $0x80  }
0x32: {  	[sflag:s25] =	ssyncset.done $0x0  }
0x33: {  	s23 =	simm.s32 $0x220;
	[sflag:s25] =	ssyncadd.s32 $0xFFFFFF80  }
0x34: {  	[tilespmem:s23], [sflag:$0x1] =	stream.indirect.gather [hbm4b:s8+s29], $0x10, s21, s29, $0xb8;
	[tilespmem:$0xAD30] =	vst v63  }
0x35: {  	s24 =	simm.s32 $0x1320;
	s22 =	simm.s32 $0x0  }
0x36: {  	[tilespmem:s24], [sflag:$0x1] =	stream.indirect.gather [hbm4b:s9+s29], $0x10, s28, s29, $0xb8;
	[tilespmem:$0xAD30] =	vst v63  }
.LBB2_4:
0x37: {  	s15 =	sshll.u32 s22, $0x8  }
0x38: {  	s12 =	sadd.s32 s15, s10  }
0x39: {  	s23 =	sadd.s32 $0x80, s12  }
0x3a: {  	s12 =	sshrl.u32 s23, $0x3  }
0x3b: {  	s13 =	sadd.s32 s1, s12  }
0x3c: {  	[tilespmem:s29], [sflag:$0x3] =	stream.linear.gather [hbm4b:s13+s21], $0x80, $0x38;
	[tilespmem:$0xAD30] =	vst v63  }
0x3d: {  	_ =	swait.ge [sflag:s25], $0x80  }
0x3e: {  	[sflag:s25] =	ssyncset.done $0x0  }
0x3f: {  	s12 =	sadd.s32 s7, s12;
	[sflag:s25] =	ssyncadd.s32 $0xFFFFFF80  }
0x40: {  	[tilespmem:s0], [sflag:$0x3] =	stream.linear.gather [hbm4b:s12+s21], $0x80, $0x38;
	[tilespmem:$0xAD30] =	vst v63  }
0x41: {  	_ =	swait.ge [sflag:s25], $0x80  }
0x42: {  	[sflag:s25] =	ssyncset.done $0x0  }
0x43: {  	[sflag:s25] =	ssyncadd.s32 $0xFFFFFF80  }
0x44: {  	[tilespmem:s2], [sflag:$0x2] =	stream.indirect.gather [hbm4b:s8+s29], $0x10, s29, s29, $0xb8;
	[tilespmem:$0xAD30] =	vst v63  }
0x45: {  	_ = 	snop  }
0x46: {  	[tilespmem:s26], [sflag:$0x2] =	stream.indirect.gather [hbm4b:s9+s29], $0x10, s0, s29, $0xb8;
	[tilespmem:$0xAD30] =	vst v63  }
0x47: {  	_ =	swait.ge [sflag:s5], $0x800  }
0x48: {  	[sflag:s5] =	ssyncset.done $0x0  }
0x49: {  	[sflag:s5] =	ssyncadd.s32 $0xFFFFF800  }
0x4a: {  	_ =	swait.ge [sflag:s5], $0x800  }
0x4b: {  	[sflag:s5] =	ssyncset.done $0x0  }
0x4c: {  	s12 =	simm.s32 $0x0;
	[sflag:s5] =	ssyncadd.s32 $0xFFFFF800  }
0x4d: {  	v3 =	vld [tilespmem:s12+$0x220]  }
0x4e: {  	v4 =	vld [tilespmem:s12+$0x1320];
	_ =	sdelay $0x1  }
0x4f: {  	s19 =	simm.s32 $0x10  }
0x50: {  	v5 =	vld [tilespmem:s19+$0x220]  }
0x51: {  	v6 =	vld [tilespmem:s19+$0x1320]  }
0x52: {  	v3 =	vadd.f32 v4, v3;
	_ =	sdelay $0x1  }
0x53: {  	v7 =	vmul.f32 $2.000000030e-01, v3  }
0x54: {  	vm1 =	vge.f32 v3, $0.0e+00  }
0x55: {  	v5 =	vadd.f32 v6, v5;
	v3 =	vsel vm1, v3, v7  }
0x56: {  	s24 =	simm.s32 $0x20;
	v3 =	vsub.f32 v3, v2  }
0x57: {  	v4 =	vld [tilespmem:s24+$0x220];
	v8 =	vmul.f32 $2.000000030e-01, v5  }
0x58: {  	v6 =	vld [tilespmem:s24+$0x1320];
	vm1 =	vge.f32 v5, $0.0e+00;
	v3 =	vmul.f32 $1.442695020e+00, v3  }
0x59: {  	v5 =	vsel vm1, v5, v8  }
0x5a: {  	v5 =	vsub.f32 v5, v2;
	(erf) = vpow2.f32 v3;
	_ =	sdelay $0x1  }
0x5b: {  	s13 =	simm.s32 $0x30;
	v5 =	vmul.f32 $1.442695020e+00, v5  }
0x5c: {  	v6 =	vadd.f32 v6, v4;
	v4 =	vld [tilespmem:s13+$0x1320]  }
0x5d: {  	v3 =	vld [tilespmem:s13+$0x220];
	(erf) = vpow2.f32 v5  }
0x5e: {  	v7 =	vmul.f32 $2.000000030e-01, v6  }
0x5f: {  	vm1 =	vge.f32 v6, $0.0e+00  }
0x60: {  	s18 =	simm.s32 $0x100;
	v5 =	vsel vm1, v6, v7  }
.LBB2_5:
0x61: {  	s20 =	sshra.s32 s18, $0x2;
	v5 =	vsub.f32 v5, v2;
	p0 =	sne.s32 s18, $0x1FC0  }
.Ltmp1:
0x62: {  	s18 =	sadd.s32 $0x40, s18;
	v6 =	vadd.f32 v4, v3;
	v3 =	vld [tilespmem:s20+$0x220];
	v7 =	vpop (erf);
	(pc) =	sbr.rel @p0 .LBB2_5-.Ltmp1, $4  }
0x63: {  	v4 =	vld [tilespmem:s20+$0x1320];
	v5 =	vmul.f32 $1.442695020e+00, v5;
	v7 =	vsel vm0, v7, v1  }
0x64: {  	v8 =	vmul.f32 $2.000000030e-01, v6;
	[tilespmem:s12+$0x2420] =	vst v7;
	s12 =	smov.u32 s19;
	s19 =	smov.u32 s24;
	s24 =	smov.u32 s13  }
0x65: {  	vm1 =	vge.f32 v6, $0.0e+00;
	s13 =	smov.u32 s20;
	(erf) = vpow2.f32 v5  }
0x66: {  	v5 =	vsel vm1, v6, v8  }
0x67: {  	_ = 	snop  }
0x68: {  	v3 =	vadd.f32 v4, v3;
	_ =	sdelay $0x1  }
0x69: {  	v4 =	vmul.f32 $2.000000030e-01, v3  }
0x6a: {  	vm1 =	vge.f32 v3, $0.0e+00  }
0x6b: {  	v5 =	vsub.f32 v5, v2;
	v3 =	vsel vm1, v3, v4  }
0x6c: {  	v3 =	vsub.f32 v3, v2  }
0x6d: {  	v4 =	vmul.f32 $1.442695020e+00, v5  }
0x6e: {  	v3 =	vmul.f32 $1.442695020e+00, v3  }
0x6f: {  	(erf) = vpow2.f32 v4  }
0x70: {  	(erf) = vpow2.f32 v3;
	_ =	sdelay $0x5  }
0x71: {  	v3 =	vpop (erf)  }
0x72: {  	v4 =	vpop (erf);
	v3 =	vsel vm0, v3, v1  }
0x73: {  	s20 =	sshll.u32 s22, $0xC;
	[tilespmem:s12+$0x2420] =	vst v3;
	v3 =	vsel vm0, v4, v1;
	v4 =	vpop (erf)  }
0x74: {  	s12 =	sadd.s32 s16, s20;
	[tilespmem:s19+$0x2420] =	vst v3;
	v3 =	vsel vm0, v4, v1;
	v4 =	vpop (erf)  }
0x75: {  	s12 =	sshrl.u32 s12, $0x3;
	[tilespmem:s24+$0x2420] =	vst v3;
	v3 =	vsel vm0, v4, v1  }
0x76: {  	s12 =	sadd.s32 s11, s12;
	[tilespmem:s13+$0x2420] =	vst v3  }
0x77: {  	[hbm4b:s12+s6] =	stream.linear.scatter [tilespmem:s30], [sflag:$0x3], $0x800, $0x38;
	[tilespmem:$0xAD30] =	vst v63  }
0x78: {  	_ =	swait.ge [sflag:s25], $0x800  }
0x79: {  	[sflag:s25] =	ssyncset.done $0x0  }
0x7a: {  	[sflag:s25] =	ssyncadd.s32 $0xFFFFF800  }
0x7b: {  	[spmem:s3] =	stream.indirect.scatter.add.f32 [tilespmem:s30], [sflag:$0x3], $0x10, s6, s29, $0xb8;
	[tilespmem:$0xAD30] =	vst v63  }
0x7c: {  	_ =	swait.ge [sflag:s25], $0x800  }
0x7d: {  	[sflag:s25] =	ssyncset.done $0x0  }
0x7e: {  	p0 =	seq.s32 s22, $0x26;
	[sflag:s25] =	ssyncadd.s32 $0xFFFFF800  }
0x7f: {  	[spmem:s4] =	stream.indirect.scatter.add.f32 [tilespmem:s30], [sflag:$0x3], $0x10, s28, s29, $0xb8;
	[tilespmem:$0xAD30] =	vst v63  }
0x80: {  	s12 =	sadd.s32 @!p0 s15, s17;
	_ =	swait.ge [sflag:s25], $0x800  }
0x81: {  	s12 =	sshrl.u32 @!p0 s12, $0x3;
	[sflag:s25] =	ssyncset.done $0x0  }
0x82: {  	s15 =	simm.s32 @!p0 $0x0;
	s13 =	sadd.s32 @!p0 s1, s12;
	[sflag:s25] =	ssyncadd.s32 $0xFFFFF800  }
0x83: {  	[tilespmem:s15], [sflag:$0x3] =	stream.linear.gather @!p0 [hbm4b:s13+s15], $0x80, $0x38;
	[tilespmem:$0xAD30] =	vst v63  }
0x84: {  	s13 =	simm.s32 @!p0 $0x3  }
0x85: {  	_ =	swait.ge @!p0 [sflag:s13], $0x80  }
0x86: {  	[sflag:s13] =	ssyncset.done @!p0 $0x0  }
0x87: {  	s18 =	simm.s32 @!p0 $0x100;
	s12 =	sadd.s32 @!p0 s7, s12;
	[sflag:s13] =	ssyncadd.s32 @!p0 $0xFFFFFF80  }
0x88: {  	[tilespmem:s18], [sflag:$0x3] =	stream.linear.gather @!p0 [hbm4b:s12+s15], $0x80, $0x38;
	[tilespmem:$0xAD30] =	vst v63  }
0x89: {  	_ =	swait.ge @!p0 [sflag:s13], $0x80  }
0x8a: {  	[sflag:s13] =	ssyncset.done @!p0 $0x0  }
0x8b: {  	s12 =	simm.s32 @!p0 $0x80;
	[sflag:s13] =	ssyncadd.s32 @!p0 $0xFFFFFF80;
	s13 =	simm.s32 @!p0 $0x220  }
0x8c: {  	[tilespmem:s13], [sflag:$0x1] =	stream.indirect.gather @!p0 [hbm4b:s8+s12], $0x10, s15, s12, $0xb8;
	[tilespmem:$0xAD30] =	vst v63  }
0x8d: {  	s13 =	simm.s32 @!p0 $0x1320  }
0x8e: {  	[tilespmem:s13], [sflag:$0x1] =	stream.indirect.gather @!p0 [hbm4b:s9+s12], $0x10, s18, s12, $0xb8;
	[tilespmem:$0xAD30] =	vst v63  }
0x8f: {  	_ =	swait.ge [sflag:s31], $0x800  }
0x90: {  	[sflag:s31] =	ssyncset.done $0x0  }
0x91: {  	[sflag:s31] =	ssyncadd.s32 $0xFFFFF800  }
0x92: {  	_ =	swait.ge [sflag:s31], $0x800  }
0x93: {  	[sflag:s31] =	ssyncset.done $0x0  }
0x94: {  	s12 =	simm.s32 $0x0;
	[sflag:s31] =	ssyncadd.s32 $0xFFFFF800  }
0x95: {  	v3 =	vld [tilespmem:s12+$0xA20]  }
0x96: {  	v4 =	vld [tilespmem:s12+$0x1B20];
	_ =	sdelay $0x1  }
0x97: {  	s19 =	simm.s32 $0x10  }
0x98: {  	v5 =	vld [tilespmem:s19+$0xA20]  }
0x99: {  	v6 =	vld [tilespmem:s19+$0x1B20]  }
0x9a: {  	v3 =	vadd.f32 v4, v3;
	_ =	sdelay $0x1  }
0x9b: {  	v7 =	vmul.f32 $2.000000030e-01, v3  }
0x9c: {  	vm1 =	vge.f32 v3, $0.0e+00  }
0x9d: {  	v5 =	vadd.f32 v6, v5;
	v3 =	vsel vm1, v3, v7  }
0x9e: {  	s15 =	simm.s32 $0x20;
	v3 =	vsub.f32 v3, v2  }
0x9f: {  	v4 =	vld [tilespmem:s15+$0xA20];
	v8 =	vmul.f32 $2.000000030e-01, v5  }
0xa0: {  	v6 =	vld [tilespmem:s15+$0x1B20];
	vm1 =	vge.f32 v5, $0.0e+00;
	v3 =	vmul.f32 $1.442695020e+00, v3  }
0xa1: {  	v5 =	vsel vm1, v5, v8  }
0xa2: {  	v5 =	vsub.f32 v5, v2;
	(erf) = vpow2.f32 v3;
	_ =	sdelay $0x1  }
0xa3: {  	s13 =	simm.s32 $0x30;
	v5 =	vmul.f32 $1.442695020e+00, v5  }
0xa4: {  	v6 =	vadd.f32 v6, v4;
	v4 =	vld [tilespmem:s13+$0x1B20]  }
0xa5: {  	v3 =	vld [tilespmem:s13+$0xA20];
	(erf) = vpow2.f32 v5  }
0xa6: {  	v7 =	vmul.f32 $2.000000030e-01, v6  }
0xa7: {  	vm1 =	vge.f32 v6, $0.0e+00  }
0xa8: {  	s18 =	simm.s32 $0x100;
	v5 =	vsel vm1, v6, v7  }
.LBB2_7:
0xa9: {  	s20 =	sshra.s32 s18, $0x2;
	v5 =	vsub.f32 v5, v2;
	p0 =	sne.s32 s18, $0x1FC0  }
.Ltmp2:
0xaa: {  	s18 =	sadd.s32 $0x40, s18;
	v6 =	vadd.f32 v4, v3;
	v3 =	vld [tilespmem:s20+$0xA20];
	v7 =	vpop (erf);
	(pc) =	sbr.rel @p0 .LBB2_7-.Ltmp2, $4  }
0xab: {  	v4 =	vld [tilespmem:s20+$0x1B20];
	v5 =	vmul.f32 $1.442695020e+00, v5;
	v7 =	vsel vm0, v7, v1  }
0xac: {  	v8 =	vmul.f32 $2.000000030e-01, v6;
	[tilespmem:s12+$0x2C20] =	vst v7;
	s12 =	smov.u32 s19;
	s19 =	smov.u32 s15;
	s15 =	smov.u32 s13  }
0xad: {  	vm1 =	vge.f32 v6, $0.0e+00;
	s13 =	smov.u32 s20;
	(erf) = vpow2.f32 v5  }
0xae: {  	v5 =	vsel vm1, v6, v8  }
0xaf: {  	_ = 	snop  }
0xb0: {  	v3 =	vadd.f32 v4, v3;
	_ =	sdelay $0x1  }
0xb1: {  	v4 =	vmul.f32 $2.000000030e-01, v3  }
0xb2: {  	vm1 =	vge.f32 v3, $0.0e+00  }
0xb3: {  	v5 =	vsub.f32 v5, v2;
	v3 =	vsel vm1, v3, v4  }
0xb4: {  	v3 =	vsub.f32 v3, v2  }
0xb5: {  	v60 =	vmul.f32 $1.442695020e+00, v5  }
0xb6: {  	v3 =	vmul.f32 $1.442695020e+00, v3  }
0xb7: {  	(erf) = vpow2.f32 v60  }
0xb8: {  	(erf) = vpow2.f32 v3;
	_ =	sdelay $0x5  }
0xb9: {  	v3 =	vpop (erf)  }
0xba: {  	v61 =	vpop (erf);
	v3 =	vsel vm0, v3, v1  }
0xbb: {  	[tilespmem:s12+$0x2C20] =	vst v3;
	v3 =	vsel vm0, v61, v1;
	v62 =	vpop (erf)  }
0xbc: {  	s24 =	sshll.u32 s23, $0x1;
	[tilespmem:s19+$0x2C20] =	vst v3;
	v3 =	vsel vm0, v62, v1;
	v63 =	vpop (erf)  }
0xbd: {  	s12 =	sand.u32 $0x1FFFFFE0, s24;
	[tilespmem:s15+$0x2C20] =	vst v3;
	v3 =	vsel vm0, v63, v1  }
0xbe: {  	s12 =	sadd.s32 s11, s12;
	[tilespmem:s13+$0x2C20] =	vst v3  }
0xbf: {  	[hbm4b:s12+s6] =	stream.linear.scatter [tilespmem:s14], [sflag:$0x3], $0x800, $0x38;
	[tilespmem:$0xAD30] =	vst v63  }
0xc0: {  	_ =	swait.ge [sflag:s25], $0x800  }
0xc1: {  	[sflag:s25] =	ssyncset.done $0x0  }
0xc2: {  	[sflag:s25] =	ssyncadd.s32 $0xFFFFF800  }
0xc3: {  	[spmem:s3] =	stream.indirect.scatter.add.f32 [tilespmem:s14], [sflag:$0x3], $0x10, s29, s29, $0xb8;
	[tilespmem:$0xAD30] =	vst v63  }
0xc4: {  	s22 =	sadd.s32 $0x1, s22;
	_ =	swait.ge [sflag:s25], $0x800  }
0xc5: {  	p0 =	sne.s32 s22, $0x27;
	[sflag:s25] =	ssyncset.done $0x0  }
.Ltmp3:
0xc6: {  	[sflag:s25] =	ssyncadd.s32 $0xFFFFF800;
	(pc) =	sbr.rel @p0 .LBB2_4-.Ltmp3, $4  }
0xc7: {  	[spmem:s4] =	stream.indirect.scatter.add.f32 [tilespmem:s14], [sflag:$0x3], $0x10, s0, s29, $0xb8;
	[tilespmem:$0xAD30] =	vst v63  }
0xc8: {  	_ =	swait.ge [sflag:s25], $0x800  }
0xc9: {  	[sflag:s25] =	ssyncset.done $0x0  }
0xca: {  	[sflag:s25] =	ssyncadd.s32 $0xFFFFF800  }
0xcb: {  	s12 =	simm.s32 $0x0;
	s13 =	rddreg [dreg:$0x9];
	s21 =	simm.s32 $0x200  }
0xcc: {  	[tilespmem:s21], [sflag:$0x3] =	stream.linear.gather [hbm4b:s13+s12], $0x10, $0x38;
	[tilespmem:$0xAD30] =	vst v63  }
0xcd: {  	_ =	swait.ge [sflag:s25], $0x10  }
0xce: {  	[sflag:s25] =	ssyncset.done $0x0  }
0xcf: {  	s22 =	simm.s32 $0x210;
	s19 =	rddreg [dreg:$0xa];
	[sflag:s25] =	ssyncadd.s32 $0xFFFFFFF0  }
0xd0: {  	[tilespmem:s22], [sflag:$0x3] =	stream.linear.gather [hbm4b:s19+s12], $0x10, $0x38;
	[tilespmem:$0xAD30] =	vst v63  }
0xd1: {  	_ =	swait.ge [sflag:s25], $0x10  }
0xd2: {  	[sflag:s25] =	ssyncset.done $0x0  }
0xd3: {  	s23 =	simm.s32 $0x10;
	s20 =	simm.s32 $0x1220;
	[sflag:s25] =	ssyncadd.s32 $0xFFFFFFF0  }
0xd4: {  	[tilespmem:s20], [sflag:$0x3] =	stream.indirect.gather [hbm4b:s8+s23], $0x10, s21, s23, $0xb8;
	[tilespmem:$0xAD30] =	vst v63  }
0xd5: {  	_ =	swait.ge [sflag:s25], $0x100  }
0xd6: {  	[sflag:s25] =	ssyncset.done $0x0  }
0xd7: {  	s24 =	simm.s32 $0x2320;
	[sflag:s25] =	ssyncadd.s32 $0xFFFFFF00  }
0xd8: {  	[tilespmem:s24], [sflag:$0x3] =	stream.indirect.gather [hbm4b:s9+s23], $0x10, s22, s23, $0xb8;
	[tilespmem:$0xAD30] =	vst v63  }
0xd9: {  	_ =	swait.ge [sflag:s25], $0x100  }
0xda: {  	[sflag:s25] =	ssyncset.done $0x0  }
0xdb: {  	s12 =	simm.s32 $0x0;
	[sflag:s25] =	ssyncadd.s32 $0xFFFFFF00  }
0xdc: {  	v3 =	vld [tilespmem:s12+$0x1220]  }
0xdd: {  	v4 =	vld [tilespmem:s12+$0x2320];
	_ =	sdelay $0x1  }
0xde: {  	s15 =	simm.s32 $0x10  }
0xdf: {  	v5 =	vld [tilespmem:s15+$0x1220]  }
0xe0: {  	v6 =	vld [tilespmem:s15+$0x2320]  }
0xe1: {  	v3 =	vadd.f32 v4, v3;
	_ =	sdelay $0x1  }
0xe2: {  	v7 =	vmul.f32 $2.000000030e-01, v3  }
0xe3: {  	vm1 =	vge.f32 v3, $0.0e+00  }
0xe4: {  	v5 =	vadd.f32 v6, v5;
	v3 =	vsel vm1, v3, v7  }
0xe5: {  	s19 =	simm.s32 $0x20;
	v3 =	vsub.f32 v3, v2  }
0xe6: {  	v4 =	vld [tilespmem:s19+$0x1220];
	v8 =	vmul.f32 $2.000000030e-01, v5  }
0xe7: {  	v6 =	vld [tilespmem:s19+$0x2320];
	vm1 =	vge.f32 v5, $0.0e+00;
	v3 =	vmul.f32 $1.442695020e+00, v3  }
0xe8: {  	v5 =	vsel vm1, v5, v8  }
0xe9: {  	v5 =	vsub.f32 v5, v2;
	(erf) = vpow2.f32 v3;
	_ =	sdelay $0x1  }
0xea: {  	s13 =	simm.s32 $0x30;
	v5 =	vmul.f32 $1.442695020e+00, v5  }
0xeb: {  	v6 =	vadd.f32 v6, v4;
	v4 =	vld [tilespmem:s13+$0x2320]  }
0xec: {  	v3 =	vld [tilespmem:s13+$0x1220];
	(erf) = vpow2.f32 v5  }
0xed: {  	v7 =	vmul.f32 $2.000000030e-01, v6  }
0xee: {  	vm1 =	vge.f32 v6, $0.0e+00  }
0xef: {  	s18 =	simm.s32 $0x100;
	v5 =	vsel vm1, v6, v7  }
.LBB2_10:
0xf0: {  	s20 =	sshra.s32 s18, $0x2;
	v5 =	vsub.f32 v5, v2;
	p0 =	sne.s32 s18, $0x3C0  }
.Ltmp4:
0xf1: {  	s18 =	sadd.s32 $0x40, s18;
	v6 =	vadd.f32 v4, v3;
	v3 =	vld [tilespmem:s20+$0x1220];
	v7 =	vpop (erf);
	(pc) =	sbr.rel @p0 .LBB2_10-.Ltmp4, $4  }
0xf2: {  	v4 =	vld [tilespmem:s20+$0x2320];
	v5 =	vmul.f32 $1.442695020e+00, v5;
	v7 =	vsel vm0, v7, v1  }
0xf3: {  	v8 =	vmul.f32 $2.000000030e-01, v6;
	[tilespmem:s12+$0x3420] =	vst v7;
	s12 =	smov.u32 s15;
	s15 =	smov.u32 s19;
	s19 =	smov.u32 s13  }
0xf4: {  	vm1 =	vge.f32 v6, $0.0e+00;
	s13 =	smov.u32 s20;
	(erf) = vpow2.f32 v5  }
0xf5: {  	v5 =	vsel vm1, v6, v8  }
0xf6: {  	_ = 	snop  }
0xf7: {  	v3 =	vadd.f32 v4, v3;
	_ =	sdelay $0x1  }
0xf8: {  	v4 =	vmul.f32 $2.000000030e-01, v3  }
0xf9: {  	vm1 =	vge.f32 v3, $0.0e+00  }
0xfa: {  	v5 =	vsub.f32 v5, v2;
	v3 =	vsel vm1, v3, v4  }
0xfb: {  	v2 =	vsub.f32 v3, v2  }
0xfc: {  	v3 =	vmul.f32 $1.442695020e+00, v5  }
0xfd: {  	v2 =	vmul.f32 $1.442695020e+00, v2  }
0xfe: {  	(erf) = vpow2.f32 v3  }
0xff: {  	(erf) = vpow2.f32 v2;
	_ =	sdelay $0x5  }
0x100: {  	v2 =	vpop (erf)  }
0x101: {  	v3 =	vpop (erf);
	v2 =	vsel vm0, v2, v1  }
0x102: {  	[tilespmem:s12+$0x3420] =	vst v2;
	v2 =	vsel vm0, v3, v1;
	v3 =	vpop (erf)  }
0x103: {  	[tilespmem:s15+$0x3420] =	vst v2;
	v2 =	vsel vm0, v3, v1;
	v3 =	vpop (erf)  }
0x104: {  	[tilespmem:s19+$0x3420] =	vst v2;
	v2 =	vsel vm0, v3, v1  }
0x105: {  	s18 =	simm.s32 $0x3420;
	s15 =	rddreg [dreg:$0xb];
	[tilespmem:s13+$0x3420] =	vst v2  }
0x106: {  	[hbm4b:s15+s6] =	stream.linear.scatter [tilespmem:s18], [sflag:$0x3], $0x100, $0x38;
	[tilespmem:$0xAD30] =	vst v63  }
0x107: {  	_ =	swait.ge [sflag:s25], $0x100  }
0x108: {  	[sflag:s25] =	ssyncset.done $0x0  }
0x109: {  	[sflag:s25] =	ssyncadd.s32 $0xFFFFFF00  }
0x10a: {  	[spmem:s3] =	stream.indirect.scatter.add.f32 [tilespmem:s18], [sflag:$0x3], $0x10, s21, s23, $0xb8;
	[tilespmem:$0xAD30] =	vst v63  }
0x10b: {  	_ =	swait.ge [sflag:s25], $0x100  }
0x10c: {  	[sflag:s25] =	ssyncset.done $0x0  }
0x10d: {  	[sflag:s25] =	ssyncadd.s32 $0xFFFFFF00  }
0x10e: {  	[spmem:s4] =	stream.indirect.scatter.add.f32 [tilespmem:s18], [sflag:$0x3], $0x10, s22, s23, $0xb8;
	[tilespmem:$0xAD30] =	vst v63  }
0x10f: {  	_ =	swait.ge [sflag:s25], $0x100  }
0x110: {  	[sflag:s25] =	ssyncset.done $0x0  }
0x111: {  	[sflag:s25] =	ssyncadd.s32 $0xFFFFFF00  }
0x112: {  	s19 =	stileid.u32;
	[bflag:$0x0] =	sbarrier.arrive $0xFFFF  }
0x113: {  	s12 =	sshll.u32 s19, $0x6;
	s15 =	rddreg [dreg:$0x5]  }
0x114: {  	s12 =	sor.u32 $0x1C03, s12;
	s18 =	rddreg [dreg:$0xc];
	s20 =	sshrl.u32 s15, $0x3  }
0x115: {  	[hbm:s18], [sflag:s12] =	dma.local [spmem:s20], $0x500  }
0x116: {  	_ =	swait.ge [sflag:s25], $0x500  }
0x117: {  	[sflag:s25] =	ssyncset.done $0x0;
	s18 =	rddreg [dreg:$0x6]  }
0x118: {  	s22 =	rddreg [dreg:$0xd];
	[sflag:s25] =	ssyncadd.s32 $0xFFFFFB00;
	s21 =	sshrl.u32 s18, $0x3  }
0x119: {  	[hbm:s22], [sflag:s12] =	dma.local [spmem:s21], $0x500  }
0x11a: {  	_ =	swait.ge [sflag:s25], $0x500  }
0x11b: {  	s23 =	rddreg [dreg:$0xf]  }
0x11c: {  	s24 =	rddreg [dreg:$0xe];
	s13 =	sadd.s32 $0x1, s23  }
0x11d: {  	p0 =	sne.s32 s13, s24  }
.Ltmp5:
0x11e: {  	_ = 	snop;
	(pc) =	sbr.rel @p0 .LBB2_1-.Ltmp5, $3  }
0x11f: {  	_ =	sdelay $0x1  }
0x120: {  	[sflag:s25] =	ssyncset.done $0x0  }
0x121: {  	[sflag:s25] =	ssyncadd.s32 $0xFFFFFB00  }
0x122: {  	_ =	sfence.sel $0x180000  }
0x123: {  	[bflag:$0x0] =	sbarrier.arrive $0xFFFF  }
0x124: {  	_ =	strace $0x90000047  }
0x125: {  	s0 =	stileid.u32;
	[bflag:$0x2] =	sbarrier.arrive $0xFFFF  }
0x126: {  	p0 =	sne.s32 s0, $0x0;
	s0 =	rddreg [dreg:$0x4]  }
0x127: {  	s0 =	sadd.s32 @!p0 $0x100000, s0  }
0x128: {  	[sflag:s0] =	ssyncadd.tile.s32 @!p0 $0x1;
	_ =	shalt  }
.Lfunc_end2:
_tile_overlayer_lowered:
.L_overlay_start_2:
0x129: {  	(tag) =	ssettag $0x2  }
0x12a: {  	s0 =	rddreg [dreg:$0x0];
	s2 =	stileid.u32  }
0x12b: {  	s1 =	rddreg [dreg:$0x1];
	p0 =	sne.s32 s2, $0x0  }
0x12c: {  	s3 =	rddreg [dreg:$0x2];
	[bflag:$0x3] =	sbarrier.arrive $0xFFFF;
	s2 =	simm.s32 @!p0 $0x1C03  }
0x12d: {  	[timem:s3], [sflag:s2] =	dma.local @!p0 [hbm:s0], s1  }
0x12e: {  	s0 =	simm.s32 @!p0 $0x3  }
0x12f: {  	_ =	swait.ge @!p0 [sflag:s0], s1  }
0x130: {  	s1 =	ssub.s32 @!p0 $0x0, s1;
	[sflag:s0] =	ssyncset.done @!p0 $0x0  }
0x131: {  	[sflag:s0] =	ssyncadd.s32 @!p0 s1  }
0x132: {  	[bflag:$0x3] =	sbarrier.arrive $0xFFFF  }
0x133: {  	_ =	shalt  }

</sc_bundles>
